<compile_context>
chip_gen: v7x
topology: tpu7x:2x2x1
jax: 0.10.2.dev20260603
libtpu: 0.0.44.dev20260713+nightly
codegen_flags: <defaults>
</compile_context>

<pallas_src>
import functools

import jax
import jax.numpy as jnp
from jax import lax
from jax.experimental import pallas as pl
from jax.experimental.pallas import tpu as pltpu
from jax.experimental.pallas import tpu_sc as plsc

B = 4096
L = 200
D = 64
TAO = 0.2
TEMP = 0.5
NPAD = 40
LANES = 16
NC, NS = 2, 16
NW = NC * NS
ROWS_TOTAL = 2 * B
RPW = ROWS_TOTAL // NW
GR = 8
NGRP = RPW // GR
IDXLEN = GR * NPAD
CHUNK = 128
LP = 256

TM = 512
TN = 4096

_mesh = plsc.VectorSubcoreMesh(
    core_axis_name="c", subcore_axis_name="s", num_cores=NC, num_subcores=NS
)


@functools.partial(
    pl.kernel,
    out_type=jax.ShapeDtypeStruct((ROWS_TOTAL, D), jnp.float32),
    mesh=_mesh,
    scratch_types=[
        pltpu.VMEM((RPW, L), jnp.int32),
        pltpu.VMEM((RPW,), jnp.int32),
        pltpu.VMEM((RPW,), jnp.float32),
        pltpu.VMEM((RPW + LANES,), jnp.int32),
        pltpu.VMEM((RPW + LANES,), jnp.int32),
        pltpu.VMEM((IDXLEN,), jnp.int32),
        pltpu.VMEM((IDXLEN,), jnp.int32),
        pltpu.VMEM((IDXLEN, D), jnp.float32),
        pltpu.VMEM((IDXLEN, D), jnp.float32),
        pltpu.VMEM((RPW, D), jnp.float32),
        pltpu.SemaphoreType.DMA,
        pltpu.SemaphoreType.DMA,
    ],
    compiler_params=pltpu.CompilerParams(
        needs_layout_passes=False, use_tc_tiling_on_sc=False
    ),
)
def _pooled_sc(seq_hbm, slen_hbm, u_hbm, table_hbm, z_hbm,
               seqbuf, slen_v, u_v, start_v, sub_v, idx0, idx1, row0, row1,
               zbuf, sem0, sem1):
    wid = lax.axis_index("s") * NC + lax.axis_index("c")
    base = wid * RPW
    b_base = lax.rem(base, B)

    pltpu.sync_copy(seq_hbm.at[pl.ds(b_base, RPW)], seqbuf)
    pltpu.sync_copy(slen_hbm.at[pl.ds(b_base, RPW)], slen_v)
    pltpu.sync_copy(u_hbm.at[pl.ds(base, RPW)], u_v)

    for c in range(RPW // LANES):
        seg = pl.ds(c * LANES, LANES)
        sl_i = slen_v[seg]
        sub = jnp.maximum(1, (jnp.float32(TAO) * sl_i.astype(jnp.float32))
                          .astype(jnp.int32))
        high = (sl_i - sub + 1).astype(jnp.float32)
        st = jnp.minimum((u_v[seg] * high).astype(jnp.int32), sl_i - sub)
        start_v[seg] = st
        sub_v[seg] = sub

    lane = lax.iota(jnp.int32, LANES)
    rr_lane = lane % GR
    th_lane = lane // GR

    bufs = ((idx0, row0, sem0), (idx1, row1, sem1))

    def fire(g, par):
        idxbuf, rowbuf, sem = bufs[par]
        r0 = g * GR
        rvec = r0 + rr_lane
        st8 = plsc.load_gather(start_v, [rvec])
        sl8 = plsc.load_gather(sub_v, [rvec])
        for tb in range(0, NPAD, 2):
            tv = tb + th_lane
            pos = jnp.where(tv < sl8, st8 + tv, st8)
            ids = plsc.load_gather(seqbuf, [rvec, pos])
            idxbuf[pl.ds(tb * GR, LANES)] = ids
        for off in range(0, IDXLEN, CHUNK):
            n = min(CHUNK, IDXLEN - off)
            pltpu.async_copy(table_hbm.at[idxbuf.at[pl.ds(off, n)]],
                             rowbuf.at[pl.ds(off, n)], sem)

    def drain(par):
        idxbuf, rowbuf, sem = bufs[par]
        for off in range(0, IDXLEN, CHUNK):
            n = min(CHUNK, IDXLEN - off)
            pltpu.make_async_copy(table_hbm.at[idxbuf.at[pl.ds(off, n)]],
                                  rowbuf.at[pl.ds(off, n)], sem).wait()

    def accumulate(g, par):
        rowbuf = bufs[par][1]
        r0 = g * GR

        def row_body(rr, c2):
            r = r0 + rr
            slv = sub_v[pl.ds(r, LANES)].astype(jnp.float32)
            slf = slv[0]
            cor = jnp.float32(NPAD) - slf
            for p in range(D // LANES):
                cols = pl.ds(LANES * p, LANES)
                first = rowbuf[rr, cols]
                a0 = first
                a1 = rowbuf[GR + rr, cols]
                a2 = rowbuf[2 * GR + rr, cols]
                a3 = rowbuf[3 * GR + rr, cols]
                for t in range(4, NPAD, 4):
                    a0 = a0 + rowbuf[t * GR + rr, cols]
                    a1 = a1 + rowbuf[(t + 1) * GR + rr, cols]
                    a2 = a2 + rowbuf[(t + 2) * GR + rr, cols]
                    a3 = a3 + rowbuf[(t + 3) * GR + rr, cols]
                acc = (a0 + a1) + (a2 + a3)
                zbuf[r, cols] = (acc - cor * first) / slf
            return c2

        lax.fori_loop(0, GR, row_body, 0)

    fire(0, 0)

    def pair_body(k, carry):
        g0 = 2 * k
        fire(g0 + 1, 1)
        drain(0)
        accumulate(g0, 0)

        @pl.when(g0 + 2 < NGRP)
        def _():
            fire(g0 + 2, 0)

        drain(1)
        accumulate(g0 + 1, 1)
        return carry

    lax.fori_loop(0, NGRP // 2, pair_body, 0)
    pltpu.sync_copy(zbuf, z_hbm.at[pl.ds(base, RPW)])


def _sim_body(z_ref, o_ref):
    i = pl.program_id(0)
    j = pl.program_id(1)
    zi = z_ref[pl.ds(i * TM, TM), :]
    zj = z_ref[pl.ds(j * TN, TN), :]
    s = lax.dot_general(zi, zj, (((1,), (1,)), ((), ())),
                        preferred_element_type=jnp.float32)
    row = lax.broadcasted_iota(jnp.int32, (TM, TN), 0) + i * TM
    col = lax.broadcasted_iota(jnp.int32, (TM, TN), 1) + j * TN
    o_ref[...] = jnp.where(row == col, jnp.float32(-1e9), s * jnp.float32(1.0 / TEMP))


def _sim_tc(z):
    return pl.pallas_call(
        _sim_body,
        grid=(ROWS_TOTAL // TM, ROWS_TOTAL // TN),
        in_specs=[pl.BlockSpec((ROWS_TOTAL, D), lambda i, j: (0, 0))],
        out_specs=pl.BlockSpec((TM, TN), lambda i, j: (i, j)),
        out_shape=jax.ShapeDtypeStruct((ROWS_TOTAL, ROWS_TOTAL), jnp.float32),
    )(z)


def kernel(sequences, seqlen, emb_table):
    seqlen = seqlen.astype(jnp.int32)
    u_i = jax.random.uniform(jax.random.key(1), (B,))
    u_j = jax.random.uniform(jax.random.key(2), (B,))
    u_all = jnp.concatenate([u_i, u_j])
    z = _pooled_sc(sequences.astype(jnp.int32), seqlen, u_all, emb_table)
    logits = _sim_tc(z)
    labels = (jnp.arange(ROWS_TOTAL, dtype=jnp.int32) + B) % ROWS_TOTAL
    return logits, labels

# --- scband reference (transcript-rebuilt; emitter-appended) ---
"""Pipeline reference for scband-cl4-srec-augmentation-33483565039858 (READ-ONLY COPY).

The authoritative reference and input builder live on the scoring server;
editing this copy changes nothing except your own understanding.
"""

import jax, jax.numpy as jnp
import numpy as np

B = 4096
L = 200
VOCAB = 100000
D = 64
TAO = 0.2
TEMP = 0.5
SUB_MAX = max(1, int(TAO * L))


def _item_crop(sequences, seq_lens, key):
    seq_lens = seq_lens.astype(jnp.int32)
    sub_len = jnp.maximum(1, (TAO * seq_lens.astype(jnp.float32)).astype(jnp.int32))
    high = (seq_lens - sub_len + 1).astype(jnp.float32)
    u = jax.random.uniform(key, (sequences.shape[0],))
    start = jnp.minimum((u * high).astype(jnp.int32), seq_lens - sub_len)
    pos = start[:, None] + jnp.arange(SUB_MAX, dtype=jnp.int32)[None, :]
    valid = jnp.arange(SUB_MAX)[None, :] < sub_len[:, None]
    pos = jnp.clip(pos, 0, L - 1)
    cropped = jnp.take_along_axis(sequences, pos.astype(sequences.dtype), axis=1)
    cropped = jnp.where(valid, cropped, 0)
    return cropped, sub_len


def _encode_mean(cropped, sub_len, table):
    # query_encoder(..., pooling_type='mean'): embedding lookup + masked mean pooling
    emb = jnp.take(table, cropped, axis=0)  # [B, SUB_MAX, D] gather
    mask = (jnp.arange(SUB_MAX)[None, :] < sub_len[:, None]).astype(emb.dtype)
    summed = jnp.sum(emb * mask[:, :, None], axis=1)
    return summed / sub_len[:, None].astype(emb.dtype)


def _info_nce(z_i, z_j, temperature):
    b = z_i.shape[0]
    z = jnp.concatenate([z_i, z_j], axis=0)
    sim = (z @ z.T) / temperature  # inner_product similarity
    n = 2 * b
    diag = jnp.eye(n, dtype=bool)
    logits = jnp.where(diag, jnp.float32(-1e9), sim)
    labels = (jnp.arange(n) + b) % n
    return logits, labels


def setup_inputs(seed: int = 0):
    key = jax.random.key(seed)
    k1, k2, k3 = jax.random.split(key, 3)
    sequences = jax.random.randint(k1, (B, L), 0, VOCAB)
    seqlen = jax.random.randint(k2, (B,), 1, L + 1)
    emb_table = jax.random.normal(k3, (VOCAB, D), dtype=jnp.float32) * 0.02
    return {"sequences": sequences, "seqlen": seqlen, "emb_table": emb_table}


def reference(sequences, seqlen, emb_table):
    ki = jax.random.key(1)
    kj = jax.random.key(2)
    seq_i, len_i = _item_crop(sequences, seqlen, ki)
    seq_j, len_j = _item_crop(sequences, seqlen, kj)
    z_i = _encode_mean(seq_i, len_i, emb_table)
    z_j = _encode_mean(seq_j, len_j, emb_table)
    logits, labels = _info_nce(z_i, z_j, TEMP)
    return logits, labels

if __name__ == "__main__":
    import jax
    _d = setup_inputs()
    print(jax.jit(kernel)(*tuple(_d.values())))

</pallas_src>

<mosaic_0001>
#map = affine_map<(d0, d1) -> (0, 0)>
#map1 = affine_map<(d0, d1) -> (0)>
module attributes {stable_mosaic.version = 14 : i64} {
  func.func @_pooled_sc(%arg0: i32, %arg1: i32, %arg2: memref<4096x200xi32, #tpu.memory_space<hbm>>, %arg3: memref<4096xi32, #tpu.memory_space<hbm>>, %arg4: memref<8192xf32, #tpu.memory_space<hbm>>, %arg5: memref<100000x64xf32, #tpu.memory_space<hbm>>, %arg6: memref<8192x64xf32, #tpu.memory_space<hbm>>, %arg7: memref<256x200xi32, #tpu.memory_space<vmem>>, %arg8: memref<256xi32, #tpu.memory_space<vmem>>, %arg9: memref<256xf32, #tpu.memory_space<vmem>>, %arg10: memref<272xi32, #tpu.memory_space<vmem>>, %arg11: memref<272xi32, #tpu.memory_space<vmem>>, %arg12: memref<320xi32, #tpu.memory_space<vmem>>, %arg13: memref<320xi32, #tpu.memory_space<vmem>>, %arg14: memref<320x64xf32, #tpu.memory_space<vmem>>, %arg15: memref<320x64xf32, #tpu.memory_space<vmem>>, %arg16: memref<256x64xf32, #tpu.memory_space<vmem>>, %arg17: memref<!tpu.dma_semaphore, #tpu.memory_space<semaphore_mem>>, %arg18: memref<!tpu.dma_semaphore, #tpu.memory_space<semaphore_mem>>) attributes {dimension_semantics = [#tpu.dimension_semantics<core_parallel>, #tpu.dimension_semantics<subcore_parallel>], iteration_bounds = array<i64: 2, 16>, scalar_prefetch = 0 : i64, scratch_operands = 12 : i64, tpu.core_type = #tpu.core_type<sc_vector_subcore>, window_params = [{transform_indices = #map}, {transform_indices = #map1}, {transform_indices = #map1}, {transform_indices = #map}, {transform_indices = #map}]} {
    %mul3A = arith.constant 2 : i32
    %mul3A_0 = arith.muli %arg1, %mul3A : i32
    %add3A = arith.addi %mul3A_0, %arg0 : i32
    %mul3A_1 = arith.constant 256 : i32
    %mul3A_2 = arith.muli %add3A, %mul3A_1 : i32
    %rem3A = arith.constant 4096 : i32
    %rem3A_3 = arith.remsi %mul3A_2, %rem3A : i32
    "tpu.region"() ({
      %run_scoped3A = tpu.sem_alloc : memref<!tpu.dma_semaphore, #tpu.memory_space<semaphore_mem>>
      %dma_start3A_655 = arith.constant 0 : i32
      %dma_start3A_656 = tpu.memref_slice %arg2[%rem3A_3, %dma_start3A_655] : memref<4096x200xi32, #tpu.memory_space<hbm>> -> memref<256x200xi32, #tpu.memory_space<hbm>>
      %dma_start3A_657 = arith.constant 0 : i32
      %dma_start3A_658 = tpu.memref_slice %arg2[%rem3A_3, %dma_start3A_657] : memref<4096x200xi32, #tpu.memory_space<hbm>> -> memref<256x200xi32, #tpu.memory_space<hbm>>
      tpu.enqueue_dma source(%dma_start3A_658 : memref<256x200xi32, #tpu.memory_space<hbm>>) target(%arg7 : memref<256x200xi32, #tpu.memory_space<vmem>>) target_semaphore(%run_scoped3A : memref<!tpu.dma_semaphore, #tpu.memory_space<semaphore_mem>>)
      %dma_wait3A = arith.constant 0 : i32
      %dma_wait3A_659 = tpu.memref_slice %arg2[%rem3A_3, %dma_wait3A] : memref<4096x200xi32, #tpu.memory_space<hbm>> -> memref<256x200xi32, #tpu.memory_space<hbm>>
      %dma_wait3A_660 = arith.constant 0 : i32
      %dma_wait3A_661 = tpu.memref_slice %arg2[%rem3A_3, %dma_wait3A_660] : memref<4096x200xi32, #tpu.memory_space<hbm>> -> memref<256x200xi32, #tpu.memory_space<hbm>>
      tpu.wait_dma2 semaphore(%run_scoped3A : memref<!tpu.dma_semaphore, #tpu.memory_space<semaphore_mem>>) src(%dma_wait3A_661 : memref<256x200xi32, #tpu.memory_space<hbm>>) dst(%arg7 : memref<256x200xi32, #tpu.memory_space<vmem>>)
      tpu.yield
    }) : () -> ()
    "tpu.region"() ({
      %run_scoped3A = tpu.sem_alloc : memref<!tpu.dma_semaphore, #tpu.memory_space<semaphore_mem>>
      %dma_start3A_655 = tpu.memref_slice %arg3[%rem3A_3] : memref<4096xi32, #tpu.memory_space<hbm>> -> memref<256xi32, #tpu.memory_space<hbm>>
      %dma_start3A_656 = tpu.memref_slice %arg3[%rem3A_3] : memref<4096xi32, #tpu.memory_space<hbm>> -> memref<256xi32, #tpu.memory_space<hbm>>
      tpu.enqueue_dma source(%dma_start3A_656 : memref<256xi32, #tpu.memory_space<hbm>>) target(%arg8 : memref<256xi32, #tpu.memory_space<vmem>>) target_semaphore(%run_scoped3A : memref<!tpu.dma_semaphore, #tpu.memory_space<semaphore_mem>>)
      %dma_wait3A = tpu.memref_slice %arg3[%rem3A_3] : memref<4096xi32, #tpu.memory_space<hbm>> -> memref<256xi32, #tpu.memory_space<hbm>>
      %dma_wait3A_657 = tpu.memref_slice %arg3[%rem3A_3] : memref<4096xi32, #tpu.memory_space<hbm>> -> memref<256xi32, #tpu.memory_space<hbm>>
      tpu.wait_dma2 semaphore(%run_scoped3A : memref<!tpu.dma_semaphore, #tpu.memory_space<semaphore_mem>>) src(%dma_wait3A_657 : memref<256xi32, #tpu.memory_space<hbm>>) dst(%arg8 : memref<256xi32, #tpu.memory_space<vmem>>)
      tpu.yield
    }) : () -> ()
    "tpu.region"() ({
      %run_scoped3A = tpu.sem_alloc : memref<!tpu.dma_semaphore, #tpu.memory_space<semaphore_mem>>
      %dma_start3A_655 = tpu.memref_slice %arg4[%mul3A_2] : memref<8192xf32, #tpu.memory_space<hbm>> -> memref<256xf32, #tpu.memory_space<hbm>>
      %dma_start3A_656 = tpu.memref_slice %arg4[%mul3A_2] : memref<8192xf32, #tpu.memory_space<hbm>> -> memref<256xf32, #tpu.memory_space<hbm>>
      tpu.enqueue_dma source(%dma_start3A_656 : memref<256xf32, #tpu.memory_space<hbm>>) target(%arg9 : memref<256xf32, #tpu.memory_space<vmem>>) target_semaphore(%run_scoped3A : memref<!tpu.dma_semaphore, #tpu.memory_space<semaphore_mem>>)
      %dma_wait3A = tpu.memref_slice %arg4[%mul3A_2] : memref<8192xf32, #tpu.memory_space<hbm>> -> memref<256xf32, #tpu.memory_space<hbm>>
      %dma_wait3A_657 = tpu.memref_slice %arg4[%mul3A_2] : memref<8192xf32, #tpu.memory_space<hbm>> -> memref<256xf32, #tpu.memory_space<hbm>>
      tpu.wait_dma2 semaphore(%run_scoped3A : memref<!tpu.dma_semaphore, #tpu.memory_space<semaphore_mem>>) src(%dma_wait3A_657 : memref<256xf32, #tpu.memory_space<hbm>>) dst(%arg9 : memref<256xf32, #tpu.memory_space<vmem>>)
      tpu.yield
    }) : () -> ()
    %get3A = arith.constant 0 : index
    %get3A_4 = tpu.vector_load %arg8[%get3A] {strides = array<i32>} : memref<256xi32, #tpu.memory_space<vmem>>, vector<16xi32>,
    %convert_element_type3A = arith.sitofp %get3A_4 : vector<16xi32> to vector<16xf32>
    %mul3A_5 = arith.constant 2.000000e-01 : f32
    %mul3A_6 = vector.broadcast %mul3A_5 : f32 to vector<16xf32>
    %mul3A_7 = arith.mulf %mul3A_6, %convert_element_type3A : vector<16xf32>
    %convert_element_type3A_8 = arith.fptosi %mul3A_7 : vector<16xf32> to vector<16xi32>
    %max3A = arith.constant 1 : i32
    %max3A_9 = vector.broadcast %max3A : i32 to vector<16xi32>
    %max3A_10 = arith.maxsi %max3A_9, %convert_element_type3A_8 : vector<16xi32>
    %sub3A = arith.subi %get3A_4, %max3A_10 : vector<16xi32>
    %add3A_11 = arith.constant 1 : i32
    %add3A_12 = vector.broadcast %add3A_11 : i32 to vector<16xi32>
    %add3A_13 = arith.addi %sub3A, %add3A_12 : vector<16xi32>
    %convert_element_type3A_14 = arith.sitofp %add3A_13 : vector<16xi32> to vector<16xf32>
    %get3A_15 = arith.constant 0 : index
    %get3A_16 = tpu.vector_load %arg9[%get3A_15] {strides = array<i32>} : memref<256xf32, #tpu.memory_space<vmem>>, vector<16xf32>,
    %mul3A_17 = arith.mulf %get3A_16, %convert_element_type3A_14 : vector<16xf32>
    %convert_element_type3A_18 = arith.fptosi %mul3A_17 : vector<16xf32> to vector<16xi32>
    %sub3A_19 = arith.subi %get3A_4, %max3A_10 : vector<16xi32>
    %min3A = arith.minsi %convert_element_type3A_18, %sub3A_19 : vector<16xi32>
    %swap3A = arith.constant 0 : index
    %swap3A_20 = tpu.vector_load %arg10[%swap3A] {strides = array<i32>} : memref<272xi32, #tpu.memory_space<vmem>>, vector<16xi32>,
    tpu.vector_store %arg10[%swap3A], %min3A {strides = array<i32>} : memref<272xi32, #tpu.memory_space<vmem>>, vector<16xi32>,
    %swap3A_21 = arith.constant 0 : index
    %swap3A_22 = tpu.vector_load %arg11[%swap3A_21] {strides = array<i32>} : memref<272xi32, #tpu.memory_space<vmem>>, vector<16xi32>,
    tpu.vector_store %arg11[%swap3A_21], %max3A_10 {strides = array<i32>} : memref<272xi32, #tpu.memory_space<vmem>>, vector<16xi32>,
    %get3A_23 = arith.constant 16 : index
    %get3A_24 = tpu.vector_load %arg8[%get3A_23] {strides = array<i32>} : memref<256xi32, #tpu.memory_space<vmem>>, vector<16xi32>,
    %convert_element_type3A_25 = arith.sitofp %get3A_24 : vector<16xi32> to vector<16xf32>
    %mul3A_26 = arith.constant 2.000000e-01 : f32
    %mul3A_27 = vector.broadcast %mul3A_26 : f32 to vector<16xf32>
    %mul3A_28 = arith.mulf %mul3A_27, %convert_element_type3A_25 : vector<16xf32>
    %convert_element_type3A_29 = arith.fptosi %mul3A_28 : vector<16xf32> to vector<16xi32>
    %max3A_30 = arith.constant 1 : i32
    %max3A_31 = vector.broadcast %max3A_30 : i32 to vector<16xi32>
    %max3A_32 = arith.maxsi %max3A_31, %convert_element_type3A_29 : vector<16xi32>
    %sub3A_33 = arith.subi %get3A_24, %max3A_32 : vector<16xi32>
    %add3A_34 = arith.constant 1 : i32
    %add3A_35 = vector.broadcast %add3A_34 : i32 to vector<16xi32>
    %add3A_36 = arith.addi %sub3A_33, %add3A_35 : vector<16xi32>
    %convert_element_type3A_37 = arith.sitofp %add3A_36 : vector<16xi32> to vector<16xf32>
    %get3A_38 = arith.constant 16 : index
    %get3A_39 = tpu.vector_load %arg9[%get3A_38] {strides = array<i32>} : memref<256xf32, #tpu.memory_space<vmem>>, vector<16xf32>,
    %mul3A_40 = arith.mulf %get3A_39, %convert_element_type3A_37 : vector<16xf32>
    %convert_element_type3A_41 = arith.fptosi %mul3A_40 : vector<16xf32> to vector<16xi32>
    %sub3A_42 = arith.subi %get3A_24, %max3A_32 : vector<16xi32>
    %min3A_43 = arith.minsi %convert_element_type3A_41, %sub3A_42 : vector<16xi32>
    %swap3A_44 = arith.constant 16 : index
    %swap3A_45 = tpu.vector_load %arg10[%swap3A_44] {strides = array<i32>} : memref<272xi32, #tpu.memory_space<vmem>>, vector<16xi32>,
    tpu.vector_store %arg10[%swap3A_44], %min3A_43 {strides = array<i32>} : memref<272xi32, #tpu.memory_space<vmem>>, vector<16xi32>,
    %swap3A_46 = arith.constant 16 : index
    %swap3A_47 = tpu.vector_load %arg11[%swap3A_46] {strides = array<i32>} : memref<272xi32, #tpu.memory_space<vmem>>, vector<16xi32>,
    tpu.vector_store %arg11[%swap3A_46], %max3A_32 {strides = array<i32>} : memref<272xi32, #tpu.memory_space<vmem>>, vector<16xi32>,
    %get3A_48 = arith.constant 32 : index
    %get3A_49 = tpu.vector_load %arg8[%get3A_48] {strides = array<i32>} : memref<256xi32, #tpu.memory_space<vmem>>, vector<16xi32>,
    %convert_element_type3A_50 = arith.sitofp %get3A_49 : vector<16xi32> to vector<16xf32>
    %mul3A_51 = arith.constant 2.000000e-01 : f32
    %mul3A_52 = vector.broadcast %mul3A_51 : f32 to vector<16xf32>
    %mul3A_53 = arith.mulf %mul3A_52, %convert_element_type3A_50 : vector<16xf32>
    %convert_element_type3A_54 = arith.fptosi %mul3A_53 : vector<16xf32> to vector<16xi32>
    %max3A_55 = arith.constant 1 : i32
    %max3A_56 = vector.broadcast %max3A_55 : i32 to vector<16xi32>
    %max3A_57 = arith.maxsi %max3A_56, %convert_element_type3A_54 : vector<16xi32>
    %sub3A_58 = arith.subi %get3A_49, %max3A_57 : vector<16xi32>
    %add3A_59 = arith.constant 1 : i32
    %add3A_60 = vector.broadcast %add3A_59 : i32 to vector<16xi32>
    %add3A_61 = arith.addi %sub3A_58, %add3A_60 : vector<16xi32>
    %convert_element_type3A_62 = arith.sitofp %add3A_61 : vector<16xi32> to vector<16xf32>
    %get3A_63 = arith.constant 32 : index
    %get3A_64 = tpu.vector_load %arg9[%get3A_63] {strides = array<i32>} : memref<256xf32, #tpu.memory_space<vmem>>, vector<16xf32>,
    %mul3A_65 = arith.mulf %get3A_64, %convert_element_type3A_62 : vector<16xf32>
    %convert_element_type3A_66 = arith.fptosi %mul3A_65 : vector<16xf32> to vector<16xi32>
    %sub3A_67 = arith.subi %get3A_49, %max3A_57 : vector<16xi32>
    %min3A_68 = arith.minsi %convert_element_type3A_66, %sub3A_67 : vector<16xi32>
    %swap3A_69 = arith.constant 32 : index
    %swap3A_70 = tpu.vector_load %arg10[%swap3A_69] {strides = array<i32>} : memref<272xi32, #tpu.memory_space<vmem>>, vector<16xi32>,
    tpu.vector_store %arg10[%swap3A_69], %min3A_68 {strides = array<i32>} : memref<272xi32, #tpu.memory_space<vmem>>, vector<16xi32>,
    %swap3A_71 = arith.constant 32 : index
    %swap3A_72 = tpu.vector_load %arg11[%swap3A_71] {strides = array<i32>} : memref<272xi32, #tpu.memory_space<vmem>>, vector<16xi32>,
    tpu.vector_store %arg11[%swap3A_71], %max3A_57 {strides = array<i32>} : memref<272xi32, #tpu.memory_space<vmem>>, vector<16xi32>,
    %get3A_73 = arith.constant 48 : index
    %get3A_74 = tpu.vector_load %arg8[%get3A_73] {strides = array<i32>} : memref<256xi32, #tpu.memory_space<vmem>>, vector<16xi32>,
    %convert_element_type3A_75 = arith.sitofp %get3A_74 : vector<16xi32> to vector<16xf32>
    %mul3A_76 = arith.constant 2.000000e-01 : f32
    %mul3A_77 = vector.broadcast %mul3A_76 : f32 to vector<16xf32>
    %mul3A_78 = arith.mulf %mul3A_77, %convert_element_type3A_75 : vector<16xf32>
    %convert_element_type3A_79 = arith.fptosi %mul3A_78 : vector<16xf32> to vector<16xi32>
    %max3A_80 = arith.constant 1 : i32
    %max3A_81 = vector.broadcast %max3A_80 : i32 to vector<16xi32>
    %max3A_82 = arith.maxsi %max3A_81, %convert_element_type3A_79 : vector<16xi32>
    %sub3A_83 = arith.subi %get3A_74, %max3A_82 : vector<16xi32>
    %add3A_84 = arith.constant 1 : i32
    %add3A_85 = vector.broadcast %add3A_84 : i32 to vector<16xi32>
    %add3A_86 = arith.addi %sub3A_83, %add3A_85 : vector<16xi32>
    %convert_element_type3A_87 = arith.sitofp %add3A_86 : vector<16xi32> to vector<16xf32>
    %get3A_88 = arith.constant 48 : index
    %get3A_89 = tpu.vector_load %arg9[%get3A_88] {strides = array<i32>} : memref<256xf32, #tpu.memory_space<vmem>>, vector<16xf32>,
    %mul3A_90 = arith.mulf %get3A_89, %convert_element_type3A_87 : vector<16xf32>
    %convert_element_type3A_91 = arith.fptosi %mul3A_90 : vector<16xf32> to vector<16xi32>
    %sub3A_92 = arith.subi %get3A_74, %max3A_82 : vector<16xi32>
    %min3A_93 = arith.minsi %convert_element_type3A_91, %sub3A_92 : vector<16xi32>
    %swap3A_94 = arith.constant 48 : index
    %swap3A_95 = tpu.vector_load %arg10[%swap3A_94] {strides = array<i32>} : memref<272xi32, #tpu.memory_space<vmem>>, vector<16xi32>,
    tpu.vector_store %arg10[%swap3A_94], %min3A_93 {strides = array<i32>} : memref<272xi32, #tpu.memory_space<vmem>>, vector<16xi32>,
    %swap3A_96 = arith.constant 48 : index
    %swap3A_97 = tpu.vector_load %arg11[%swap3A_96] {strides = array<i32>} : memref<272xi32, #tpu.memory_space<vmem>>, vector<16xi32>,
    tpu.vector_store %arg11[%swap3A_96], %max3A_82 {strides = array<i32>} : memref<272xi32, #tpu.memory_space<vmem>>, vector<16xi32>,
    %get3A_98 = arith.constant 64 : index
    %get3A_99 = tpu.vector_load %arg8[%get3A_98] {strides = array<i32>} : memref<256xi32, #tpu.memory_space<vmem>>, vector<16xi32>,
    %convert_element_type3A_100 = arith.sitofp %get3A_99 : vector<16xi32> to vector<16xf32>
    %mul3A_101 = arith.constant 2.000000e-01 : f32
    %mul3A_102 = vector.broadcast %mul3A_101 : f32 to vector<16xf32>
    %mul3A_103 = arith.mulf %mul3A_102, %convert_element_type3A_100 : vector<16xf32>
    %convert_element_type3A_104 = arith.fptosi %mul3A_103 : vector<16xf32> to vector<16xi32>
    %max3A_105 = arith.constant 1 : i32
    %max3A_106 = vector.broadcast %max3A_105 : i32 to vector<16xi32>
    %max3A_107 = arith.maxsi %max3A_106, %convert_element_type3A_104 : vector<16xi32>
    %sub3A_108 = arith.subi %get3A_99, %max3A_107 : vector<16xi32>
    %add3A_109 = arith.constant 1 : i32
    %add3A_110 = vector.broadcast %add3A_109 : i32 to vector<16xi32>
    %add3A_111 = arith.addi %sub3A_108, %add3A_110 : vector<16xi32>
    %convert_element_type3A_112 = arith.sitofp %add3A_111 : vector<16xi32> to vector<16xf32>
    %get3A_113 = arith.constant 64 : index
    %get3A_114 = tpu.vector_load %arg9[%get3A_113] {strides = array<i32>} : memref<256xf32, #tpu.memory_space<vmem>>, vector<16xf32>,
    %mul3A_115 = arith.mulf %get3A_114, %convert_element_type3A_112 : vector<16xf32>
    %convert_element_type3A_116 = arith.fptosi %mul3A_115 : vector<16xf32> to vector<16xi32>
    %sub3A_117 = arith.subi %get3A_99, %max3A_107 : vector<16xi32>
    %min3A_118 = arith.minsi %convert_element_type3A_116, %sub3A_117 : vector<16xi32>
    %swap3A_119 = arith.constant 64 : index
    %swap3A_120 = tpu.vector_load %arg10[%swap3A_119] {strides = array<i32>} : memref<272xi32, #tpu.memory_space<vmem>>, vector<16xi32>,
    tpu.vector_store %arg10[%swap3A_119], %min3A_118 {strides = array<i32>} : memref<272xi32, #tpu.memory_space<vmem>>, vector<16xi32>,
    %swap3A_121 = arith.constant 64 : index
    %swap3A_122 = tpu.vector_load %arg11[%swap3A_121] {strides = array<i32>} : memref<272xi32, #tpu.memory_space<vmem>>, vector<16xi32>,
    tpu.vector_store %arg11[%swap3A_121], %max3A_107 {strides = array<i32>} : memref<272xi32, #tpu.memory_space<vmem>>, vector<16xi32>,
    %get3A_123 = arith.constant 80 : index
    %get3A_124 = tpu.vector_load %arg8[%get3A_123] {strides = array<i32>} : memref<256xi32, #tpu.memory_space<vmem>>, vector<16xi32>,
    %convert_element_type3A_125 = arith.sitofp %get3A_124 : vector<16xi32> to vector<16xf32>
    %mul3A_126 = arith.constant 2.000000e-01 : f32
    %mul3A_127 = vector.broadcast %mul3A_126 : f32 to vector<16xf32>
    %mul3A_128 = arith.mulf %mul3A_127, %convert_element_type3A_125 : vector<16xf32>
    %convert_element_type3A_129 = arith.fptosi %mul3A_128 : vector<16xf32> to vector<16xi32>
    %max3A_130 = arith.constant 1 : i32
    %max3A_131 = vector.broadcast %max3A_130 : i32 to vector<16xi32>
    %max3A_132 = arith.maxsi %max3A_131, %convert_element_type3A_129 : vector<16xi32>
    %sub3A_133 = arith.subi %get3A_124, %max3A_132 : vector<16xi32>
    %add3A_134 = arith.constant 1 : i32
    %add3A_135 = vector.broadcast %add3A_134 : i32 to vector<16xi32>
    %add3A_136 = arith.addi %sub3A_133, %add3A_135 : vector<16xi32>
    %convert_element_type3A_137 = arith.sitofp %add3A_136 : vector<16xi32> to vector<16xf32>
    %get3A_138 = arith.constant 80 : index
    %get3A_139 = tpu.vector_load %arg9[%get3A_138] {strides = array<i32>} : memref<256xf32, #tpu.memory_space<vmem>>, vector<16xf32>,
    %mul3A_140 = arith.mulf %get3A_139, %convert_element_type3A_137 : vector<16xf32>
    %convert_element_type3A_141 = arith.fptosi %mul3A_140 : vector<16xf32> to vector<16xi32>
    %sub3A_142 = arith.subi %get3A_124, %max3A_132 : vector<16xi32>
    %min3A_143 = arith.minsi %convert_element_type3A_141, %sub3A_142 : vector<16xi32>
    %swap3A_144 = arith.constant 80 : index
    %swap3A_145 = tpu.vector_load %arg10[%swap3A_144] {strides = array<i32>} : memref<272xi32, #tpu.memory_space<vmem>>, vector<16xi32>,
    tpu.vector_store %arg10[%swap3A_144], %min3A_143 {strides = array<i32>} : memref<272xi32, #tpu.memory_space<vmem>>, vector<16xi32>,
    %swap3A_146 = arith.constant 80 : index
    %swap3A_147 = tpu.vector_load %arg11[%swap3A_146] {strides = array<i32>} : memref<272xi32, #tpu.memory_space<vmem>>, vector<16xi32>,
    tpu.vector_store %arg11[%swap3A_146], %max3A_132 {strides = array<i32>} : memref<272xi32, #tpu.memory_space<vmem>>, vector<16xi32>,
    %get3A_148 = arith.constant 96 : index
    %get3A_149 = tpu.vector_load %arg8[%get3A_148] {strides = array<i32>} : memref<256xi32, #tpu.memory_space<vmem>>, vector<16xi32>,
    %convert_element_type3A_150 = arith.sitofp %get3A_149 : vector<16xi32> to vector<16xf32>
    %mul3A_151 = arith.constant 2.000000e-01 : f32
    %mul3A_152 = vector.broadcast %mul3A_151 : f32 to vector<16xf32>
    %mul3A_153 = arith.mulf %mul3A_152, %convert_element_type3A_150 : vector<16xf32>
    %convert_element_type3A_154 = arith.fptosi %mul3A_153 : vector<16xf32> to vector<16xi32>
    %max3A_155 = arith.constant 1 : i32
    %max3A_156 = vector.broadcast %max3A_155 : i32 to vector<16xi32>
    %max3A_157 = arith.maxsi %max3A_156, %convert_element_type3A_154 : vector<16xi32>
    %sub3A_158 = arith.subi %get3A_149, %max3A_157 : vector<16xi32>
    %add3A_159 = arith.constant 1 : i32
    %add3A_160 = vector.broadcast %add3A_159 : i32 to vector<16xi32>
    %add3A_161 = arith.addi %sub3A_158, %add3A_160 : vector<16xi32>
    %convert_element_type3A_162 = arith.sitofp %add3A_161 : vector<16xi32> to vector<16xf32>
    %get3A_163 = arith.constant 96 : index
    %get3A_164 = tpu.vector_load %arg9[%get3A_163] {strides = array<i32>} : memref<256xf32, #tpu.memory_space<vmem>>, vector<16xf32>,
    %mul3A_165 = arith.mulf %get3A_164, %convert_element_type3A_162 : vector<16xf32>
    %convert_element_type3A_166 = arith.fptosi %mul3A_165 : vector<16xf32> to vector<16xi32>
    %sub3A_167 = arith.subi %get3A_149, %max3A_157 : vector<16xi32>
    %min3A_168 = arith.minsi %convert_element_type3A_166, %sub3A_167 : vector<16xi32>
    %swap3A_169 = arith.constant 96 : index
    %swap3A_170 = tpu.vector_load %arg10[%swap3A_169] {strides = array<i32>} : memref<272xi32, #tpu.memory_space<vmem>>, vector<16xi32>,
    tpu.vector_store %arg10[%swap3A_169], %min3A_168 {strides = array<i32>} : memref<272xi32, #tpu.memory_space<vmem>>, vector<16xi32>,
    %swap3A_171 = arith.constant 96 : index
    %swap3A_172 = tpu.vector_load %arg11[%swap3A_171] {strides = array<i32>} : memref<272xi32, #tpu.memory_space<vmem>>, vector<16xi32>,
    tpu.vector_store %arg11[%swap3A_171], %max3A_157 {strides = array<i32>} : memref<272xi32, #tpu.memory_space<vmem>>, vector<16xi32>,
    %get3A_173 = arith.constant 112 : index
    %get3A_174 = tpu.vector_load %arg8[%get3A_173] {strides = array<i32>} : memref<256xi32, #tpu.memory_space<vmem>>, vector<16xi32>,
    %convert_element_type3A_175 = arith.sitofp %get3A_174 : vector<16xi32> to vector<16xf32>
    %mul3A_176 = arith.constant 2.000000e-01 : f32
    %mul3A_177 = vector.broadcast %mul3A_176 : f32 to vector<16xf32>
    %mul3A_178 = arith.mulf %mul3A_177, %convert_element_type3A_175 : vector<16xf32>
    %convert_element_type3A_179 = arith.fptosi %mul3A_178 : vector<16xf32> to vector<16xi32>
    %max3A_180 = arith.constant 1 : i32
    %max3A_181 = vector.broadcast %max3A_180 : i32 to vector<16xi32>
    %max3A_182 = arith.maxsi %max3A_181, %convert_element_type3A_179 : vector<16xi32>
    %sub3A_183 = arith.subi %get3A_174, %max3A_182 : vector<16xi32>
    %add3A_184 = arith.constant 1 : i32
    %add3A_185 = vector.broadcast %add3A_184 : i32 to vector<16xi32>
    %add3A_186 = arith.addi %sub3A_183, %add3A_185 : vector<16xi32>
    %convert_element_type3A_187 = arith.sitofp %add3A_186 : vector<16xi32> to vector<16xf32>
    %get3A_188 = arith.constant 112 : index
    %get3A_189 = tpu.vector_load %arg9[%get3A_188] {strides = array<i32>} : memref<256xf32, #tpu.memory_space<vmem>>, vector<16xf32>,
    %mul3A_190 = arith.mulf %get3A_189, %convert_element_type3A_187 : vector<16xf32>
    %convert_element_type3A_191 = arith.fptosi %mul3A_190 : vector<16xf32> to vector<16xi32>
    %sub3A_192 = arith.subi %get3A_174, %max3A_182 : vector<16xi32>
    %min3A_193 = arith.minsi %convert_element_type3A_191, %sub3A_192 : vector<16xi32>
    %swap3A_194 = arith.constant 112 : index
    %swap3A_195 = tpu.vector_load %arg10[%swap3A_194] {strides = array<i32>} : memref<272xi32, #tpu.memory_space<vmem>>, vector<16xi32>,
    tpu.vector_store %arg10[%swap3A_194], %min3A_193 {strides = array<i32>} : memref<272xi32, #tpu.memory_space<vmem>>, vector<16xi32>,
    %swap3A_196 = arith.constant 112 : index
    %swap3A_197 = tpu.vector_load %arg11[%swap3A_196] {strides = array<i32>} : memref<272xi32, #tpu.memory_space<vmem>>, vector<16xi32>,
    tpu.vector_store %arg11[%swap3A_196], %max3A_182 {strides = array<i32>} : memref<272xi32, #tpu.memory_space<vmem>>, vector<16xi32>,
    %get3A_198 = arith.constant 128 : index
    %get3A_199 = tpu.vector_load %arg8[%get3A_198] {strides = array<i32>} : memref<256xi32, #tpu.memory_space<vmem>>, vector<16xi32>,
    %convert_element_type3A_200 = arith.sitofp %get3A_199 : vector<16xi32> to vector<16xf32>
    %mul3A_201 = arith.constant 2.000000e-01 : f32
    %mul3A_202 = vector.broadcast %mul3A_201 : f32 to vector<16xf32>
    %mul3A_203 = arith.mulf %mul3A_202, %convert_element_type3A_200 : vector<16xf32>
    %convert_element_type3A_204 = arith.fptosi %mul3A_203 : vector<16xf32> to vector<16xi32>
    %max3A_205 = arith.constant 1 : i32
    %max3A_206 = vector.broadcast %max3A_205 : i32 to vector<16xi32>
    %max3A_207 = arith.maxsi %max3A_206, %convert_element_type3A_204 : vector<16xi32>
    %sub3A_208 = arith.subi %get3A_199, %max3A_207 : vector<16xi32>
    %add3A_209 = arith.constant 1 : i32
    %add3A_210 = vector.broadcast %add3A_209 : i32 to vector<16xi32>
    %add3A_211 = arith.addi %sub3A_208, %add3A_210 : vector<16xi32>
    %convert_element_type3A_212 = arith.sitofp %add3A_211 : vector<16xi32> to vector<16xf32>
    %get3A_213 = arith.constant 128 : index
    %get3A_214 = tpu.vector_load %arg9[%get3A_213] {strides = array<i32>} : memref<256xf32, #tpu.memory_space<vmem>>, vector<16xf32>,
    %mul3A_215 = arith.mulf %get3A_214, %convert_element_type3A_212 : vector<16xf32>
    %convert_element_type3A_216 = arith.fptosi %mul3A_215 : vector<16xf32> to vector<16xi32>
    %sub3A_217 = arith.subi %get3A_199, %max3A_207 : vector<16xi32>
    %min3A_218 = arith.minsi %convert_element_type3A_216, %sub3A_217 : vector<16xi32>
    %swap3A_219 = arith.constant 128 : index
    %swap3A_220 = tpu.vector_load %arg10[%swap3A_219] {strides = array<i32>} : memref<272xi32, #tpu.memory_space<vmem>>, vector<16xi32>,
    tpu.vector_store %arg10[%swap3A_219], %min3A_218 {strides = array<i32>} : memref<272xi32, #tpu.memory_space<vmem>>, vector<16xi32>,
    %swap3A_221 = arith.constant 128 : index
    %swap3A_222 = tpu.vector_load %arg11[%swap3A_221] {strides = array<i32>} : memref<272xi32, #tpu.memory_space<vmem>>, vector<16xi32>,
    tpu.vector_store %arg11[%swap3A_221], %max3A_207 {strides = array<i32>} : memref<272xi32, #tpu.memory_space<vmem>>, vector<16xi32>,
    %get3A_223 = arith.constant 144 : index
    %get3A_224 = tpu.vector_load %arg8[%get3A_223] {strides = array<i32>} : memref<256xi32, #tpu.memory_space<vmem>>, vector<16xi32>,
    %convert_element_type3A_225 = arith.sitofp %get3A_224 : vector<16xi32> to vector<16xf32>
    %mul3A_226 = arith.constant 2.000000e-01 : f32
    %mul3A_227 = vector.broadcast %mul3A_226 : f32 to vector<16xf32>
    %mul3A_228 = arith.mulf %mul3A_227, %convert_element_type3A_225 : vector<16xf32>
    %convert_element_type3A_229 = arith.fptosi %mul3A_228 : vector<16xf32> to vector<16xi32>
    %max3A_230 = arith.constant 1 : i32
    %max3A_231 = vector.broadcast %max3A_230 : i32 to vector<16xi32>
    %max3A_232 = arith.maxsi %max3A_231, %convert_element_type3A_229 : vector<16xi32>
    %sub3A_233 = arith.subi %get3A_224, %max3A_232 : vector<16xi32>
    %add3A_234 = arith.constant 1 : i32
    %add3A_235 = vector.broadcast %add3A_234 : i32 to vector<16xi32>
    %add3A_236 = arith.addi %sub3A_233, %add3A_235 : vector<16xi32>
    %convert_element_type3A_237 = arith.sitofp %add3A_236 : vector<16xi32> to vector<16xf32>
    %get3A_238 = arith.constant 144 : index
    %get3A_239 = tpu.vector_load %arg9[%get3A_238] {strides = array<i32>} : memref<256xf32, #tpu.memory_space<vmem>>, vector<16xf32>,
    %mul3A_240 = arith.mulf %get3A_239, %convert_element_type3A_237 : vector<16xf32>
    %convert_element_type3A_241 = arith.fptosi %mul3A_240 : vector<16xf32> to vector<16xi32>
    %sub3A_242 = arith.subi %get3A_224, %max3A_232 : vector<16xi32>
    %min3A_243 = arith.minsi %convert_element_type3A_241, %sub3A_242 : vector<16xi32>
    %swap3A_244 = arith.constant 144 : index
    %swap3A_245 = tpu.vector_load %arg10[%swap3A_244] {strides = array<i32>} : memref<272xi32, #tpu.memory_space<vmem>>, vector<16xi32>,
    tpu.vector_store %arg10[%swap3A_244], %min3A_243 {strides = array<i32>} : memref<272xi32, #tpu.memory_space<vmem>>, vector<16xi32>,
    %swap3A_246 = arith.constant 144 : index
    %swap3A_247 = tpu.vector_load %arg11[%swap3A_246] {strides = array<i32>} : memref<272xi32, #tpu.memory_space<vmem>>, vector<16xi32>,
    tpu.vector_store %arg11[%swap3A_246], %max3A_232 {strides = array<i32>} : memref<272xi32, #tpu.memory_space<vmem>>, vector<16xi32>,
    %get3A_248 = arith.constant 160 : index
    %get3A_249 = tpu.vector_load %arg8[%get3A_248] {strides = array<i32>} : memref<256xi32, #tpu.memory_space<vmem>>, vector<16xi32>,
    %convert_element_type3A_250 = arith.sitofp %get3A_249 : vector<16xi32> to vector<16xf32>
    %mul3A_251 = arith.constant 2.000000e-01 : f32
    %mul3A_252 = vector.broadcast %mul3A_251 : f32 to vector<16xf32>
    %mul3A_253 = arith.mulf %mul3A_252, %convert_element_type3A_250 : vector<16xf32>
    %convert_element_type3A_254 = arith.fptosi %mul3A_253 : vector<16xf32> to vector<16xi32>
    %max3A_255 = arith.constant 1 : i32
    %max3A_256 = vector.broadcast %max3A_255 : i32 to vector<16xi32>
    %max3A_257 = arith.maxsi %max3A_256, %convert_element_type3A_254 : vector<16xi32>
    %sub3A_258 = arith.subi %get3A_249, %max3A_257 : vector<16xi32>
    %add3A_259 = arith.constant 1 : i32
    %add3A_260 = vector.broadcast %add3A_259 : i32 to vector<16xi32>
    %add3A_261 = arith.addi %sub3A_258, %add3A_260 : vector<16xi32>
    %convert_element_type3A_262 = arith.sitofp %add3A_261 : vector<16xi32> to vector<16xf32>
    %get3A_263 = arith.constant 160 : index
    %get3A_264 = tpu.vector_load %arg9[%get3A_263] {strides = array<i32>} : memref<256xf32, #tpu.memory_space<vmem>>, vector<16xf32>,
    %mul3A_265 = arith.mulf %get3A_264, %convert_element_type3A_262 : vector<16xf32>
    %convert_element_type3A_266 = arith.fptosi %mul3A_265 : vector<16xf32> to vector<16xi32>
    %sub3A_267 = arith.subi %get3A_249, %max3A_257 : vector<16xi32>
    %min3A_268 = arith.minsi %convert_element_type3A_266, %sub3A_267 : vector<16xi32>
    %swap3A_269 = arith.constant 160 : index
    %swap3A_270 = tpu.vector_load %arg10[%swap3A_269] {strides = array<i32>} : memref<272xi32, #tpu.memory_space<vmem>>, vector<16xi32>,
    tpu.vector_store %arg10[%swap3A_269], %min3A_268 {strides = array<i32>} : memref<272xi32, #tpu.memory_space<vmem>>, vector<16xi32>,
    %swap3A_271 = arith.constant 160 : index
    %swap3A_272 = tpu.vector_load %arg11[%swap3A_271] {strides = array<i32>} : memref<272xi32, #tpu.memory_space<vmem>>, vector<16xi32>,
    tpu.vector_store %arg11[%swap3A_271], %max3A_257 {strides = array<i32>} : memref<272xi32, #tpu.memory_space<vmem>>, vector<16xi32>,
    %get3A_273 = arith.constant 176 : index
    %get3A_274 = tpu.vector_load %arg8[%get3A_273] {strides = array<i32>} : memref<256xi32, #tpu.memory_space<vmem>>, vector<16xi32>,
    %convert_element_type3A_275 = arith.sitofp %get3A_274 : vector<16xi32> to vector<16xf32>
    %mul3A_276 = arith.constant 2.000000e-01 : f32
    %mul3A_277 = vector.broadcast %mul3A_276 : f32 to vector<16xf32>
    %mul3A_278 = arith.mulf %mul3A_277, %convert_element_type3A_275 : vector<16xf32>
    %convert_element_type3A_279 = arith.fptosi %mul3A_278 : vector<16xf32> to vector<16xi32>
    %max3A_280 = arith.constant 1 : i32
    %max3A_281 = vector.broadcast %max3A_280 : i32 to vector<16xi32>
    %max3A_282 = arith.maxsi %max3A_281, %convert_element_type3A_279 : vector<16xi32>
    %sub3A_283 = arith.subi %get3A_274, %max3A_282 : vector<16xi32>
    %add3A_284 = arith.constant 1 : i32
    %add3A_285 = vector.broadcast %add3A_284 : i32 to vector<16xi32>
    %add3A_286 = arith.addi %sub3A_283, %add3A_285 : vector<16xi32>
    %convert_element_type3A_287 = arith.sitofp %add3A_286 : vector<16xi32> to vector<16xf32>
    %get3A_288 = arith.constant 176 : index
    %get3A_289 = tpu.vector_load %arg9[%get3A_288] {strides = array<i32>} : memref<256xf32, #tpu.memory_space<vmem>>, vector<16xf32>,
    %mul3A_290 = arith.mulf %get3A_289, %convert_element_type3A_287 : vector<16xf32>
    %convert_element_type3A_291 = arith.fptosi %mul3A_290 : vector<16xf32> to vector<16xi32>
    %sub3A_292 = arith.subi %get3A_274, %max3A_282 : vector<16xi32>
    %min3A_293 = arith.minsi %convert_element_type3A_291, %sub3A_292 : vector<16xi32>
    %swap3A_294 = arith.constant 176 : index
    %swap3A_295 = tpu.vector_load %arg10[%swap3A_294] {strides = array<i32>} : memref<272xi32, #tpu.memory_space<vmem>>, vector<16xi32>,
    tpu.vector_store %arg10[%swap3A_294], %min3A_293 {strides = array<i32>} : memref<272xi32, #tpu.memory_space<vmem>>, vector<16xi32>,
    %swap3A_296 = arith.constant 176 : index
    %swap3A_297 = tpu.vector_load %arg11[%swap3A_296] {strides = array<i32>} : memref<272xi32, #tpu.memory_space<vmem>>, vector<16xi32>,
    tpu.vector_store %arg11[%swap3A_296], %max3A_282 {strides = array<i32>} : memref<272xi32, #tpu.memory_space<vmem>>, vector<16xi32>,
    %get3A_298 = arith.constant 192 : index
    %get3A_299 = tpu.vector_load %arg8[%get3A_298] {strides = array<i32>} : memref<256xi32, #tpu.memory_space<vmem>>, vector<16xi32>,
    %convert_element_type3A_300 = arith.sitofp %get3A_299 : vector<16xi32> to vector<16xf32>
    %mul3A_301 = arith.constant 2.000000e-01 : f32
    %mul3A_302 = vector.broadcast %mul3A_301 : f32 to vector<16xf32>
    %mul3A_303 = arith.mulf %mul3A_302, %convert_element_type3A_300 : vector<16xf32>
    %convert_element_type3A_304 = arith.fptosi %mul3A_303 : vector<16xf32> to vector<16xi32>
    %max3A_305 = arith.constant 1 : i32
    %max3A_306 = vector.broadcast %max3A_305 : i32 to vector<16xi32>
    %max3A_307 = arith.maxsi %max3A_306, %convert_element_type3A_304 : vector<16xi32>
    %sub3A_308 = arith.subi %get3A_299, %max3A_307 : vector<16xi32>
    %add3A_309 = arith.constant 1 : i32
    %add3A_310 = vector.broadcast %add3A_309 : i32 to vector<16xi32>
    %add3A_311 = arith.addi %sub3A_308, %add3A_310 : vector<16xi32>
    %convert_element_type3A_312 = arith.sitofp %add3A_311 : vector<16xi32> to vector<16xf32>
    %get3A_313 = arith.constant 192 : index
    %get3A_314 = tpu.vector_load %arg9[%get3A_313] {strides = array<i32>} : memref<256xf32, #tpu.memory_space<vmem>>, vector<16xf32>,
    %mul3A_315 = arith.mulf %get3A_314, %convert_element_type3A_312 : vector<16xf32>
    %convert_element_type3A_316 = arith.fptosi %mul3A_315 : vector<16xf32> to vector<16xi32>
    %sub3A_317 = arith.subi %get3A_299, %max3A_307 : vector<16xi32>
    %min3A_318 = arith.minsi %convert_element_type3A_316, %sub3A_317 : vector<16xi32>
    %swap3A_319 = arith.constant 192 : index
    %swap3A_320 = tpu.vector_load %arg10[%swap3A_319] {strides = array<i32>} : memref<272xi32, #tpu.memory_space<vmem>>, vector<16xi32>,
    tpu.vector_store %arg10[%swap3A_319], %min3A_318 {strides = array<i32>} : memref<272xi32, #tpu.memory_space<vmem>>, vector<16xi32>,
    %swap3A_321 = arith.constant 192 : index
    %swap3A_322 = tpu.vector_load %arg11[%swap3A_321] {strides = array<i32>} : memref<272xi32, #tpu.memory_space<vmem>>, vector<16xi32>,
    tpu.vector_store %arg11[%swap3A_321], %max3A_307 {strides = array<i32>} : memref<272xi32, #tpu.memory_space<vmem>>, vector<16xi32>,
    %get3A_323 = arith.constant 208 : index
    %get3A_324 = tpu.vector_load %arg8[%get3A_323] {strides = array<i32>} : memref<256xi32, #tpu.memory_space<vmem>>, vector<16xi32>,
    %convert_element_type3A_325 = arith.sitofp %get3A_324 : vector<16xi32> to vector<16xf32>
    %mul3A_326 = arith.constant 2.000000e-01 : f32
    %mul3A_327 = vector.broadcast %mul3A_326 : f32 to vector<16xf32>
    %mul3A_328 = arith.mulf %mul3A_327, %convert_element_type3A_325 : vector<16xf32>
    %convert_element_type3A_329 = arith.fptosi %mul3A_328 : vector<16xf32> to vector<16xi32>
    %max3A_330 = arith.constant 1 : i32
    %max3A_331 = vector.broadcast %max3A_330 : i32 to vector<16xi32>
    %max3A_332 = arith.maxsi %max3A_331, %convert_element_type3A_329 : vector<16xi32>
    %sub3A_333 = arith.subi %get3A_324, %max3A_332 : vector<16xi32>
    %add3A_334 = arith.constant 1 : i32
    %add3A_335 = vector.broadcast %add3A_334 : i32 to vector<16xi32>
    %add3A_336 = arith.addi %sub3A_333, %add3A_335 : vector<16xi32>
    %convert_element_type3A_337 = arith.sitofp %add3A_336 : vector<16xi32> to vector<16xf32>
    %get3A_338 = arith.constant 208 : index
    %get3A_339 = tpu.vector_load %arg9[%get3A_338] {strides = array<i32>} : memref<256xf32, #tpu.memory_space<vmem>>, vector<16xf32>,
    %mul3A_340 = arith.mulf %get3A_339, %convert_element_type3A_337 : vector<16xf32>
    %convert_element_type3A_341 = arith.fptosi %mul3A_340 : vector<16xf32> to vector<16xi32>
    %sub3A_342 = arith.subi %get3A_324, %max3A_332 : vector<16xi32>
    %min3A_343 = arith.minsi %convert_element_type3A_341, %sub3A_342 : vector<16xi32>
    %swap3A_344 = arith.constant 208 : index
    %swap3A_345 = tpu.vector_load %arg10[%swap3A_344] {strides = array<i32>} : memref<272xi32, #tpu.memory_space<vmem>>, vector<16xi32>,
    tpu.vector_store %arg10[%swap3A_344], %min3A_343 {strides = array<i32>} : memref<272xi32, #tpu.memory_space<vmem>>, vector<16xi32>,
    %swap3A_346 = arith.constant 208 : index
    %swap3A_347 = tpu.vector_load %arg11[%swap3A_346] {strides = array<i32>} : memref<272xi32, #tpu.memory_space<vmem>>, vector<16xi32>,
    tpu.vector_store %arg11[%swap3A_346], %max3A_332 {strides = array<i32>} : memref<272xi32, #tpu.memory_space<vmem>>, vector<16xi32>,
    %get3A_348 = arith.constant 224 : index
    %get3A_349 = tpu.vector_load %arg8[%get3A_348] {strides = array<i32>} : memref<256xi32, #tpu.memory_space<vmem>>, vector<16xi32>,
    %convert_element_type3A_350 = arith.sitofp %get3A_349 : vector<16xi32> to vector<16xf32>
    %mul3A_351 = arith.constant 2.000000e-01 : f32
    %mul3A_352 = vector.broadcast %mul3A_351 : f32 to vector<16xf32>
    %mul3A_353 = arith.mulf %mul3A_352, %convert_element_type3A_350 : vector<16xf32>
    %convert_element_type3A_354 = arith.fptosi %mul3A_353 : vector<16xf32> to vector<16xi32>
    %max3A_355 = arith.constant 1 : i32
    %max3A_356 = vector.broadcast %max3A_355 : i32 to vector<16xi32>
    %max3A_357 = arith.maxsi %max3A_356, %convert_element_type3A_354 : vector<16xi32>
    %sub3A_358 = arith.subi %get3A_349, %max3A_357 : vector<16xi32>
    %add3A_359 = arith.constant 1 : i32
    %add3A_360 = vector.broadcast %add3A_359 : i32 to vector<16xi32>
    %add3A_361 = arith.addi %sub3A_358, %add3A_360 : vector<16xi32>
    %convert_element_type3A_362 = arith.sitofp %add3A_361 : vector<16xi32> to vector<16xf32>
    %get3A_363 = arith.constant 224 : index
    %get3A_364 = tpu.vector_load %arg9[%get3A_363] {strides = array<i32>} : memref<256xf32, #tpu.memory_space<vmem>>, vector<16xf32>,
    %mul3A_365 = arith.mulf %get3A_364, %convert_element_type3A_362 : vector<16xf32>
    %convert_element_type3A_366 = arith.fptosi %mul3A_365 : vector<16xf32> to vector<16xi32>
    %sub3A_367 = arith.subi %get3A_349, %max3A_357 : vector<16xi32>
    %min3A_368 = arith.minsi %convert_element_type3A_366, %sub3A_367 : vector<16xi32>
    %swap3A_369 = arith.constant 224 : index
    %swap3A_370 = tpu.vector_load %arg10[%swap3A_369] {strides = array<i32>} : memref<272xi32, #tpu.memory_space<vmem>>, vector<16xi32>,
    tpu.vector_store %arg10[%swap3A_369], %min3A_368 {strides = array<i32>} : memref<272xi32, #tpu.memory_space<vmem>>, vector<16xi32>,
    %swap3A_371 = arith.constant 224 : index
    %swap3A_372 = tpu.vector_load %arg11[%swap3A_371] {strides = array<i32>} : memref<272xi32, #tpu.memory_space<vmem>>, vector<16xi32>,
    tpu.vector_store %arg11[%swap3A_371], %max3A_357 {strides = array<i32>} : memref<272xi32, #tpu.memory_space<vmem>>, vector<16xi32>,
    %get3A_373 = arith.constant 240 : index
    %get3A_374 = tpu.vector_load %arg8[%get3A_373] {strides = array<i32>} : memref<256xi32, #tpu.memory_space<vmem>>, vector<16xi32>,
    %convert_element_type3A_375 = arith.sitofp %get3A_374 : vector<16xi32> to vector<16xf32>
    %mul3A_376 = arith.constant 2.000000e-01 : f32
    %mul3A_377 = vector.broadcast %mul3A_376 : f32 to vector<16xf32>
    %mul3A_378 = arith.mulf %mul3A_377, %convert_element_type3A_375 : vector<16xf32>
    %convert_element_type3A_379 = arith.fptosi %mul3A_378 : vector<16xf32> to vector<16xi32>
    %max3A_380 = arith.constant 1 : i32
    %max3A_381 = vector.broadcast %max3A_380 : i32 to vector<16xi32>
    %max3A_382 = arith.maxsi %max3A_381, %convert_element_type3A_379 : vector<16xi32>
    %sub3A_383 = arith.subi %get3A_374, %max3A_382 : vector<16xi32>
    %add3A_384 = arith.constant 1 : i32
    %add3A_385 = vector.broadcast %add3A_384 : i32 to vector<16xi32>
    %add3A_386 = arith.addi %sub3A_383, %add3A_385 : vector<16xi32>
    %convert_element_type3A_387 = arith.sitofp %add3A_386 : vector<16xi32> to vector<16xf32>
    %get3A_388 = arith.constant 240 : index
    %get3A_389 = tpu.vector_load %arg9[%get3A_388] {strides = array<i32>} : memref<256xf32, #tpu.memory_space<vmem>>, vector<16xf32>,
    %mul3A_390 = arith.mulf %get3A_389, %convert_element_type3A_387 : vector<16xf32>
    %convert_element_type3A_391 = arith.fptosi %mul3A_390 : vector<16xf32> to vector<16xi32>
    %sub3A_392 = arith.subi %get3A_374, %max3A_382 : vector<16xi32>
    %min3A_393 = arith.minsi %convert_element_type3A_391, %sub3A_392 : vector<16xi32>
    %swap3A_394 = arith.constant 240 : index
    %swap3A_395 = tpu.vector_load %arg10[%swap3A_394] {strides = array<i32>} : memref<272xi32, #tpu.memory_space<vmem>>, vector<16xi32>,
    tpu.vector_store %arg10[%swap3A_394], %min3A_393 {strides = array<i32>} : memref<272xi32, #tpu.memory_space<vmem>>, vector<16xi32>,
    %swap3A_396 = arith.constant 240 : index
    %swap3A_397 = tpu.vector_load %arg11[%swap3A_396] {strides = array<i32>} : memref<272xi32, #tpu.memory_space<vmem>>, vector<16xi32>,
    tpu.vector_store %arg11[%swap3A_396], %max3A_382 {strides = array<i32>} : memref<272xi32, #tpu.memory_space<vmem>>, vector<16xi32>,
    %iota3A = tpu.iota {dimensions = array<i32: 0>} : vector<16xi32>
    %jit3A = arith.constant 8 : i32
    %eq3A = arith.constant 0 : i32
    %eq3A_398 = arith.cmpi eq, %jit3A, %eq3A : i32
    %jit3A_399 = arith.constant 1 : i32
    %select_n3A = arith.select %eq3A_398, %jit3A_399, %jit3A : i32
    %rem3A_400 = vector.broadcast %select_n3A : i32 to vector<16xi32>
    %rem3A_401 = arith.remsi %iota3A, %rem3A_400 : vector<16xi32>
    %ne3A = arith.constant 0 : i32
    %ne3A_402 = vector.broadcast %ne3A : i32 to vector<16xi32>
    %ne3A_403 = arith.cmpi ne, %rem3A_401, %ne3A_402 : vector<16xi32>
    %lt3A = arith.constant 0 : i32
    %lt3A_404 = vector.broadcast %lt3A : i32 to vector<16xi32>
    %lt3A_405 = arith.cmpi slt, %rem3A_401, %lt3A_404 : vector<16xi32>
    %lt3A_406 = arith.constant 0 : i32
    %lt3A_407 = arith.cmpi slt, %select_n3A, %lt3A_406 : i32
    %ne3A_408 = vector.broadcast %lt3A_407 : i1 to vector<16xi1>
    %ne3A_409 = vector.broadcast %ne3A_408 : vector<16xi1> to vector<16xi1>
    %ne3A_410 = arith.xori %lt3A_405, %ne3A_409 : vector<16xi1>
    %and3A = arith.andi %ne3A_410, %ne3A_403 : vector<16xi1>
    %add3A_411 = vector.broadcast %select_n3A : i32 to vector<16xi32>
    %add3A_412 = arith.addi %rem3A_401, %add3A_411 : vector<16xi32>
    %select_n3A_413 = arith.select %and3A, %add3A_412, %rem3A_401 : vector<16xi1>, vector<16xi32>
    %jit3A_414 = arith.constant 8 : i32
    %div3A = vector.broadcast %jit3A_414 : i32 to vector<16xi32>
    %div3A_415 = arith.divsi %iota3A, %div3A : vector<16xi32>
    %sign3A = arith.constant 0 : i32
    %sign3A_416 = vector.broadcast %sign3A : i32 to vector<16xi32>
    %sign3A_417 = arith.cmpi sgt, %iota3A, %sign3A_416 : vector<16xi32>
    %sign3A_418 = arith.extui %sign3A_417 : vector<16xi1> to vector<16xi32>
    %sign3A_419 = arith.constant 0 : i32
    %sign3A_420 = vector.broadcast %sign3A_419 : i32 to vector<16xi32>
    %sign3A_421 = arith.cmpi slt, %iota3A, %sign3A_420 : vector<16xi32>
    %sign3A_422 = arith.extui %sign3A_421 : vector<16xi1> to vector<16xi32>
    %sign3A_423 = arith.subi %sign3A_418, %sign3A_422 : vector<16xi32>
    %sign3A_424 = arith.constant 0 : i32
    %sign3A_425 = arith.cmpi sgt, %jit3A_414, %sign3A_424 : i32
    %sign3A_426 = arith.extui %sign3A_425 : i1 to i32
    %sign3A_427 = arith.constant 0 : i32
    %sign3A_428 = arith.cmpi slt, %jit3A_414, %sign3A_427 : i32
    %sign3A_429 = arith.extui %sign3A_428 : i1 to i32
    %sign3A_430 = arith.subi %sign3A_426, %sign3A_429 : i32
    %ne3A_431 = vector.broadcast %sign3A_430 : i32 to vector<16xi32>
    %ne3A_432 = arith.cmpi ne, %sign3A_423, %ne3A_431 : vector<16xi32>
    %rem3A_433 = vector.broadcast %jit3A_414 : i32 to vector<16xi32>
    %rem3A_434 = arith.remsi %iota3A, %rem3A_433 : vector<16xi32>
    %ne3A_435 = arith.constant 0 : i32
    %ne3A_436 = vector.broadcast %ne3A_435 : i32 to vector<16xi32>
    %ne3A_437 = arith.cmpi ne, %rem3A_434, %ne3A_436 : vector<16xi32>
    %and3A_438 = arith.andi %ne3A_432, %ne3A_437 : vector<16xi1>
    %sub3A_439 = arith.constant 1 : i32
    %sub3A_440 = vector.broadcast %sub3A_439 : i32 to vector<16xi32>
    %sub3A_441 = arith.subi %div3A_415, %sub3A_440 : vector<16xi32>
    %select_n3A_442 = arith.select %and3A_438, %sub3A_441, %div3A_415 : vector<16xi1>, vector<16xi32>
    %add3A_443 = arith.constant 0 : i32
    %add3A_444 = vector.broadcast %add3A_443 : i32 to vector<16xi32>
    %add3A_445 = arith.addi %add3A_444, %select_n3A_413 : vector<16xi32>
    %gather3A = tpu.vector_load_idx %arg10[%add3A_445] : memref<272xi32, #tpu.memory_space<vmem>>[vector<16xi32>], vector<16xi32>,
    %gather3A_446 = tpu.vector_load_idx %arg11[%add3A_445] : memref<272xi32, #tpu.memory_space<vmem>>[vector<16xi32>], vector<16xi32>,
    %add3A_447 = arith.constant 0 : i32
    %add3A_448 = vector.broadcast %add3A_447 : i32 to vector<16xi32>
    %add3A_449 = arith.addi %add3A_448, %select_n3A_442 : vector<16xi32>
    %lt3A_450 = arith.cmpi slt, %add3A_449, %gather3A_446 : vector<16xi32>
    %add3A_451 = arith.addi %gather3A, %add3A_449 : vector<16xi32>
    %select_n3A_452 = arith.select %lt3A_450, %add3A_451, %gather3A : vector<16xi1>, vector<16xi32>
    %gather3A_453 = tpu.vector_load_idx %arg7[%add3A_445, %select_n3A_452] : memref<256x200xi32, #tpu.memory_space<vmem>>[vector<16xi32>, vector<16xi32>], vector<16xi32>,
    %swap3A_454 = arith.constant 0 : index
    %swap3A_455 = tpu.vector_load %arg12[%swap3A_454] {strides = array<i32>} : memref<320xi32, #tpu.memory_space<vmem>>, vector<16xi32>,
    tpu.vector_store %arg12[%swap3A_454], %gather3A_453 {strides = array<i32>} : memref<320xi32, #tpu.memory_space<vmem>>, vector<16xi32>,
    %add3A_456 = arith.constant 2 : i32
    %add3A_457 = vector.broadcast %add3A_456 : i32 to vector<16xi32>
    %add3A_458 = arith.addi %add3A_457, %select_n3A_442 : vector<16xi32>
    %lt3A_459 = arith.cmpi slt, %add3A_458, %gather3A_446 : vector<16xi32>
    %add3A_460 = arith.addi %gather3A, %add3A_458 : vector<16xi32>
    %select_n3A_461 = arith.select %lt3A_459, %add3A_460, %gather3A : vector<16xi1>, vector<16xi32>
    %gather3A_462 = tpu.vector_load_idx %arg7[%add3A_445, %select_n3A_461] : memref<256x200xi32, #tpu.memory_space<vmem>>[vector<16xi32>, vector<16xi32>], vector<16xi32>,
    %swap3A_463 = arith.constant 16 : index
    %swap3A_464 = tpu.vector_load %arg12[%swap3A_463] {strides = array<i32>} : memref<320xi32, #tpu.memory_space<vmem>>, vector<16xi32>,
    tpu.vector_store %arg12[%swap3A_463], %gather3A_462 {strides = array<i32>} : memref<320xi32, #tpu.memory_space<vmem>>, vector<16xi32>,
    %add3A_465 = arith.constant 4 : i32
    %add3A_466 = vector.broadcast %add3A_465 : i32 to vector<16xi32>
    %add3A_467 = arith.addi %add3A_466, %select_n3A_442 : vector<16xi32>
    %lt3A_468 = arith.cmpi slt, %add3A_467, %gather3A_446 : vector<16xi32>
    %add3A_469 = arith.addi %gather3A, %add3A_467 : vector<16xi32>
    %select_n3A_470 = arith.select %lt3A_468, %add3A_469, %gather3A : vector<16xi1>, vector<16xi32>
    %gather3A_471 = tpu.vector_load_idx %arg7[%add3A_445, %select_n3A_470] : memref<256x200xi32, #tpu.memory_space<vmem>>[vector<16xi32>, vector<16xi32>], vector<16xi32>,
    %swap3A_472 = arith.constant 32 : index
    %swap3A_473 = tpu.vector_load %arg12[%swap3A_472] {strides = array<i32>} : memref<320xi32, #tpu.memory_space<vmem>>, vector<16xi32>,
    tpu.vector_store %arg12[%swap3A_472], %gather3A_471 {strides = array<i32>} : memref<320xi32, #tpu.memory_space<vmem>>, vector<16xi32>,
    %add3A_474 = arith.constant 6 : i32
    %add3A_475 = vector.broadcast %add3A_474 : i32 to vector<16xi32>
    %add3A_476 = arith.addi %add3A_475, %select_n3A_442 : vector<16xi32>
    %lt3A_477 = arith.cmpi slt, %add3A_476, %gather3A_446 : vector<16xi32>
    %add3A_478 = arith.addi %gather3A, %add3A_476 : vector<16xi32>
    %select_n3A_479 = arith.select %lt3A_477, %add3A_478, %gather3A : vector<16xi1>, vector<16xi32>
    %gather3A_480 = tpu.vector_load_idx %arg7[%add3A_445, %select_n3A_479] : memref<256x200xi32, #tpu.memory_space<vmem>>[vector<16xi32>, vector<16xi32>], vector<16xi32>,
    %swap3A_481 = arith.constant 48 : index
    %swap3A_482 = tpu.vector_load %arg12[%swap3A_481] {strides = array<i32>} : memref<320xi32, #tpu.memory_space<vmem>>, vector<16xi32>,
    tpu.vector_store %arg12[%swap3A_481], %gather3A_480 {strides = array<i32>} : memref<320xi32, #tpu.memory_space<vmem>>, vector<16xi32>,
    %add3A_483 = arith.constant 8 : i32
    %add3A_484 = vector.broadcast %add3A_483 : i32 to vector<16xi32>
    %add3A_485 = arith.addi %add3A_484, %select_n3A_442 : vector<16xi32>
    %lt3A_486 = arith.cmpi slt, %add3A_485, %gather3A_446 : vector<16xi32>
    %add3A_487 = arith.addi %gather3A, %add3A_485 : vector<16xi32>
    %select_n3A_488 = arith.select %lt3A_486, %add3A_487, %gather3A : vector<16xi1>, vector<16xi32>
    %gather3A_489 = tpu.vector_load_idx %arg7[%add3A_445, %select_n3A_488] : memref<256x200xi32, #tpu.memory_space<vmem>>[vector<16xi32>, vector<16xi32>], vector<16xi32>,
    %swap3A_490 = arith.constant 64 : index
    %swap3A_491 = tpu.vector_load %arg12[%swap3A_490] {strides = array<i32>} : memref<320xi32, #tpu.memory_space<vmem>>, vector<16xi32>,
    tpu.vector_store %arg12[%swap3A_490], %gather3A_489 {strides = array<i32>} : memref<320xi32, #tpu.memory_space<vmem>>, vector<16xi32>,
    %add3A_492 = arith.constant 10 : i32
    %add3A_493 = vector.broadcast %add3A_492 : i32 to vector<16xi32>
    %add3A_494 = arith.addi %add3A_493, %select_n3A_442 : vector<16xi32>
    %lt3A_495 = arith.cmpi slt, %add3A_494, %gather3A_446 : vector<16xi32>
    %add3A_496 = arith.addi %gather3A, %add3A_494 : vector<16xi32>
    %select_n3A_497 = arith.select %lt3A_495, %add3A_496, %gather3A : vector<16xi1>, vector<16xi32>
    %gather3A_498 = tpu.vector_load_idx %arg7[%add3A_445, %select_n3A_497] : memref<256x200xi32, #tpu.memory_space<vmem>>[vector<16xi32>, vector<16xi32>], vector<16xi32>,
    %swap3A_499 = arith.constant 80 : index
    %swap3A_500 = tpu.vector_load %arg12[%swap3A_499] {strides = array<i32>} : memref<320xi32, #tpu.memory_space<vmem>>, vector<16xi32>,
    tpu.vector_store %arg12[%swap3A_499], %gather3A_498 {strides = array<i32>} : memref<320xi32, #tpu.memory_space<vmem>>, vector<16xi32>,
    %add3A_501 = arith.constant 12 : i32
    %add3A_502 = vector.broadcast %add3A_501 : i32 to vector<16xi32>
    %add3A_503 = arith.addi %add3A_502, %select_n3A_442 : vector<16xi32>
    %lt3A_504 = arith.cmpi slt, %add3A_503, %gather3A_446 : vector<16xi32>
    %add3A_505 = arith.addi %gather3A, %add3A_503 : vector<16xi32>
    %select_n3A_506 = arith.select %lt3A_504, %add3A_505, %gather3A : vector<16xi1>, vector<16xi32>
    %gather3A_507 = tpu.vector_load_idx %arg7[%add3A_445, %select_n3A_506] : memref<256x200xi32, #tpu.memory_space<vmem>>[vector<16xi32>, vector<16xi32>], vector<16xi32>,
    %swap3A_508 = arith.constant 96 : index
    %swap3A_509 = tpu.vector_load %arg12[%swap3A_508] {strides = array<i32>} : memref<320xi32, #tpu.memory_space<vmem>>, vector<16xi32>,
    tpu.vector_store %arg12[%swap3A_508], %gather3A_507 {strides = array<i32>} : memref<320xi32, #tpu.memory_space<vmem>>, vector<16xi32>,
    %add3A_510 = arith.constant 14 : i32
    %add3A_511 = vector.broadcast %add3A_510 : i32 to vector<16xi32>
    %add3A_512 = arith.addi %add3A_511, %select_n3A_442 : vector<16xi32>
    %lt3A_513 = arith.cmpi slt, %add3A_512, %gather3A_446 : vector<16xi32>
    %add3A_514 = arith.addi %gather3A, %add3A_512 : vector<16xi32>
    %select_n3A_515 = arith.select %lt3A_513, %add3A_514, %gather3A : vector<16xi1>, vector<16xi32>
    %gather3A_516 = tpu.vector_load_idx %arg7[%add3A_445, %select_n3A_515] : memref<256x200xi32, #tpu.memory_space<vmem>>[vector<16xi32>, vector<16xi32>], vector<16xi32>,
    %swap3A_517 = arith.constant 112 : index
    %swap3A_518 = tpu.vector_load %arg12[%swap3A_517] {strides = array<i32>} : memref<320xi32, #tpu.memory_space<vmem>>, vector<16xi32>,
    tpu.vector_store %arg12[%swap3A_517], %gather3A_516 {strides = array<i32>} : memref<320xi32, #tpu.memory_space<vmem>>, vector<16xi32>,
    %add3A_519 = arith.constant 16 : i32
    %add3A_520 = vector.broadcast %add3A_519 : i32 to vector<16xi32>
    %add3A_521 = arith.addi %add3A_520, %select_n3A_442 : vector<16xi32>
    %lt3A_522 = arith.cmpi slt, %add3A_521, %gather3A_446 : vector<16xi32>
    %add3A_523 = arith.addi %gather3A, %add3A_521 : vector<16xi32>
    %select_n3A_524 = arith.select %lt3A_522, %add3A_523, %gather3A : vector<16xi1>, vector<16xi32>
    %gather3A_525 = tpu.vector_load_idx %arg7[%add3A_445, %select_n3A_524] : memref<256x200xi32, #tpu.memory_space<vmem>>[vector<16xi32>, vector<16xi32>], vector<16xi32>,
    %swap3A_526 = arith.constant 128 : index
    %swap3A_527 = tpu.vector_load %arg12[%swap3A_526] {strides = array<i32>} : memref<320xi32, #tpu.memory_space<vmem>>, vector<16xi32>,
    tpu.vector_store %arg12[%swap3A_526], %gather3A_525 {strides = array<i32>} : memref<320xi32, #tpu.memory_space<vmem>>, vector<16xi32>,
    %add3A_528 = arith.constant 18 : i32
    %add3A_529 = vector.broadcast %add3A_528 : i32 to vector<16xi32>
    %add3A_530 = arith.addi %add3A_529, %select_n3A_442 : vector<16xi32>
    %lt3A_531 = arith.cmpi slt, %add3A_530, %gather3A_446 : vector<16xi32>
    %add3A_532 = arith.addi %gather3A, %add3A_530 : vector<16xi32>
    %select_n3A_533 = arith.select %lt3A_531, %add3A_532, %gather3A : vector<16xi1>, vector<16xi32>
    %gather3A_534 = tpu.vector_load_idx %arg7[%add3A_445, %select_n3A_533] : memref<256x200xi32, #tpu.memory_space<vmem>>[vector<16xi32>, vector<16xi32>], vector<16xi32>,
    %swap3A_535 = arith.constant 144 : index
    %swap3A_536 = tpu.vector_load %arg12[%swap3A_535] {strides = array<i32>} : memref<320xi32, #tpu.memory_space<vmem>>, vector<16xi32>,
    tpu.vector_store %arg12[%swap3A_535], %gather3A_534 {strides = array<i32>} : memref<320xi32, #tpu.memory_space<vmem>>, vector<16xi32>,
    %add3A_537 = arith.constant 20 : i32
    %add3A_538 = vector.broadcast %add3A_537 : i32 to vector<16xi32>
    %add3A_539 = arith.addi %add3A_538, %select_n3A_442 : vector<16xi32>
    %lt3A_540 = arith.cmpi slt, %add3A_539, %gather3A_446 : vector<16xi32>
    %add3A_541 = arith.addi %gather3A, %add3A_539 : vector<16xi32>
    %select_n3A_542 = arith.select %lt3A_540, %add3A_541, %gather3A : vector<16xi1>, vector<16xi32>
    %gather3A_543 = tpu.vector_load_idx %arg7[%add3A_445, %select_n3A_542] : memref<256x200xi32, #tpu.memory_space<vmem>>[vector<16xi32>, vector<16xi32>], vector<16xi32>,
    %swap3A_544 = arith.constant 160 : index
    %swap3A_545 = tpu.vector_load %arg12[%swap3A_544] {strides = array<i32>} : memref<320xi32, #tpu.memory_space<vmem>>, vector<16xi32>,
    tpu.vector_store %arg12[%swap3A_544], %gather3A_543 {strides = array<i32>} : memref<320xi32, #tpu.memory_space<vmem>>, vector<16xi32>,
    %add3A_546 = arith.constant 22 : i32
    %add3A_547 = vector.broadcast %add3A_546 : i32 to vector<16xi32>
    %add3A_548 = arith.addi %add3A_547, %select_n3A_442 : vector<16xi32>
    %lt3A_549 = arith.cmpi slt, %add3A_548, %gather3A_446 : vector<16xi32>
    %add3A_550 = arith.addi %gather3A, %add3A_548 : vector<16xi32>
    %select_n3A_551 = arith.select %lt3A_549, %add3A_550, %gather3A : vector<16xi1>, vector<16xi32>
    %gather3A_552 = tpu.vector_load_idx %arg7[%add3A_445, %select_n3A_551] : memref<256x200xi32, #tpu.memory_space<vmem>>[vector<16xi32>, vector<16xi32>], vector<16xi32>,
    %swap3A_553 = arith.constant 176 : index
    %swap3A_554 = tpu.vector_load %arg12[%swap3A_553] {strides = array<i32>} : memref<320xi32, #tpu.memory_space<vmem>>, vector<16xi32>,
    tpu.vector_store %arg12[%swap3A_553], %gather3A_552 {strides = array<i32>} : memref<320xi32, #tpu.memory_space<vmem>>, vector<16xi32>,
    %add3A_555 = arith.constant 24 : i32
    %add3A_556 = vector.broadcast %add3A_555 : i32 to vector<16xi32>
    %add3A_557 = arith.addi %add3A_556, %select_n3A_442 : vector<16xi32>
    %lt3A_558 = arith.cmpi slt, %add3A_557, %gather3A_446 : vector<16xi32>
    %add3A_559 = arith.addi %gather3A, %add3A_557 : vector<16xi32>
    %select_n3A_560 = arith.select %lt3A_558, %add3A_559, %gather3A : vector<16xi1>, vector<16xi32>
    %gather3A_561 = tpu.vector_load_idx %arg7[%add3A_445, %select_n3A_560] : memref<256x200xi32, #tpu.memory_space<vmem>>[vector<16xi32>, vector<16xi32>], vector<16xi32>,
    %swap3A_562 = arith.constant 192 : index
    %swap3A_563 = tpu.vector_load %arg12[%swap3A_562] {strides = array<i32>} : memref<320xi32, #tpu.memory_space<vmem>>, vector<16xi32>,
    tpu.vector_store %arg12[%swap3A_562], %gather3A_561 {strides = array<i32>} : memref<320xi32, #tpu.memory_space<vmem>>, vector<16xi32>,
    %add3A_564 = arith.constant 26 : i32
    %add3A_565 = vector.broadcast %add3A_564 : i32 to vector<16xi32>
    %add3A_566 = arith.addi %add3A_565, %select_n3A_442 : vector<16xi32>
    %lt3A_567 = arith.cmpi slt, %add3A_566, %gather3A_446 : vector<16xi32>
    %add3A_568 = arith.addi %gather3A, %add3A_566 : vector<16xi32>
    %select_n3A_569 = arith.select %lt3A_567, %add3A_568, %gather3A : vector<16xi1>, vector<16xi32>
    %gather3A_570 = tpu.vector_load_idx %arg7[%add3A_445, %select_n3A_569] : memref<256x200xi32, #tpu.memory_space<vmem>>[vector<16xi32>, vector<16xi32>], vector<16xi32>,
    %swap3A_571 = arith.constant 208 : index
    %swap3A_572 = tpu.vector_load %arg12[%swap3A_571] {strides = array<i32>} : memref<320xi32, #tpu.memory_space<vmem>>, vector<16xi32>,
    tpu.vector_store %arg12[%swap3A_571], %gather3A_570 {strides = array<i32>} : memref<320xi32, #tpu.memory_space<vmem>>, vector<16xi32>,
    %add3A_573 = arith.constant 28 : i32
    %add3A_574 = vector.broadcast %add3A_573 : i32 to vector<16xi32>
    %add3A_575 = arith.addi %add3A_574, %select_n3A_442 : vector<16xi32>
    %lt3A_576 = arith.cmpi slt, %add3A_575, %gather3A_446 : vector<16xi32>
    %add3A_577 = arith.addi %gather3A, %add3A_575 : vector<16xi32>
    %select_n3A_578 = arith.select %lt3A_576, %add3A_577, %gather3A : vector<16xi1>, vector<16xi32>
    %gather3A_579 = tpu.vector_load_idx %arg7[%add3A_445, %select_n3A_578] : memref<256x200xi32, #tpu.memory_space<vmem>>[vector<16xi32>, vector<16xi32>], vector<16xi32>,
    %swap3A_580 = arith.constant 224 : index
    %swap3A_581 = tpu.vector_load %arg12[%swap3A_580] {strides = array<i32>} : memref<320xi32, #tpu.memory_space<vmem>>, vector<16xi32>,
    tpu.vector_store %arg12[%swap3A_580], %gather3A_579 {strides = array<i32>} : memref<320xi32, #tpu.memory_space<vmem>>, vector<16xi32>,
    %add3A_582 = arith.constant 30 : i32
    %add3A_583 = vector.broadcast %add3A_582 : i32 to vector<16xi32>
    %add3A_584 = arith.addi %add3A_583, %select_n3A_442 : vector<16xi32>
    %lt3A_585 = arith.cmpi slt, %add3A_584, %gather3A_446 : vector<16xi32>
    %add3A_586 = arith.addi %gather3A, %add3A_584 : vector<16xi32>
    %select_n3A_587 = arith.select %lt3A_585, %add3A_586, %gather3A : vector<16xi1>, vector<16xi32>
    %gather3A_588 = tpu.vector_load_idx %arg7[%add3A_445, %select_n3A_587] : memref<256x200xi32, #tpu.memory_space<vmem>>[vector<16xi32>, vector<16xi32>], vector<16xi32>,
    %swap3A_589 = arith.constant 240 : index
    %swap3A_590 = tpu.vector_load %arg12[%swap3A_589] {strides = array<i32>} : memref<320xi32, #tpu.memory_space<vmem>>, vector<16xi32>,
    tpu.vector_store %arg12[%swap3A_589], %gather3A_588 {strides = array<i32>} : memref<320xi32, #tpu.memory_space<vmem>>, vector<16xi32>,
    %add3A_591 = arith.constant 32 : i32
    %add3A_592 = vector.broadcast %add3A_591 : i32 to vector<16xi32>
    %add3A_593 = arith.addi %add3A_592, %select_n3A_442 : vector<16xi32>
    %lt3A_594 = arith.cmpi slt, %add3A_593, %gather3A_446 : vector<16xi32>
    %add3A_595 = arith.addi %gather3A, %add3A_593 : vector<16xi32>
    %select_n3A_596 = arith.select %lt3A_594, %add3A_595, %gather3A : vector<16xi1>, vector<16xi32>
    %gather3A_597 = tpu.vector_load_idx %arg7[%add3A_445, %select_n3A_596] : memref<256x200xi32, #tpu.memory_space<vmem>>[vector<16xi32>, vector<16xi32>], vector<16xi32>,
    %swap3A_598 = arith.constant 256 : index
    %swap3A_599 = tpu.vector_load %arg12[%swap3A_598] {strides = array<i32>} : memref<320xi32, #tpu.memory_space<vmem>>, vector<16xi32>,
    tpu.vector_store %arg12[%swap3A_598], %gather3A_597 {strides = array<i32>} : memref<320xi32, #tpu.memory_space<vmem>>, vector<16xi32>,
    %add3A_600 = arith.constant 34 : i32
    %add3A_601 = vector.broadcast %add3A_600 : i32 to vector<16xi32>
    %add3A_602 = arith.addi %add3A_601, %select_n3A_442 : vector<16xi32>
    %lt3A_603 = arith.cmpi slt, %add3A_602, %gather3A_446 : vector<16xi32>
    %add3A_604 = arith.addi %gather3A, %add3A_602 : vector<16xi32>
    %select_n3A_605 = arith.select %lt3A_603, %add3A_604, %gather3A : vector<16xi1>, vector<16xi32>
    %gather3A_606 = tpu.vector_load_idx %arg7[%add3A_445, %select_n3A_605] : memref<256x200xi32, #tpu.memory_space<vmem>>[vector<16xi32>, vector<16xi32>], vector<16xi32>,
    %swap3A_607 = arith.constant 272 : index
    %swap3A_608 = tpu.vector_load %arg12[%swap3A_607] {strides = array<i32>} : memref<320xi32, #tpu.memory_space<vmem>>, vector<16xi32>,
    tpu.vector_store %arg12[%swap3A_607], %gather3A_606 {strides = array<i32>} : memref<320xi32, #tpu.memory_space<vmem>>, vector<16xi32>,
    %add3A_609 = arith.constant 36 : i32
    %add3A_610 = vector.broadcast %add3A_609 : i32 to vector<16xi32>
    %add3A_611 = arith.addi %add3A_610, %select_n3A_442 : vector<16xi32>
    %lt3A_612 = arith.cmpi slt, %add3A_611, %gather3A_446 : vector<16xi32>
    %add3A_613 = arith.addi %gather3A, %add3A_611 : vector<16xi32>
    %select_n3A_614 = arith.select %lt3A_612, %add3A_613, %gather3A : vector<16xi1>, vector<16xi32>
    %gather3A_615 = tpu.vector_load_idx %arg7[%add3A_445, %select_n3A_614] : memref<256x200xi32, #tpu.memory_space<vmem>>[vector<16xi32>, vector<16xi32>], vector<16xi32>,
    %swap3A_616 = arith.constant 288 : index
    %swap3A_617 = tpu.vector_load %arg12[%swap3A_616] {strides = array<i32>} : memref<320xi32, #tpu.memory_space<vmem>>, vector<16xi32>,
    tpu.vector_store %arg12[%swap3A_616], %gather3A_615 {strides = array<i32>} : memref<320xi32, #tpu.memory_space<vmem>>, vector<16xi32>,
    %add3A_618 = arith.constant 38 : i32
    %add3A_619 = vector.broadcast %add3A_618 : i32 to vector<16xi32>
    %add3A_620 = arith.addi %add3A_619, %select_n3A_442 : vector<16xi32>
    %lt3A_621 = arith.cmpi slt, %add3A_620, %gather3A_446 : vector<16xi32>
    %add3A_622 = arith.addi %gather3A, %add3A_620 : vector<16xi32>
    %select_n3A_623 = arith.select %lt3A_621, %add3A_622, %gather3A : vector<16xi1>, vector<16xi32>
    %gather3A_624 = tpu.vector_load_idx %arg7[%add3A_445, %select_n3A_623] : memref<256x200xi32, #tpu.memory_space<vmem>>[vector<16xi32>, vector<16xi32>], vector<16xi32>,
    %swap3A_625 = arith.constant 304 : index
    %swap3A_626 = tpu.vector_load %arg12[%swap3A_625] {strides = array<i32>} : memref<320xi32, #tpu.memory_space<vmem>>, vector<16xi32>,
    tpu.vector_store %arg12[%swap3A_625], %gather3A_624 {strides = array<i32>} : memref<320xi32, #tpu.memory_space<vmem>>, vector<16xi32>,
    %dma_start3A = arith.constant 0 : i32
    %dma_start3A_627 = arith.constant 0 : i32
    %dma_start3A_628 = tpu.memref_slice %arg14[%dma_start3A, %dma_start3A_627] : memref<320x64xf32, #tpu.memory_space<vmem>> -> memref<128x64xf32, #tpu.memory_space<vmem>>
    %dma_start3A_629 = arith.constant 0 : i32
    %dma_start3A_630 = tpu.memref_slice %arg12[%dma_start3A_629] : memref<320xi32, #tpu.memory_space<vmem>> -> memref<128xi32, #tpu.memory_space<vmem>>
    %dma_start3A_631 = arith.constant 0 : i32
    %dma_start3A_632 = arith.constant 0 : i32
    %dma_start3A_633 = tpu.memref_slice %arg5[%dma_start3A_631, %dma_start3A_632] : memref<100000x64xf32, #tpu.memory_space<hbm>> -> memref<100000x64xf32, #tpu.memory_space<hbm>>
    tpu.enqueue_indirect_dma source(%dma_start3A_633 : memref<100000x64xf32, #tpu.memory_space<hbm>>) target(%dma_start3A_628 : memref<128x64xf32, #tpu.memory_space<vmem>>) offsets(%dma_start3A_630 : memref<128xi32, #tpu.memory_space<vmem>>) semaphore(%arg17 : memref<!tpu.dma_semaphore, #tpu.memory_space<semaphore_mem>>)
    %dma_start3A_634 = arith.constant 128 : i32
    %dma_start3A_635 = arith.constant 0 : i32
    %dma_start3A_636 = tpu.memref_slice %arg14[%dma_start3A_634, %dma_start3A_635] : memref<320x64xf32, #tpu.memory_space<vmem>> -> memref<128x64xf32, #tpu.memory_space<vmem>>
    %dma_start3A_637 = arith.constant 128 : i32
    %dma_start3A_638 = tpu.memref_slice %arg12[%dma_start3A_637] : memref<320xi32, #tpu.memory_space<vmem>> -> memref<128xi32, #tpu.memory_space<vmem>>
    %dma_start3A_639 = arith.constant 0 : i32
    %dma_start3A_640 = arith.constant 0 : i32
    %dma_start3A_641 = tpu.memref_slice %arg5[%dma_start3A_639, %dma_start3A_640] : memref<100000x64xf32, #tpu.memory_space<hbm>> -> memref<100000x64xf32, #tpu.memory_space<hbm>>
    tpu.enqueue_indirect_dma source(%dma_start3A_641 : memref<100000x64xf32, #tpu.memory_space<hbm>>) target(%dma_start3A_636 : memref<128x64xf32, #tpu.memory_space<vmem>>) offsets(%dma_start3A_638 : memref<128xi32, #tpu.memory_space<vmem>>) semaphore(%arg17 : memref<!tpu.dma_semaphore, #tpu.memory_space<semaphore_mem>>)
    %dma_start3A_642 = arith.constant 256 : i32
    %dma_start3A_643 = arith.constant 0 : i32
    %dma_start3A_644 = tpu.memref_slice %arg14[%dma_start3A_642, %dma_start3A_643] : memref<320x64xf32, #tpu.memory_space<vmem>> -> memref<64x64xf32, #tpu.memory_space<vmem>>
    %dma_start3A_645 = arith.constant 256 : i32
    %dma_start3A_646 = tpu.memref_slice %arg12[%dma_start3A_645] : memref<320xi32, #tpu.memory_space<vmem>> -> memref<64xi32, #tpu.memory_space<vmem>>
    %dma_start3A_647 = arith.constant 0 : i32
    %dma_start3A_648 = arith.constant 0 : i32
    %dma_start3A_649 = tpu.memref_slice %arg5[%dma_start3A_647, %dma_start3A_648] : memref<100000x64xf32, #tpu.memory_space<hbm>> -> memref<100000x64xf32, #tpu.memory_space<hbm>>
    tpu.enqueue_indirect_dma source(%dma_start3A_649 : memref<100000x64xf32, #tpu.memory_space<hbm>>) target(%dma_start3A_644 : memref<64x64xf32, #tpu.memory_space<vmem>>) offsets(%dma_start3A_646 : memref<64xi32, #tpu.memory_space<vmem>>) semaphore(%arg17 : memref<!tpu.dma_semaphore, #tpu.memory_space<semaphore_mem>>)
    %scan3A = arith.constant 0 : i32
    %scan3A_650 = arith.constant 0 : i32
    %scan3A_651 = arith.constant 16 : i32
    %scan3A_652 = arith.addi %scan3A_650, %scan3A_651 : i32
    %scan3A_653 = arith.constant 1 : i32
    scf.for %scan3A_655 = %scan3A_650 to %scan3A_652 step %scan3A_653  : i32 {
      %mul3A_656 = arith.constant 2 : i32
      %mul3A_657 = arith.muli %mul3A_656, %scan3A_655 : i32
      %add3A_658 = arith.constant 1 : i32
      %add3A_659 = arith.addi %mul3A_657, %add3A_658 : i32
      %mul3A_660 = arith.constant 8 : i32
      %mul3A_661 = arith.muli %add3A_659, %mul3A_660 : i32
      %add3A_662 = vector.broadcast %mul3A_661 : i32 to vector<16xi32>
      %add3A_663 = arith.addi %add3A_662, %select_n3A_413 : vector<16xi32>
      %gather3A_664 = tpu.vector_load_idx %arg10[%add3A_663] : memref<272xi32, #tpu.memory_space<vmem>>[vector<16xi32>], vector<16xi32>,
      %gather3A_665 = tpu.vector_load_idx %arg11[%add3A_663] : memref<272xi32, #tpu.memory_space<vmem>>[vector<16xi32>], vector<16xi32>,
      %add3A_666 = arith.constant 0 : i32
      %add3A_667 = vector.broadcast %add3A_666 : i32 to vector<16xi32>
      %add3A_668 = arith.addi %add3A_667, %select_n3A_442 : vector<16xi32>
      %lt3A_669 = arith.cmpi slt, %add3A_668, %gather3A_665 : vector<16xi32>
      %add3A_670 = arith.addi %gather3A_664, %add3A_668 : vector<16xi32>
      %select_n3A_671 = arith.select %lt3A_669, %add3A_670, %gather3A_664 : vector<16xi1>, vector<16xi32>
      %gather3A_672 = tpu.vector_load_idx %arg7[%add3A_663, %select_n3A_671] : memref<256x200xi32, #tpu.memory_space<vmem>>[vector<16xi32>, vector<16xi32>], vector<16xi32>,
      %swap3A_673 = arith.constant 0 : index
      %swap3A_674 = tpu.vector_load %arg13[%swap3A_673] {strides = array<i32>} : memref<320xi32, #tpu.memory_space<vmem>>, vector<16xi32>,
      tpu.vector_store %arg13[%swap3A_673], %gather3A_672 {strides = array<i32>} : memref<320xi32, #tpu.memory_space<vmem>>, vector<16xi32>,
      %add3A_675 = arith.constant 2 : i32
      %add3A_676 = vector.broadcast %add3A_675 : i32 to vector<16xi32>
      %add3A_677 = arith.addi %add3A_676, %select_n3A_442 : vector<16xi32>
      %lt3A_678 = arith.cmpi slt, %add3A_677, %gather3A_665 : vector<16xi32>
      %add3A_679 = arith.addi %gather3A_664, %add3A_677 : vector<16xi32>
      %select_n3A_680 = arith.select %lt3A_678, %add3A_679, %gather3A_664 : vector<16xi1>, vector<16xi32>
      %gather3A_681 = tpu.vector_load_idx %arg7[%add3A_663, %select_n3A_680] : memref<256x200xi32, #tpu.memory_space<vmem>>[vector<16xi32>, vector<16xi32>], vector<16xi32>,
      %swap3A_682 = arith.constant 16 : index
      %swap3A_683 = tpu.vector_load %arg13[%swap3A_682] {strides = array<i32>} : memref<320xi32, #tpu.memory_space<vmem>>, vector<16xi32>,
      tpu.vector_store %arg13[%swap3A_682], %gather3A_681 {strides = array<i32>} : memref<320xi32, #tpu.memory_space<vmem>>, vector<16xi32>,
      %add3A_684 = arith.constant 4 : i32
      %add3A_685 = vector.broadcast %add3A_684 : i32 to vector<16xi32>
      %add3A_686 = arith.addi %add3A_685, %select_n3A_442 : vector<16xi32>
      %lt3A_687 = arith.cmpi slt, %add3A_686, %gather3A_665 : vector<16xi32>
      %add3A_688 = arith.addi %gather3A_664, %add3A_686 : vector<16xi32>
      %select_n3A_689 = arith.select %lt3A_687, %add3A_688, %gather3A_664 : vector<16xi1>, vector<16xi32>
      %gather3A_690 = tpu.vector_load_idx %arg7[%add3A_663, %select_n3A_689] : memref<256x200xi32, #tpu.memory_space<vmem>>[vector<16xi32>, vector<16xi32>], vector<16xi32>,
      %swap3A_691 = arith.constant 32 : index
      %swap3A_692 = tpu.vector_load %arg13[%swap3A_691] {strides = array<i32>} : memref<320xi32, #tpu.memory_space<vmem>>, vector<16xi32>,
      tpu.vector_store %arg13[%swap3A_691], %gather3A_690 {strides = array<i32>} : memref<320xi32, #tpu.memory_space<vmem>>, vector<16xi32>,
      %add3A_693 = arith.constant 6 : i32
      %add3A_694 = vector.broadcast %add3A_693 : i32 to vector<16xi32>
      %add3A_695 = arith.addi %add3A_694, %select_n3A_442 : vector<16xi32>
      %lt3A_696 = arith.cmpi slt, %add3A_695, %gather3A_665 : vector<16xi32>
      %add3A_697 = arith.addi %gather3A_664, %add3A_695 : vector<16xi32>
      %select_n3A_698 = arith.select %lt3A_696, %add3A_697, %gather3A_664 : vector<16xi1>, vector<16xi32>
      %gather3A_699 = tpu.vector_load_idx %arg7[%add3A_663, %select_n3A_698] : memref<256x200xi32, #tpu.memory_space<vmem>>[vector<16xi32>, vector<16xi32>], vector<16xi32>,
      %swap3A_700 = arith.constant 48 : index
      %swap3A_701 = tpu.vector_load %arg13[%swap3A_700] {strides = array<i32>} : memref<320xi32, #tpu.memory_space<vmem>>, vector<16xi32>,
      tpu.vector_store %arg13[%swap3A_700], %gather3A_699 {strides = array<i32>} : memref<320xi32, #tpu.memory_space<vmem>>, vector<16xi32>,
      %add3A_702 = arith.constant 8 : i32
      %add3A_703 = vector.broadcast %add3A_702 : i32 to vector<16xi32>
      %add3A_704 = arith.addi %add3A_703, %select_n3A_442 : vector<16xi32>
      %lt3A_705 = arith.cmpi slt, %add3A_704, %gather3A_665 : vector<16xi32>
      %add3A_706 = arith.addi %gather3A_664, %add3A_704 : vector<16xi32>
      %select_n3A_707 = arith.select %lt3A_705, %add3A_706, %gather3A_664 : vector<16xi1>, vector<16xi32>
      %gather3A_708 = tpu.vector_load_idx %arg7[%add3A_663, %select_n3A_707] : memref<256x200xi32, #tpu.memory_space<vmem>>[vector<16xi32>, vector<16xi32>], vector<16xi32>,
      %swap3A_709 = arith.constant 64 : index
      %swap3A_710 = tpu.vector_load %arg13[%swap3A_709] {strides = array<i32>} : memref<320xi32, #tpu.memory_space<vmem>>, vector<16xi32>,
      tpu.vector_store %arg13[%swap3A_709], %gather3A_708 {strides = array<i32>} : memref<320xi32, #tpu.memory_space<vmem>>, vector<16xi32>,
      %add3A_711 = arith.constant 10 : i32
      %add3A_712 = vector.broadcast %add3A_711 : i32 to vector<16xi32>
      %add3A_713 = arith.addi %add3A_712, %select_n3A_442 : vector<16xi32>
      %lt3A_714 = arith.cmpi slt, %add3A_713, %gather3A_665 : vector<16xi32>
      %add3A_715 = arith.addi %gather3A_664, %add3A_713 : vector<16xi32>
      %select_n3A_716 = arith.select %lt3A_714, %add3A_715, %gather3A_664 : vector<16xi1>, vector<16xi32>
      %gather3A_717 = tpu.vector_load_idx %arg7[%add3A_663, %select_n3A_716] : memref<256x200xi32, #tpu.memory_space<vmem>>[vector<16xi32>, vector<16xi32>], vector<16xi32>,
      %swap3A_718 = arith.constant 80 : index
      %swap3A_719 = tpu.vector_load %arg13[%swap3A_718] {strides = array<i32>} : memref<320xi32, #tpu.memory_space<vmem>>, vector<16xi32>,
      tpu.vector_store %arg13[%swap3A_718], %gather3A_717 {strides = array<i32>} : memref<320xi32, #tpu.memory_space<vmem>>, vector<16xi32>,
      %add3A_720 = arith.constant 12 : i32
      %add3A_721 = vector.broadcast %add3A_720 : i32 to vector<16xi32>
      %add3A_722 = arith.addi %add3A_721, %select_n3A_442 : vector<16xi32>
      %lt3A_723 = arith.cmpi slt, %add3A_722, %gather3A_665 : vector<16xi32>
      %add3A_724 = arith.addi %gather3A_664, %add3A_722 : vector<16xi32>
      %select_n3A_725 = arith.select %lt3A_723, %add3A_724, %gather3A_664 : vector<16xi1>, vector<16xi32>
      %gather3A_726 = tpu.vector_load_idx %arg7[%add3A_663, %select_n3A_725] : memref<256x200xi32, #tpu.memory_space<vmem>>[vector<16xi32>, vector<16xi32>], vector<16xi32>,
      %swap3A_727 = arith.constant 96 : index
      %swap3A_728 = tpu.vector_load %arg13[%swap3A_727] {strides = array<i32>} : memref<320xi32, #tpu.memory_space<vmem>>, vector<16xi32>,
      tpu.vector_store %arg13[%swap3A_727], %gather3A_726 {strides = array<i32>} : memref<320xi32, #tpu.memory_space<vmem>>, vector<16xi32>,
      %add3A_729 = arith.constant 14 : i32
      %add3A_730 = vector.broadcast %add3A_729 : i32 to vector<16xi32>
      %add3A_731 = arith.addi %add3A_730, %select_n3A_442 : vector<16xi32>
      %lt3A_732 = arith.cmpi slt, %add3A_731, %gather3A_665 : vector<16xi32>
      %add3A_733 = arith.addi %gather3A_664, %add3A_731 : vector<16xi32>
      %select_n3A_734 = arith.select %lt3A_732, %add3A_733, %gather3A_664 : vector<16xi1>, vector<16xi32>
      %gather3A_735 = tpu.vector_load_idx %arg7[%add3A_663, %select_n3A_734] : memref<256x200xi32, #tpu.memory_space<vmem>>[vector<16xi32>, vector<16xi32>], vector<16xi32>,
      %swap3A_736 = arith.constant 112 : index
      %swap3A_737 = tpu.vector_load %arg13[%swap3A_736] {strides = array<i32>} : memref<320xi32, #tpu.memory_space<vmem>>, vector<16xi32>,
      tpu.vector_store %arg13[%swap3A_736], %gather3A_735 {strides = array<i32>} : memref<320xi32, #tpu.memory_space<vmem>>, vector<16xi32>,
      %add3A_738 = arith.constant 16 : i32
      %add3A_739 = vector.broadcast %add3A_738 : i32 to vector<16xi32>
      %add3A_740 = arith.addi %add3A_739, %select_n3A_442 : vector<16xi32>
      %lt3A_741 = arith.cmpi slt, %add3A_740, %gather3A_665 : vector<16xi32>
      %add3A_742 = arith.addi %gather3A_664, %add3A_740 : vector<16xi32>
      %select_n3A_743 = arith.select %lt3A_741, %add3A_742, %gather3A_664 : vector<16xi1>, vector<16xi32>
      %gather3A_744 = tpu.vector_load_idx %arg7[%add3A_663, %select_n3A_743] : memref<256x200xi32, #tpu.memory_space<vmem>>[vector<16xi32>, vector<16xi32>], vector<16xi32>,
      %swap3A_745 = arith.constant 128 : index
      %swap3A_746 = tpu.vector_load %arg13[%swap3A_745] {strides = array<i32>} : memref<320xi32, #tpu.memory_space<vmem>>, vector<16xi32>,
      tpu.vector_store %arg13[%swap3A_745], %gather3A_744 {strides = array<i32>} : memref<320xi32, #tpu.memory_space<vmem>>, vector<16xi32>,
      %add3A_747 = arith.constant 18 : i32
      %add3A_748 = vector.broadcast %add3A_747 : i32 to vector<16xi32>
      %add3A_749 = arith.addi %add3A_748, %select_n3A_442 : vector<16xi32>
      %lt3A_750 = arith.cmpi slt, %add3A_749, %gather3A_665 : vector<16xi32>
      %add3A_751 = arith.addi %gather3A_664, %add3A_749 : vector<16xi32>
      %select_n3A_752 = arith.select %lt3A_750, %add3A_751, %gather3A_664 : vector<16xi1>, vector<16xi32>
      %gather3A_753 = tpu.vector_load_idx %arg7[%add3A_663, %select_n3A_752] : memref<256x200xi32, #tpu.memory_space<vmem>>[vector<16xi32>, vector<16xi32>], vector<16xi32>,
      %swap3A_754 = arith.constant 144 : index
      %swap3A_755 = tpu.vector_load %arg13[%swap3A_754] {strides = array<i32>} : memref<320xi32, #tpu.memory_space<vmem>>, vector<16xi32>,
      tpu.vector_store %arg13[%swap3A_754], %gather3A_753 {strides = array<i32>} : memref<320xi32, #tpu.memory_space<vmem>>, vector<16xi32>,
      %add3A_756 = arith.constant 20 : i32
      %add3A_757 = vector.broadcast %add3A_756 : i32 to vector<16xi32>
      %add3A_758 = arith.addi %add3A_757, %select_n3A_442 : vector<16xi32>
      %lt3A_759 = arith.cmpi slt, %add3A_758, %gather3A_665 : vector<16xi32>
      %add3A_760 = arith.addi %gather3A_664, %add3A_758 : vector<16xi32>
      %select_n3A_761 = arith.select %lt3A_759, %add3A_760, %gather3A_664 : vector<16xi1>, vector<16xi32>
      %gather3A_762 = tpu.vector_load_idx %arg7[%add3A_663, %select_n3A_761] : memref<256x200xi32, #tpu.memory_space<vmem>>[vector<16xi32>, vector<16xi32>], vector<16xi32>,
      %swap3A_763 = arith.constant 160 : index
      %swap3A_764 = tpu.vector_load %arg13[%swap3A_763] {strides = array<i32>} : memref<320xi32, #tpu.memory_space<vmem>>, vector<16xi32>,
      tpu.vector_store %arg13[%swap3A_763], %gather3A_762 {strides = array<i32>} : memref<320xi32, #tpu.memory_space<vmem>>, vector<16xi32>,
      %add3A_765 = arith.constant 22 : i32
      %add3A_766 = vector.broadcast %add3A_765 : i32 to vector<16xi32>
      %add3A_767 = arith.addi %add3A_766, %select_n3A_442 : vector<16xi32>
      %lt3A_768 = arith.cmpi slt, %add3A_767, %gather3A_665 : vector<16xi32>
      %add3A_769 = arith.addi %gather3A_664, %add3A_767 : vector<16xi32>
      %select_n3A_770 = arith.select %lt3A_768, %add3A_769, %gather3A_664 : vector<16xi1>, vector<16xi32>
      %gather3A_771 = tpu.vector_load_idx %arg7[%add3A_663, %select_n3A_770] : memref<256x200xi32, #tpu.memory_space<vmem>>[vector<16xi32>, vector<16xi32>], vector<16xi32>,
      %swap3A_772 = arith.constant 176 : index
      %swap3A_773 = tpu.vector_load %arg13[%swap3A_772] {strides = array<i32>} : memref<320xi32, #tpu.memory_space<vmem>>, vector<16xi32>,
      tpu.vector_store %arg13[%swap3A_772], %gather3A_771 {strides = array<i32>} : memref<320xi32, #tpu.memory_space<vmem>>, vector<16xi32>,
      %add3A_774 = arith.constant 24 : i32
      %add3A_775 = vector.broadcast %add3A_774 : i32 to vector<16xi32>
      %add3A_776 = arith.addi %add3A_775, %select_n3A_442 : vector<16xi32>
      %lt3A_777 = arith.cmpi slt, %add3A_776, %gather3A_665 : vector<16xi32>
      %add3A_778 = arith.addi %gather3A_664, %add3A_776 : vector<16xi32>
      %select_n3A_779 = arith.select %lt3A_777, %add3A_778, %gather3A_664 : vector<16xi1>, vector<16xi32>
      %gather3A_780 = tpu.vector_load_idx %arg7[%add3A_663, %select_n3A_779] : memref<256x200xi32, #tpu.memory_space<vmem>>[vector<16xi32>, vector<16xi32>], vector<16xi32>,
      %swap3A_781 = arith.constant 192 : index
      %swap3A_782 = tpu.vector_load %arg13[%swap3A_781] {strides = array<i32>} : memref<320xi32, #tpu.memory_space<vmem>>, vector<16xi32>,
      tpu.vector_store %arg13[%swap3A_781], %gather3A_780 {strides = array<i32>} : memref<320xi32, #tpu.memory_space<vmem>>, vector<16xi32>,
      %add3A_783 = arith.constant 26 : i32
      %add3A_784 = vector.broadcast %add3A_783 : i32 to vector<16xi32>
      %add3A_785 = arith.addi %add3A_784, %select_n3A_442 : vector<16xi32>
      %lt3A_786 = arith.cmpi slt, %add3A_785, %gather3A_665 : vector<16xi32>
      %add3A_787 = arith.addi %gather3A_664, %add3A_785 : vector<16xi32>
      %select_n3A_788 = arith.select %lt3A_786, %add3A_787, %gather3A_664 : vector<16xi1>, vector<16xi32>
      %gather3A_789 = tpu.vector_load_idx %arg7[%add3A_663, %select_n3A_788] : memref<256x200xi32, #tpu.memory_space<vmem>>[vector<16xi32>, vector<16xi32>], vector<16xi32>,
      %swap3A_790 = arith.constant 208 : index
      %swap3A_791 = tpu.vector_load %arg13[%swap3A_790] {strides = array<i32>} : memref<320xi32, #tpu.memory_space<vmem>>, vector<16xi32>,
      tpu.vector_store %arg13[%swap3A_790], %gather3A_789 {strides = array<i32>} : memref<320xi32, #tpu.memory_space<vmem>>, vector<16xi32>,
      %add3A_792 = arith.constant 28 : i32
      %add3A_793 = vector.broadcast %add3A_792 : i32 to vector<16xi32>
      %add3A_794 = arith.addi %add3A_793, %select_n3A_442 : vector<16xi32>
      %lt3A_795 = arith.cmpi slt, %add3A_794, %gather3A_665 : vector<16xi32>
      %add3A_796 = arith.addi %gather3A_664, %add3A_794 : vector<16xi32>
      %select_n3A_797 = arith.select %lt3A_795, %add3A_796, %gather3A_664 : vector<16xi1>, vector<16xi32>
      %gather3A_798 = tpu.vector_load_idx %arg7[%add3A_663, %select_n3A_797] : memref<256x200xi32, #tpu.memory_space<vmem>>[vector<16xi32>, vector<16xi32>], vector<16xi32>,
      %swap3A_799 = arith.constant 224 : index
      %swap3A_800 = tpu.vector_load %arg13[%swap3A_799] {strides = array<i32>} : memref<320xi32, #tpu.memory_space<vmem>>, vector<16xi32>,
      tpu.vector_store %arg13[%swap3A_799], %gather3A_798 {strides = array<i32>} : memref<320xi32, #tpu.memory_space<vmem>>, vector<16xi32>,
      %add3A_801 = arith.constant 30 : i32
      %add3A_802 = vector.broadcast %add3A_801 : i32 to vector<16xi32>
      %add3A_803 = arith.addi %add3A_802, %select_n3A_442 : vector<16xi32>
      %lt3A_804 = arith.cmpi slt, %add3A_803, %gather3A_665 : vector<16xi32>
      %add3A_805 = arith.addi %gather3A_664, %add3A_803 : vector<16xi32>
      %select_n3A_806 = arith.select %lt3A_804, %add3A_805, %gather3A_664 : vector<16xi1>, vector<16xi32>
      %gather3A_807 = tpu.vector_load_idx %arg7[%add3A_663, %select_n3A_806] : memref<256x200xi32, #tpu.memory_space<vmem>>[vector<16xi32>, vector<16xi32>], vector<16xi32>,
      %swap3A_808 = arith.constant 240 : index
      %swap3A_809 = tpu.vector_load %arg13[%swap3A_808] {strides = array<i32>} : memref<320xi32, #tpu.memory_space<vmem>>, vector<16xi32>,
      tpu.vector_store %arg13[%swap3A_808], %gather3A_807 {strides = array<i32>} : memref<320xi32, #tpu.memory_space<vmem>>, vector<16xi32>,
      %add3A_810 = arith.constant 32 : i32
      %add3A_811 = vector.broadcast %add3A_810 : i32 to vector<16xi32>
      %add3A_812 = arith.addi %add3A_811, %select_n3A_442 : vector<16xi32>
      %lt3A_813 = arith.cmpi slt, %add3A_812, %gather3A_665 : vector<16xi32>
      %add3A_814 = arith.addi %gather3A_664, %add3A_812 : vector<16xi32>
      %select_n3A_815 = arith.select %lt3A_813, %add3A_814, %gather3A_664 : vector<16xi1>, vector<16xi32>
      %gather3A_816 = tpu.vector_load_idx %arg7[%add3A_663, %select_n3A_815] : memref<256x200xi32, #tpu.memory_space<vmem>>[vector<16xi32>, vector<16xi32>], vector<16xi32>,
      %swap3A_817 = arith.constant 256 : index
      %swap3A_818 = tpu.vector_load %arg13[%swap3A_817] {strides = array<i32>} : memref<320xi32, #tpu.memory_space<vmem>>, vector<16xi32>,
      tpu.vector_store %arg13[%swap3A_817], %gather3A_816 {strides = array<i32>} : memref<320xi32, #tpu.memory_space<vmem>>, vector<16xi32>,
      %add3A_819 = arith.constant 34 : i32
      %add3A_820 = vector.broadcast %add3A_819 : i32 to vector<16xi32>
      %add3A_821 = arith.addi %add3A_820, %select_n3A_442 : vector<16xi32>
      %lt3A_822 = arith.cmpi slt, %add3A_821, %gather3A_665 : vector<16xi32>
      %add3A_823 = arith.addi %gather3A_664, %add3A_821 : vector<16xi32>
      %select_n3A_824 = arith.select %lt3A_822, %add3A_823, %gather3A_664 : vector<16xi1>, vector<16xi32>
      %gather3A_825 = tpu.vector_load_idx %arg7[%add3A_663, %select_n3A_824] : memref<256x200xi32, #tpu.memory_space<vmem>>[vector<16xi32>, vector<16xi32>], vector<16xi32>,
      %swap3A_826 = arith.constant 272 : index
      %swap3A_827 = tpu.vector_load %arg13[%swap3A_826] {strides = array<i32>} : memref<320xi32, #tpu.memory_space<vmem>>, vector<16xi32>,
      tpu.vector_store %arg13[%swap3A_826], %gather3A_825 {strides = array<i32>} : memref<320xi32, #tpu.memory_space<vmem>>, vector<16xi32>,
      %add3A_828 = arith.constant 36 : i32
      %add3A_829 = vector.broadcast %add3A_828 : i32 to vector<16xi32>
      %add3A_830 = arith.addi %add3A_829, %select_n3A_442 : vector<16xi32>
      %lt3A_831 = arith.cmpi slt, %add3A_830, %gather3A_665 : vector<16xi32>
      %add3A_832 = arith.addi %gather3A_664, %add3A_830 : vector<16xi32>
      %select_n3A_833 = arith.select %lt3A_831, %add3A_832, %gather3A_664 : vector<16xi1>, vector<16xi32>
      %gather3A_834 = tpu.vector_load_idx %arg7[%add3A_663, %select_n3A_833] : memref<256x200xi32, #tpu.memory_space<vmem>>[vector<16xi32>, vector<16xi32>], vector<16xi32>,
      %swap3A_835 = arith.constant 288 : index
      %swap3A_836 = tpu.vector_load %arg13[%swap3A_835] {strides = array<i32>} : memref<320xi32, #tpu.memory_space<vmem>>, vector<16xi32>,
      tpu.vector_store %arg13[%swap3A_835], %gather3A_834 {strides = array<i32>} : memref<320xi32, #tpu.memory_space<vmem>>, vector<16xi32>,
      %add3A_837 = arith.constant 38 : i32
      %add3A_838 = vector.broadcast %add3A_837 : i32 to vector<16xi32>
      %add3A_839 = arith.addi %add3A_838, %select_n3A_442 : vector<16xi32>
      %lt3A_840 = arith.cmpi slt, %add3A_839, %gather3A_665 : vector<16xi32>
      %add3A_841 = arith.addi %gather3A_664, %add3A_839 : vector<16xi32>
      %select_n3A_842 = arith.select %lt3A_840, %add3A_841, %gather3A_664 : vector<16xi1>, vector<16xi32>
      %gather3A_843 = tpu.vector_load_idx %arg7[%add3A_663, %select_n3A_842] : memref<256x200xi32, #tpu.memory_space<vmem>>[vector<16xi32>, vector<16xi32>], vector<16xi32>,
      %swap3A_844 = arith.constant 304 : index
      %swap3A_845 = tpu.vector_load %arg13[%swap3A_844] {strides = array<i32>} : memref<320xi32, #tpu.memory_space<vmem>>, vector<16xi32>,
      tpu.vector_store %arg13[%swap3A_844], %gather3A_843 {strides = array<i32>} : memref<320xi32, #tpu.memory_space<vmem>>, vector<16xi32>,
      %dma_start3A_846 = arith.constant 0 : i32
      %dma_start3A_847 = arith.constant 0 : i32
      %dma_start3A_848 = tpu.memref_slice %arg15[%dma_start3A_846, %dma_start3A_847] : memref<320x64xf32, #tpu.memory_space<vmem>> -> memref<128x64xf32, #tpu.memory_space<vmem>>
      %dma_start3A_849 = arith.constant 0 : i32
      %dma_start3A_850 = tpu.memref_slice %arg13[%dma_start3A_849] : memref<320xi32, #tpu.memory_space<vmem>> -> memref<128xi32, #tpu.memory_space<vmem>>
      %dma_start3A_851 = arith.constant 0 : i32
      %dma_start3A_852 = arith.constant 0 : i32
      %dma_start3A_853 = tpu.memref_slice %arg5[%dma_start3A_851, %dma_start3A_852] : memref<100000x64xf32, #tpu.memory_space<hbm>> -> memref<100000x64xf32, #tpu.memory_space<hbm>>
      tpu.enqueue_indirect_dma source(%dma_start3A_853 : memref<100000x64xf32, #tpu.memory_space<hbm>>) target(%dma_start3A_848 : memref<128x64xf32, #tpu.memory_space<vmem>>) offsets(%dma_start3A_850 : memref<128xi32, #tpu.memory_space<vmem>>) semaphore(%arg18 : memref<!tpu.dma_semaphore, #tpu.memory_space<semaphore_mem>>)
      %dma_start3A_854 = arith.constant 128 : i32
      %dma_start3A_855 = arith.constant 0 : i32
      %dma_start3A_856 = tpu.memref_slice %arg15[%dma_start3A_854, %dma_start3A_855] : memref<320x64xf32, #tpu.memory_space<vmem>> -> memref<128x64xf32, #tpu.memory_space<vmem>>
      %dma_start3A_857 = arith.constant 128 : i32
      %dma_start3A_858 = tpu.memref_slice %arg13[%dma_start3A_857] : memref<320xi32, #tpu.memory_space<vmem>> -> memref<128xi32, #tpu.memory_space<vmem>>
      %dma_start3A_859 = arith.constant 0 : i32
      %dma_start3A_860 = arith.constant 0 : i32
      %dma_start3A_861 = tpu.memref_slice %arg5[%dma_start3A_859, %dma_start3A_860] : memref<100000x64xf32, #tpu.memory_space<hbm>> -> memref<100000x64xf32, #tpu.memory_space<hbm>>
      tpu.enqueue_indirect_dma source(%dma_start3A_861 : memref<100000x64xf32, #tpu.memory_space<hbm>>) target(%dma_start3A_856 : memref<128x64xf32, #tpu.memory_space<vmem>>) offsets(%dma_start3A_858 : memref<128xi32, #tpu.memory_space<vmem>>) semaphore(%arg18 : memref<!tpu.dma_semaphore, #tpu.memory_space<semaphore_mem>>)
      %dma_start3A_862 = arith.constant 256 : i32
      %dma_start3A_863 = arith.constant 0 : i32
      %dma_start3A_864 = tpu.memref_slice %arg15[%dma_start3A_862, %dma_start3A_863] : memref<320x64xf32, #tpu.memory_space<vmem>> -> memref<64x64xf32, #tpu.memory_space<vmem>>
      %dma_start3A_865 = arith.constant 256 : i32
      %dma_start3A_866 = tpu.memref_slice %arg13[%dma_start3A_865] : memref<320xi32, #tpu.memory_space<vmem>> -> memref<64xi32, #tpu.memory_space<vmem>>
      %dma_start3A_867 = arith.constant 0 : i32
      %dma_start3A_868 = arith.constant 0 : i32
      %dma_start3A_869 = tpu.memref_slice %arg5[%dma_start3A_867, %dma_start3A_868] : memref<100000x64xf32, #tpu.memory_space<hbm>> -> memref<100000x64xf32, #tpu.memory_space<hbm>>
      tpu.enqueue_indirect_dma source(%dma_start3A_869 : memref<100000x64xf32, #tpu.memory_space<hbm>>) target(%dma_start3A_864 : memref<64x64xf32, #tpu.memory_space<vmem>>) offsets(%dma_start3A_866 : memref<64xi32, #tpu.memory_space<vmem>>) semaphore(%arg18 : memref<!tpu.dma_semaphore, #tpu.memory_space<semaphore_mem>>)
      %dma_wait3A = arith.constant 0 : i32
      %dma_wait3A_870 = arith.constant 0 : i32
      %dma_wait3A_871 = tpu.memref_slice %arg14[%dma_wait3A, %dma_wait3A_870] : memref<320x64xf32, #tpu.memory_space<vmem>> -> memref<128x64xf32, #tpu.memory_space<vmem>>
      %dma_wait3A_872 = arith.constant 0 : i32
      %dma_wait3A_873 = tpu.memref_slice %arg12[%dma_wait3A_872] : memref<320xi32, #tpu.memory_space<vmem>> -> memref<128xi32, #tpu.memory_space<vmem>>
      %dma_wait3A_874 = arith.constant 0 : i32
      %dma_wait3A_875 = arith.constant 0 : i32
      %dma_wait3A_876 = tpu.memref_slice %arg5[%dma_wait3A_874, %dma_wait3A_875] : memref<100000x64xf32, #tpu.memory_space<hbm>> -> memref<100000x64xf32, #tpu.memory_space<hbm>>
      tpu.wait_indirect_dma semaphore(%arg17 : memref<!tpu.dma_semaphore, #tpu.memory_space<semaphore_mem>>) src(%dma_wait3A_876 : memref<100000x64xf32, #tpu.memory_space<hbm>>) dst(%dma_wait3A_871 : memref<128x64xf32, #tpu.memory_space<vmem>>)
      %dma_wait3A_877 = arith.constant 128 : i32
      %dma_wait3A_878 = arith.constant 0 : i32
      %dma_wait3A_879 = tpu.memref_slice %arg14[%dma_wait3A_877, %dma_wait3A_878] : memref<320x64xf32, #tpu.memory_space<vmem>> -> memref<128x64xf32, #tpu.memory_space<vmem>>
      %dma_wait3A_880 = arith.constant 128 : i32
      %dma_wait3A_881 = tpu.memref_slice %arg12[%dma_wait3A_880] : memref<320xi32, #tpu.memory_space<vmem>> -> memref<128xi32, #tpu.memory_space<vmem>>
      %dma_wait3A_882 = arith.constant 0 : i32
      %dma_wait3A_883 = arith.constant 0 : i32
      %dma_wait3A_884 = tpu.memref_slice %arg5[%dma_wait3A_882, %dma_wait3A_883] : memref<100000x64xf32, #tpu.memory_space<hbm>> -> memref<100000x64xf32, #tpu.memory_space<hbm>>
      tpu.wait_indirect_dma semaphore(%arg17 : memref<!tpu.dma_semaphore, #tpu.memory_space<semaphore_mem>>) src(%dma_wait3A_884 : memref<100000x64xf32, #tpu.memory_space<hbm>>) dst(%dma_wait3A_879 : memref<128x64xf32, #tpu.memory_space<vmem>>)
      %dma_wait3A_885 = arith.constant 256 : i32
      %dma_wait3A_886 = arith.constant 0 : i32
      %dma_wait3A_887 = tpu.memref_slice %arg14[%dma_wait3A_885, %dma_wait3A_886] : memref<320x64xf32, #tpu.memory_space<vmem>> -> memref<64x64xf32, #tpu.memory_space<vmem>>
      %dma_wait3A_888 = arith.constant 256 : i32
      %dma_wait3A_889 = tpu.memref_slice %arg12[%dma_wait3A_888] : memref<320xi32, #tpu.memory_space<vmem>> -> memref<64xi32, #tpu.memory_space<vmem>>
      %dma_wait3A_890 = arith.constant 0 : i32
      %dma_wait3A_891 = arith.constant 0 : i32
      %dma_wait3A_892 = tpu.memref_slice %arg5[%dma_wait3A_890, %dma_wait3A_891] : memref<100000x64xf32, #tpu.memory_space<hbm>> -> memref<100000x64xf32, #tpu.memory_space<hbm>>
      tpu.wait_indirect_dma semaphore(%arg17 : memref<!tpu.dma_semaphore, #tpu.memory_space<semaphore_mem>>) src(%dma_wait3A_892 : memref<100000x64xf32, #tpu.memory_space<hbm>>) dst(%dma_wait3A_887 : memref<64x64xf32, #tpu.memory_space<vmem>>)
      %mul3A_893 = arith.constant 8 : i32
      %mul3A_894 = arith.muli %mul3A_657, %mul3A_893 : i32
      %scan3A_895 = arith.constant 0 : i32
      %scan3A_896 = arith.constant 0 : i32
      %scan3A_897 = arith.constant 8 : i32
      %scan3A_898 = arith.addi %scan3A_896, %scan3A_897 : i32
      %scan3A_899 = arith.constant 1 : i32
      scf.for %scan3A_941 = %scan3A_896 to %scan3A_898 step %scan3A_899  : i32 {
        %add3A_942 = arith.addi %mul3A_894, %scan3A_941 : i32
        %get3A_943 = arith.index_cast %add3A_942 : i32 to index
        %get3A_944 = tpu.vector_load %arg11[%get3A_943] {strides = array<i32>} : memref<272xi32, #tpu.memory_space<vmem>>, vector<16xi32>,
        %convert_element_type3A_945 = arith.sitofp %get3A_944 : vector<16xi32> to vector<16xf32>
        %slice3A = vector.extract_strided_slice %convert_element_type3A_945 {offsets = [0], sizes = [1], strides = [1]} : vector<16xf32> to vector<1xf32>
        %squeeze3A = vector.extract %slice3A[0] : f32 from vector<1xf32>
        %sub3A_946 = arith.constant 4.000000e+01 : f32
        %sub3A_947 = arith.subf %sub3A_946, %squeeze3A : f32
        %get3A_948 = arith.index_cast %scan3A_941 : i32 to index
        %get3A_949 = arith.constant 0 : index
        %get3A_950 = tpu.vector_load %arg14[%get3A_948, %get3A_949] {strides = array<i32>} : memref<320x64xf32, #tpu.memory_space<vmem>>, vector<16xf32>,
        %add3A_951 = arith.constant 8 : i32
        %add3A_952 = arith.addi %add3A_951, %scan3A_941 : i32
        %get3A_953 = arith.index_cast %add3A_952 : i32 to index
        %get3A_954 = arith.constant 0 : index
        %get3A_955 = tpu.vector_load %arg14[%get3A_953, %get3A_954] {strides = array<i32>} : memref<320x64xf32, #tpu.memory_space<vmem>>, vector<16xf32>,
        %add3A_956 = arith.constant 16 : i32
        %add3A_957 = arith.addi %add3A_956, %scan3A_941 : i32
        %get3A_958 = arith.index_cast %add3A_957 : i32 to index
        %get3A_959 = arith.constant 0 : index
        %get3A_960 = tpu.vector_load %arg14[%get3A_958, %get3A_959] {strides = array<i32>} : memref<320x64xf32, #tpu.memory_space<vmem>>, vector<16xf32>,
        %add3A_961 = arith.constant 24 : i32
        %add3A_962 = arith.addi %add3A_961, %scan3A_941 : i32
        %get3A_963 = arith.index_cast %add3A_962 : i32 to index
        %get3A_964 = arith.constant 0 : index
        %get3A_965 = tpu.vector_load %arg14[%get3A_963, %get3A_964] {strides = array<i32>} : memref<320x64xf32, #tpu.memory_space<vmem>>, vector<16xf32>,
        %add3A_966 = arith.constant 32 : i32
        %add3A_967 = arith.addi %add3A_966, %scan3A_941 : i32
        %get3A_968 = arith.index_cast %add3A_967 : i32 to index
        %get3A_969 = arith.constant 0 : index
        %get3A_970 = tpu.vector_load %arg14[%get3A_968, %get3A_969] {strides = array<i32>} : memref<320x64xf32, #tpu.memory_space<vmem>>, vector<16xf32>,
        %add3A_971 = arith.addf %get3A_950, %get3A_970 : vector<16xf32>
        %add3A_972 = arith.constant 40 : i32
        %add3A_973 = arith.addi %add3A_972, %scan3A_941 : i32
        %get3A_974 = arith.index_cast %add3A_973 : i32 to index
        %get3A_975 = arith.constant 0 : index
        %get3A_976 = tpu.vector_load %arg14[%get3A_974, %get3A_975] {strides = array<i32>} : memref<320x64xf32, #tpu.memory_space<vmem>>, vector<16xf32>,
        %add3A_977 = arith.addf %get3A_955, %get3A_976 : vector<16xf32>
        %add3A_978 = arith.constant 48 : i32
        %add3A_979 = arith.addi %add3A_978, %scan3A_941 : i32
        %get3A_980 = arith.index_cast %add3A_979 : i32 to index
        %get3A_981 = arith.constant 0 : index
        %get3A_982 = tpu.vector_load %arg14[%get3A_980, %get3A_981] {strides = array<i32>} : memref<320x64xf32, #tpu.memory_space<vmem>>, vector<16xf32>,
        %add3A_983 = arith.addf %get3A_960, %get3A_982 : vector<16xf32>
        %add3A_984 = arith.constant 56 : i32
        %add3A_985 = arith.addi %add3A_984, %scan3A_941 : i32
        %get3A_986 = arith.index_cast %add3A_985 : i32 to index
        %get3A_987 = arith.constant 0 : index
        %get3A_988 = tpu.vector_load %arg14[%get3A_986, %get3A_987] {strides = array<i32>} : memref<320x64xf32, #tpu.memory_space<vmem>>, vector<16xf32>,
        %add3A_989 = arith.addf %get3A_965, %get3A_988 : vector<16xf32>
        %add3A_990 = arith.constant 64 : i32
        %add3A_991 = arith.addi %add3A_990, %scan3A_941 : i32
        %get3A_992 = arith.index_cast %add3A_991 : i32 to index
        %get3A_993 = arith.constant 0 : index
        %get3A_994 = tpu.vector_load %arg14[%get3A_992, %get3A_993] {strides = array<i32>} : memref<320x64xf32, #tpu.memory_space<vmem>>, vector<16xf32>,
        %add3A_995 = arith.addf %add3A_971, %get3A_994 : vector<16xf32>
        %add3A_996 = arith.constant 72 : i32
        %add3A_997 = arith.addi %add3A_996, %scan3A_941 : i32
        %get3A_998 = arith.index_cast %add3A_997 : i32 to index
        %get3A_999 = arith.constant 0 : index
        %get3A_1000 = tpu.vector_load %arg14[%get3A_998, %get3A_999] {strides = array<i32>} : memref<320x64xf32, #tpu.memory_space<vmem>>, vector<16xf32>,
        %add3A_1001 = arith.addf %add3A_977, %get3A_1000 : vector<16xf32>
        %add3A_1002 = arith.constant 80 : i32
        %add3A_1003 = arith.addi %add3A_1002, %scan3A_941 : i32
        %get3A_1004 = arith.index_cast %add3A_1003 : i32 to index
        %get3A_1005 = arith.constant 0 : index
        %get3A_1006 = tpu.vector_load %arg14[%get3A_1004, %get3A_1005] {strides = array<i32>} : memref<320x64xf32, #tpu.memory_space<vmem>>, vector<16xf32>,
        %add3A_1007 = arith.addf %add3A_983, %get3A_1006 : vector<16xf32>
        %add3A_1008 = arith.constant 88 : i32
        %add3A_1009 = arith.addi %add3A_1008, %scan3A_941 : i32
        %get3A_1010 = arith.index_cast %add3A_1009 : i32 to index
        %get3A_1011 = arith.constant 0 : index
        %get3A_1012 = tpu.vector_load %arg14[%get3A_1010, %get3A_1011] {strides = array<i32>} : memref<320x64xf32, #tpu.memory_space<vmem>>, vector<16xf32>,
        %add3A_1013 = arith.addf %add3A_989, %get3A_1012 : vector<16xf32>
        %add3A_1014 = arith.constant 96 : i32
        %add3A_1015 = arith.addi %add3A_1014, %scan3A_941 : i32
        %get3A_1016 = arith.index_cast %add3A_1015 : i32 to index
        %get3A_1017 = arith.constant 0 : index
        %get3A_1018 = tpu.vector_load %arg14[%get3A_1016, %get3A_1017] {strides = array<i32>} : memref<320x64xf32, #tpu.memory_space<vmem>>, vector<16xf32>,
        %add3A_1019 = arith.addf %add3A_995, %get3A_1018 : vector<16xf32>
        %add3A_1020 = arith.constant 104 : i32
        %add3A_1021 = arith.addi %add3A_1020, %scan3A_941 : i32
        %get3A_1022 = arith.index_cast %add3A_1021 : i32 to index
        %get3A_1023 = arith.constant 0 : index
        %get3A_1024 = tpu.vector_load %arg14[%get3A_1022, %get3A_1023] {strides = array<i32>} : memref<320x64xf32, #tpu.memory_space<vmem>>, vector<16xf32>,
        %add3A_1025 = arith.addf %add3A_1001, %get3A_1024 : vector<16xf32>
        %add3A_1026 = arith.constant 112 : i32
        %add3A_1027 = arith.addi %add3A_1026, %scan3A_941 : i32
        %get3A_1028 = arith.index_cast %add3A_1027 : i32 to index
        %get3A_1029 = arith.constant 0 : index
        %get3A_1030 = tpu.vector_load %arg14[%get3A_1028, %get3A_1029] {strides = array<i32>} : memref<320x64xf32, #tpu.memory_space<vmem>>, vector<16xf32>,
        %add3A_1031 = arith.addf %add3A_1007, %get3A_1030 : vector<16xf32>
        %add3A_1032 = arith.constant 120 : i32
        %add3A_1033 = arith.addi %add3A_1032, %scan3A_941 : i32
        %get3A_1034 = arith.index_cast %add3A_1033 : i32 to index
        %get3A_1035 = arith.constant 0 : index
        %get3A_1036 = tpu.vector_load %arg14[%get3A_1034, %get3A_1035] {strides = array<i32>} : memref<320x64xf32, #tpu.memory_space<vmem>>, vector<16xf32>,
        %add3A_1037 = arith.addf %add3A_1013, %get3A_1036 : vector<16xf32>
        %add3A_1038 = arith.constant 128 : i32
        %add3A_1039 = arith.addi %add3A_1038, %scan3A_941 : i32
        %get3A_1040 = arith.index_cast %add3A_1039 : i32 to index
        %get3A_1041 = arith.constant 0 : index
        %get3A_1042 = tpu.vector_load %arg14[%get3A_1040, %get3A_1041] {strides = array<i32>} : memref<320x64xf32, #tpu.memory_space<vmem>>, vector<16xf32>,
        %add3A_1043 = arith.addf %add3A_1019, %get3A_1042 : vector<16xf32>
        %add3A_1044 = arith.constant 136 : i32
        %add3A_1045 = arith.addi %add3A_1044, %scan3A_941 : i32
        %get3A_1046 = arith.index_cast %add3A_1045 : i32 to index
        %get3A_1047 = arith.constant 0 : index
        %get3A_1048 = tpu.vector_load %arg14[%get3A_1046, %get3A_1047] {strides = array<i32>} : memref<320x64xf32, #tpu.memory_space<vmem>>, vector<16xf32>,
        %add3A_1049 = arith.addf %add3A_1025, %get3A_1048 : vector<16xf32>
        %add3A_1050 = arith.constant 144 : i32
        %add3A_1051 = arith.addi %add3A_1050, %scan3A_941 : i32
        %get3A_1052 = arith.index_cast %add3A_1051 : i32 to index
        %get3A_1053 = arith.constant 0 : index
        %get3A_1054 = tpu.vector_load %arg14[%get3A_1052, %get3A_1053] {strides = array<i32>} : memref<320x64xf32, #tpu.memory_space<vmem>>, vector<16xf32>,
        %add3A_1055 = arith.addf %add3A_1031, %get3A_1054 : vector<16xf32>
        %add3A_1056 = arith.constant 152 : i32
        %add3A_1057 = arith.addi %add3A_1056, %scan3A_941 : i32
        %get3A_1058 = arith.index_cast %add3A_1057 : i32 to index
        %get3A_1059 = arith.constant 0 : index
        %get3A_1060 = tpu.vector_load %arg14[%get3A_1058, %get3A_1059] {strides = array<i32>} : memref<320x64xf32, #tpu.memory_space<vmem>>, vector<16xf32>,
        %add3A_1061 = arith.addf %add3A_1037, %get3A_1060 : vector<16xf32>
        %add3A_1062 = arith.constant 160 : i32
        %add3A_1063 = arith.addi %add3A_1062, %scan3A_941 : i32
        %get3A_1064 = arith.index_cast %add3A_1063 : i32 to index
        %get3A_1065 = arith.constant 0 : index
        %get3A_1066 = tpu.vector_load %arg14[%get3A_1064, %get3A_1065] {strides = array<i32>} : memref<320x64xf32, #tpu.memory_space<vmem>>, vector<16xf32>,
        %add3A_1067 = arith.addf %add3A_1043, %get3A_1066 : vector<16xf32>
        %add3A_1068 = arith.constant 168 : i32
        %add3A_1069 = arith.addi %add3A_1068, %scan3A_941 : i32
        %get3A_1070 = arith.index_cast %add3A_1069 : i32 to index
        %get3A_1071 = arith.constant 0 : index
        %get3A_1072 = tpu.vector_load %arg14[%get3A_1070, %get3A_1071] {strides = array<i32>} : memref<320x64xf32, #tpu.memory_space<vmem>>, vector<16xf32>,
        %add3A_1073 = arith.addf %add3A_1049, %get3A_1072 : vector<16xf32>
        %add3A_1074 = arith.constant 176 : i32
        %add3A_1075 = arith.addi %add3A_1074, %scan3A_941 : i32
        %get3A_1076 = arith.index_cast %add3A_1075 : i32 to index
        %get3A_1077 = arith.constant 0 : index
        %get3A_1078 = tpu.vector_load %arg14[%get3A_1076, %get3A_1077] {strides = array<i32>} : memref<320x64xf32, #tpu.memory_space<vmem>>, vector<16xf32>,
        %add3A_1079 = arith.addf %add3A_1055, %get3A_1078 : vector<16xf32>
        %add3A_1080 = arith.constant 184 : i32
        %add3A_1081 = arith.addi %add3A_1080, %scan3A_941 : i32
        %get3A_1082 = arith.index_cast %add3A_1081 : i32 to index
        %get3A_1083 = arith.constant 0 : index
        %get3A_1084 = tpu.vector_load %arg14[%get3A_1082, %get3A_1083] {strides = array<i32>} : memref<320x64xf32, #tpu.memory_space<vmem>>, vector<16xf32>,
        %add3A_1085 = arith.addf %add3A_1061, %get3A_1084 : vector<16xf32>
        %add3A_1086 = arith.constant 192 : i32
        %add3A_1087 = arith.addi %add3A_1086, %scan3A_941 : i32
        %get3A_1088 = arith.index_cast %add3A_1087 : i32 to index
        %get3A_1089 = arith.constant 0 : index
        %get3A_1090 = tpu.vector_load %arg14[%get3A_1088, %get3A_1089] {strides = array<i32>} : memref<320x64xf32, #tpu.memory_space<vmem>>, vector<16xf32>,
        %add3A_1091 = arith.addf %add3A_1067, %get3A_1090 : vector<16xf32>
        %add3A_1092 = arith.constant 200 : i32
        %add3A_1093 = arith.addi %add3A_1092, %scan3A_941 : i32
        %get3A_1094 = arith.index_cast %add3A_1093 : i32 to index
        %get3A_1095 = arith.constant 0 : index
        %get3A_1096 = tpu.vector_load %arg14[%get3A_1094, %get3A_1095] {strides = array<i32>} : memref<320x64xf32, #tpu.memory_space<vmem>>, vector<16xf32>,
        %add3A_1097 = arith.addf %add3A_1073, %get3A_1096 : vector<16xf32>
        %add3A_1098 = arith.constant 208 : i32
        %add3A_1099 = arith.addi %add3A_1098, %scan3A_941 : i32
        %get3A_1100 = arith.index_cast %add3A_1099 : i32 to index
        %get3A_1101 = arith.constant 0 : index
        %get3A_1102 = tpu.vector_load %arg14[%get3A_1100, %get3A_1101] {strides = array<i32>} : memref<320x64xf32, #tpu.memory_space<vmem>>, vector<16xf32>,
        %add3A_1103 = arith.addf %add3A_1079, %get3A_1102 : vector<16xf32>
        %add3A_1104 = arith.constant 216 : i32
        %add3A_1105 = arith.addi %add3A_1104, %scan3A_941 : i32
        %get3A_1106 = arith.index_cast %add3A_1105 : i32 to index
        %get3A_1107 = arith.constant 0 : index
        %get3A_1108 = tpu.vector_load %arg14[%get3A_1106, %get3A_1107] {strides = array<i32>} : memref<320x64xf32, #tpu.memory_space<vmem>>, vector<16xf32>,
        %add3A_1109 = arith.addf %add3A_1085, %get3A_1108 : vector<16xf32>
        %add3A_1110 = arith.constant 224 : i32
        %add3A_1111 = arith.addi %add3A_1110, %scan3A_941 : i32
        %get3A_1112 = arith.index_cast %add3A_1111 : i32 to index
        %get3A_1113 = arith.constant 0 : index
        %get3A_1114 = tpu.vector_load %arg14[%get3A_1112, %get3A_1113] {strides = array<i32>} : memref<320x64xf32, #tpu.memory_space<vmem>>, vector<16xf32>,
        %add3A_1115 = arith.addf %add3A_1091, %get3A_1114 : vector<16xf32>
        %add3A_1116 = arith.constant 232 : i32
        %add3A_1117 = arith.addi %add3A_1116, %scan3A_941 : i32
        %get3A_1118 = arith.index_cast %add3A_1117 : i32 to index
        %get3A_1119 = arith.constant 0 : index
        %get3A_1120 = tpu.vector_load %arg14[%get3A_1118, %get3A_1119] {strides = array<i32>} : memref<320x64xf32, #tpu.memory_space<vmem>>, vector<16xf32>,
        %add3A_1121 = arith.addf %add3A_1097, %get3A_1120 : vector<16xf32>
        %add3A_1122 = arith.constant 240 : i32
        %add3A_1123 = arith.addi %add3A_1122, %scan3A_941 : i32
        %get3A_1124 = arith.index_cast %add3A_1123 : i32 to index
        %get3A_1125 = arith.constant 0 : index
        %get3A_1126 = tpu.vector_load %arg14[%get3A_1124, %get3A_1125] {strides = array<i32>} : memref<320x64xf32, #tpu.memory_space<vmem>>, vector<16xf32>,
        %add3A_1127 = arith.addf %add3A_1103, %get3A_1126 : vector<16xf32>
        %add3A_1128 = arith.constant 248 : i32
        %add3A_1129 = arith.addi %add3A_1128, %scan3A_941 : i32
        %get3A_1130 = arith.index_cast %add3A_1129 : i32 to index
        %get3A_1131 = arith.constant 0 : index
        %get3A_1132 = tpu.vector_load %arg14[%get3A_1130, %get3A_1131] {strides = array<i32>} : memref<320x64xf32, #tpu.memory_space<vmem>>, vector<16xf32>,
        %add3A_1133 = arith.addf %add3A_1109, %get3A_1132 : vector<16xf32>
        %add3A_1134 = arith.constant 256 : i32
        %add3A_1135 = arith.addi %add3A_1134, %scan3A_941 : i32
        %get3A_1136 = arith.index_cast %add3A_1135 : i32 to index
        %get3A_1137 = arith.constant 0 : index
        %get3A_1138 = tpu.vector_load %arg14[%get3A_1136, %get3A_1137] {strides = array<i32>} : memref<320x64xf32, #tpu.memory_space<vmem>>, vector<16xf32>,
        %add3A_1139 = arith.addf %add3A_1115, %get3A_1138 : vector<16xf32>
        %add3A_1140 = arith.constant 264 : i32
        %add3A_1141 = arith.addi %add3A_1140, %scan3A_941 : i32
        %get3A_1142 = arith.index_cast %add3A_1141 : i32 to index
        %get3A_1143 = arith.constant 0 : index
        %get3A_1144 = tpu.vector_load %arg14[%get3A_1142, %get3A_1143] {strides = array<i32>} : memref<320x64xf32, #tpu.memory_space<vmem>>, vector<16xf32>,
        %add3A_1145 = arith.addf %add3A_1121, %get3A_1144 : vector<16xf32>
        %add3A_1146 = arith.constant 272 : i32
        %add3A_1147 = arith.addi %add3A_1146, %scan3A_941 : i32
        %get3A_1148 = arith.index_cast %add3A_1147 : i32 to index
        %get3A_1149 = arith.constant 0 : index
        %get3A_1150 = tpu.vector_load %arg14[%get3A_1148, %get3A_1149] {strides = array<i32>} : memref<320x64xf32, #tpu.memory_space<vmem>>, vector<16xf32>,
        %add3A_1151 = arith.addf %add3A_1127, %get3A_1150 : vector<16xf32>
        %add3A_1152 = arith.constant 280 : i32
        %add3A_1153 = arith.addi %add3A_1152, %scan3A_941 : i32
        %get3A_1154 = arith.index_cast %add3A_1153 : i32 to index
        %get3A_1155 = arith.constant 0 : index
        %get3A_1156 = tpu.vector_load %arg14[%get3A_1154, %get3A_1155] {strides = array<i32>} : memref<320x64xf32, #tpu.memory_space<vmem>>, vector<16xf32>,
        %add3A_1157 = arith.addf %add3A_1133, %get3A_1156 : vector<16xf32>
        %add3A_1158 = arith.constant 288 : i32
        %add3A_1159 = arith.addi %add3A_1158, %scan3A_941 : i32
        %get3A_1160 = arith.index_cast %add3A_1159 : i32 to index
        %get3A_1161 = arith.constant 0 : index
        %get3A_1162 = tpu.vector_load %arg14[%get3A_1160, %get3A_1161] {strides = array<i32>} : memref<320x64xf32, #tpu.memory_space<vmem>>, vector<16xf32>,
        %add3A_1163 = arith.addf %add3A_1139, %get3A_1162 : vector<16xf32>
        %add3A_1164 = arith.constant 296 : i32
        %add3A_1165 = arith.addi %add3A_1164, %scan3A_941 : i32
        %get3A_1166 = arith.index_cast %add3A_1165 : i32 to index
        %get3A_1167 = arith.constant 0 : index
        %get3A_1168 = tpu.vector_load %arg14[%get3A_1166, %get3A_1167] {strides = array<i32>} : memref<320x64xf32, #tpu.memory_space<vmem>>, vector<16xf32>,
        %add3A_1169 = arith.addf %add3A_1145, %get3A_1168 : vector<16xf32>
        %add3A_1170 = arith.constant 304 : i32
        %add3A_1171 = arith.addi %add3A_1170, %scan3A_941 : i32
        %get3A_1172 = arith.index_cast %add3A_1171 : i32 to index
        %get3A_1173 = arith.constant 0 : index
        %get3A_1174 = tpu.vector_load %arg14[%get3A_1172, %get3A_1173] {strides = array<i32>} : memref<320x64xf32, #tpu.memory_space<vmem>>, vector<16xf32>,
        %add3A_1175 = arith.addf %add3A_1151, %get3A_1174 : vector<16xf32>
        %add3A_1176 = arith.constant 312 : i32
        %add3A_1177 = arith.addi %add3A_1176, %scan3A_941 : i32
        %get3A_1178 = arith.index_cast %add3A_1177 : i32 to index
        %get3A_1179 = arith.constant 0 : index
        %get3A_1180 = tpu.vector_load %arg14[%get3A_1178, %get3A_1179] {strides = array<i32>} : memref<320x64xf32, #tpu.memory_space<vmem>>, vector<16xf32>,
        %add3A_1181 = arith.addf %add3A_1157, %get3A_1180 : vector<16xf32>
        %add3A_1182 = arith.addf %add3A_1163, %add3A_1169 : vector<16xf32>
        %add3A_1183 = arith.addf %add3A_1175, %add3A_1181 : vector<16xf32>
        %add3A_1184 = arith.addf %add3A_1182, %add3A_1183 : vector<16xf32>
        %mul3A_1185 = vector.broadcast %sub3A_947 : f32 to vector<16xf32>
        %mul3A_1186 = arith.mulf %mul3A_1185, %get3A_950 : vector<16xf32>
        %sub3A_1187 = arith.subf %add3A_1184, %mul3A_1186 : vector<16xf32>
        %div3A_1188 = vector.broadcast %squeeze3A : f32 to vector<16xf32>
        %div3A_1189 = arith.divf %sub3A_1187, %div3A_1188 : vector<16xf32>
        %swap3A_1190 = arith.index_cast %add3A_942 : i32 to index
        %swap3A_1191 = arith.constant 0 : index
        %swap3A_1192 = tpu.vector_load %arg16[%swap3A_1190, %swap3A_1191] {strides = array<i32>} : memref<256x64xf32, #tpu.memory_space<vmem>>, vector<16xf32>,
        tpu.vector_store %arg16[%swap3A_1190, %swap3A_1191], %div3A_1189 {strides = array<i32>} : memref<256x64xf32, #tpu.memory_space<vmem>>, vector<16xf32>,
        %get3A_1193 = arith.index_cast %scan3A_941 : i32 to index
        %get3A_1194 = arith.constant 16 : index
        %get3A_1195 = tpu.vector_load %arg14[%get3A_1193, %get3A_1194] {strides = array<i32>} : memref<320x64xf32, #tpu.memory_space<vmem>>, vector<16xf32>,
        %add3A_1196 = arith.constant 8 : i32
        %add3A_1197 = arith.addi %add3A_1196, %scan3A_941 : i32
        %get3A_1198 = arith.index_cast %add3A_1197 : i32 to index
        %get3A_1199 = arith.constant 16 : index
        %get3A_1200 = tpu.vector_load %arg14[%get3A_1198, %get3A_1199] {strides = array<i32>} : memref<320x64xf32, #tpu.memory_space<vmem>>, vector<16xf32>,
        %add3A_1201 = arith.constant 16 : i32
        %add3A_1202 = arith.addi %add3A_1201, %scan3A_941 : i32
        %get3A_1203 = arith.index_cast %add3A_1202 : i32 to index
        %get3A_1204 = arith.constant 16 : index
        %get3A_1205 = tpu.vector_load %arg14[%get3A_1203, %get3A_1204] {strides = array<i32>} : memref<320x64xf32, #tpu.memory_space<vmem>>, vector<16xf32>,
        %add3A_1206 = arith.constant 24 : i32
        %add3A_1207 = arith.addi %add3A_1206, %scan3A_941 : i32
        %get3A_1208 = arith.index_cast %add3A_1207 : i32 to index
        %get3A_1209 = arith.constant 16 : index
        %get3A_1210 = tpu.vector_load %arg14[%get3A_1208, %get3A_1209] {strides = array<i32>} : memref<320x64xf32, #tpu.memory_space<vmem>>, vector<16xf32>,
        %add3A_1211 = arith.constant 32 : i32
        %add3A_1212 = arith.addi %add3A_1211, %scan3A_941 : i32
        %get3A_1213 = arith.index_cast %add3A_1212 : i32 to index
        %get3A_1214 = arith.constant 16 : index
        %get3A_1215 = tpu.vector_load %arg14[%get3A_1213, %get3A_1214] {strides = array<i32>} : memref<320x64xf32, #tpu.memory_space<vmem>>, vector<16xf32>,
        %add3A_1216 = arith.addf %get3A_1195, %get3A_1215 : vector<16xf32>
        %add3A_1217 = arith.constant 40 : i32
        %add3A_1218 = arith.addi %add3A_1217, %scan3A_941 : i32
        %get3A_1219 = arith.index_cast %add3A_1218 : i32 to index
        %get3A_1220 = arith.constant 16 : index
        %get3A_1221 = tpu.vector_load %arg14[%get3A_1219, %get3A_1220] {strides = array<i32>} : memref<320x64xf32, #tpu.memory_space<vmem>>, vector<16xf32>,
        %add3A_1222 = arith.addf %get3A_1200, %get3A_1221 : vector<16xf32>
        %add3A_1223 = arith.constant 48 : i32
        %add3A_1224 = arith.addi %add3A_1223, %scan3A_941 : i32
        %get3A_1225 = arith.index_cast %add3A_1224 : i32 to index
        %get3A_1226 = arith.constant 16 : index
        %get3A_1227 = tpu.vector_load %arg14[%get3A_1225, %get3A_1226] {strides = array<i32>} : memref<320x64xf32, #tpu.memory_space<vmem>>, vector<16xf32>,
        %add3A_1228 = arith.addf %get3A_1205, %get3A_1227 : vector<16xf32>
        %add3A_1229 = arith.constant 56 : i32
        %add3A_1230 = arith.addi %add3A_1229, %scan3A_941 : i32
        %get3A_1231 = arith.index_cast %add3A_1230 : i32 to index
        %get3A_1232 = arith.constant 16 : index
        %get3A_1233 = tpu.vector_load %arg14[%get3A_1231, %get3A_1232] {strides = array<i32>} : memref<320x64xf32, #tpu.memory_space<vmem>>, vector<16xf32>,
        %add3A_1234 = arith.addf %get3A_1210, %get3A_1233 : vector<16xf32>
        %add3A_1235 = arith.constant 64 : i32
        %add3A_1236 = arith.addi %add3A_1235, %scan3A_941 : i32
        %get3A_1237 = arith.index_cast %add3A_1236 : i32 to index
        %get3A_1238 = arith.constant 16 : index
        %get3A_1239 = tpu.vector_load %arg14[%get3A_1237, %get3A_1238] {strides = array<i32>} : memref<320x64xf32, #tpu.memory_space<vmem>>, vector<16xf32>,
        %add3A_1240 = arith.addf %add3A_1216, %get3A_1239 : vector<16xf32>
        %add3A_1241 = arith.constant 72 : i32
        %add3A_1242 = arith.addi %add3A_1241, %scan3A_941 : i32
        %get3A_1243 = arith.index_cast %add3A_1242 : i32 to index
        %get3A_1244 = arith.constant 16 : index
        %get3A_1245 = tpu.vector_load %arg14[%get3A_1243, %get3A_1244] {strides = array<i32>} : memref<320x64xf32, #tpu.memory_space<vmem>>, vector<16xf32>,
        %add3A_1246 = arith.addf %add3A_1222, %get3A_1245 : vector<16xf32>
        %add3A_1247 = arith.constant 80 : i32
        %add3A_1248 = arith.addi %add3A_1247, %scan3A_941 : i32
        %get3A_1249 = arith.index_cast %add3A_1248 : i32 to index
        %get3A_1250 = arith.constant 16 : index
        %get3A_1251 = tpu.vector_load %arg14[%get3A_1249, %get3A_1250] {strides = array<i32>} : memref<320x64xf32, #tpu.memory_space<vmem>>, vector<16xf32>,
        %add3A_1252 = arith.addf %add3A_1228, %get3A_1251 : vector<16xf32>
        %add3A_1253 = arith.constant 88 : i32
        %add3A_1254 = arith.addi %add3A_1253, %scan3A_941 : i32
        %get3A_1255 = arith.index_cast %add3A_1254 : i32 to index
        %get3A_1256 = arith.constant 16 : index
        %get3A_1257 = tpu.vector_load %arg14[%get3A_1255, %get3A_1256] {strides = array<i32>} : memref<320x64xf32, #tpu.memory_space<vmem>>, vector<16xf32>,
        %add3A_1258 = arith.addf %add3A_1234, %get3A_1257 : vector<16xf32>
        %add3A_1259 = arith.constant 96 : i32
        %add3A_1260 = arith.addi %add3A_1259, %scan3A_941 : i32
        %get3A_1261 = arith.index_cast %add3A_1260 : i32 to index
        %get3A_1262 = arith.constant 16 : index
        %get3A_1263 = tpu.vector_load %arg14[%get3A_1261, %get3A_1262] {strides = array<i32>} : memref<320x64xf32, #tpu.memory_space<vmem>>, vector<16xf32>,
        %add3A_1264 = arith.addf %add3A_1240, %get3A_1263 : vector<16xf32>
        %add3A_1265 = arith.constant 104 : i32
        %add3A_1266 = arith.addi %add3A_1265, %scan3A_941 : i32
        %get3A_1267 = arith.index_cast %add3A_1266 : i32 to index
        %get3A_1268 = arith.constant 16 : index
        %get3A_1269 = tpu.vector_load %arg14[%get3A_1267, %get3A_1268] {strides = array<i32>} : memref<320x64xf32, #tpu.memory_space<vmem>>, vector<16xf32>,
        %add3A_1270 = arith.addf %add3A_1246, %get3A_1269 : vector<16xf32>
        %add3A_1271 = arith.constant 112 : i32
        %add3A_1272 = arith.addi %add3A_1271, %scan3A_941 : i32
        %get3A_1273 = arith.index_cast %add3A_1272 : i32 to index
        %get3A_1274 = arith.constant 16 : index
        %get3A_1275 = tpu.vector_load %arg14[%get3A_1273, %get3A_1274] {strides = array<i32>} : memref<320x64xf32, #tpu.memory_space<vmem>>, vector<16xf32>,
        %add3A_1276 = arith.addf %add3A_1252, %get3A_1275 : vector<16xf32>
        %add3A_1277 = arith.constant 120 : i32
        %add3A_1278 = arith.addi %add3A_1277, %scan3A_941 : i32
        %get3A_1279 = arith.index_cast %add3A_1278 : i32 to index
        %get3A_1280 = arith.constant 16 : index
        %get3A_1281 = tpu.vector_load %arg14[%get3A_1279, %get3A_1280] {strides = array<i32>} : memref<320x64xf32, #tpu.memory_space<vmem>>, vector<16xf32>,
        %add3A_1282 = arith.addf %add3A_1258, %get3A_1281 : vector<16xf32>
        %add3A_1283 = arith.constant 128 : i32
        %add3A_1284 = arith.addi %add3A_1283, %scan3A_941 : i32
        %get3A_1285 = arith.index_cast %add3A_1284 : i32 to index
        %get3A_1286 = arith.constant 16 : index
        %get3A_1287 = tpu.vector_load %arg14[%get3A_1285, %get3A_1286] {strides = array<i32>} : memref<320x64xf32, #tpu.memory_space<vmem>>, vector<16xf32>,
        %add3A_1288 = arith.addf %add3A_1264, %get3A_1287 : vector<16xf32>
        %add3A_1289 = arith.constant 136 : i32
        %add3A_1290 = arith.addi %add3A_1289, %scan3A_941 : i32
        %get3A_1291 = arith.index_cast %add3A_1290 : i32 to index
        %get3A_1292 = arith.constant 16 : index
        %get3A_1293 = tpu.vector_load %arg14[%get3A_1291, %get3A_1292] {strides = array<i32>} : memref<320x64xf32, #tpu.memory_space<vmem>>, vector<16xf32>,
        %add3A_1294 = arith.addf %add3A_1270, %get3A_1293 : vector<16xf32>
        %add3A_1295 = arith.constant 144 : i32
        %add3A_1296 = arith.addi %add3A_1295, %scan3A_941 : i32
        %get3A_1297 = arith.index_cast %add3A_1296 : i32 to index
        %get3A_1298 = arith.constant 16 : index
        %get3A_1299 = tpu.vector_load %arg14[%get3A_1297, %get3A_1298] {strides = array<i32>} : memref<320x64xf32, #tpu.memory_space<vmem>>, vector<16xf32>,
        %add3A_1300 = arith.addf %add3A_1276, %get3A_1299 : vector<16xf32>
        %add3A_1301 = arith.constant 152 : i32
        %add3A_1302 = arith.addi %add3A_1301, %scan3A_941 : i32
        %get3A_1303 = arith.index_cast %add3A_1302 : i32 to index
        %get3A_1304 = arith.constant 16 : index
        %get3A_1305 = tpu.vector_load %arg14[%get3A_1303, %get3A_1304] {strides = array<i32>} : memref<320x64xf32, #tpu.memory_space<vmem>>, vector<16xf32>,
        %add3A_1306 = arith.addf %add3A_1282, %get3A_1305 : vector<16xf32>
        %add3A_1307 = arith.constant 160 : i32
        %add3A_1308 = arith.addi %add3A_1307, %scan3A_941 : i32
        %get3A_1309 = arith.index_cast %add3A_1308 : i32 to index
        %get3A_1310 = arith.constant 16 : index
        %get3A_1311 = tpu.vector_load %arg14[%get3A_1309, %get3A_1310] {strides = array<i32>} : memref<320x64xf32, #tpu.memory_space<vmem>>, vector<16xf32>,
        %add3A_1312 = arith.addf %add3A_1288, %get3A_1311 : vector<16xf32>
        %add3A_1313 = arith.constant 168 : i32
        %add3A_1314 = arith.addi %add3A_1313, %scan3A_941 : i32
        %get3A_1315 = arith.index_cast %add3A_1314 : i32 to index
        %get3A_1316 = arith.constant 16 : index
        %get3A_1317 = tpu.vector_load %arg14[%get3A_1315, %get3A_1316] {strides = array<i32>} : memref<320x64xf32, #tpu.memory_space<vmem>>, vector<16xf32>,
        %add3A_1318 = arith.addf %add3A_1294, %get3A_1317 : vector<16xf32>
        %add3A_1319 = arith.constant 176 : i32
        %add3A_1320 = arith.addi %add3A_1319, %scan3A_941 : i32
        %get3A_1321 = arith.index_cast %add3A_1320 : i32 to index
        %get3A_1322 = arith.constant 16 : index
        %get3A_1323 = tpu.vector_load %arg14[%get3A_1321, %get3A_1322] {strides = array<i32>} : memref<320x64xf32, #tpu.memory_space<vmem>>, vector<16xf32>,
        %add3A_1324 = arith.addf %add3A_1300, %get3A_1323 : vector<16xf32>
        %add3A_1325 = arith.constant 184 : i32
        %add3A_1326 = arith.addi %add3A_1325, %scan3A_941 : i32
        %get3A_1327 = arith.index_cast %add3A_1326 : i32 to index
        %get3A_1328 = arith.constant 16 : index
        %get3A_1329 = tpu.vector_load %arg14[%get3A_1327, %get3A_1328] {strides = array<i32>} : memref<320x64xf32, #tpu.memory_space<vmem>>, vector<16xf32>,
        %add3A_1330 = arith.addf %add3A_1306, %get3A_1329 : vector<16xf32>
        %add3A_1331 = arith.constant 192 : i32
        %add3A_1332 = arith.addi %add3A_1331, %scan3A_941 : i32
        %get3A_1333 = arith.index_cast %add3A_1332 : i32 to index
        %get3A_1334 = arith.constant 16 : index
        %get3A_1335 = tpu.vector_load %arg14[%get3A_1333, %get3A_1334] {strides = array<i32>} : memref<320x64xf32, #tpu.memory_space<vmem>>, vector<16xf32>,
        %add3A_1336 = arith.addf %add3A_1312, %get3A_1335 : vector<16xf32>
        %add3A_1337 = arith.constant 200 : i32
        %add3A_1338 = arith.addi %add3A_1337, %scan3A_941 : i32
        %get3A_1339 = arith.index_cast %add3A_1338 : i32 to index
        %get3A_1340 = arith.constant 16 : index
        %get3A_1341 = tpu.vector_load %arg14[%get3A_1339, %get3A_1340] {strides = array<i32>} : memref<320x64xf32, #tpu.memory_space<vmem>>, vector<16xf32>,
        %add3A_1342 = arith.addf %add3A_1318, %get3A_1341 : vector<16xf32>
        %add3A_1343 = arith.constant 208 : i32
        %add3A_1344 = arith.addi %add3A_1343, %scan3A_941 : i32
        %get3A_1345 = arith.index_cast %add3A_1344 : i32 to index
        %get3A_1346 = arith.constant 16 : index
        %get3A_1347 = tpu.vector_load %arg14[%get3A_1345, %get3A_1346] {strides = array<i32>} : memref<320x64xf32, #tpu.memory_space<vmem>>, vector<16xf32>,
        %add3A_1348 = arith.addf %add3A_1324, %get3A_1347 : vector<16xf32>
        %add3A_1349 = arith.constant 216 : i32
        %add3A_1350 = arith.addi %add3A_1349, %scan3A_941 : i32
        %get3A_1351 = arith.index_cast %add3A_1350 : i32 to index
        %get3A_1352 = arith.constant 16 : index
        %get3A_1353 = tpu.vector_load %arg14[%get3A_1351, %get3A_1352] {strides = array<i32>} : memref<320x64xf32, #tpu.memory_space<vmem>>, vector<16xf32>,
        %add3A_1354 = arith.addf %add3A_1330, %get3A_1353 : vector<16xf32>
        %add3A_1355 = arith.constant 224 : i32
        %add3A_1356 = arith.addi %add3A_1355, %scan3A_941 : i32
        %get3A_1357 = arith.index_cast %add3A_1356 : i32 to index
        %get3A_1358 = arith.constant 16 : index
        %get3A_1359 = tpu.vector_load %arg14[%get3A_1357, %get3A_1358] {strides = array<i32>} : memref<320x64xf32, #tpu.memory_space<vmem>>, vector<16xf32>,
        %add3A_1360 = arith.addf %add3A_1336, %get3A_1359 : vector<16xf32>
        %add3A_1361 = arith.constant 232 : i32
        %add3A_1362 = arith.addi %add3A_1361, %scan3A_941 : i32
        %get3A_1363 = arith.index_cast %add3A_1362 : i32 to index
        %get3A_1364 = arith.constant 16 : index
        %get3A_1365 = tpu.vector_load %arg14[%get3A_1363, %get3A_1364] {strides = array<i32>} : memref<320x64xf32, #tpu.memory_space<vmem>>, vector<16xf32>,
        %add3A_1366 = arith.addf %add3A_1342, %get3A_1365 : vector<16xf32>
        %add3A_1367 = arith.constant 240 : i32
        %add3A_1368 = arith.addi %add3A_1367, %scan3A_941 : i32
        %get3A_1369 = arith.index_cast %add3A_1368 : i32 to index
        %get3A_1370 = arith.constant 16 : index
        %get3A_1371 = tpu.vector_load %arg14[%get3A_1369, %get3A_1370] {strides = array<i32>} : memref<320x64xf32, #tpu.memory_space<vmem>>, vector<16xf32>,
        %add3A_1372 = arith.addf %add3A_1348, %get3A_1371 : vector<16xf32>
        %add3A_1373 = arith.constant 248 : i32
        %add3A_1374 = arith.addi %add3A_1373, %scan3A_941 : i32
        %get3A_1375 = arith.index_cast %add3A_1374 : i32 to index
        %get3A_1376 = arith.constant 16 : index
        %get3A_1377 = tpu.vector_load %arg14[%get3A_1375, %get3A_1376] {strides = array<i32>} : memref<320x64xf32, #tpu.memory_space<vmem>>, vector<16xf32>,
        %add3A_1378 = arith.addf %add3A_1354, %get3A_1377 : vector<16xf32>
        %add3A_1379 = arith.constant 256 : i32
        %add3A_1380 = arith.addi %add3A_1379, %scan3A_941 : i32
        %get3A_1381 = arith.index_cast %add3A_1380 : i32 to index
        %get3A_1382 = arith.constant 16 : index
        %get3A_1383 = tpu.vector_load %arg14[%get3A_1381, %get3A_1382] {strides = array<i32>} : memref<320x64xf32, #tpu.memory_space<vmem>>, vector<16xf32>,
        %add3A_1384 = arith.addf %add3A_1360, %get3A_1383 : vector<16xf32>
        %add3A_1385 = arith.constant 264 : i32
        %add3A_1386 = arith.addi %add3A_1385, %scan3A_941 : i32
        %get3A_1387 = arith.index_cast %add3A_1386 : i32 to index
        %get3A_1388 = arith.constant 16 : index
        %get3A_1389 = tpu.vector_load %arg14[%get3A_1387, %get3A_1388] {strides = array<i32>} : memref<320x64xf32, #tpu.memory_space<vmem>>, vector<16xf32>,
        %add3A_1390 = arith.addf %add3A_1366, %get3A_1389 : vector<16xf32>
        %add3A_1391 = arith.constant 272 : i32
        %add3A_1392 = arith.addi %add3A_1391, %scan3A_941 : i32
        %get3A_1393 = arith.index_cast %add3A_1392 : i32 to index
        %get3A_1394 = arith.constant 16 : index
        %get3A_1395 = tpu.vector_load %arg14[%get3A_1393, %get3A_1394] {strides = array<i32>} : memref<320x64xf32, #tpu.memory_space<vmem>>, vector<16xf32>,
        %add3A_1396 = arith.addf %add3A_1372, %get3A_1395 : vector<16xf32>
        %add3A_1397 = arith.constant 280 : i32
        %add3A_1398 = arith.addi %add3A_1397, %scan3A_941 : i32
        %get3A_1399 = arith.index_cast %add3A_1398 : i32 to index
        %get3A_1400 = arith.constant 16 : index
        %get3A_1401 = tpu.vector_load %arg14[%get3A_1399, %get3A_1400] {strides = array<i32>} : memref<320x64xf32, #tpu.memory_space<vmem>>, vector<16xf32>,
        %add3A_1402 = arith.addf %add3A_1378, %get3A_1401 : vector<16xf32>
        %add3A_1403 = arith.constant 288 : i32
        %add3A_1404 = arith.addi %add3A_1403, %scan3A_941 : i32
        %get3A_1405 = arith.index_cast %add3A_1404 : i32 to index
        %get3A_1406 = arith.constant 16 : index
        %get3A_1407 = tpu.vector_load %arg14[%get3A_1405, %get3A_1406] {strides = array<i32>} : memref<320x64xf32, #tpu.memory_space<vmem>>, vector<16xf32>,
        %add3A_1408 = arith.addf %add3A_1384, %get3A_1407 : vector<16xf32>
        %add3A_1409 = arith.constant 296 : i32
        %add3A_1410 = arith.addi %add3A_1409, %scan3A_941 : i32
        %get3A_1411 = arith.index_cast %add3A_1410 : i32 to index
        %get3A_1412 = arith.constant 16 : index
        %get3A_1413 = tpu.vector_load %arg14[%get3A_1411, %get3A_1412] {strides = array<i32>} : memref<320x64xf32, #tpu.memory_space<vmem>>, vector<16xf32>,
        %add3A_1414 = arith.addf %add3A_1390, %get3A_1413 : vector<16xf32>
        %add3A_1415 = arith.constant 304 : i32
        %add3A_1416 = arith.addi %add3A_1415, %scan3A_941 : i32
        %get3A_1417 = arith.index_cast %add3A_1416 : i32 to index
        %get3A_1418 = arith.constant 16 : index
        %get3A_1419 = tpu.vector_load %arg14[%get3A_1417, %get3A_1418] {strides = array<i32>} : memref<320x64xf32, #tpu.memory_space<vmem>>, vector<16xf32>,
        %add3A_1420 = arith.addf %add3A_1396, %get3A_1419 : vector<16xf32>
        %add3A_1421 = arith.constant 312 : i32
        %add3A_1422 = arith.addi %add3A_1421, %scan3A_941 : i32
        %get3A_1423 = arith.index_cast %add3A_1422 : i32 to index
        %get3A_1424 = arith.constant 16 : index
        %get3A_1425 = tpu.vector_load %arg14[%get3A_1423, %get3A_1424] {strides = array<i32>} : memref<320x64xf32, #tpu.memory_space<vmem>>, vector<16xf32>,
        %add3A_1426 = arith.addf %add3A_1402, %get3A_1425 : vector<16xf32>
        %add3A_1427 = arith.addf %add3A_1408, %add3A_1414 : vector<16xf32>
        %add3A_1428 = arith.addf %add3A_1420, %add3A_1426 : vector<16xf32>
        %add3A_1429 = arith.addf %add3A_1427, %add3A_1428 : vector<16xf32>
        %mul3A_1430 = vector.broadcast %sub3A_947 : f32 to vector<16xf32>
        %mul3A_1431 = arith.mulf %mul3A_1430, %get3A_1195 : vector<16xf32>
        %sub3A_1432 = arith.subf %add3A_1429, %mul3A_1431 : vector<16xf32>
        %div3A_1433 = vector.broadcast %squeeze3A : f32 to vector<16xf32>
        %div3A_1434 = arith.divf %sub3A_1432, %div3A_1433 : vector<16xf32>
        %swap3A_1435 = arith.index_cast %add3A_942 : i32 to index
        %swap3A_1436 = arith.constant 16 : index
        %swap3A_1437 = tpu.vector_load %arg16[%swap3A_1435, %swap3A_1436] {strides = array<i32>} : memref<256x64xf32, #tpu.memory_space<vmem>>, vector<16xf32>,
        tpu.vector_store %arg16[%swap3A_1435, %swap3A_1436], %div3A_1434 {strides = array<i32>} : memref<256x64xf32, #tpu.memory_space<vmem>>, vector<16xf32>,
        %get3A_1438 = arith.index_cast %scan3A_941 : i32 to index
        %get3A_1439 = arith.constant 32 : index
        %get3A_1440 = tpu.vector_load %arg14[%get3A_1438, %get3A_1439] {strides = array<i32>} : memref<320x64xf32, #tpu.memory_space<vmem>>, vector<16xf32>,
        %add3A_1441 = arith.constant 8 : i32
        %add3A_1442 = arith.addi %add3A_1441, %scan3A_941 : i32
        %get3A_1443 = arith.index_cast %add3A_1442 : i32 to index
        %get3A_1444 = arith.constant 32 : index
        %get3A_1445 = tpu.vector_load %arg14[%get3A_1443, %get3A_1444] {strides = array<i32>} : memref<320x64xf32, #tpu.memory_space<vmem>>, vector<16xf32>,
        %add3A_1446 = arith.constant 16 : i32
        %add3A_1447 = arith.addi %add3A_1446, %scan3A_941 : i32
        %get3A_1448 = arith.index_cast %add3A_1447 : i32 to index
        %get3A_1449 = arith.constant 32 : index
        %get3A_1450 = tpu.vector_load %arg14[%get3A_1448, %get3A_1449] {strides = array<i32>} : memref<320x64xf32, #tpu.memory_space<vmem>>, vector<16xf32>,
        %add3A_1451 = arith.constant 24 : i32
        %add3A_1452 = arith.addi %add3A_1451, %scan3A_941 : i32
        %get3A_1453 = arith.index_cast %add3A_1452 : i32 to index
        %get3A_1454 = arith.constant 32 : index
        %get3A_1455 = tpu.vector_load %arg14[%get3A_1453, %get3A_1454] {strides = array<i32>} : memref<320x64xf32, #tpu.memory_space<vmem>>, vector<16xf32>,
        %add3A_1456 = arith.constant 32 : i32
        %add3A_1457 = arith.addi %add3A_1456, %scan3A_941 : i32
        %get3A_1458 = arith.index_cast %add3A_1457 : i32 to index
        %get3A_1459 = arith.constant 32 : index
        %get3A_1460 = tpu.vector_load %arg14[%get3A_1458, %get3A_1459] {strides = array<i32>} : memref<320x64xf32, #tpu.memory_space<vmem>>, vector<16xf32>,
        %add3A_1461 = arith.addf %get3A_1440, %get3A_1460 : vector<16xf32>
        %add3A_1462 = arith.constant 40 : i32
        %add3A_1463 = arith.addi %add3A_1462, %scan3A_941 : i32
        %get3A_1464 = arith.index_cast %add3A_1463 : i32 to index
        %get3A_1465 = arith.constant 32 : index
        %get3A_1466 = tpu.vector_load %arg14[%get3A_1464, %get3A_1465] {strides = array<i32>} : memref<320x64xf32, #tpu.memory_space<vmem>>, vector<16xf32>,
        %add3A_1467 = arith.addf %get3A_1445, %get3A_1466 : vector<16xf32>
        %add3A_1468 = arith.constant 48 : i32
        %add3A_1469 = arith.addi %add3A_1468, %scan3A_941 : i32
        %get3A_1470 = arith.index_cast %add3A_1469 : i32 to index
        %get3A_1471 = arith.constant 32 : index
        %get3A_1472 = tpu.vector_load %arg14[%get3A_1470, %get3A_1471] {strides = array<i32>} : memref<320x64xf32, #tpu.memory_space<vmem>>, vector<16xf32>,
        %add3A_1473 = arith.addf %get3A_1450, %get3A_1472 : vector<16xf32>
        %add3A_1474 = arith.constant 56 : i32
        %add3A_1475 = arith.addi %add3A_1474, %scan3A_941 : i32
        %get3A_1476 = arith.index_cast %add3A_1475 : i32 to index
        %get3A_1477 = arith.constant 32 : index
        %get3A_1478 = tpu.vector_load %arg14[%get3A_1476, %get3A_1477] {strides = array<i32>} : memref<320x64xf32, #tpu.memory_space<vmem>>, vector<16xf32>,
        %add3A_1479 = arith.addf %get3A_1455, %get3A_1478 : vector<16xf32>
        %add3A_1480 = arith.constant 64 : i32
        %add3A_1481 = arith.addi %add3A_1480, %scan3A_941 : i32
        %get3A_1482 = arith.index_cast %add3A_1481 : i32 to index
        %get3A_1483 = arith.constant 32 : index
        %get3A_1484 = tpu.vector_load %arg14[%get3A_1482, %get3A_1483] {strides = array<i32>} : memref<320x64xf32, #tpu.memory_space<vmem>>, vector<16xf32>,
        %add3A_1485 = arith.addf %add3A_1461, %get3A_1484 : vector<16xf32>
        %add3A_1486 = arith.constant 72 : i32
        %add3A_1487 = arith.addi %add3A_1486, %scan3A_941 : i32
        %get3A_1488 = arith.index_cast %add3A_1487 : i32 to index
        %get3A_1489 = arith.constant 32 : index
        %get3A_1490 = tpu.vector_load %arg14[%get3A_1488, %get3A_1489] {strides = array<i32>} : memref<320x64xf32, #tpu.memory_space<vmem>>, vector<16xf32>,
        %add3A_1491 = arith.addf %add3A_1467, %get3A_1490 : vector<16xf32>
        %add3A_1492 = arith.constant 80 : i32
        %add3A_1493 = arith.addi %add3A_1492, %scan3A_941 : i32
        %get3A_1494 = arith.index_cast %add3A_1493 : i32 to index
        %get3A_1495 = arith.constant 32 : index
        %get3A_1496 = tpu.vector_load %arg14[%get3A_1494, %get3A_1495] {strides = array<i32>} : memref<320x64xf32, #tpu.memory_space<vmem>>, vector<16xf32>,
        %add3A_1497 = arith.addf %add3A_1473, %get3A_1496 : vector<16xf32>
        %add3A_1498 = arith.constant 88 : i32
        %add3A_1499 = arith.addi %add3A_1498, %scan3A_941 : i32
        %get3A_1500 = arith.index_cast %add3A_1499 : i32 to index
        %get3A_1501 = arith.constant 32 : index
        %get3A_1502 = tpu.vector_load %arg14[%get3A_1500, %get3A_1501] {strides = array<i32>} : memref<320x64xf32, #tpu.memory_space<vmem>>, vector<16xf32>,
        %add3A_1503 = arith.addf %add3A_1479, %get3A_1502 : vector<16xf32>
        %add3A_1504 = arith.constant 96 : i32
        %add3A_1505 = arith.addi %add3A_1504, %scan3A_941 : i32
        %get3A_1506 = arith.index_cast %add3A_1505 : i32 to index
        %get3A_1507 = arith.constant 32 : index
        %get3A_1508 = tpu.vector_load %arg14[%get3A_1506, %get3A_1507] {strides = array<i32>} : memref<320x64xf32, #tpu.memory_space<vmem>>, vector<16xf32>,
        %add3A_1509 = arith.addf %add3A_1485, %get3A_1508 : vector<16xf32>
        %add3A_1510 = arith.constant 104 : i32
        %add3A_1511 = arith.addi %add3A_1510, %scan3A_941 : i32
        %get3A_1512 = arith.index_cast %add3A_1511 : i32 to index
        %get3A_1513 = arith.constant 32 : index
        %get3A_1514 = tpu.vector_load %arg14[%get3A_1512, %get3A_1513] {strides = array<i32>} : memref<320x64xf32, #tpu.memory_space<vmem>>, vector<16xf32>,
        %add3A_1515 = arith.addf %add3A_1491, %get3A_1514 : vector<16xf32>
        %add3A_1516 = arith.constant 112 : i32
        %add3A_1517 = arith.addi %add3A_1516, %scan3A_941 : i32
        %get3A_1518 = arith.index_cast %add3A_1517 : i32 to index
        %get3A_1519 = arith.constant 32 : index
        %get3A_1520 = tpu.vector_load %arg14[%get3A_1518, %get3A_1519] {strides = array<i32>} : memref<320x64xf32, #tpu.memory_space<vmem>>, vector<16xf32>,
        %add3A_1521 = arith.addf %add3A_1497, %get3A_1520 : vector<16xf32>
        %add3A_1522 = arith.constant 120 : i32
        %add3A_1523 = arith.addi %add3A_1522, %scan3A_941 : i32
        %get3A_1524 = arith.index_cast %add3A_1523 : i32 to index
        %get3A_1525 = arith.constant 32 : index
        %get3A_1526 = tpu.vector_load %arg14[%get3A_1524, %get3A_1525] {strides = array<i32>} : memref<320x64xf32, #tpu.memory_space<vmem>>, vector<16xf32>,
        %add3A_1527 = arith.addf %add3A_1503, %get3A_1526 : vector<16xf32>
        %add3A_1528 = arith.constant 128 : i32
        %add3A_1529 = arith.addi %add3A_1528, %scan3A_941 : i32
        %get3A_1530 = arith.index_cast %add3A_1529 : i32 to index
        %get3A_1531 = arith.constant 32 : index
        %get3A_1532 = tpu.vector_load %arg14[%get3A_1530, %get3A_1531] {strides = array<i32>} : memref<320x64xf32, #tpu.memory_space<vmem>>, vector<16xf32>,
        %add3A_1533 = arith.addf %add3A_1509, %get3A_1532 : vector<16xf32>
        %add3A_1534 = arith.constant 136 : i32
        %add3A_1535 = arith.addi %add3A_1534, %scan3A_941 : i32
        %get3A_1536 = arith.index_cast %add3A_1535 : i32 to index
        %get3A_1537 = arith.constant 32 : index
        %get3A_1538 = tpu.vector_load %arg14[%get3A_1536, %get3A_1537] {strides = array<i32>} : memref<320x64xf32, #tpu.memory_space<vmem>>, vector<16xf32>,
        %add3A_1539 = arith.addf %add3A_1515, %get3A_1538 : vector<16xf32>
        %add3A_1540 = arith.constant 144 : i32
        %add3A_1541 = arith.addi %add3A_1540, %scan3A_941 : i32
        %get3A_1542 = arith.index_cast %add3A_1541 : i32 to index
        %get3A_1543 = arith.constant 32 : index
        %get3A_1544 = tpu.vector_load %arg14[%get3A_1542, %get3A_1543] {strides = array<i32>} : memref<320x64xf32, #tpu.memory_space<vmem>>, vector<16xf32>,
        %add3A_1545 = arith.addf %add3A_1521, %get3A_1544 : vector<16xf32>
        %add3A_1546 = arith.constant 152 : i32
        %add3A_1547 = arith.addi %add3A_1546, %scan3A_941 : i32
        %get3A_1548 = arith.index_cast %add3A_1547 : i32 to index
        %get3A_1549 = arith.constant 32 : index
        %get3A_1550 = tpu.vector_load %arg14[%get3A_1548, %get3A_1549] {strides = array<i32>} : memref<320x64xf32, #tpu.memory_space<vmem>>, vector<16xf32>,
        %add3A_1551 = arith.addf %add3A_1527, %get3A_1550 : vector<16xf32>
        %add3A_1552 = arith.constant 160 : i32
        %add3A_1553 = arith.addi %add3A_1552, %scan3A_941 : i32
        %get3A_1554 = arith.index_cast %add3A_1553 : i32 to index
        %get3A_1555 = arith.constant 32 : index
        %get3A_1556 = tpu.vector_load %arg14[%get3A_1554, %get3A_1555] {strides = array<i32>} : memref<320x64xf32, #tpu.memory_space<vmem>>, vector<16xf32>,
        %add3A_1557 = arith.addf %add3A_1533, %get3A_1556 : vector<16xf32>
        %add3A_1558 = arith.constant 168 : i32
        %add3A_1559 = arith.addi %add3A_1558, %scan3A_941 : i32
        %get3A_1560 = arith.index_cast %add3A_1559 : i32 to index
        %get3A_1561 = arith.constant 32 : index
        %get3A_1562 = tpu.vector_load %arg14[%get3A_1560, %get3A_1561] {strides = array<i32>} : memref<320x64xf32, #tpu.memory_space<vmem>>, vector<16xf32>,
        %add3A_1563 = arith.addf %add3A_1539, %get3A_1562 : vector<16xf32>
        %add3A_1564 = arith.constant 176 : i32
        %add3A_1565 = arith.addi %add3A_1564, %scan3A_941 : i32
        %get3A_1566 = arith.index_cast %add3A_1565 : i32 to index
        %get3A_1567 = arith.constant 32 : index
        %get3A_1568 = tpu.vector_load %arg14[%get3A_1566, %get3A_1567] {strides = array<i32>} : memref<320x64xf32, #tpu.memory_space<vmem>>, vector<16xf32>,
        %add3A_1569 = arith.addf %add3A_1545, %get3A_1568 : vector<16xf32>
        %add3A_1570 = arith.constant 184 : i32
        %add3A_1571 = arith.addi %add3A_1570, %scan3A_941 : i32
        %get3A_1572 = arith.index_cast %add3A_1571 : i32 to index
        %get3A_1573 = arith.constant 32 : index
        %get3A_1574 = tpu.vector_load %arg14[%get3A_1572, %get3A_1573] {strides = array<i32>} : memref<320x64xf32, #tpu.memory_space<vmem>>, vector<16xf32>,
        %add3A_1575 = arith.addf %add3A_1551, %get3A_1574 : vector<16xf32>
        %add3A_1576 = arith.constant 192 : i32
        %add3A_1577 = arith.addi %add3A_1576, %scan3A_941 : i32
        %get3A_1578 = arith.index_cast %add3A_1577 : i32 to index
        %get3A_1579 = arith.constant 32 : index
        %get3A_1580 = tpu.vector_load %arg14[%get3A_1578, %get3A_1579] {strides = array<i32>} : memref<320x64xf32, #tpu.memory_space<vmem>>, vector<16xf32>,
        %add3A_1581 = arith.addf %add3A_1557, %get3A_1580 : vector<16xf32>
        %add3A_1582 = arith.constant 200 : i32
        %add3A_1583 = arith.addi %add3A_1582, %scan3A_941 : i32
        %get3A_1584 = arith.index_cast %add3A_1583 : i32 to index
        %get3A_1585 = arith.constant 32 : index
        %get3A_1586 = tpu.vector_load %arg14[%get3A_1584, %get3A_1585] {strides = array<i32>} : memref<320x64xf32, #tpu.memory_space<vmem>>, vector<16xf32>,
        %add3A_1587 = arith.addf %add3A_1563, %get3A_1586 : vector<16xf32>
        %add3A_1588 = arith.constant 208 : i32
        %add3A_1589 = arith.addi %add3A_1588, %scan3A_941 : i32
        %get3A_1590 = arith.index_cast %add3A_1589 : i32 to index
        %get3A_1591 = arith.constant 32 : index
        %get3A_1592 = tpu.vector_load %arg14[%get3A_1590, %get3A_1591] {strides = array<i32>} : memref<320x64xf32, #tpu.memory_space<vmem>>, vector<16xf32>,
        %add3A_1593 = arith.addf %add3A_1569, %get3A_1592 : vector<16xf32>
        %add3A_1594 = arith.constant 216 : i32
        %add3A_1595 = arith.addi %add3A_1594, %scan3A_941 : i32
        %get3A_1596 = arith.index_cast %add3A_1595 : i32 to index
        %get3A_1597 = arith.constant 32 : index
        %get3A_1598 = tpu.vector_load %arg14[%get3A_1596, %get3A_1597] {strides = array<i32>} : memref<320x64xf32, #tpu.memory_space<vmem>>, vector<16xf32>,
        %add3A_1599 = arith.addf %add3A_1575, %get3A_1598 : vector<16xf32>
        %add3A_1600 = arith.constant 224 : i32
        %add3A_1601 = arith.addi %add3A_1600, %scan3A_941 : i32
        %get3A_1602 = arith.index_cast %add3A_1601 : i32 to index
        %get3A_1603 = arith.constant 32 : index
        %get3A_1604 = tpu.vector_load %arg14[%get3A_1602, %get3A_1603] {strides = array<i32>} : memref<320x64xf32, #tpu.memory_space<vmem>>, vector<16xf32>,
        %add3A_1605 = arith.addf %add3A_1581, %get3A_1604 : vector<16xf32>
        %add3A_1606 = arith.constant 232 : i32
        %add3A_1607 = arith.addi %add3A_1606, %scan3A_941 : i32
        %get3A_1608 = arith.index_cast %add3A_1607 : i32 to index
        %get3A_1609 = arith.constant 32 : index
        %get3A_1610 = tpu.vector_load %arg14[%get3A_1608, %get3A_1609] {strides = array<i32>} : memref<320x64xf32, #tpu.memory_space<vmem>>, vector<16xf32>,
        %add3A_1611 = arith.addf %add3A_1587, %get3A_1610 : vector<16xf32>
        %add3A_1612 = arith.constant 240 : i32
        %add3A_1613 = arith.addi %add3A_1612, %scan3A_941 : i32
        %get3A_1614 = arith.index_cast %add3A_1613 : i32 to index
        %get3A_1615 = arith.constant 32 : index
        %get3A_1616 = tpu.vector_load %arg14[%get3A_1614, %get3A_1615] {strides = array<i32>} : memref<320x64xf32, #tpu.memory_space<vmem>>, vector<16xf32>,
        %add3A_1617 = arith.addf %add3A_1593, %get3A_1616 : vector<16xf32>
        %add3A_1618 = arith.constant 248 : i32
        %add3A_1619 = arith.addi %add3A_1618, %scan3A_941 : i32
        %get3A_1620 = arith.index_cast %add3A_1619 : i32 to index
        %get3A_1621 = arith.constant 32 : index
        %get3A_1622 = tpu.vector_load %arg14[%get3A_1620, %get3A_1621] {strides = array<i32>} : memref<320x64xf32, #tpu.memory_space<vmem>>, vector<16xf32>,
        %add3A_1623 = arith.addf %add3A_1599, %get3A_1622 : vector<16xf32>
        %add3A_1624 = arith.constant 256 : i32
        %add3A_1625 = arith.addi %add3A_1624, %scan3A_941 : i32
        %get3A_1626 = arith.index_cast %add3A_1625 : i32 to index
        %get3A_1627 = arith.constant 32 : index
        %get3A_1628 = tpu.vector_load %arg14[%get3A_1626, %get3A_1627] {strides = array<i32>} : memref<320x64xf32, #tpu.memory_space<vmem>>, vector<16xf32>,
        %add3A_1629 = arith.addf %add3A_1605, %get3A_1628 : vector<16xf32>
        %add3A_1630 = arith.constant 264 : i32
        %add3A_1631 = arith.addi %add3A_1630, %scan3A_941 : i32
        %get3A_1632 = arith.index_cast %add3A_1631 : i32 to index
        %get3A_1633 = arith.constant 32 : index
        %get3A_1634 = tpu.vector_load %arg14[%get3A_1632, %get3A_1633] {strides = array<i32>} : memref<320x64xf32, #tpu.memory_space<vmem>>, vector<16xf32>,
        %add3A_1635 = arith.addf %add3A_1611, %get3A_1634 : vector<16xf32>
        %add3A_1636 = arith.constant 272 : i32
        %add3A_1637 = arith.addi %add3A_1636, %scan3A_941 : i32
        %get3A_1638 = arith.index_cast %add3A_1637 : i32 to index
        %get3A_1639 = arith.constant 32 : index
        %get3A_1640 = tpu.vector_load %arg14[%get3A_1638, %get3A_1639] {strides = array<i32>} : memref<320x64xf32, #tpu.memory_space<vmem>>, vector<16xf32>,
        %add3A_1641 = arith.addf %add3A_1617, %get3A_1640 : vector<16xf32>
        %add3A_1642 = arith.constant 280 : i32
        %add3A_1643 = arith.addi %add3A_1642, %scan3A_941 : i32
        %get3A_1644 = arith.index_cast %add3A_1643 : i32 to index
        %get3A_1645 = arith.constant 32 : index
        %get3A_1646 = tpu.vector_load %arg14[%get3A_1644, %get3A_1645] {strides = array<i32>} : memref<320x64xf32, #tpu.memory_space<vmem>>, vector<16xf32>,
        %add3A_1647 = arith.addf %add3A_1623, %get3A_1646 : vector<16xf32>
        %add3A_1648 = arith.constant 288 : i32
        %add3A_1649 = arith.addi %add3A_1648, %scan3A_941 : i32
        %get3A_1650 = arith.index_cast %add3A_1649 : i32 to index
        %get3A_1651 = arith.constant 32 : index
        %get3A_1652 = tpu.vector_load %arg14[%get3A_1650, %get3A_1651] {strides = array<i32>} : memref<320x64xf32, #tpu.memory_space<vmem>>, vector<16xf32>,
        %add3A_1653 = arith.addf %add3A_1629, %get3A_1652 : vector<16xf32>
        %add3A_1654 = arith.constant 296 : i32
        %add3A_1655 = arith.addi %add3A_1654, %scan3A_941 : i32
        %get3A_1656 = arith.index_cast %add3A_1655 : i32 to index
        %get3A_1657 = arith.constant 32 : index
        %get3A_1658 = tpu.vector_load %arg14[%get3A_1656, %get3A_1657] {strides = array<i32>} : memref<320x64xf32, #tpu.memory_space<vmem>>, vector<16xf32>,
        %add3A_1659 = arith.addf %add3A_1635, %get3A_1658 : vector<16xf32>
        %add3A_1660 = arith.constant 304 : i32
        %add3A_1661 = arith.addi %add3A_1660, %scan3A_941 : i32
        %get3A_1662 = arith.index_cast %add3A_1661 : i32 to index
        %get3A_1663 = arith.constant 32 : index
        %get3A_1664 = tpu.vector_load %arg14[%get3A_1662, %get3A_1663] {strides = array<i32>} : memref<320x64xf32, #tpu.memory_space<vmem>>, vector<16xf32>,
        %add3A_1665 = arith.addf %add3A_1641, %get3A_1664 : vector<16xf32>
        %add3A_1666 = arith.constant 312 : i32
        %add3A_1667 = arith.addi %add3A_1666, %scan3A_941 : i32
        %get3A_1668 = arith.index_cast %add3A_1667 : i32 to index
        %get3A_1669 = arith.constant 32 : index
        %get3A_1670 = tpu.vector_load %arg14[%get3A_1668, %get3A_1669] {strides = array<i32>} : memref<320x64xf32, #tpu.memory_space<vmem>>, vector<16xf32>,
        %add3A_1671 = arith.addf %add3A_1647, %get3A_1670 : vector<16xf32>
        %add3A_1672 = arith.addf %add3A_1653, %add3A_1659 : vector<16xf32>
        %add3A_1673 = arith.addf %add3A_1665, %add3A_1671 : vector<16xf32>
        %add3A_1674 = arith.addf %add3A_1672, %add3A_1673 : vector<16xf32>
        %mul3A_1675 = vector.broadcast %sub3A_947 : f32 to vector<16xf32>
        %mul3A_1676 = arith.mulf %mul3A_1675, %get3A_1440 : vector<16xf32>
        %sub3A_1677 = arith.subf %add3A_1674, %mul3A_1676 : vector<16xf32>
        %div3A_1678 = vector.broadcast %squeeze3A : f32 to vector<16xf32>
        %div3A_1679 = arith.divf %sub3A_1677, %div3A_1678 : vector<16xf32>
        %swap3A_1680 = arith.index_cast %add3A_942 : i32 to index
        %swap3A_1681 = arith.constant 32 : index
        %swap3A_1682 = tpu.vector_load %arg16[%swap3A_1680, %swap3A_1681] {strides = array<i32>} : memref<256x64xf32, #tpu.memory_space<vmem>>, vector<16xf32>,
        tpu.vector_store %arg16[%swap3A_1680, %swap3A_1681], %div3A_1679 {strides = array<i32>} : memref<256x64xf32, #tpu.memory_space<vmem>>, vector<16xf32>,
        %get3A_1683 = arith.index_cast %scan3A_941 : i32 to index
        %get3A_1684 = arith.constant 48 : index
        %get3A_1685 = tpu.vector_load %arg14[%get3A_1683, %get3A_1684] {strides = array<i32>} : memref<320x64xf32, #tpu.memory_space<vmem>>, vector<16xf32>,
        %add3A_1686 = arith.constant 8 : i32
        %add3A_1687 = arith.addi %add3A_1686, %scan3A_941 : i32
        %get3A_1688 = arith.index_cast %add3A_1687 : i32 to index
        %get3A_1689 = arith.constant 48 : index
        %get3A_1690 = tpu.vector_load %arg14[%get3A_1688, %get3A_1689] {strides = array<i32>} : memref<320x64xf32, #tpu.memory_space<vmem>>, vector<16xf32>,
        %add3A_1691 = arith.constant 16 : i32
        %add3A_1692 = arith.addi %add3A_1691, %scan3A_941 : i32
        %get3A_1693 = arith.index_cast %add3A_1692 : i32 to index
        %get3A_1694 = arith.constant 48 : index
        %get3A_1695 = tpu.vector_load %arg14[%get3A_1693, %get3A_1694] {strides = array<i32>} : memref<320x64xf32, #tpu.memory_space<vmem>>, vector<16xf32>,
        %add3A_1696 = arith.constant 24 : i32
        %add3A_1697 = arith.addi %add3A_1696, %scan3A_941 : i32
        %get3A_1698 = arith.index_cast %add3A_1697 : i32 to index
        %get3A_1699 = arith.constant 48 : index
        %get3A_1700 = tpu.vector_load %arg14[%get3A_1698, %get3A_1699] {strides = array<i32>} : memref<320x64xf32, #tpu.memory_space<vmem>>, vector<16xf32>,
        %add3A_1701 = arith.constant 32 : i32
        %add3A_1702 = arith.addi %add3A_1701, %scan3A_941 : i32
        %get3A_1703 = arith.index_cast %add3A_1702 : i32 to index
        %get3A_1704 = arith.constant 48 : index
        %get3A_1705 = tpu.vector_load %arg14[%get3A_1703, %get3A_1704] {strides = array<i32>} : memref<320x64xf32, #tpu.memory_space<vmem>>, vector<16xf32>,
        %add3A_1706 = arith.addf %get3A_1685, %get3A_1705 : vector<16xf32>
        %add3A_1707 = arith.constant 40 : i32
        %add3A_1708 = arith.addi %add3A_1707, %scan3A_941 : i32
        %get3A_1709 = arith.index_cast %add3A_1708 : i32 to index
        %get3A_1710 = arith.constant 48 : index
        %get3A_1711 = tpu.vector_load %arg14[%get3A_1709, %get3A_1710] {strides = array<i32>} : memref<320x64xf32, #tpu.memory_space<vmem>>, vector<16xf32>,
        %add3A_1712 = arith.addf %get3A_1690, %get3A_1711 : vector<16xf32>
        %add3A_1713 = arith.constant 48 : i32
        %add3A_1714 = arith.addi %add3A_1713, %scan3A_941 : i32
        %get3A_1715 = arith.index_cast %add3A_1714 : i32 to index
        %get3A_1716 = arith.constant 48 : index
        %get3A_1717 = tpu.vector_load %arg14[%get3A_1715, %get3A_1716] {strides = array<i32>} : memref<320x64xf32, #tpu.memory_space<vmem>>, vector<16xf32>,
        %add3A_1718 = arith.addf %get3A_1695, %get3A_1717 : vector<16xf32>
        %add3A_1719 = arith.constant 56 : i32
        %add3A_1720 = arith.addi %add3A_1719, %scan3A_941 : i32
        %get3A_1721 = arith.index_cast %add3A_1720 : i32 to index
        %get3A_1722 = arith.constant 48 : index
        %get3A_1723 = tpu.vector_load %arg14[%get3A_1721, %get3A_1722] {strides = array<i32>} : memref<320x64xf32, #tpu.memory_space<vmem>>, vector<16xf32>,
        %add3A_1724 = arith.addf %get3A_1700, %get3A_1723 : vector<16xf32>
        %add3A_1725 = arith.constant 64 : i32
        %add3A_1726 = arith.addi %add3A_1725, %scan3A_941 : i32
        %get3A_1727 = arith.index_cast %add3A_1726 : i32 to index
        %get3A_1728 = arith.constant 48 : index
        %get3A_1729 = tpu.vector_load %arg14[%get3A_1727, %get3A_1728] {strides = array<i32>} : memref<320x64xf32, #tpu.memory_space<vmem>>, vector<16xf32>,
        %add3A_1730 = arith.addf %add3A_1706, %get3A_1729 : vector<16xf32>
        %add3A_1731 = arith.constant 72 : i32
        %add3A_1732 = arith.addi %add3A_1731, %scan3A_941 : i32
        %get3A_1733 = arith.index_cast %add3A_1732 : i32 to index
        %get3A_1734 = arith.constant 48 : index
        %get3A_1735 = tpu.vector_load %arg14[%get3A_1733, %get3A_1734] {strides = array<i32>} : memref<320x64xf32, #tpu.memory_space<vmem>>, vector<16xf32>,
        %add3A_1736 = arith.addf %add3A_1712, %get3A_1735 : vector<16xf32>
        %add3A_1737 = arith.constant 80 : i32
        %add3A_1738 = arith.addi %add3A_1737, %scan3A_941 : i32
        %get3A_1739 = arith.index_cast %add3A_1738 : i32 to index
        %get3A_1740 = arith.constant 48 : index
        %get3A_1741 = tpu.vector_load %arg14[%get3A_1739, %get3A_1740] {strides = array<i32>} : memref<320x64xf32, #tpu.memory_space<vmem>>, vector<16xf32>,
        %add3A_1742 = arith.addf %add3A_1718, %get3A_1741 : vector<16xf32>
        %add3A_1743 = arith.constant 88 : i32
        %add3A_1744 = arith.addi %add3A_1743, %scan3A_941 : i32
        %get3A_1745 = arith.index_cast %add3A_1744 : i32 to index
        %get3A_1746 = arith.constant 48 : index
        %get3A_1747 = tpu.vector_load %arg14[%get3A_1745, %get3A_1746] {strides = array<i32>} : memref<320x64xf32, #tpu.memory_space<vmem>>, vector<16xf32>,
        %add3A_1748 = arith.addf %add3A_1724, %get3A_1747 : vector<16xf32>
        %add3A_1749 = arith.constant 96 : i32
        %add3A_1750 = arith.addi %add3A_1749, %scan3A_941 : i32
        %get3A_1751 = arith.index_cast %add3A_1750 : i32 to index
        %get3A_1752 = arith.constant 48 : index
        %get3A_1753 = tpu.vector_load %arg14[%get3A_1751, %get3A_1752] {strides = array<i32>} : memref<320x64xf32, #tpu.memory_space<vmem>>, vector<16xf32>,
        %add3A_1754 = arith.addf %add3A_1730, %get3A_1753 : vector<16xf32>
        %add3A_1755 = arith.constant 104 : i32
        %add3A_1756 = arith.addi %add3A_1755, %scan3A_941 : i32
        %get3A_1757 = arith.index_cast %add3A_1756 : i32 to index
        %get3A_1758 = arith.constant 48 : index
        %get3A_1759 = tpu.vector_load %arg14[%get3A_1757, %get3A_1758] {strides = array<i32>} : memref<320x64xf32, #tpu.memory_space<vmem>>, vector<16xf32>,
        %add3A_1760 = arith.addf %add3A_1736, %get3A_1759 : vector<16xf32>
        %add3A_1761 = arith.constant 112 : i32
        %add3A_1762 = arith.addi %add3A_1761, %scan3A_941 : i32
        %get3A_1763 = arith.index_cast %add3A_1762 : i32 to index
        %get3A_1764 = arith.constant 48 : index
        %get3A_1765 = tpu.vector_load %arg14[%get3A_1763, %get3A_1764] {strides = array<i32>} : memref<320x64xf32, #tpu.memory_space<vmem>>, vector<16xf32>,
        %add3A_1766 = arith.addf %add3A_1742, %get3A_1765 : vector<16xf32>
        %add3A_1767 = arith.constant 120 : i32
        %add3A_1768 = arith.addi %add3A_1767, %scan3A_941 : i32
        %get3A_1769 = arith.index_cast %add3A_1768 : i32 to index
        %get3A_1770 = arith.constant 48 : index
        %get3A_1771 = tpu.vector_load %arg14[%get3A_1769, %get3A_1770] {strides = array<i32>} : memref<320x64xf32, #tpu.memory_space<vmem>>, vector<16xf32>,
        %add3A_1772 = arith.addf %add3A_1748, %get3A_1771 : vector<16xf32>
        %add3A_1773 = arith.constant 128 : i32
        %add3A_1774 = arith.addi %add3A_1773, %scan3A_941 : i32
        %get3A_1775 = arith.index_cast %add3A_1774 : i32 to index
        %get3A_1776 = arith.constant 48 : index
        %get3A_1777 = tpu.vector_load %arg14[%get3A_1775, %get3A_1776] {strides = array<i32>} : memref<320x64xf32, #tpu.memory_space<vmem>>, vector<16xf32>,
        %add3A_1778 = arith.addf %add3A_1754, %get3A_1777 : vector<16xf32>
        %add3A_1779 = arith.constant 136 : i32
        %add3A_1780 = arith.addi %add3A_1779, %scan3A_941 : i32
        %get3A_1781 = arith.index_cast %add3A_1780 : i32 to index
        %get3A_1782 = arith.constant 48 : index
        %get3A_1783 = tpu.vector_load %arg14[%get3A_1781, %get3A_1782] {strides = array<i32>} : memref<320x64xf32, #tpu.memory_space<vmem>>, vector<16xf32>,
        %add3A_1784 = arith.addf %add3A_1760, %get3A_1783 : vector<16xf32>
        %add3A_1785 = arith.constant 144 : i32
        %add3A_1786 = arith.addi %add3A_1785, %scan3A_941 : i32
        %get3A_1787 = arith.index_cast %add3A_1786 : i32 to index
        %get3A_1788 = arith.constant 48 : index
        %get3A_1789 = tpu.vector_load %arg14[%get3A_1787, %get3A_1788] {strides = array<i32>} : memref<320x64xf32, #tpu.memory_space<vmem>>, vector<16xf32>,
        %add3A_1790 = arith.addf %add3A_1766, %get3A_1789 : vector<16xf32>
        %add3A_1791 = arith.constant 152 : i32
        %add3A_1792 = arith.addi %add3A_1791, %scan3A_941 : i32
        %get3A_1793 = arith.index_cast %add3A_1792 : i32 to index
        %get3A_1794 = arith.constant 48 : index
        %get3A_1795 = tpu.vector_load %arg14[%get3A_1793, %get3A_1794] {strides = array<i32>} : memref<320x64xf32, #tpu.memory_space<vmem>>, vector<16xf32>,
        %add3A_1796 = arith.addf %add3A_1772, %get3A_1795 : vector<16xf32>
        %add3A_1797 = arith.constant 160 : i32
        %add3A_1798 = arith.addi %add3A_1797, %scan3A_941 : i32
        %get3A_1799 = arith.index_cast %add3A_1798 : i32 to index
        %get3A_1800 = arith.constant 48 : index
        %get3A_1801 = tpu.vector_load %arg14[%get3A_1799, %get3A_1800] {strides = array<i32>} : memref<320x64xf32, #tpu.memory_space<vmem>>, vector<16xf32>,
        %add3A_1802 = arith.addf %add3A_1778, %get3A_1801 : vector<16xf32>
        %add3A_1803 = arith.constant 168 : i32
        %add3A_1804 = arith.addi %add3A_1803, %scan3A_941 : i32
        %get3A_1805 = arith.index_cast %add3A_1804 : i32 to index
        %get3A_1806 = arith.constant 48 : index
        %get3A_1807 = tpu.vector_load %arg14[%get3A_1805, %get3A_1806] {strides = array<i32>} : memref<320x64xf32, #tpu.memory_space<vmem>>, vector<16xf32>,
        %add3A_1808 = arith.addf %add3A_1784, %get3A_1807 : vector<16xf32>
        %add3A_1809 = arith.constant 176 : i32
        %add3A_1810 = arith.addi %add3A_1809, %scan3A_941 : i32
        %get3A_1811 = arith.index_cast %add3A_1810 : i32 to index
        %get3A_1812 = arith.constant 48 : index
        %get3A_1813 = tpu.vector_load %arg14[%get3A_1811, %get3A_1812] {strides = array<i32>} : memref<320x64xf32, #tpu.memory_space<vmem>>, vector<16xf32>,
        %add3A_1814 = arith.addf %add3A_1790, %get3A_1813 : vector<16xf32>
        %add3A_1815 = arith.constant 184 : i32
        %add3A_1816 = arith.addi %add3A_1815, %scan3A_941 : i32
        %get3A_1817 = arith.index_cast %add3A_1816 : i32 to index
        %get3A_1818 = arith.constant 48 : index
        %get3A_1819 = tpu.vector_load %arg14[%get3A_1817, %get3A_1818] {strides = array<i32>} : memref<320x64xf32, #tpu.memory_space<vmem>>, vector<16xf32>,
        %add3A_1820 = arith.addf %add3A_1796, %get3A_1819 : vector<16xf32>
        %add3A_1821 = arith.constant 192 : i32
        %add3A_1822 = arith.addi %add3A_1821, %scan3A_941 : i32
        %get3A_1823 = arith.index_cast %add3A_1822 : i32 to index
        %get3A_1824 = arith.constant 48 : index
        %get3A_1825 = tpu.vector_load %arg14[%get3A_1823, %get3A_1824] {strides = array<i32>} : memref<320x64xf32, #tpu.memory_space<vmem>>, vector<16xf32>,
        %add3A_1826 = arith.addf %add3A_1802, %get3A_1825 : vector<16xf32>
        %add3A_1827 = arith.constant 200 : i32
        %add3A_1828 = arith.addi %add3A_1827, %scan3A_941 : i32
        %get3A_1829 = arith.index_cast %add3A_1828 : i32 to index
        %get3A_1830 = arith.constant 48 : index
        %get3A_1831 = tpu.vector_load %arg14[%get3A_1829, %get3A_1830] {strides = array<i32>} : memref<320x64xf32, #tpu.memory_space<vmem>>, vector<16xf32>,
        %add3A_1832 = arith.addf %add3A_1808, %get3A_1831 : vector<16xf32>
        %add3A_1833 = arith.constant 208 : i32
        %add3A_1834 = arith.addi %add3A_1833, %scan3A_941 : i32
        %get3A_1835 = arith.index_cast %add3A_1834 : i32 to index
        %get3A_1836 = arith.constant 48 : index
        %get3A_1837 = tpu.vector_load %arg14[%get3A_1835, %get3A_1836] {strides = array<i32>} : memref<320x64xf32, #tpu.memory_space<vmem>>, vector<16xf32>,
        %add3A_1838 = arith.addf %add3A_1814, %get3A_1837 : vector<16xf32>
        %add3A_1839 = arith.constant 216 : i32
        %add3A_1840 = arith.addi %add3A_1839, %scan3A_941 : i32
        %get3A_1841 = arith.index_cast %add3A_1840 : i32 to index
        %get3A_1842 = arith.constant 48 : index
        %get3A_1843 = tpu.vector_load %arg14[%get3A_1841, %get3A_1842] {strides = array<i32>} : memref<320x64xf32, #tpu.memory_space<vmem>>, vector<16xf32>,
        %add3A_1844 = arith.addf %add3A_1820, %get3A_1843 : vector<16xf32>
        %add3A_1845 = arith.constant 224 : i32
        %add3A_1846 = arith.addi %add3A_1845, %scan3A_941 : i32
        %get3A_1847 = arith.index_cast %add3A_1846 : i32 to index
        %get3A_1848 = arith.constant 48 : index
        %get3A_1849 = tpu.vector_load %arg14[%get3A_1847, %get3A_1848] {strides = array<i32>} : memref<320x64xf32, #tpu.memory_space<vmem>>, vector<16xf32>,
        %add3A_1850 = arith.addf %add3A_1826, %get3A_1849 : vector<16xf32>
        %add3A_1851 = arith.constant 232 : i32
        %add3A_1852 = arith.addi %add3A_1851, %scan3A_941 : i32
        %get3A_1853 = arith.index_cast %add3A_1852 : i32 to index
        %get3A_1854 = arith.constant 48 : index
        %get3A_1855 = tpu.vector_load %arg14[%get3A_1853, %get3A_1854] {strides = array<i32>} : memref<320x64xf32, #tpu.memory_space<vmem>>, vector<16xf32>,
        %add3A_1856 = arith.addf %add3A_1832, %get3A_1855 : vector<16xf32>
        %add3A_1857 = arith.constant 240 : i32
        %add3A_1858 = arith.addi %add3A_1857, %scan3A_941 : i32
        %get3A_1859 = arith.index_cast %add3A_1858 : i32 to index
        %get3A_1860 = arith.constant 48 : index
        %get3A_1861 = tpu.vector_load %arg14[%get3A_1859, %get3A_1860] {strides = array<i32>} : memref<320x64xf32, #tpu.memory_space<vmem>>, vector<16xf32>,
        %add3A_1862 = arith.addf %add3A_1838, %get3A_1861 : vector<16xf32>
        %add3A_1863 = arith.constant 248 : i32
        %add3A_1864 = arith.addi %add3A_1863, %scan3A_941 : i32
        %get3A_1865 = arith.index_cast %add3A_1864 : i32 to index
        %get3A_1866 = arith.constant 48 : index
        %get3A_1867 = tpu.vector_load %arg14[%get3A_1865, %get3A_1866] {strides = array<i32>} : memref<320x64xf32, #tpu.memory_space<vmem>>, vector<16xf32>,
        %add3A_1868 = arith.addf %add3A_1844, %get3A_1867 : vector<16xf32>
        %add3A_1869 = arith.constant 256 : i32
        %add3A_1870 = arith.addi %add3A_1869, %scan3A_941 : i32
        %get3A_1871 = arith.index_cast %add3A_1870 : i32 to index
        %get3A_1872 = arith.constant 48 : index
        %get3A_1873 = tpu.vector_load %arg14[%get3A_1871, %get3A_1872] {strides = array<i32>} : memref<320x64xf32, #tpu.memory_space<vmem>>, vector<16xf32>,
        %add3A_1874 = arith.addf %add3A_1850, %get3A_1873 : vector<16xf32>
        %add3A_1875 = arith.constant 264 : i32
        %add3A_1876 = arith.addi %add3A_1875, %scan3A_941 : i32
        %get3A_1877 = arith.index_cast %add3A_1876 : i32 to index
        %get3A_1878 = arith.constant 48 : index
        %get3A_1879 = tpu.vector_load %arg14[%get3A_1877, %get3A_1878] {strides = array<i32>} : memref<320x64xf32, #tpu.memory_space<vmem>>, vector<16xf32>,
        %add3A_1880 = arith.addf %add3A_1856, %get3A_1879 : vector<16xf32>
        %add3A_1881 = arith.constant 272 : i32
        %add3A_1882 = arith.addi %add3A_1881, %scan3A_941 : i32
        %get3A_1883 = arith.index_cast %add3A_1882 : i32 to index
        %get3A_1884 = arith.constant 48 : index
        %get3A_1885 = tpu.vector_load %arg14[%get3A_1883, %get3A_1884] {strides = array<i32>} : memref<320x64xf32, #tpu.memory_space<vmem>>, vector<16xf32>,
        %add3A_1886 = arith.addf %add3A_1862, %get3A_1885 : vector<16xf32>
        %add3A_1887 = arith.constant 280 : i32
        %add3A_1888 = arith.addi %add3A_1887, %scan3A_941 : i32
        %get3A_1889 = arith.index_cast %add3A_1888 : i32 to index
        %get3A_1890 = arith.constant 48 : index
        %get3A_1891 = tpu.vector_load %arg14[%get3A_1889, %get3A_1890] {strides = array<i32>} : memref<320x64xf32, #tpu.memory_space<vmem>>, vector<16xf32>,
        %add3A_1892 = arith.addf %add3A_1868, %get3A_1891 : vector<16xf32>
        %add3A_1893 = arith.constant 288 : i32
        %add3A_1894 = arith.addi %add3A_1893, %scan3A_941 : i32
        %get3A_1895 = arith.index_cast %add3A_1894 : i32 to index
        %get3A_1896 = arith.constant 48 : index
        %get3A_1897 = tpu.vector_load %arg14[%get3A_1895, %get3A_1896] {strides = array<i32>} : memref<320x64xf32, #tpu.memory_space<vmem>>, vector<16xf32>,
        %add3A_1898 = arith.addf %add3A_1874, %get3A_1897 : vector<16xf32>
        %add3A_1899 = arith.constant 296 : i32
        %add3A_1900 = arith.addi %add3A_1899, %scan3A_941 : i32
        %get3A_1901 = arith.index_cast %add3A_1900 : i32 to index
        %get3A_1902 = arith.constant 48 : index
        %get3A_1903 = tpu.vector_load %arg14[%get3A_1901, %get3A_1902] {strides = array<i32>} : memref<320x64xf32, #tpu.memory_space<vmem>>, vector<16xf32>,
        %add3A_1904 = arith.addf %add3A_1880, %get3A_1903 : vector<16xf32>
        %add3A_1905 = arith.constant 304 : i32
        %add3A_1906 = arith.addi %add3A_1905, %scan3A_941 : i32
        %get3A_1907 = arith.index_cast %add3A_1906 : i32 to index
        %get3A_1908 = arith.constant 48 : index
        %get3A_1909 = tpu.vector_load %arg14[%get3A_1907, %get3A_1908] {strides = array<i32>} : memref<320x64xf32, #tpu.memory_space<vmem>>, vector<16xf32>,
        %add3A_1910 = arith.addf %add3A_1886, %get3A_1909 : vector<16xf32>
        %add3A_1911 = arith.constant 312 : i32
        %add3A_1912 = arith.addi %add3A_1911, %scan3A_941 : i32
        %get3A_1913 = arith.index_cast %add3A_1912 : i32 to index
        %get3A_1914 = arith.constant 48 : index
        %get3A_1915 = tpu.vector_load %arg14[%get3A_1913, %get3A_1914] {strides = array<i32>} : memref<320x64xf32, #tpu.memory_space<vmem>>, vector<16xf32>,
        %add3A_1916 = arith.addf %add3A_1892, %get3A_1915 : vector<16xf32>
        %add3A_1917 = arith.addf %add3A_1898, %add3A_1904 : vector<16xf32>
        %add3A_1918 = arith.addf %add3A_1910, %add3A_1916 : vector<16xf32>
        %add3A_1919 = arith.addf %add3A_1917, %add3A_1918 : vector<16xf32>
        %mul3A_1920 = vector.broadcast %sub3A_947 : f32 to vector<16xf32>
        %mul3A_1921 = arith.mulf %mul3A_1920, %get3A_1685 : vector<16xf32>
        %sub3A_1922 = arith.subf %add3A_1919, %mul3A_1921 : vector<16xf32>
        %div3A_1923 = vector.broadcast %squeeze3A : f32 to vector<16xf32>
        %div3A_1924 = arith.divf %sub3A_1922, %div3A_1923 : vector<16xf32>
        %swap3A_1925 = arith.index_cast %add3A_942 : i32 to index
        %swap3A_1926 = arith.constant 48 : index
        %swap3A_1927 = tpu.vector_load %arg16[%swap3A_1925, %swap3A_1926] {strides = array<i32>} : memref<256x64xf32, #tpu.memory_space<vmem>>, vector<16xf32>,
        tpu.vector_store %arg16[%swap3A_1925, %swap3A_1926], %div3A_1924 {strides = array<i32>} : memref<256x64xf32, #tpu.memory_space<vmem>>, vector<16xf32>,
      }
      %scan3A_900 = arith.constant 8 : i32
      %add3A_901 = arith.constant 2 : i32
      %add3A_902 = arith.addi %mul3A_657, %add3A_901 : i32
      %lt3A_903 = arith.constant 32 : i32
      %lt3A_904 = arith.cmpi slt, %add3A_902, %lt3A_903 : i32
      %convert_element_type3A_905 = arith.extui %lt3A_904 : i1 to i32
      %cond3A = arith.constant 0 : i32
      %cond3A_906 = arith.cmpi ne, %convert_element_type3A_905, %cond3A : i32
      scf.if %cond3A_906 {
        %add3A_941 = arith.constant 2 : i32
        %add3A_942 = arith.addi %mul3A_657, %add3A_941 : i32
        %mul3A_943 = arith.constant 8 : i32
        %mul3A_944 = arith.muli %add3A_942, %mul3A_943 : i32
        %add3A_945 = vector.broadcast %mul3A_944 : i32 to vector<16xi32>
        %add3A_946 = arith.addi %add3A_945, %select_n3A_413 : vector<16xi32>
        %gather3A_947 = tpu.vector_load_idx %arg10[%add3A_946] : memref<272xi32, #tpu.memory_space<vmem>>[vector<16xi32>], vector<16xi32>,
        %gather3A_948 = tpu.vector_load_idx %arg11[%add3A_946] : memref<272xi32, #tpu.memory_space<vmem>>[vector<16xi32>], vector<16xi32>,
        %add3A_949 = arith.constant 0 : i32
        %add3A_950 = vector.broadcast %add3A_949 : i32 to vector<16xi32>
        %add3A_951 = arith.addi %add3A_950, %select_n3A_442 : vector<16xi32>
        %lt3A_952 = arith.cmpi slt, %add3A_951, %gather3A_948 : vector<16xi32>
        %add3A_953 = arith.addi %gather3A_947, %add3A_951 : vector<16xi32>
        %select_n3A_954 = arith.select %lt3A_952, %add3A_953, %gather3A_947 : vector<16xi1>, vector<16xi32>
        %gather3A_955 = tpu.vector_load_idx %arg7[%add3A_946, %select_n3A_954] : memref<256x200xi32, #tpu.memory_space<vmem>>[vector<16xi32>, vector<16xi32>], vector<16xi32>,
        %swap3A_956 = arith.constant 0 : index
        %swap3A_957 = tpu.vector_load %arg12[%swap3A_956] {strides = array<i32>} : memref<320xi32, #tpu.memory_space<vmem>>, vector<16xi32>,
        tpu.vector_store %arg12[%swap3A_956], %gather3A_955 {strides = array<i32>} : memref<320xi32, #tpu.memory_space<vmem>>, vector<16xi32>,
        %add3A_958 = arith.constant 2 : i32
        %add3A_959 = vector.broadcast %add3A_958 : i32 to vector<16xi32>
        %add3A_960 = arith.addi %add3A_959, %select_n3A_442 : vector<16xi32>
        %lt3A_961 = arith.cmpi slt, %add3A_960, %gather3A_948 : vector<16xi32>
        %add3A_962 = arith.addi %gather3A_947, %add3A_960 : vector<16xi32>
        %select_n3A_963 = arith.select %lt3A_961, %add3A_962, %gather3A_947 : vector<16xi1>, vector<16xi32>
        %gather3A_964 = tpu.vector_load_idx %arg7[%add3A_946, %select_n3A_963] : memref<256x200xi32, #tpu.memory_space<vmem>>[vector<16xi32>, vector<16xi32>], vector<16xi32>,
        %swap3A_965 = arith.constant 16 : index
        %swap3A_966 = tpu.vector_load %arg12[%swap3A_965] {strides = array<i32>} : memref<320xi32, #tpu.memory_space<vmem>>, vector<16xi32>,
        tpu.vector_store %arg12[%swap3A_965], %gather3A_964 {strides = array<i32>} : memref<320xi32, #tpu.memory_space<vmem>>, vector<16xi32>,
        %add3A_967 = arith.constant 4 : i32
        %add3A_968 = vector.broadcast %add3A_967 : i32 to vector<16xi32>
        %add3A_969 = arith.addi %add3A_968, %select_n3A_442 : vector<16xi32>
        %lt3A_970 = arith.cmpi slt, %add3A_969, %gather3A_948 : vector<16xi32>
        %add3A_971 = arith.addi %gather3A_947, %add3A_969 : vector<16xi32>
        %select_n3A_972 = arith.select %lt3A_970, %add3A_971, %gather3A_947 : vector<16xi1>, vector<16xi32>
        %gather3A_973 = tpu.vector_load_idx %arg7[%add3A_946, %select_n3A_972] : memref<256x200xi32, #tpu.memory_space<vmem>>[vector<16xi32>, vector<16xi32>], vector<16xi32>,
        %swap3A_974 = arith.constant 32 : index
        %swap3A_975 = tpu.vector_load %arg12[%swap3A_974] {strides = array<i32>} : memref<320xi32, #tpu.memory_space<vmem>>, vector<16xi32>,
        tpu.vector_store %arg12[%swap3A_974], %gather3A_973 {strides = array<i32>} : memref<320xi32, #tpu.memory_space<vmem>>, vector<16xi32>,
        %add3A_976 = arith.constant 6 : i32
        %add3A_977 = vector.broadcast %add3A_976 : i32 to vector<16xi32>
        %add3A_978 = arith.addi %add3A_977, %select_n3A_442 : vector<16xi32>
        %lt3A_979 = arith.cmpi slt, %add3A_978, %gather3A_948 : vector<16xi32>
        %add3A_980 = arith.addi %gather3A_947, %add3A_978 : vector<16xi32>
        %select_n3A_981 = arith.select %lt3A_979, %add3A_980, %gather3A_947 : vector<16xi1>, vector<16xi32>
        %gather3A_982 = tpu.vector_load_idx %arg7[%add3A_946, %select_n3A_981] : memref<256x200xi32, #tpu.memory_space<vmem>>[vector<16xi32>, vector<16xi32>], vector<16xi32>,
        %swap3A_983 = arith.constant 48 : index
        %swap3A_984 = tpu.vector_load %arg12[%swap3A_983] {strides = array<i32>} : memref<320xi32, #tpu.memory_space<vmem>>, vector<16xi32>,
        tpu.vector_store %arg12[%swap3A_983], %gather3A_982 {strides = array<i32>} : memref<320xi32, #tpu.memory_space<vmem>>, vector<16xi32>,
        %add3A_985 = arith.constant 8 : i32
        %add3A_986 = vector.broadcast %add3A_985 : i32 to vector<16xi32>
        %add3A_987 = arith.addi %add3A_986, %select_n3A_442 : vector<16xi32>
        %lt3A_988 = arith.cmpi slt, %add3A_987, %gather3A_948 : vector<16xi32>
        %add3A_989 = arith.addi %gather3A_947, %add3A_987 : vector<16xi32>
        %select_n3A_990 = arith.select %lt3A_988, %add3A_989, %gather3A_947 : vector<16xi1>, vector<16xi32>
        %gather3A_991 = tpu.vector_load_idx %arg7[%add3A_946, %select_n3A_990] : memref<256x200xi32, #tpu.memory_space<vmem>>[vector<16xi32>, vector<16xi32>], vector<16xi32>,
        %swap3A_992 = arith.constant 64 : index
        %swap3A_993 = tpu.vector_load %arg12[%swap3A_992] {strides = array<i32>} : memref<320xi32, #tpu.memory_space<vmem>>, vector<16xi32>,
        tpu.vector_store %arg12[%swap3A_992], %gather3A_991 {strides = array<i32>} : memref<320xi32, #tpu.memory_space<vmem>>, vector<16xi32>,
        %add3A_994 = arith.constant 10 : i32
        %add3A_995 = vector.broadcast %add3A_994 : i32 to vector<16xi32>
        %add3A_996 = arith.addi %add3A_995, %select_n3A_442 : vector<16xi32>
        %lt3A_997 = arith.cmpi slt, %add3A_996, %gather3A_948 : vector<16xi32>
        %add3A_998 = arith.addi %gather3A_947, %add3A_996 : vector<16xi32>
        %select_n3A_999 = arith.select %lt3A_997, %add3A_998, %gather3A_947 : vector<16xi1>, vector<16xi32>
        %gather3A_1000 = tpu.vector_load_idx %arg7[%add3A_946, %select_n3A_999] : memref<256x200xi32, #tpu.memory_space<vmem>>[vector<16xi32>, vector<16xi32>], vector<16xi32>,
        %swap3A_1001 = arith.constant 80 : index
        %swap3A_1002 = tpu.vector_load %arg12[%swap3A_1001] {strides = array<i32>} : memref<320xi32, #tpu.memory_space<vmem>>, vector<16xi32>,
        tpu.vector_store %arg12[%swap3A_1001], %gather3A_1000 {strides = array<i32>} : memref<320xi32, #tpu.memory_space<vmem>>, vector<16xi32>,
        %add3A_1003 = arith.constant 12 : i32
        %add3A_1004 = vector.broadcast %add3A_1003 : i32 to vector<16xi32>
        %add3A_1005 = arith.addi %add3A_1004, %select_n3A_442 : vector<16xi32>
        %lt3A_1006 = arith.cmpi slt, %add3A_1005, %gather3A_948 : vector<16xi32>
        %add3A_1007 = arith.addi %gather3A_947, %add3A_1005 : vector<16xi32>
        %select_n3A_1008 = arith.select %lt3A_1006, %add3A_1007, %gather3A_947 : vector<16xi1>, vector<16xi32>
        %gather3A_1009 = tpu.vector_load_idx %arg7[%add3A_946, %select_n3A_1008] : memref<256x200xi32, #tpu.memory_space<vmem>>[vector<16xi32>, vector<16xi32>], vector<16xi32>,
        %swap3A_1010 = arith.constant 96 : index
        %swap3A_1011 = tpu.vector_load %arg12[%swap3A_1010] {strides = array<i32>} : memref<320xi32, #tpu.memory_space<vmem>>, vector<16xi32>,
        tpu.vector_store %arg12[%swap3A_1010], %gather3A_1009 {strides = array<i32>} : memref<320xi32, #tpu.memory_space<vmem>>, vector<16xi32>,
        %add3A_1012 = arith.constant 14 : i32
        %add3A_1013 = vector.broadcast %add3A_1012 : i32 to vector<16xi32>
        %add3A_1014 = arith.addi %add3A_1013, %select_n3A_442 : vector<16xi32>
        %lt3A_1015 = arith.cmpi slt, %add3A_1014, %gather3A_948 : vector<16xi32>
        %add3A_1016 = arith.addi %gather3A_947, %add3A_1014 : vector<16xi32>
        %select_n3A_1017 = arith.select %lt3A_1015, %add3A_1016, %gather3A_947 : vector<16xi1>, vector<16xi32>
        %gather3A_1018 = tpu.vector_load_idx %arg7[%add3A_946, %select_n3A_1017] : memref<256x200xi32, #tpu.memory_space<vmem>>[vector<16xi32>, vector<16xi32>], vector<16xi32>,
        %swap3A_1019 = arith.constant 112 : index
        %swap3A_1020 = tpu.vector_load %arg12[%swap3A_1019] {strides = array<i32>} : memref<320xi32, #tpu.memory_space<vmem>>, vector<16xi32>,
        tpu.vector_store %arg12[%swap3A_1019], %gather3A_1018 {strides = array<i32>} : memref<320xi32, #tpu.memory_space<vmem>>, vector<16xi32>,
        %add3A_1021 = arith.constant 16 : i32
        %add3A_1022 = vector.broadcast %add3A_1021 : i32 to vector<16xi32>
        %add3A_1023 = arith.addi %add3A_1022, %select_n3A_442 : vector<16xi32>
        %lt3A_1024 = arith.cmpi slt, %add3A_1023, %gather3A_948 : vector<16xi32>
        %add3A_1025 = arith.addi %gather3A_947, %add3A_1023 : vector<16xi32>
        %select_n3A_1026 = arith.select %lt3A_1024, %add3A_1025, %gather3A_947 : vector<16xi1>, vector<16xi32>
        %gather3A_1027 = tpu.vector_load_idx %arg7[%add3A_946, %select_n3A_1026] : memref<256x200xi32, #tpu.memory_space<vmem>>[vector<16xi32>, vector<16xi32>], vector<16xi32>,
        %swap3A_1028 = arith.constant 128 : index
        %swap3A_1029 = tpu.vector_load %arg12[%swap3A_1028] {strides = array<i32>} : memref<320xi32, #tpu.memory_space<vmem>>, vector<16xi32>,
        tpu.vector_store %arg12[%swap3A_1028], %gather3A_1027 {strides = array<i32>} : memref<320xi32, #tpu.memory_space<vmem>>, vector<16xi32>,
        %add3A_1030 = arith.constant 18 : i32
        %add3A_1031 = vector.broadcast %add3A_1030 : i32 to vector<16xi32>
        %add3A_1032 = arith.addi %add3A_1031, %select_n3A_442 : vector<16xi32>
        %lt3A_1033 = arith.cmpi slt, %add3A_1032, %gather3A_948 : vector<16xi32>
        %add3A_1034 = arith.addi %gather3A_947, %add3A_1032 : vector<16xi32>
        %select_n3A_1035 = arith.select %lt3A_1033, %add3A_1034, %gather3A_947 : vector<16xi1>, vector<16xi32>
        %gather3A_1036 = tpu.vector_load_idx %arg7[%add3A_946, %select_n3A_1035] : memref<256x200xi32, #tpu.memory_space<vmem>>[vector<16xi32>, vector<16xi32>], vector<16xi32>,
        %swap3A_1037 = arith.constant 144 : index
        %swap3A_1038 = tpu.vector_load %arg12[%swap3A_1037] {strides = array<i32>} : memref<320xi32, #tpu.memory_space<vmem>>, vector<16xi32>,
        tpu.vector_store %arg12[%swap3A_1037], %gather3A_1036 {strides = array<i32>} : memref<320xi32, #tpu.memory_space<vmem>>, vector<16xi32>,
        %add3A_1039 = arith.constant 20 : i32
        %add3A_1040 = vector.broadcast %add3A_1039 : i32 to vector<16xi32>
        %add3A_1041 = arith.addi %add3A_1040, %select_n3A_442 : vector<16xi32>
        %lt3A_1042 = arith.cmpi slt, %add3A_1041, %gather3A_948 : vector<16xi32>
        %add3A_1043 = arith.addi %gather3A_947, %add3A_1041 : vector<16xi32>
        %select_n3A_1044 = arith.select %lt3A_1042, %add3A_1043, %gather3A_947 : vector<16xi1>, vector<16xi32>
        %gather3A_1045 = tpu.vector_load_idx %arg7[%add3A_946, %select_n3A_1044] : memref<256x200xi32, #tpu.memory_space<vmem>>[vector<16xi32>, vector<16xi32>], vector<16xi32>,
        %swap3A_1046 = arith.constant 160 : index
        %swap3A_1047 = tpu.vector_load %arg12[%swap3A_1046] {strides = array<i32>} : memref<320xi32, #tpu.memory_space<vmem>>, vector<16xi32>,
        tpu.vector_store %arg12[%swap3A_1046], %gather3A_1045 {strides = array<i32>} : memref<320xi32, #tpu.memory_space<vmem>>, vector<16xi32>,
        %add3A_1048 = arith.constant 22 : i32
        %add3A_1049 = vector.broadcast %add3A_1048 : i32 to vector<16xi32>
        %add3A_1050 = arith.addi %add3A_1049, %select_n3A_442 : vector<16xi32>
        %lt3A_1051 = arith.cmpi slt, %add3A_1050, %gather3A_948 : vector<16xi32>
        %add3A_1052 = arith.addi %gather3A_947, %add3A_1050 : vector<16xi32>
        %select_n3A_1053 = arith.select %lt3A_1051, %add3A_1052, %gather3A_947 : vector<16xi1>, vector<16xi32>
        %gather3A_1054 = tpu.vector_load_idx %arg7[%add3A_946, %select_n3A_1053] : memref<256x200xi32, #tpu.memory_space<vmem>>[vector<16xi32>, vector<16xi32>], vector<16xi32>,
        %swap3A_1055 = arith.constant 176 : index
        %swap3A_1056 = tpu.vector_load %arg12[%swap3A_1055] {strides = array<i32>} : memref<320xi32, #tpu.memory_space<vmem>>, vector<16xi32>,
        tpu.vector_store %arg12[%swap3A_1055], %gather3A_1054 {strides = array<i32>} : memref<320xi32, #tpu.memory_space<vmem>>, vector<16xi32>,
        %add3A_1057 = arith.constant 24 : i32
        %add3A_1058 = vector.broadcast %add3A_1057 : i32 to vector<16xi32>
        %add3A_1059 = arith.addi %add3A_1058, %select_n3A_442 : vector<16xi32>
        %lt3A_1060 = arith.cmpi slt, %add3A_1059, %gather3A_948 : vector<16xi32>
        %add3A_1061 = arith.addi %gather3A_947, %add3A_1059 : vector<16xi32>
        %select_n3A_1062 = arith.select %lt3A_1060, %add3A_1061, %gather3A_947 : vector<16xi1>, vector<16xi32>
        %gather3A_1063 = tpu.vector_load_idx %arg7[%add3A_946, %select_n3A_1062] : memref<256x200xi32, #tpu.memory_space<vmem>>[vector<16xi32>, vector<16xi32>], vector<16xi32>,
        %swap3A_1064 = arith.constant 192 : index
        %swap3A_1065 = tpu.vector_load %arg12[%swap3A_1064] {strides = array<i32>} : memref<320xi32, #tpu.memory_space<vmem>>, vector<16xi32>,
        tpu.vector_store %arg12[%swap3A_1064], %gather3A_1063 {strides = array<i32>} : memref<320xi32, #tpu.memory_space<vmem>>, vector<16xi32>,
        %add3A_1066 = arith.constant 26 : i32
        %add3A_1067 = vector.broadcast %add3A_1066 : i32 to vector<16xi32>
        %add3A_1068 = arith.addi %add3A_1067, %select_n3A_442 : vector<16xi32>
        %lt3A_1069 = arith.cmpi slt, %add3A_1068, %gather3A_948 : vector<16xi32>
        %add3A_1070 = arith.addi %gather3A_947, %add3A_1068 : vector<16xi32>
        %select_n3A_1071 = arith.select %lt3A_1069, %add3A_1070, %gather3A_947 : vector<16xi1>, vector<16xi32>
        %gather3A_1072 = tpu.vector_load_idx %arg7[%add3A_946, %select_n3A_1071] : memref<256x200xi32, #tpu.memory_space<vmem>>[vector<16xi32>, vector<16xi32>], vector<16xi32>,
        %swap3A_1073 = arith.constant 208 : index
        %swap3A_1074 = tpu.vector_load %arg12[%swap3A_1073] {strides = array<i32>} : memref<320xi32, #tpu.memory_space<vmem>>, vector<16xi32>,
        tpu.vector_store %arg12[%swap3A_1073], %gather3A_1072 {strides = array<i32>} : memref<320xi32, #tpu.memory_space<vmem>>, vector<16xi32>,
        %add3A_1075 = arith.constant 28 : i32
        %add3A_1076 = vector.broadcast %add3A_1075 : i32 to vector<16xi32>
        %add3A_1077 = arith.addi %add3A_1076, %select_n3A_442 : vector<16xi32>
        %lt3A_1078 = arith.cmpi slt, %add3A_1077, %gather3A_948 : vector<16xi32>
        %add3A_1079 = arith.addi %gather3A_947, %add3A_1077 : vector<16xi32>
        %select_n3A_1080 = arith.select %lt3A_1078, %add3A_1079, %gather3A_947 : vector<16xi1>, vector<16xi32>
        %gather3A_1081 = tpu.vector_load_idx %arg7[%add3A_946, %select_n3A_1080] : memref<256x200xi32, #tpu.memory_space<vmem>>[vector<16xi32>, vector<16xi32>], vector<16xi32>,
        %swap3A_1082 = arith.constant 224 : index
        %swap3A_1083 = tpu.vector_load %arg12[%swap3A_1082] {strides = array<i32>} : memref<320xi32, #tpu.memory_space<vmem>>, vector<16xi32>,
        tpu.vector_store %arg12[%swap3A_1082], %gather3A_1081 {strides = array<i32>} : memref<320xi32, #tpu.memory_space<vmem>>, vector<16xi32>,
        %add3A_1084 = arith.constant 30 : i32
        %add3A_1085 = vector.broadcast %add3A_1084 : i32 to vector<16xi32>
        %add3A_1086 = arith.addi %add3A_1085, %select_n3A_442 : vector<16xi32>
        %lt3A_1087 = arith.cmpi slt, %add3A_1086, %gather3A_948 : vector<16xi32>
        %add3A_1088 = arith.addi %gather3A_947, %add3A_1086 : vector<16xi32>
        %select_n3A_1089 = arith.select %lt3A_1087, %add3A_1088, %gather3A_947 : vector<16xi1>, vector<16xi32>
        %gather3A_1090 = tpu.vector_load_idx %arg7[%add3A_946, %select_n3A_1089] : memref<256x200xi32, #tpu.memory_space<vmem>>[vector<16xi32>, vector<16xi32>], vector<16xi32>,
        %swap3A_1091 = arith.constant 240 : index
        %swap3A_1092 = tpu.vector_load %arg12[%swap3A_1091] {strides = array<i32>} : memref<320xi32, #tpu.memory_space<vmem>>, vector<16xi32>,
        tpu.vector_store %arg12[%swap3A_1091], %gather3A_1090 {strides = array<i32>} : memref<320xi32, #tpu.memory_space<vmem>>, vector<16xi32>,
        %add3A_1093 = arith.constant 32 : i32
        %add3A_1094 = vector.broadcast %add3A_1093 : i32 to vector<16xi32>
        %add3A_1095 = arith.addi %add3A_1094, %select_n3A_442 : vector<16xi32>
        %lt3A_1096 = arith.cmpi slt, %add3A_1095, %gather3A_948 : vector<16xi32>
        %add3A_1097 = arith.addi %gather3A_947, %add3A_1095 : vector<16xi32>
        %select_n3A_1098 = arith.select %lt3A_1096, %add3A_1097, %gather3A_947 : vector<16xi1>, vector<16xi32>
        %gather3A_1099 = tpu.vector_load_idx %arg7[%add3A_946, %select_n3A_1098] : memref<256x200xi32, #tpu.memory_space<vmem>>[vector<16xi32>, vector<16xi32>], vector<16xi32>,
        %swap3A_1100 = arith.constant 256 : index
        %swap3A_1101 = tpu.vector_load %arg12[%swap3A_1100] {strides = array<i32>} : memref<320xi32, #tpu.memory_space<vmem>>, vector<16xi32>,
        tpu.vector_store %arg12[%swap3A_1100], %gather3A_1099 {strides = array<i32>} : memref<320xi32, #tpu.memory_space<vmem>>, vector<16xi32>,
        %add3A_1102 = arith.constant 34 : i32
        %add3A_1103 = vector.broadcast %add3A_1102 : i32 to vector<16xi32>
        %add3A_1104 = arith.addi %add3A_1103, %select_n3A_442 : vector<16xi32>
        %lt3A_1105 = arith.cmpi slt, %add3A_1104, %gather3A_948 : vector<16xi32>
        %add3A_1106 = arith.addi %gather3A_947, %add3A_1104 : vector<16xi32>
        %select_n3A_1107 = arith.select %lt3A_1105, %add3A_1106, %gather3A_947 : vector<16xi1>, vector<16xi32>
        %gather3A_1108 = tpu.vector_load_idx %arg7[%add3A_946, %select_n3A_1107] : memref<256x200xi32, #tpu.memory_space<vmem>>[vector<16xi32>, vector<16xi32>], vector<16xi32>,
        %swap3A_1109 = arith.constant 272 : index
        %swap3A_1110 = tpu.vector_load %arg12[%swap3A_1109] {strides = array<i32>} : memref<320xi32, #tpu.memory_space<vmem>>, vector<16xi32>,
        tpu.vector_store %arg12[%swap3A_1109], %gather3A_1108 {strides = array<i32>} : memref<320xi32, #tpu.memory_space<vmem>>, vector<16xi32>,
        %add3A_1111 = arith.constant 36 : i32
        %add3A_1112 = vector.broadcast %add3A_1111 : i32 to vector<16xi32>
        %add3A_1113 = arith.addi %add3A_1112, %select_n3A_442 : vector<16xi32>
        %lt3A_1114 = arith.cmpi slt, %add3A_1113, %gather3A_948 : vector<16xi32>
        %add3A_1115 = arith.addi %gather3A_947, %add3A_1113 : vector<16xi32>
        %select_n3A_1116 = arith.select %lt3A_1114, %add3A_1115, %gather3A_947 : vector<16xi1>, vector<16xi32>
        %gather3A_1117 = tpu.vector_load_idx %arg7[%add3A_946, %select_n3A_1116] : memref<256x200xi32, #tpu.memory_space<vmem>>[vector<16xi32>, vector<16xi32>], vector<16xi32>,
        %swap3A_1118 = arith.constant 288 : index
        %swap3A_1119 = tpu.vector_load %arg12[%swap3A_1118] {strides = array<i32>} : memref<320xi32, #tpu.memory_space<vmem>>, vector<16xi32>,
        tpu.vector_store %arg12[%swap3A_1118], %gather3A_1117 {strides = array<i32>} : memref<320xi32, #tpu.memory_space<vmem>>, vector<16xi32>,
        %add3A_1120 = arith.constant 38 : i32
        %add3A_1121 = vector.broadcast %add3A_1120 : i32 to vector<16xi32>
        %add3A_1122 = arith.addi %add3A_1121, %select_n3A_442 : vector<16xi32>
        %lt3A_1123 = arith.cmpi slt, %add3A_1122, %gather3A_948 : vector<16xi32>
        %add3A_1124 = arith.addi %gather3A_947, %add3A_1122 : vector<16xi32>
        %select_n3A_1125 = arith.select %lt3A_1123, %add3A_1124, %gather3A_947 : vector<16xi1>, vector<16xi32>
        %gather3A_1126 = tpu.vector_load_idx %arg7[%add3A_946, %select_n3A_1125] : memref<256x200xi32, #tpu.memory_space<vmem>>[vector<16xi32>, vector<16xi32>], vector<16xi32>,
        %swap3A_1127 = arith.constant 304 : index
        %swap3A_1128 = tpu.vector_load %arg12[%swap3A_1127] {strides = array<i32>} : memref<320xi32, #tpu.memory_space<vmem>>, vector<16xi32>,
        tpu.vector_store %arg12[%swap3A_1127], %gather3A_1126 {strides = array<i32>} : memref<320xi32, #tpu.memory_space<vmem>>, vector<16xi32>,
        %dma_start3A_1129 = arith.constant 0 : i32
        %dma_start3A_1130 = arith.constant 0 : i32
        %dma_start3A_1131 = tpu.memref_slice %arg14[%dma_start3A_1129, %dma_start3A_1130] : memref<320x64xf32, #tpu.memory_space<vmem>> -> memref<128x64xf32, #tpu.memory_space<vmem>>
        %dma_start3A_1132 = arith.constant 0 : i32
        %dma_start3A_1133 = tpu.memref_slice %arg12[%dma_start3A_1132] : memref<320xi32, #tpu.memory_space<vmem>> -> memref<128xi32, #tpu.memory_space<vmem>>
        %dma_start3A_1134 = arith.constant 0 : i32
        %dma_start3A_1135 = arith.constant 0 : i32
        %dma_start3A_1136 = tpu.memref_slice %arg5[%dma_start3A_1134, %dma_start3A_1135] : memref<100000x64xf32, #tpu.memory_space<hbm>> -> memref<100000x64xf32, #tpu.memory_space<hbm>>
        tpu.enqueue_indirect_dma source(%dma_start3A_1136 : memref<100000x64xf32, #tpu.memory_space<hbm>>) target(%dma_start3A_1131 : memref<128x64xf32, #tpu.memory_space<vmem>>) offsets(%dma_start3A_1133 : memref<128xi32, #tpu.memory_space<vmem>>) semaphore(%arg17 : memref<!tpu.dma_semaphore, #tpu.memory_space<semaphore_mem>>)
        %dma_start3A_1137 = arith.constant 128 : i32
        %dma_start3A_1138 = arith.constant 0 : i32
        %dma_start3A_1139 = tpu.memref_slice %arg14[%dma_start3A_1137, %dma_start3A_1138] : memref<320x64xf32, #tpu.memory_space<vmem>> -> memref<128x64xf32, #tpu.memory_space<vmem>>
        %dma_start3A_1140 = arith.constant 128 : i32
        %dma_start3A_1141 = tpu.memref_slice %arg12[%dma_start3A_1140] : memref<320xi32, #tpu.memory_space<vmem>> -> memref<128xi32, #tpu.memory_space<vmem>>
        %dma_start3A_1142 = arith.constant 0 : i32
        %dma_start3A_1143 = arith.constant 0 : i32
        %dma_start3A_1144 = tpu.memref_slice %arg5[%dma_start3A_1142, %dma_start3A_1143] : memref<100000x64xf32, #tpu.memory_space<hbm>> -> memref<100000x64xf32, #tpu.memory_space<hbm>>
        tpu.enqueue_indirect_dma source(%dma_start3A_1144 : memref<100000x64xf32, #tpu.memory_space<hbm>>) target(%dma_start3A_1139 : memref<128x64xf32, #tpu.memory_space<vmem>>) offsets(%dma_start3A_1141 : memref<128xi32, #tpu.memory_space<vmem>>) semaphore(%arg17 : memref<!tpu.dma_semaphore, #tpu.memory_space<semaphore_mem>>)
        %dma_start3A_1145 = arith.constant 256 : i32
        %dma_start3A_1146 = arith.constant 0 : i32
        %dma_start3A_1147 = tpu.memref_slice %arg14[%dma_start3A_1145, %dma_start3A_1146] : memref<320x64xf32, #tpu.memory_space<vmem>> -> memref<64x64xf32, #tpu.memory_space<vmem>>
        %dma_start3A_1148 = arith.constant 256 : i32
        %dma_start3A_1149 = tpu.memref_slice %arg12[%dma_start3A_1148] : memref<320xi32, #tpu.memory_space<vmem>> -> memref<64xi32, #tpu.memory_space<vmem>>
        %dma_start3A_1150 = arith.constant 0 : i32
        %dma_start3A_1151 = arith.constant 0 : i32
        %dma_start3A_1152 = tpu.memref_slice %arg5[%dma_start3A_1150, %dma_start3A_1151] : memref<100000x64xf32, #tpu.memory_space<hbm>> -> memref<100000x64xf32, #tpu.memory_space<hbm>>
        tpu.enqueue_indirect_dma source(%dma_start3A_1152 : memref<100000x64xf32, #tpu.memory_space<hbm>>) target(%dma_start3A_1147 : memref<64x64xf32, #tpu.memory_space<vmem>>) offsets(%dma_start3A_1149 : memref<64xi32, #tpu.memory_space<vmem>>) semaphore(%arg17 : memref<!tpu.dma_semaphore, #tpu.memory_space<semaphore_mem>>)
      } else {
      }
      %dma_wait3A_907 = arith.constant 0 : i32
      %dma_wait3A_908 = arith.constant 0 : i32
      %dma_wait3A_909 = tpu.memref_slice %arg15[%dma_wait3A_907, %dma_wait3A_908] : memref<320x64xf32, #tpu.memory_space<vmem>> -> memref<128x64xf32, #tpu.memory_space<vmem>>
      %dma_wait3A_910 = arith.constant 0 : i32
      %dma_wait3A_911 = tpu.memref_slice %arg13[%dma_wait3A_910] : memref<320xi32, #tpu.memory_space<vmem>> -> memref<128xi32, #tpu.memory_space<vmem>>
      %dma_wait3A_912 = arith.constant 0 : i32
      %dma_wait3A_913 = arith.constant 0 : i32
      %dma_wait3A_914 = tpu.memref_slice %arg5[%dma_wait3A_912, %dma_wait3A_913] : memref<100000x64xf32, #tpu.memory_space<hbm>> -> memref<100000x64xf32, #tpu.memory_space<hbm>>
      tpu.wait_indirect_dma semaphore(%arg18 : memref<!tpu.dma_semaphore, #tpu.memory_space<semaphore_mem>>) src(%dma_wait3A_914 : memref<100000x64xf32, #tpu.memory_space<hbm>>) dst(%dma_wait3A_909 : memref<128x64xf32, #tpu.memory_space<vmem>>)
      %dma_wait3A_915 = arith.constant 128 : i32
      %dma_wait3A_916 = arith.constant 0 : i32
      %dma_wait3A_917 = tpu.memref_slice %arg15[%dma_wait3A_915, %dma_wait3A_916] : memref<320x64xf32, #tpu.memory_space<vmem>> -> memref<128x64xf32, #tpu.memory_space<vmem>>
      %dma_wait3A_918 = arith.constant 128 : i32
      %dma_wait3A_919 = tpu.memref_slice %arg13[%dma_wait3A_918] : memref<320xi32, #tpu.memory_space<vmem>> -> memref<128xi32, #tpu.memory_space<vmem>>
      %dma_wait3A_920 = arith.constant 0 : i32
      %dma_wait3A_921 = arith.constant 0 : i32
      %dma_wait3A_922 = tpu.memref_slice %arg5[%dma_wait3A_920, %dma_wait3A_921] : memref<100000x64xf32, #tpu.memory_space<hbm>> -> memref<100000x64xf32, #tpu.memory_space<hbm>>
      tpu.wait_indirect_dma semaphore(%arg18 : memref<!tpu.dma_semaphore, #tpu.memory_space<semaphore_mem>>) src(%dma_wait3A_922 : memref<100000x64xf32, #tpu.memory_space<hbm>>) dst(%dma_wait3A_917 : memref<128x64xf32, #tpu.memory_space<vmem>>)
      %dma_wait3A_923 = arith.constant 256 : i32
      %dma_wait3A_924 = arith.constant 0 : i32
      %dma_wait3A_925 = tpu.memref_slice %arg15[%dma_wait3A_923, %dma_wait3A_924] : memref<320x64xf32, #tpu.memory_space<vmem>> -> memref<64x64xf32, #tpu.memory_space<vmem>>
      %dma_wait3A_926 = arith.constant 256 : i32
      %dma_wait3A_927 = tpu.memref_slice %arg13[%dma_wait3A_926] : memref<320xi32, #tpu.memory_space<vmem>> -> memref<64xi32, #tpu.memory_space<vmem>>
      %dma_wait3A_928 = arith.constant 0 : i32
      %dma_wait3A_929 = arith.constant 0 : i32
      %dma_wait3A_930 = tpu.memref_slice %arg5[%dma_wait3A_928, %dma_wait3A_929] : memref<100000x64xf32, #tpu.memory_space<hbm>> -> memref<100000x64xf32, #tpu.memory_space<hbm>>
      tpu.wait_indirect_dma semaphore(%arg18 : memref<!tpu.dma_semaphore, #tpu.memory_space<semaphore_mem>>) src(%dma_wait3A_930 : memref<100000x64xf32, #tpu.memory_space<hbm>>) dst(%dma_wait3A_925 : memref<64x64xf32, #tpu.memory_space<vmem>>)
      %add3A_931 = arith.constant 1 : i32
      %add3A_932 = arith.addi %mul3A_657, %add3A_931 : i32
      %mul3A_933 = arith.constant 8 : i32
      %mul3A_934 = arith.muli %add3A_932, %mul3A_933 : i32
      %scan3A_935 = arith.constant 0 : i32
      %scan3A_936 = arith.constant 0 : i32
      %scan3A_937 = arith.constant 8 : i32
      %scan3A_938 = arith.addi %scan3A_936, %scan3A_937 : i32
      %scan3A_939 = arith.constant 1 : i32
      scf.for %scan3A_941 = %scan3A_936 to %scan3A_938 step %scan3A_939  : i32 {
        %add3A_942 = arith.addi %mul3A_934, %scan3A_941 : i32
        %get3A_943 = arith.index_cast %add3A_942 : i32 to index
        %get3A_944 = tpu.vector_load %arg11[%get3A_943] {strides = array<i32>} : memref<272xi32, #tpu.memory_space<vmem>>, vector<16xi32>,
        %convert_element_type3A_945 = arith.sitofp %get3A_944 : vector<16xi32> to vector<16xf32>
        %slice3A = vector.extract_strided_slice %convert_element_type3A_945 {offsets = [0], sizes = [1], strides = [1]} : vector<16xf32> to vector<1xf32>
        %squeeze3A = vector.extract %slice3A[0] : f32 from vector<1xf32>
        %sub3A_946 = arith.constant 4.000000e+01 : f32
        %sub3A_947 = arith.subf %sub3A_946, %squeeze3A : f32
        %get3A_948 = arith.index_cast %scan3A_941 : i32 to index
        %get3A_949 = arith.constant 0 : index
        %get3A_950 = tpu.vector_load %arg15[%get3A_948, %get3A_949] {strides = array<i32>} : memref<320x64xf32, #tpu.memory_space<vmem>>, vector<16xf32>,
        %add3A_951 = arith.constant 8 : i32
        %add3A_952 = arith.addi %add3A_951, %scan3A_941 : i32
        %get3A_953 = arith.index_cast %add3A_952 : i32 to index
        %get3A_954 = arith.constant 0 : index
        %get3A_955 = tpu.vector_load %arg15[%get3A_953, %get3A_954] {strides = array<i32>} : memref<320x64xf32, #tpu.memory_space<vmem>>, vector<16xf32>,
        %add3A_956 = arith.constant 16 : i32
        %add3A_957 = arith.addi %add3A_956, %scan3A_941 : i32
        %get3A_958 = arith.index_cast %add3A_957 : i32 to index
        %get3A_959 = arith.constant 0 : index
        %get3A_960 = tpu.vector_load %arg15[%get3A_958, %get3A_959] {strides = array<i32>} : memref<320x64xf32, #tpu.memory_space<vmem>>, vector<16xf32>,
        %add3A_961 = arith.constant 24 : i32
        %add3A_962 = arith.addi %add3A_961, %scan3A_941 : i32
        %get3A_963 = arith.index_cast %add3A_962 : i32 to index
        %get3A_964 = arith.constant 0 : index
        %get3A_965 = tpu.vector_load %arg15[%get3A_963, %get3A_964] {strides = array<i32>} : memref<320x64xf32, #tpu.memory_space<vmem>>, vector<16xf32>,
        %add3A_966 = arith.constant 32 : i32
        %add3A_967 = arith.addi %add3A_966, %scan3A_941 : i32
        %get3A_968 = arith.index_cast %add3A_967 : i32 to index
        %get3A_969 = arith.constant 0 : index
        %get3A_970 = tpu.vector_load %arg15[%get3A_968, %get3A_969] {strides = array<i32>} : memref<320x64xf32, #tpu.memory_space<vmem>>, vector<16xf32>,
        %add3A_971 = arith.addf %get3A_950, %get3A_970 : vector<16xf32>
        %add3A_972 = arith.constant 40 : i32
        %add3A_973 = arith.addi %add3A_972, %scan3A_941 : i32
        %get3A_974 = arith.index_cast %add3A_973 : i32 to index
        %get3A_975 = arith.constant 0 : index
        %get3A_976 = tpu.vector_load %arg15[%get3A_974, %get3A_975] {strides = array<i32>} : memref<320x64xf32, #tpu.memory_space<vmem>>, vector<16xf32>,
        %add3A_977 = arith.addf %get3A_955, %get3A_976 : vector<16xf32>
        %add3A_978 = arith.constant 48 : i32
        %add3A_979 = arith.addi %add3A_978, %scan3A_941 : i32
        %get3A_980 = arith.index_cast %add3A_979 : i32 to index
        %get3A_981 = arith.constant 0 : index
        %get3A_982 = tpu.vector_load %arg15[%get3A_980, %get3A_981] {strides = array<i32>} : memref<320x64xf32, #tpu.memory_space<vmem>>, vector<16xf32>,
        %add3A_983 = arith.addf %get3A_960, %get3A_982 : vector<16xf32>
        %add3A_984 = arith.constant 56 : i32
        %add3A_985 = arith.addi %add3A_984, %scan3A_941 : i32
        %get3A_986 = arith.index_cast %add3A_985 : i32 to index
        %get3A_987 = arith.constant 0 : index
        %get3A_988 = tpu.vector_load %arg15[%get3A_986, %get3A_987] {strides = array<i32>} : memref<320x64xf32, #tpu.memory_space<vmem>>, vector<16xf32>,
        %add3A_989 = arith.addf %get3A_965, %get3A_988 : vector<16xf32>
        %add3A_990 = arith.constant 64 : i32
        %add3A_991 = arith.addi %add3A_990, %scan3A_941 : i32
        %get3A_992 = arith.index_cast %add3A_991 : i32 to index
        %get3A_993 = arith.constant 0 : index
        %get3A_994 = tpu.vector_load %arg15[%get3A_992, %get3A_993] {strides = array<i32>} : memref<320x64xf32, #tpu.memory_space<vmem>>, vector<16xf32>,
        %add3A_995 = arith.addf %add3A_971, %get3A_994 : vector<16xf32>
        %add3A_996 = arith.constant 72 : i32
        %add3A_997 = arith.addi %add3A_996, %scan3A_941 : i32
        %get3A_998 = arith.index_cast %add3A_997 : i32 to index
        %get3A_999 = arith.constant 0 : index
        %get3A_1000 = tpu.vector_load %arg15[%get3A_998, %get3A_999] {strides = array<i32>} : memref<320x64xf32, #tpu.memory_space<vmem>>, vector<16xf32>,
        %add3A_1001 = arith.addf %add3A_977, %get3A_1000 : vector<16xf32>
        %add3A_1002 = arith.constant 80 : i32
        %add3A_1003 = arith.addi %add3A_1002, %scan3A_941 : i32
        %get3A_1004 = arith.index_cast %add3A_1003 : i32 to index
        %get3A_1005 = arith.constant 0 : index
        %get3A_1006 = tpu.vector_load %arg15[%get3A_1004, %get3A_1005] {strides = array<i32>} : memref<320x64xf32, #tpu.memory_space<vmem>>, vector<16xf32>,
        %add3A_1007 = arith.addf %add3A_983, %get3A_1006 : vector<16xf32>
        %add3A_1008 = arith.constant 88 : i32
        %add3A_1009 = arith.addi %add3A_1008, %scan3A_941 : i32
        %get3A_1010 = arith.index_cast %add3A_1009 : i32 to index
        %get3A_1011 = arith.constant 0 : index
        %get3A_1012 = tpu.vector_load %arg15[%get3A_1010, %get3A_1011] {strides = array<i32>} : memref<320x64xf32, #tpu.memory_space<vmem>>, vector<16xf32>,
        %add3A_1013 = arith.addf %add3A_989, %get3A_1012 : vector<16xf32>
        %add3A_1014 = arith.constant 96 : i32
        %add3A_1015 = arith.addi %add3A_1014, %scan3A_941 : i32
        %get3A_1016 = arith.index_cast %add3A_1015 : i32 to index
        %get3A_1017 = arith.constant 0 : index
        %get3A_1018 = tpu.vector_load %arg15[%get3A_1016, %get3A_1017] {strides = array<i32>} : memref<320x64xf32, #tpu.memory_space<vmem>>, vector<16xf32>,
        %add3A_1019 = arith.addf %add3A_995, %get3A_1018 : vector<16xf32>
        %add3A_1020 = arith.constant 104 : i32
        %add3A_1021 = arith.addi %add3A_1020, %scan3A_941 : i32
        %get3A_1022 = arith.index_cast %add3A_1021 : i32 to index
        %get3A_1023 = arith.constant 0 : index
        %get3A_1024 = tpu.vector_load %arg15[%get3A_1022, %get3A_1023] {strides = array<i32>} : memref<320x64xf32, #tpu.memory_space<vmem>>, vector<16xf32>,
        %add3A_1025 = arith.addf %add3A_1001, %get3A_1024 : vector<16xf32>
        %add3A_1026 = arith.constant 112 : i32
        %add3A_1027 = arith.addi %add3A_1026, %scan3A_941 : i32
        %get3A_1028 = arith.index_cast %add3A_1027 : i32 to index
        %get3A_1029 = arith.constant 0 : index
        %get3A_1030 = tpu.vector_load %arg15[%get3A_1028, %get3A_1029] {strides = array<i32>} : memref<320x64xf32, #tpu.memory_space<vmem>>, vector<16xf32>,
        %add3A_1031 = arith.addf %add3A_1007, %get3A_1030 : vector<16xf32>
        %add3A_1032 = arith.constant 120 : i32
        %add3A_1033 = arith.addi %add3A_1032, %scan3A_941 : i32
        %get3A_1034 = arith.index_cast %add3A_1033 : i32 to index
        %get3A_1035 = arith.constant 0 : index
        %get3A_1036 = tpu.vector_load %arg15[%get3A_1034, %get3A_1035] {strides = array<i32>} : memref<320x64xf32, #tpu.memory_space<vmem>>, vector<16xf32>,
        %add3A_1037 = arith.addf %add3A_1013, %get3A_1036 : vector<16xf32>
        %add3A_1038 = arith.constant 128 : i32
        %add3A_1039 = arith.addi %add3A_1038, %scan3A_941 : i32
        %get3A_1040 = arith.index_cast %add3A_1039 : i32 to index
        %get3A_1041 = arith.constant 0 : index
        %get3A_1042 = tpu.vector_load %arg15[%get3A_1040, %get3A_1041] {strides = array<i32>} : memref<320x64xf32, #tpu.memory_space<vmem>>, vector<16xf32>,
        %add3A_1043 = arith.addf %add3A_1019, %get3A_1042 : vector<16xf32>
        %add3A_1044 = arith.constant 136 : i32
        %add3A_1045 = arith.addi %add3A_1044, %scan3A_941 : i32
        %get3A_1046 = arith.index_cast %add3A_1045 : i32 to index
        %get3A_1047 = arith.constant 0 : index
        %get3A_1048 = tpu.vector_load %arg15[%get3A_1046, %get3A_1047] {strides = array<i32>} : memref<320x64xf32, #tpu.memory_space<vmem>>, vector<16xf32>,
        %add3A_1049 = arith.addf %add3A_1025, %get3A_1048 : vector<16xf32>
        %add3A_1050 = arith.constant 144 : i32
        %add3A_1051 = arith.addi %add3A_1050, %scan3A_941 : i32
        %get3A_1052 = arith.index_cast %add3A_1051 : i32 to index
        %get3A_1053 = arith.constant 0 : index
        %get3A_1054 = tpu.vector_load %arg15[%get3A_1052, %get3A_1053] {strides = array<i32>} : memref<320x64xf32, #tpu.memory_space<vmem>>, vector<16xf32>,
        %add3A_1055 = arith.addf %add3A_1031, %get3A_1054 : vector<16xf32>
        %add3A_1056 = arith.constant 152 : i32
        %add3A_1057 = arith.addi %add3A_1056, %scan3A_941 : i32
        %get3A_1058 = arith.index_cast %add3A_1057 : i32 to index
        %get3A_1059 = arith.constant 0 : index
        %get3A_1060 = tpu.vector_load %arg15[%get3A_1058, %get3A_1059] {strides = array<i32>} : memref<320x64xf32, #tpu.memory_space<vmem>>, vector<16xf32>,
        %add3A_1061 = arith.addf %add3A_1037, %get3A_1060 : vector<16xf32>
        %add3A_1062 = arith.constant 160 : i32
        %add3A_1063 = arith.addi %add3A_1062, %scan3A_941 : i32
        %get3A_1064 = arith.index_cast %add3A_1063 : i32 to index
        %get3A_1065 = arith.constant 0 : index
        %get3A_1066 = tpu.vector_load %arg15[%get3A_1064, %get3A_1065] {strides = array<i32>} : memref<320x64xf32, #tpu.memory_space<vmem>>, vector<16xf32>,
        %add3A_1067 = arith.addf %add3A_1043, %get3A_1066 : vector<16xf32>
        %add3A_1068 = arith.constant 168 : i32
        %add3A_1069 = arith.addi %add3A_1068, %scan3A_941 : i32
        %get3A_1070 = arith.index_cast %add3A_1069 : i32 to index
        %get3A_1071 = arith.constant 0 : index
        %get3A_1072 = tpu.vector_load %arg15[%get3A_1070, %get3A_1071] {strides = array<i32>} : memref<320x64xf32, #tpu.memory_space<vmem>>, vector<16xf32>,
        %add3A_1073 = arith.addf %add3A_1049, %get3A_1072 : vector<16xf32>
        %add3A_1074 = arith.constant 176 : i32
        %add3A_1075 = arith.addi %add3A_1074, %scan3A_941 : i32
        %get3A_1076 = arith.index_cast %add3A_1075 : i32 to index
        %get3A_1077 = arith.constant 0 : index
        %get3A_1078 = tpu.vector_load %arg15[%get3A_1076, %get3A_1077] {strides = array<i32>} : memref<320x64xf32, #tpu.memory_space<vmem>>, vector<16xf32>,
        %add3A_1079 = arith.addf %add3A_1055, %get3A_1078 : vector<16xf32>
        %add3A_1080 = arith.constant 184 : i32
        %add3A_1081 = arith.addi %add3A_1080, %scan3A_941 : i32
        %get3A_1082 = arith.index_cast %add3A_1081 : i32 to index
        %get3A_1083 = arith.constant 0 : index
        %get3A_1084 = tpu.vector_load %arg15[%get3A_1082, %get3A_1083] {strides = array<i32>} : memref<320x64xf32, #tpu.memory_space<vmem>>, vector<16xf32>,
        %add3A_1085 = arith.addf %add3A_1061, %get3A_1084 : vector<16xf32>
        %add3A_1086 = arith.constant 192 : i32
        %add3A_1087 = arith.addi %add3A_1086, %scan3A_941 : i32
        %get3A_1088 = arith.index_cast %add3A_1087 : i32 to index
        %get3A_1089 = arith.constant 0 : index
        %get3A_1090 = tpu.vector_load %arg15[%get3A_1088, %get3A_1089] {strides = array<i32>} : memref<320x64xf32, #tpu.memory_space<vmem>>, vector<16xf32>,
        %add3A_1091 = arith.addf %add3A_1067, %get3A_1090 : vector<16xf32>
        %add3A_1092 = arith.constant 200 : i32
        %add3A_1093 = arith.addi %add3A_1092, %scan3A_941 : i32
        %get3A_1094 = arith.index_cast %add3A_1093 : i32 to index
        %get3A_1095 = arith.constant 0 : index
        %get3A_1096 = tpu.vector_load %arg15[%get3A_1094, %get3A_1095] {strides = array<i32>} : memref<320x64xf32, #tpu.memory_space<vmem>>, vector<16xf32>,
        %add3A_1097 = arith.addf %add3A_1073, %get3A_1096 : vector<16xf32>
        %add3A_1098 = arith.constant 208 : i32
        %add3A_1099 = arith.addi %add3A_1098, %scan3A_941 : i32
        %get3A_1100 = arith.index_cast %add3A_1099 : i32 to index
        %get3A_1101 = arith.constant 0 : index
        %get3A_1102 = tpu.vector_load %arg15[%get3A_1100, %get3A_1101] {strides = array<i32>} : memref<320x64xf32, #tpu.memory_space<vmem>>, vector<16xf32>,
        %add3A_1103 = arith.addf %add3A_1079, %get3A_1102 : vector<16xf32>
        %add3A_1104 = arith.constant 216 : i32
        %add3A_1105 = arith.addi %add3A_1104, %scan3A_941 : i32
        %get3A_1106 = arith.index_cast %add3A_1105 : i32 to index
        %get3A_1107 = arith.constant 0 : index
        %get3A_1108 = tpu.vector_load %arg15[%get3A_1106, %get3A_1107] {strides = array<i32>} : memref<320x64xf32, #tpu.memory_space<vmem>>, vector<16xf32>,
        %add3A_1109 = arith.addf %add3A_1085, %get3A_1108 : vector<16xf32>
        %add3A_1110 = arith.constant 224 : i32
        %add3A_1111 = arith.addi %add3A_1110, %scan3A_941 : i32
        %get3A_1112 = arith.index_cast %add3A_1111 : i32 to index
        %get3A_1113 = arith.constant 0 : index
        %get3A_1114 = tpu.vector_load %arg15[%get3A_1112, %get3A_1113] {strides = array<i32>} : memref<320x64xf32, #tpu.memory_space<vmem>>, vector<16xf32>,
        %add3A_1115 = arith.addf %add3A_1091, %get3A_1114 : vector<16xf32>
        %add3A_1116 = arith.constant 232 : i32
        %add3A_1117 = arith.addi %add3A_1116, %scan3A_941 : i32
        %get3A_1118 = arith.index_cast %add3A_1117 : i32 to index
        %get3A_1119 = arith.constant 0 : index
        %get3A_1120 = tpu.vector_load %arg15[%get3A_1118, %get3A_1119] {strides = array<i32>} : memref<320x64xf32, #tpu.memory_space<vmem>>, vector<16xf32>,
        %add3A_1121 = arith.addf %add3A_1097, %get3A_1120 : vector<16xf32>
        %add3A_1122 = arith.constant 240 : i32
        %add3A_1123 = arith.addi %add3A_1122, %scan3A_941 : i32
        %get3A_1124 = arith.index_cast %add3A_1123 : i32 to index
        %get3A_1125 = arith.constant 0 : index
        %get3A_1126 = tpu.vector_load %arg15[%get3A_1124, %get3A_1125] {strides = array<i32>} : memref<320x64xf32, #tpu.memory_space<vmem>>, vector<16xf32>,
        %add3A_1127 = arith.addf %add3A_1103, %get3A_1126 : vector<16xf32>
        %add3A_1128 = arith.constant 248 : i32
        %add3A_1129 = arith.addi %add3A_1128, %scan3A_941 : i32
        %get3A_1130 = arith.index_cast %add3A_1129 : i32 to index
        %get3A_1131 = arith.constant 0 : index
        %get3A_1132 = tpu.vector_load %arg15[%get3A_1130, %get3A_1131] {strides = array<i32>} : memref<320x64xf32, #tpu.memory_space<vmem>>, vector<16xf32>,
        %add3A_1133 = arith.addf %add3A_1109, %get3A_1132 : vector<16xf32>
        %add3A_1134 = arith.constant 256 : i32
        %add3A_1135 = arith.addi %add3A_1134, %scan3A_941 : i32
        %get3A_1136 = arith.index_cast %add3A_1135 : i32 to index
        %get3A_1137 = arith.constant 0 : index
        %get3A_1138 = tpu.vector_load %arg15[%get3A_1136, %get3A_1137] {strides = array<i32>} : memref<320x64xf32, #tpu.memory_space<vmem>>, vector<16xf32>,
        %add3A_1139 = arith.addf %add3A_1115, %get3A_1138 : vector<16xf32>
        %add3A_1140 = arith.constant 264 : i32
        %add3A_1141 = arith.addi %add3A_1140, %scan3A_941 : i32
        %get3A_1142 = arith.index_cast %add3A_1141 : i32 to index
        %get3A_1143 = arith.constant 0 : index
        %get3A_1144 = tpu.vector_load %arg15[%get3A_1142, %get3A_1143] {strides = array<i32>} : memref<320x64xf32, #tpu.memory_space<vmem>>, vector<16xf32>,
        %add3A_1145 = arith.addf %add3A_1121, %get3A_1144 : vector<16xf32>
        %add3A_1146 = arith.constant 272 : i32
        %add3A_1147 = arith.addi %add3A_1146, %scan3A_941 : i32
        %get3A_1148 = arith.index_cast %add3A_1147 : i32 to index
        %get3A_1149 = arith.constant 0 : index
        %get3A_1150 = tpu.vector_load %arg15[%get3A_1148, %get3A_1149] {strides = array<i32>} : memref<320x64xf32, #tpu.memory_space<vmem>>, vector<16xf32>,
        %add3A_1151 = arith.addf %add3A_1127, %get3A_1150 : vector<16xf32>
        %add3A_1152 = arith.constant 280 : i32
        %add3A_1153 = arith.addi %add3A_1152, %scan3A_941 : i32
        %get3A_1154 = arith.index_cast %add3A_1153 : i32 to index
        %get3A_1155 = arith.constant 0 : index
        %get3A_1156 = tpu.vector_load %arg15[%get3A_1154, %get3A_1155] {strides = array<i32>} : memref<320x64xf32, #tpu.memory_space<vmem>>, vector<16xf32>,
        %add3A_1157 = arith.addf %add3A_1133, %get3A_1156 : vector<16xf32>
        %add3A_1158 = arith.constant 288 : i32
        %add3A_1159 = arith.addi %add3A_1158, %scan3A_941 : i32
        %get3A_1160 = arith.index_cast %add3A_1159 : i32 to index
        %get3A_1161 = arith.constant 0 : index
        %get3A_1162 = tpu.vector_load %arg15[%get3A_1160, %get3A_1161] {strides = array<i32>} : memref<320x64xf32, #tpu.memory_space<vmem>>, vector<16xf32>,
        %add3A_1163 = arith.addf %add3A_1139, %get3A_1162 : vector<16xf32>
        %add3A_1164 = arith.constant 296 : i32
        %add3A_1165 = arith.addi %add3A_1164, %scan3A_941 : i32
        %get3A_1166 = arith.index_cast %add3A_1165 : i32 to index
        %get3A_1167 = arith.constant 0 : index
        %get3A_1168 = tpu.vector_load %arg15[%get3A_1166, %get3A_1167] {strides = array<i32>} : memref<320x64xf32, #tpu.memory_space<vmem>>, vector<16xf32>,
        %add3A_1169 = arith.addf %add3A_1145, %get3A_1168 : vector<16xf32>
        %add3A_1170 = arith.constant 304 : i32
        %add3A_1171 = arith.addi %add3A_1170, %scan3A_941 : i32
        %get3A_1172 = arith.index_cast %add3A_1171 : i32 to index
        %get3A_1173 = arith.constant 0 : index
        %get3A_1174 = tpu.vector_load %arg15[%get3A_1172, %get3A_1173] {strides = array<i32>} : memref<320x64xf32, #tpu.memory_space<vmem>>, vector<16xf32>,
        %add3A_1175 = arith.addf %add3A_1151, %get3A_1174 : vector<16xf32>
        %add3A_1176 = arith.constant 312 : i32
        %add3A_1177 = arith.addi %add3A_1176, %scan3A_941 : i32
        %get3A_1178 = arith.index_cast %add3A_1177 : i32 to index
        %get3A_1179 = arith.constant 0 : index
        %get3A_1180 = tpu.vector_load %arg15[%get3A_1178, %get3A_1179] {strides = array<i32>} : memref<320x64xf32, #tpu.memory_space<vmem>>, vector<16xf32>,
        %add3A_1181 = arith.addf %add3A_1157, %get3A_1180 : vector<16xf32>
        %add3A_1182 = arith.addf %add3A_1163, %add3A_1169 : vector<16xf32>
        %add3A_1183 = arith.addf %add3A_1175, %add3A_1181 : vector<16xf32>
        %add3A_1184 = arith.addf %add3A_1182, %add3A_1183 : vector<16xf32>
        %mul3A_1185 = vector.broadcast %sub3A_947 : f32 to vector<16xf32>
        %mul3A_1186 = arith.mulf %mul3A_1185, %get3A_950 : vector<16xf32>
        %sub3A_1187 = arith.subf %add3A_1184, %mul3A_1186 : vector<16xf32>
        %div3A_1188 = vector.broadcast %squeeze3A : f32 to vector<16xf32>
        %div3A_1189 = arith.divf %sub3A_1187, %div3A_1188 : vector<16xf32>
        %swap3A_1190 = arith.index_cast %add3A_942 : i32 to index
        %swap3A_1191 = arith.constant 0 : index
        %swap3A_1192 = tpu.vector_load %arg16[%swap3A_1190, %swap3A_1191] {strides = array<i32>} : memref<256x64xf32, #tpu.memory_space<vmem>>, vector<16xf32>,
        tpu.vector_store %arg16[%swap3A_1190, %swap3A_1191], %div3A_1189 {strides = array<i32>} : memref<256x64xf32, #tpu.memory_space<vmem>>, vector<16xf32>,
        %get3A_1193 = arith.index_cast %scan3A_941 : i32 to index
        %get3A_1194 = arith.constant 16 : index
        %get3A_1195 = tpu.vector_load %arg15[%get3A_1193, %get3A_1194] {strides = array<i32>} : memref<320x64xf32, #tpu.memory_space<vmem>>, vector<16xf32>,
        %add3A_1196 = arith.constant 8 : i32
        %add3A_1197 = arith.addi %add3A_1196, %scan3A_941 : i32
        %get3A_1198 = arith.index_cast %add3A_1197 : i32 to index
        %get3A_1199 = arith.constant 16 : index
        %get3A_1200 = tpu.vector_load %arg15[%get3A_1198, %get3A_1199] {strides = array<i32>} : memref<320x64xf32, #tpu.memory_space<vmem>>, vector<16xf32>,
        %add3A_1201 = arith.constant 16 : i32
        %add3A_1202 = arith.addi %add3A_1201, %scan3A_941 : i32
        %get3A_1203 = arith.index_cast %add3A_1202 : i32 to index
        %get3A_1204 = arith.constant 16 : index
        %get3A_1205 = tpu.vector_load %arg15[%get3A_1203, %get3A_1204] {strides = array<i32>} : memref<320x64xf32, #tpu.memory_space<vmem>>, vector<16xf32>,
        %add3A_1206 = arith.constant 24 : i32
        %add3A_1207 = arith.addi %add3A_1206, %scan3A_941 : i32
        %get3A_1208 = arith.index_cast %add3A_1207 : i32 to index
        %get3A_1209 = arith.constant 16 : index
        %get3A_1210 = tpu.vector_load %arg15[%get3A_1208, %get3A_1209] {strides = array<i32>} : memref<320x64xf32, #tpu.memory_space<vmem>>, vector<16xf32>,
        %add3A_1211 = arith.constant 32 : i32
        %add3A_1212 = arith.addi %add3A_1211, %scan3A_941 : i32
        %get3A_1213 = arith.index_cast %add3A_1212 : i32 to index
        %get3A_1214 = arith.constant 16 : index
        %get3A_1215 = tpu.vector_load %arg15[%get3A_1213, %get3A_1214] {strides = array<i32>} : memref<320x64xf32, #tpu.memory_space<vmem>>, vector<16xf32>,
        %add3A_1216 = arith.addf %get3A_1195, %get3A_1215 : vector<16xf32>
        %add3A_1217 = arith.constant 40 : i32
        %add3A_1218 = arith.addi %add3A_1217, %scan3A_941 : i32
        %get3A_1219 = arith.index_cast %add3A_1218 : i32 to index
        %get3A_1220 = arith.constant 16 : index
        %get3A_1221 = tpu.vector_load %arg15[%get3A_1219, %get3A_1220] {strides = array<i32>} : memref<320x64xf32, #tpu.memory_space<vmem>>, vector<16xf32>,
        %add3A_1222 = arith.addf %get3A_1200, %get3A_1221 : vector<16xf32>
        %add3A_1223 = arith.constant 48 : i32
        %add3A_1224 = arith.addi %add3A_1223, %scan3A_941 : i32
        %get3A_1225 = arith.index_cast %add3A_1224 : i32 to index
        %get3A_1226 = arith.constant 16 : index
        %get3A_1227 = tpu.vector_load %arg15[%get3A_1225, %get3A_1226] {strides = array<i32>} : memref<320x64xf32, #tpu.memory_space<vmem>>, vector<16xf32>,
        %add3A_1228 = arith.addf %get3A_1205, %get3A_1227 : vector<16xf32>
        %add3A_1229 = arith.constant 56 : i32
        %add3A_1230 = arith.addi %add3A_1229, %scan3A_941 : i32
        %get3A_1231 = arith.index_cast %add3A_1230 : i32 to index
        %get3A_1232 = arith.constant 16 : index
        %get3A_1233 = tpu.vector_load %arg15[%get3A_1231, %get3A_1232] {strides = array<i32>} : memref<320x64xf32, #tpu.memory_space<vmem>>, vector<16xf32>,
        %add3A_1234 = arith.addf %get3A_1210, %get3A_1233 : vector<16xf32>
        %add3A_1235 = arith.constant 64 : i32
        %add3A_1236 = arith.addi %add3A_1235, %scan3A_941 : i32
        %get3A_1237 = arith.index_cast %add3A_1236 : i32 to index
        %get3A_1238 = arith.constant 16 : index
        %get3A_1239 = tpu.vector_load %arg15[%get3A_1237, %get3A_1238] {strides = array<i32>} : memref<320x64xf32, #tpu.memory_space<vmem>>, vector<16xf32>,
        %add3A_1240 = arith.addf %add3A_1216, %get3A_1239 : vector<16xf32>
        %add3A_1241 = arith.constant 72 : i32
        %add3A_1242 = arith.addi %add3A_1241, %scan3A_941 : i32
        %get3A_1243 = arith.index_cast %add3A_1242 : i32 to index
        %get3A_1244 = arith.constant 16 : index
        %get3A_1245 = tpu.vector_load %arg15[%get3A_1243, %get3A_1244] {strides = array<i32>} : memref<320x64xf32, #tpu.memory_space<vmem>>, vector<16xf32>,
        %add3A_1246 = arith.addf %add3A_1222, %get3A_1245 : vector<16xf32>
        %add3A_1247 = arith.constant 80 : i32
        %add3A_1248 = arith.addi %add3A_1247, %scan3A_941 : i32
        %get3A_1249 = arith.index_cast %add3A_1248 : i32 to index
        %get3A_1250 = arith.constant 16 : index
        %get3A_1251 = tpu.vector_load %arg15[%get3A_1249, %get3A_1250] {strides = array<i32>} : memref<320x64xf32, #tpu.memory_space<vmem>>, vector<16xf32>,
        %add3A_1252 = arith.addf %add3A_1228, %get3A_1251 : vector<16xf32>
        %add3A_1253 = arith.constant 88 : i32
        %add3A_1254 = arith.addi %add3A_1253, %scan3A_941 : i32
        %get3A_1255 = arith.index_cast %add3A_1254 : i32 to index
        %get3A_1256 = arith.constant 16 : index
        %get3A_1257 = tpu.vector_load %arg15[%get3A_1255, %get3A_1256] {strides = array<i32>} : memref<320x64xf32, #tpu.memory_space<vmem>>, vector<16xf32>,
        %add3A_1258 = arith.addf %add3A_1234, %get3A_1257 : vector<16xf32>
        %add3A_1259 = arith.constant 96 : i32
        %add3A_1260 = arith.addi %add3A_1259, %scan3A_941 : i32
        %get3A_1261 = arith.index_cast %add3A_1260 : i32 to index
        %get3A_1262 = arith.constant 16 : index
        %get3A_1263 = tpu.vector_load %arg15[%get3A_1261, %get3A_1262] {strides = array<i32>} : memref<320x64xf32, #tpu.memory_space<vmem>>, vector<16xf32>,
        %add3A_1264 = arith.addf %add3A_1240, %get3A_1263 : vector<16xf32>
        %add3A_1265 = arith.constant 104 : i32
        %add3A_1266 = arith.addi %add3A_1265, %scan3A_941 : i32
        %get3A_1267 = arith.index_cast %add3A_1266 : i32 to index
        %get3A_1268 = arith.constant 16 : index
        %get3A_1269 = tpu.vector_load %arg15[%get3A_1267, %get3A_1268] {strides = array<i32>} : memref<320x64xf32, #tpu.memory_space<vmem>>, vector<16xf32>,
        %add3A_1270 = arith.addf %add3A_1246, %get3A_1269 : vector<16xf32>
        %add3A_1271 = arith.constant 112 : i32
        %add3A_1272 = arith.addi %add3A_1271, %scan3A_941 : i32
        %get3A_1273 = arith.index_cast %add3A_1272 : i32 to index
        %get3A_1274 = arith.constant 16 : index
        %get3A_1275 = tpu.vector_load %arg15[%get3A_1273, %get3A_1274] {strides = array<i32>} : memref<320x64xf32, #tpu.memory_space<vmem>>, vector<16xf32>,
        %add3A_1276 = arith.addf %add3A_1252, %get3A_1275 : vector<16xf32>
        %add3A_1277 = arith.constant 120 : i32
        %add3A_1278 = arith.addi %add3A_1277, %scan3A_941 : i32
        %get3A_1279 = arith.index_cast %add3A_1278 : i32 to index
        %get3A_1280 = arith.constant 16 : index
        %get3A_1281 = tpu.vector_load %arg15[%get3A_1279, %get3A_1280] {strides = array<i32>} : memref<320x64xf32, #tpu.memory_space<vmem>>, vector<16xf32>,
        %add3A_1282 = arith.addf %add3A_1258, %get3A_1281 : vector<16xf32>
        %add3A_1283 = arith.constant 128 : i32
        %add3A_1284 = arith.addi %add3A_1283, %scan3A_941 : i32
        %get3A_1285 = arith.index_cast %add3A_1284 : i32 to index
        %get3A_1286 = arith.constant 16 : index
        %get3A_1287 = tpu.vector_load %arg15[%get3A_1285, %get3A_1286] {strides = array<i32>} : memref<320x64xf32, #tpu.memory_space<vmem>>, vector<16xf32>,
        %add3A_1288 = arith.addf %add3A_1264, %get3A_1287 : vector<16xf32>
        %add3A_1289 = arith.constant 136 : i32
        %add3A_1290 = arith.addi %add3A_1289, %scan3A_941 : i32
        %get3A_1291 = arith.index_cast %add3A_1290 : i32 to index
        %get3A_1292 = arith.constant 16 : index
        %get3A_1293 = tpu.vector_load %arg15[%get3A_1291, %get3A_1292] {strides = array<i32>} : memref<320x64xf32, #tpu.memory_space<vmem>>, vector<16xf32>,
        %add3A_1294 = arith.addf %add3A_1270, %get3A_1293 : vector<16xf32>
        %add3A_1295 = arith.constant 144 : i32
        %add3A_1296 = arith.addi %add3A_1295, %scan3A_941 : i32
        %get3A_1297 = arith.index_cast %add3A_1296 : i32 to index
        %get3A_1298 = arith.constant 16 : index
        %get3A_1299 = tpu.vector_load %arg15[%get3A_1297, %get3A_1298] {strides = array<i32>} : memref<320x64xf32, #tpu.memory_space<vmem>>, vector<16xf32>,
        %add3A_1300 = arith.addf %add3A_1276, %get3A_1299 : vector<16xf32>
        %add3A_1301 = arith.constant 152 : i32
        %add3A_1302 = arith.addi %add3A_1301, %scan3A_941 : i32
        %get3A_1303 = arith.index_cast %add3A_1302 : i32 to index
        %get3A_1304 = arith.constant 16 : index
        %get3A_1305 = tpu.vector_load %arg15[%get3A_1303, %get3A_1304] {strides = array<i32>} : memref<320x64xf32, #tpu.memory_space<vmem>>, vector<16xf32>,
        %add3A_1306 = arith.addf %add3A_1282, %get3A_1305 : vector<16xf32>
        %add3A_1307 = arith.constant 160 : i32
        %add3A_1308 = arith.addi %add3A_1307, %scan3A_941 : i32
        %get3A_1309 = arith.index_cast %add3A_1308 : i32 to index
        %get3A_1310 = arith.constant 16 : index
        %get3A_1311 = tpu.vector_load %arg15[%get3A_1309, %get3A_1310] {strides = array<i32>} : memref<320x64xf32, #tpu.memory_space<vmem>>, vector<16xf32>,
        %add3A_1312 = arith.addf %add3A_1288, %get3A_1311 : vector<16xf32>
        %add3A_1313 = arith.constant 168 : i32
        %add3A_1314 = arith.addi %add3A_1313, %scan3A_941 : i32
        %get3A_1315 = arith.index_cast %add3A_1314 : i32 to index
        %get3A_1316 = arith.constant 16 : index
        %get3A_1317 = tpu.vector_load %arg15[%get3A_1315, %get3A_1316] {strides = array<i32>} : memref<320x64xf32, #tpu.memory_space<vmem>>, vector<16xf32>,
        %add3A_1318 = arith.addf %add3A_1294, %get3A_1317 : vector<16xf32>
        %add3A_1319 = arith.constant 176 : i32
        %add3A_1320 = arith.addi %add3A_1319, %scan3A_941 : i32
        %get3A_1321 = arith.index_cast %add3A_1320 : i32 to index
        %get3A_1322 = arith.constant 16 : index
        %get3A_1323 = tpu.vector_load %arg15[%get3A_1321, %get3A_1322] {strides = array<i32>} : memref<320x64xf32, #tpu.memory_space<vmem>>, vector<16xf32>,
        %add3A_1324 = arith.addf %add3A_1300, %get3A_1323 : vector<16xf32>
        %add3A_1325 = arith.constant 184 : i32
        %add3A_1326 = arith.addi %add3A_1325, %scan3A_941 : i32
        %get3A_1327 = arith.index_cast %add3A_1326 : i32 to index
        %get3A_1328 = arith.constant 16 : index
        %get3A_1329 = tpu.vector_load %arg15[%get3A_1327, %get3A_1328] {strides = array<i32>} : memref<320x64xf32, #tpu.memory_space<vmem>>, vector<16xf32>,
        %add3A_1330 = arith.addf %add3A_1306, %get3A_1329 : vector<16xf32>
        %add3A_1331 = arith.constant 192 : i32
        %add3A_1332 = arith.addi %add3A_1331, %scan3A_941 : i32
        %get3A_1333 = arith.index_cast %add3A_1332 : i32 to index
        %get3A_1334 = arith.constant 16 : index
        %get3A_1335 = tpu.vector_load %arg15[%get3A_1333, %get3A_1334] {strides = array<i32>} : memref<320x64xf32, #tpu.memory_space<vmem>>, vector<16xf32>,
        %add3A_1336 = arith.addf %add3A_1312, %get3A_1335 : vector<16xf32>
        %add3A_1337 = arith.constant 200 : i32
        %add3A_1338 = arith.addi %add3A_1337, %scan3A_941 : i32
        %get3A_1339 = arith.index_cast %add3A_1338 : i32 to index
        %get3A_1340 = arith.constant 16 : index
        %get3A_1341 = tpu.vector_load %arg15[%get3A_1339, %get3A_1340] {strides = array<i32>} : memref<320x64xf32, #tpu.memory_space<vmem>>, vector<16xf32>,
        %add3A_1342 = arith.addf %add3A_1318, %get3A_1341 : vector<16xf32>
        %add3A_1343 = arith.constant 208 : i32
        %add3A_1344 = arith.addi %add3A_1343, %scan3A_941 : i32
        %get3A_1345 = arith.index_cast %add3A_1344 : i32 to index
        %get3A_1346 = arith.constant 16 : index
        %get3A_1347 = tpu.vector_load %arg15[%get3A_1345, %get3A_1346] {strides = array<i32>} : memref<320x64xf32, #tpu.memory_space<vmem>>, vector<16xf32>,
        %add3A_1348 = arith.addf %add3A_1324, %get3A_1347 : vector<16xf32>
        %add3A_1349 = arith.constant 216 : i32
        %add3A_1350 = arith.addi %add3A_1349, %scan3A_941 : i32
        %get3A_1351 = arith.index_cast %add3A_1350 : i32 to index
        %get3A_1352 = arith.constant 16 : index
        %get3A_1353 = tpu.vector_load %arg15[%get3A_1351, %get3A_1352] {strides = array<i32>} : memref<320x64xf32, #tpu.memory_space<vmem>>, vector<16xf32>,
        %add3A_1354 = arith.addf %add3A_1330, %get3A_1353 : vector<16xf32>
        %add3A_1355 = arith.constant 224 : i32
        %add3A_1356 = arith.addi %add3A_1355, %scan3A_941 : i32
        %get3A_1357 = arith.index_cast %add3A_1356 : i32 to index
        %get3A_1358 = arith.constant 16 : index
        %get3A_1359 = tpu.vector_load %arg15[%get3A_1357, %get3A_1358] {strides = array<i32>} : memref<320x64xf32, #tpu.memory_space<vmem>>, vector<16xf32>,
        %add3A_1360 = arith.addf %add3A_1336, %get3A_1359 : vector<16xf32>
        %add3A_1361 = arith.constant 232 : i32
        %add3A_1362 = arith.addi %add3A_1361, %scan3A_941 : i32
        %get3A_1363 = arith.index_cast %add3A_1362 : i32 to index
        %get3A_1364 = arith.constant 16 : index
        %get3A_1365 = tpu.vector_load %arg15[%get3A_1363, %get3A_1364] {strides = array<i32>} : memref<320x64xf32, #tpu.memory_space<vmem>>, vector<16xf32>,
        %add3A_1366 = arith.addf %add3A_1342, %get3A_1365 : vector<16xf32>
        %add3A_1367 = arith.constant 240 : i32
        %add3A_1368 = arith.addi %add3A_1367, %scan3A_941 : i32
        %get3A_1369 = arith.index_cast %add3A_1368 : i32 to index
        %get3A_1370 = arith.constant 16 : index
        %get3A_1371 = tpu.vector_load %arg15[%get3A_1369, %get3A_1370] {strides = array<i32>} : memref<320x64xf32, #tpu.memory_space<vmem>>, vector<16xf32>,
        %add3A_1372 = arith.addf %add3A_1348, %get3A_1371 : vector<16xf32>
        %add3A_1373 = arith.constant 248 : i32
        %add3A_1374 = arith.addi %add3A_1373, %scan3A_941 : i32
        %get3A_1375 = arith.index_cast %add3A_1374 : i32 to index
        %get3A_1376 = arith.constant 16 : index
        %get3A_1377 = tpu.vector_load %arg15[%get3A_1375, %get3A_1376] {strides = array<i32>} : memref<320x64xf32, #tpu.memory_space<vmem>>, vector<16xf32>,
        %add3A_1378 = arith.addf %add3A_1354, %get3A_1377 : vector<16xf32>
        %add3A_1379 = arith.constant 256 : i32
        %add3A_1380 = arith.addi %add3A_1379, %scan3A_941 : i32
        %get3A_1381 = arith.index_cast %add3A_1380 : i32 to index
        %get3A_1382 = arith.constant 16 : index
        %get3A_1383 = tpu.vector_load %arg15[%get3A_1381, %get3A_1382] {strides = array<i32>} : memref<320x64xf32, #tpu.memory_space<vmem>>, vector<16xf32>,
        %add3A_1384 = arith.addf %add3A_1360, %get3A_1383 : vector<16xf32>
        %add3A_1385 = arith.constant 264 : i32
        %add3A_1386 = arith.addi %add3A_1385, %scan3A_941 : i32
        %get3A_1387 = arith.index_cast %add3A_1386 : i32 to index
        %get3A_1388 = arith.constant 16 : index
        %get3A_1389 = tpu.vector_load %arg15[%get3A_1387, %get3A_1388] {strides = array<i32>} : memref<320x64xf32, #tpu.memory_space<vmem>>, vector<16xf32>,
        %add3A_1390 = arith.addf %add3A_1366, %get3A_1389 : vector<16xf32>
        %add3A_1391 = arith.constant 272 : i32
        %add3A_1392 = arith.addi %add3A_1391, %scan3A_941 : i32
        %get3A_1393 = arith.index_cast %add3A_1392 : i32 to index
        %get3A_1394 = arith.constant 16 : index
        %get3A_1395 = tpu.vector_load %arg15[%get3A_1393, %get3A_1394] {strides = array<i32>} : memref<320x64xf32, #tpu.memory_space<vmem>>, vector<16xf32>,
        %add3A_1396 = arith.addf %add3A_1372, %get3A_1395 : vector<16xf32>
        %add3A_1397 = arith.constant 280 : i32
        %add3A_1398 = arith.addi %add3A_1397, %scan3A_941 : i32
        %get3A_1399 = arith.index_cast %add3A_1398 : i32 to index
        %get3A_1400 = arith.constant 16 : index
        %get3A_1401 = tpu.vector_load %arg15[%get3A_1399, %get3A_1400] {strides = array<i32>} : memref<320x64xf32, #tpu.memory_space<vmem>>, vector<16xf32>,
        %add3A_1402 = arith.addf %add3A_1378, %get3A_1401 : vector<16xf32>
        %add3A_1403 = arith.constant 288 : i32
        %add3A_1404 = arith.addi %add3A_1403, %scan3A_941 : i32
        %get3A_1405 = arith.index_cast %add3A_1404 : i32 to index
        %get3A_1406 = arith.constant 16 : index
        %get3A_1407 = tpu.vector_load %arg15[%get3A_1405, %get3A_1406] {strides = array<i32>} : memref<320x64xf32, #tpu.memory_space<vmem>>, vector<16xf32>,
        %add3A_1408 = arith.addf %add3A_1384, %get3A_1407 : vector<16xf32>
        %add3A_1409 = arith.constant 296 : i32
        %add3A_1410 = arith.addi %add3A_1409, %scan3A_941 : i32
        %get3A_1411 = arith.index_cast %add3A_1410 : i32 to index
        %get3A_1412 = arith.constant 16 : index
        %get3A_1413 = tpu.vector_load %arg15[%get3A_1411, %get3A_1412] {strides = array<i32>} : memref<320x64xf32, #tpu.memory_space<vmem>>, vector<16xf32>,
        %add3A_1414 = arith.addf %add3A_1390, %get3A_1413 : vector<16xf32>
        %add3A_1415 = arith.constant 304 : i32
        %add3A_1416 = arith.addi %add3A_1415, %scan3A_941 : i32
        %get3A_1417 = arith.index_cast %add3A_1416 : i32 to index
        %get3A_1418 = arith.constant 16 : index
        %get3A_1419 = tpu.vector_load %arg15[%get3A_1417, %get3A_1418] {strides = array<i32>} : memref<320x64xf32, #tpu.memory_space<vmem>>, vector<16xf32>,
        %add3A_1420 = arith.addf %add3A_1396, %get3A_1419 : vector<16xf32>
        %add3A_1421 = arith.constant 312 : i32
        %add3A_1422 = arith.addi %add3A_1421, %scan3A_941 : i32
        %get3A_1423 = arith.index_cast %add3A_1422 : i32 to index
        %get3A_1424 = arith.constant 16 : index
        %get3A_1425 = tpu.vector_load %arg15[%get3A_1423, %get3A_1424] {strides = array<i32>} : memref<320x64xf32, #tpu.memory_space<vmem>>, vector<16xf32>,
        %add3A_1426 = arith.addf %add3A_1402, %get3A_1425 : vector<16xf32>
        %add3A_1427 = arith.addf %add3A_1408, %add3A_1414 : vector<16xf32>
        %add3A_1428 = arith.addf %add3A_1420, %add3A_1426 : vector<16xf32>
        %add3A_1429 = arith.addf %add3A_1427, %add3A_1428 : vector<16xf32>
        %mul3A_1430 = vector.broadcast %sub3A_947 : f32 to vector<16xf32>
        %mul3A_1431 = arith.mulf %mul3A_1430, %get3A_1195 : vector<16xf32>
        %sub3A_1432 = arith.subf %add3A_1429, %mul3A_1431 : vector<16xf32>
        %div3A_1433 = vector.broadcast %squeeze3A : f32 to vector<16xf32>
        %div3A_1434 = arith.divf %sub3A_1432, %div3A_1433 : vector<16xf32>
        %swap3A_1435 = arith.index_cast %add3A_942 : i32 to index
        %swap3A_1436 = arith.constant 16 : index
        %swap3A_1437 = tpu.vector_load %arg16[%swap3A_1435, %swap3A_1436] {strides = array<i32>} : memref<256x64xf32, #tpu.memory_space<vmem>>, vector<16xf32>,
        tpu.vector_store %arg16[%swap3A_1435, %swap3A_1436], %div3A_1434 {strides = array<i32>} : memref<256x64xf32, #tpu.memory_space<vmem>>, vector<16xf32>,
        %get3A_1438 = arith.index_cast %scan3A_941 : i32 to index
        %get3A_1439 = arith.constant 32 : index
        %get3A_1440 = tpu.vector_load %arg15[%get3A_1438, %get3A_1439] {strides = array<i32>} : memref<320x64xf32, #tpu.memory_space<vmem>>, vector<16xf32>,
        %add3A_1441 = arith.constant 8 : i32
        %add3A_1442 = arith.addi %add3A_1441, %scan3A_941 : i32
        %get3A_1443 = arith.index_cast %add3A_1442 : i32 to index
        %get3A_1444 = arith.constant 32 : index
        %get3A_1445 = tpu.vector_load %arg15[%get3A_1443, %get3A_1444] {strides = array<i32>} : memref<320x64xf32, #tpu.memory_space<vmem>>, vector<16xf32>,
        %add3A_1446 = arith.constant 16 : i32
        %add3A_1447 = arith.addi %add3A_1446, %scan3A_941 : i32
        %get3A_1448 = arith.index_cast %add3A_1447 : i32 to index
        %get3A_1449 = arith.constant 32 : index
        %get3A_1450 = tpu.vector_load %arg15[%get3A_1448, %get3A_1449] {strides = array<i32>} : memref<320x64xf32, #tpu.memory_space<vmem>>, vector<16xf32>,
        %add3A_1451 = arith.constant 24 : i32
        %add3A_1452 = arith.addi %add3A_1451, %scan3A_941 : i32
        %get3A_1453 = arith.index_cast %add3A_1452 : i32 to index
        %get3A_1454 = arith.constant 32 : index
        %get3A_1455 = tpu.vector_load %arg15[%get3A_1453, %get3A_1454] {strides = array<i32>} : memref<320x64xf32, #tpu.memory_space<vmem>>, vector<16xf32>,
        %add3A_1456 = arith.constant 32 : i32
        %add3A_1457 = arith.addi %add3A_1456, %scan3A_941 : i32
        %get3A_1458 = arith.index_cast %add3A_1457 : i32 to index
        %get3A_1459 = arith.constant 32 : index
        %get3A_1460 = tpu.vector_load %arg15[%get3A_1458, %get3A_1459] {strides = array<i32>} : memref<320x64xf32, #tpu.memory_space<vmem>>, vector<16xf32>,
        %add3A_1461 = arith.addf %get3A_1440, %get3A_1460 : vector<16xf32>
        %add3A_1462 = arith.constant 40 : i32
        %add3A_1463 = arith.addi %add3A_1462, %scan3A_941 : i32
        %get3A_1464 = arith.index_cast %add3A_1463 : i32 to index
        %get3A_1465 = arith.constant 32 : index
        %get3A_1466 = tpu.vector_load %arg15[%get3A_1464, %get3A_1465] {strides = array<i32>} : memref<320x64xf32, #tpu.memory_space<vmem>>, vector<16xf32>,
        %add3A_1467 = arith.addf %get3A_1445, %get3A_1466 : vector<16xf32>
        %add3A_1468 = arith.constant 48 : i32
        %add3A_1469 = arith.addi %add3A_1468, %scan3A_941 : i32
        %get3A_1470 = arith.index_cast %add3A_1469 : i32 to index
        %get3A_1471 = arith.constant 32 : index
        %get3A_1472 = tpu.vector_load %arg15[%get3A_1470, %get3A_1471] {strides = array<i32>} : memref<320x64xf32, #tpu.memory_space<vmem>>, vector<16xf32>,
        %add3A_1473 = arith.addf %get3A_1450, %get3A_1472 : vector<16xf32>
        %add3A_1474 = arith.constant 56 : i32
        %add3A_1475 = arith.addi %add3A_1474, %scan3A_941 : i32
        %get3A_1476 = arith.index_cast %add3A_1475 : i32 to index
        %get3A_1477 = arith.constant 32 : index
        %get3A_1478 = tpu.vector_load %arg15[%get3A_1476, %get3A_1477] {strides = array<i32>} : memref<320x64xf32, #tpu.memory_space<vmem>>, vector<16xf32>,
        %add3A_1479 = arith.addf %get3A_1455, %get3A_1478 : vector<16xf32>
        %add3A_1480 = arith.constant 64 : i32
        %add3A_1481 = arith.addi %add3A_1480, %scan3A_941 : i32
        %get3A_1482 = arith.index_cast %add3A_1481 : i32 to index
        %get3A_1483 = arith.constant 32 : index
        %get3A_1484 = tpu.vector_load %arg15[%get3A_1482, %get3A_1483] {strides = array<i32>} : memref<320x64xf32, #tpu.memory_space<vmem>>, vector<16xf32>,
        %add3A_1485 = arith.addf %add3A_1461, %get3A_1484 : vector<16xf32>
        %add3A_1486 = arith.constant 72 : i32
        %add3A_1487 = arith.addi %add3A_1486, %scan3A_941 : i32
        %get3A_1488 = arith.index_cast %add3A_1487 : i32 to index
        %get3A_1489 = arith.constant 32 : index
        %get3A_1490 = tpu.vector_load %arg15[%get3A_1488, %get3A_1489] {strides = array<i32>} : memref<320x64xf32, #tpu.memory_space<vmem>>, vector<16xf32>,
        %add3A_1491 = arith.addf %add3A_1467, %get3A_1490 : vector<16xf32>
        %add3A_1492 = arith.constant 80 : i32
        %add3A_1493 = arith.addi %add3A_1492, %scan3A_941 : i32
        %get3A_1494 = arith.index_cast %add3A_1493 : i32 to index
        %get3A_1495 = arith.constant 32 : index
        %get3A_1496 = tpu.vector_load %arg15[%get3A_1494, %get3A_1495] {strides = array<i32>} : memref<320x64xf32, #tpu.memory_space<vmem>>, vector<16xf32>,
        %add3A_1497 = arith.addf %add3A_1473, %get3A_1496 : vector<16xf32>
        %add3A_1498 = arith.constant 88 : i32
        %add3A_1499 = arith.addi %add3A_1498, %scan3A_941 : i32
        %get3A_1500 = arith.index_cast %add3A_1499 : i32 to index
        %get3A_1501 = arith.constant 32 : index
        %get3A_1502 = tpu.vector_load %arg15[%get3A_1500, %get3A_1501] {strides = array<i32>} : memref<320x64xf32, #tpu.memory_space<vmem>>, vector<16xf32>,
        %add3A_1503 = arith.addf %add3A_1479, %get3A_1502 : vector<16xf32>
        %add3A_1504 = arith.constant 96 : i32
        %add3A_1505 = arith.addi %add3A_1504, %scan3A_941 : i32
        %get3A_1506 = arith.index_cast %add3A_1505 : i32 to index
        %get3A_1507 = arith.constant 32 : index
        %get3A_1508 = tpu.vector_load %arg15[%get3A_1506, %get3A_1507] {strides = array<i32>} : memref<320x64xf32, #tpu.memory_space<vmem>>, vector<16xf32>,
        %add3A_1509 = arith.addf %add3A_1485, %get3A_1508 : vector<16xf32>
        %add3A_1510 = arith.constant 104 : i32
        %add3A_1511 = arith.addi %add3A_1510, %scan3A_941 : i32
        %get3A_1512 = arith.index_cast %add3A_1511 : i32 to index
        %get3A_1513 = arith.constant 32 : index
        %get3A_1514 = tpu.vector_load %arg15[%get3A_1512, %get3A_1513] {strides = array<i32>} : memref<320x64xf32, #tpu.memory_space<vmem>>, vector<16xf32>,
        %add3A_1515 = arith.addf %add3A_1491, %get3A_1514 : vector<16xf32>
        %add3A_1516 = arith.constant 112 : i32
        %add3A_1517 = arith.addi %add3A_1516, %scan3A_941 : i32
        %get3A_1518 = arith.index_cast %add3A_1517 : i32 to index
        %get3A_1519 = arith.constant 32 : index
        %get3A_1520 = tpu.vector_load %arg15[%get3A_1518, %get3A_1519] {strides = array<i32>} : memref<320x64xf32, #tpu.memory_space<vmem>>, vector<16xf32>,
        %add3A_1521 = arith.addf %add3A_1497, %get3A_1520 : vector<16xf32>
        %add3A_1522 = arith.constant 120 : i32
        %add3A_1523 = arith.addi %add3A_1522, %scan3A_941 : i32
        %get3A_1524 = arith.index_cast %add3A_1523 : i32 to index
        %get3A_1525 = arith.constant 32 : index
        %get3A_1526 = tpu.vector_load %arg15[%get3A_1524, %get3A_1525] {strides = array<i32>} : memref<320x64xf32, #tpu.memory_space<vmem>>, vector<16xf32>,
        %add3A_1527 = arith.addf %add3A_1503, %get3A_1526 : vector<16xf32>
        %add3A_1528 = arith.constant 128 : i32
        %add3A_1529 = arith.addi %add3A_1528, %scan3A_941 : i32
        %get3A_1530 = arith.index_cast %add3A_1529 : i32 to index
        %get3A_1531 = arith.constant 32 : index
        %get3A_1532 = tpu.vector_load %arg15[%get3A_1530, %get3A_1531] {strides = array<i32>} : memref<320x64xf32, #tpu.memory_space<vmem>>, vector<16xf32>,
        %add3A_1533 = arith.addf %add3A_1509, %get3A_1532 : vector<16xf32>
        %add3A_1534 = arith.constant 136 : i32
        %add3A_1535 = arith.addi %add3A_1534, %scan3A_941 : i32
        %get3A_1536 = arith.index_cast %add3A_1535 : i32 to index
        %get3A_1537 = arith.constant 32 : index
        %get3A_1538 = tpu.vector_load %arg15[%get3A_1536, %get3A_1537] {strides = array<i32>} : memref<320x64xf32, #tpu.memory_space<vmem>>, vector<16xf32>,
        %add3A_1539 = arith.addf %add3A_1515, %get3A_1538 : vector<16xf32>
        %add3A_1540 = arith.constant 144 : i32
        %add3A_1541 = arith.addi %add3A_1540, %scan3A_941 : i32
        %get3A_1542 = arith.index_cast %add3A_1541 : i32 to index
        %get3A_1543 = arith.constant 32 : index
        %get3A_1544 = tpu.vector_load %arg15[%get3A_1542, %get3A_1543] {strides = array<i32>} : memref<320x64xf32, #tpu.memory_space<vmem>>, vector<16xf32>,
        %add3A_1545 = arith.addf %add3A_1521, %get3A_1544 : vector<16xf32>
        %add3A_1546 = arith.constant 152 : i32
        %add3A_1547 = arith.addi %add3A_1546, %scan3A_941 : i32
        %get3A_1548 = arith.index_cast %add3A_1547 : i32 to index
        %get3A_1549 = arith.constant 32 : index
        %get3A_1550 = tpu.vector_load %arg15[%get3A_1548, %get3A_1549] {strides = array<i32>} : memref<320x64xf32, #tpu.memory_space<vmem>>, vector<16xf32>,
        %add3A_1551 = arith.addf %add3A_1527, %get3A_1550 : vector<16xf32>
        %add3A_1552 = arith.constant 160 : i32
        %add3A_1553 = arith.addi %add3A_1552, %scan3A_941 : i32
        %get3A_1554 = arith.index_cast %add3A_1553 : i32 to index
        %get3A_1555 = arith.constant 32 : index
        %get3A_1556 = tpu.vector_load %arg15[%get3A_1554, %get3A_1555] {strides = array<i32>} : memref<320x64xf32, #tpu.memory_space<vmem>>, vector<16xf32>,
        %add3A_1557 = arith.addf %add3A_1533, %get3A_1556 : vector<16xf32>
        %add3A_1558 = arith.constant 168 : i32
        %add3A_1559 = arith.addi %add3A_1558, %scan3A_941 : i32
        %get3A_1560 = arith.index_cast %add3A_1559 : i32 to index
        %get3A_1561 = arith.constant 32 : index
        %get3A_1562 = tpu.vector_load %arg15[%get3A_1560, %get3A_1561] {strides = array<i32>} : memref<320x64xf32, #tpu.memory_space<vmem>>, vector<16xf32>,
        %add3A_1563 = arith.addf %add3A_1539, %get3A_1562 : vector<16xf32>
        %add3A_1564 = arith.constant 176 : i32
        %add3A_1565 = arith.addi %add3A_1564, %scan3A_941 : i32
        %get3A_1566 = arith.index_cast %add3A_1565 : i32 to index
        %get3A_1567 = arith.constant 32 : index
        %get3A_1568 = tpu.vector_load %arg15[%get3A_1566, %get3A_1567] {strides = array<i32>} : memref<320x64xf32, #tpu.memory_space<vmem>>, vector<16xf32>,
        %add3A_1569 = arith.addf %add3A_1545, %get3A_1568 : vector<16xf32>
        %add3A_1570 = arith.constant 184 : i32
        %add3A_1571 = arith.addi %add3A_1570, %scan3A_941 : i32
        %get3A_1572 = arith.index_cast %add3A_1571 : i32 to index
        %get3A_1573 = arith.constant 32 : index
        %get3A_1574 = tpu.vector_load %arg15[%get3A_1572, %get3A_1573] {strides = array<i32>} : memref<320x64xf32, #tpu.memory_space<vmem>>, vector<16xf32>,
        %add3A_1575 = arith.addf %add3A_1551, %get3A_1574 : vector<16xf32>
        %add3A_1576 = arith.constant 192 : i32
        %add3A_1577 = arith.addi %add3A_1576, %scan3A_941 : i32
        %get3A_1578 = arith.index_cast %add3A_1577 : i32 to index
        %get3A_1579 = arith.constant 32 : index
        %get3A_1580 = tpu.vector_load %arg15[%get3A_1578, %get3A_1579] {strides = array<i32>} : memref<320x64xf32, #tpu.memory_space<vmem>>, vector<16xf32>,
        %add3A_1581 = arith.addf %add3A_1557, %get3A_1580 : vector<16xf32>
        %add3A_1582 = arith.constant 200 : i32
        %add3A_1583 = arith.addi %add3A_1582, %scan3A_941 : i32
        %get3A_1584 = arith.index_cast %add3A_1583 : i32 to index
        %get3A_1585 = arith.constant 32 : index
        %get3A_1586 = tpu.vector_load %arg15[%get3A_1584, %get3A_1585] {strides = array<i32>} : memref<320x64xf32, #tpu.memory_space<vmem>>, vector<16xf32>,
        %add3A_1587 = arith.addf %add3A_1563, %get3A_1586 : vector<16xf32>
        %add3A_1588 = arith.constant 208 : i32
        %add3A_1589 = arith.addi %add3A_1588, %scan3A_941 : i32
        %get3A_1590 = arith.index_cast %add3A_1589 : i32 to index
        %get3A_1591 = arith.constant 32 : index
        %get3A_1592 = tpu.vector_load %arg15[%get3A_1590, %get3A_1591] {strides = array<i32>} : memref<320x64xf32, #tpu.memory_space<vmem>>, vector<16xf32>,
        %add3A_1593 = arith.addf %add3A_1569, %get3A_1592 : vector<16xf32>
        %add3A_1594 = arith.constant 216 : i32
        %add3A_1595 = arith.addi %add3A_1594, %scan3A_941 : i32
        %get3A_1596 = arith.index_cast %add3A_1595 : i32 to index
        %get3A_1597 = arith.constant 32 : index
        %get3A_1598 = tpu.vector_load %arg15[%get3A_1596, %get3A_1597] {strides = array<i32>} : memref<320x64xf32, #tpu.memory_space<vmem>>, vector<16xf32>,
        %add3A_1599 = arith.addf %add3A_1575, %get3A_1598 : vector<16xf32>
        %add3A_1600 = arith.constant 224 : i32
        %add3A_1601 = arith.addi %add3A_1600, %scan3A_941 : i32
        %get3A_1602 = arith.index_cast %add3A_1601 : i32 to index
        %get3A_1603 = arith.constant 32 : index
        %get3A_1604 = tpu.vector_load %arg15[%get3A_1602, %get3A_1603] {strides = array<i32>} : memref<320x64xf32, #tpu.memory_space<vmem>>, vector<16xf32>,
        %add3A_1605 = arith.addf %add3A_1581, %get3A_1604 : vector<16xf32>
        %add3A_1606 = arith.constant 232 : i32
        %add3A_1607 = arith.addi %add3A_1606, %scan3A_941 : i32
        %get3A_1608 = arith.index_cast %add3A_1607 : i32 to index
        %get3A_1609 = arith.constant 32 : index
        %get3A_1610 = tpu.vector_load %arg15[%get3A_1608, %get3A_1609] {strides = array<i32>} : memref<320x64xf32, #tpu.memory_space<vmem>>, vector<16xf32>,
        %add3A_1611 = arith.addf %add3A_1587, %get3A_1610 : vector<16xf32>
        %add3A_1612 = arith.constant 240 : i32
        %add3A_1613 = arith.addi %add3A_1612, %scan3A_941 : i32
        %get3A_1614 = arith.index_cast %add3A_1613 : i32 to index
        %get3A_1615 = arith.constant 32 : index
        %get3A_1616 = tpu.vector_load %arg15[%get3A_1614, %get3A_1615] {strides = array<i32>} : memref<320x64xf32, #tpu.memory_space<vmem>>, vector<16xf32>,
        %add3A_1617 = arith.addf %add3A_1593, %get3A_1616 : vector<16xf32>
        %add3A_1618 = arith.constant 248 : i32
        %add3A_1619 = arith.addi %add3A_1618, %scan3A_941 : i32
        %get3A_1620 = arith.index_cast %add3A_1619 : i32 to index
        %get3A_1621 = arith.constant 32 : index
        %get3A_1622 = tpu.vector_load %arg15[%get3A_1620, %get3A_1621] {strides = array<i32>} : memref<320x64xf32, #tpu.memory_space<vmem>>, vector<16xf32>,
        %add3A_1623 = arith.addf %add3A_1599, %get3A_1622 : vector<16xf32>
        %add3A_1624 = arith.constant 256 : i32
        %add3A_1625 = arith.addi %add3A_1624, %scan3A_941 : i32
        %get3A_1626 = arith.index_cast %add3A_1625 : i32 to index
        %get3A_1627 = arith.constant 32 : index
        %get3A_1628 = tpu.vector_load %arg15[%get3A_1626, %get3A_1627] {strides = array<i32>} : memref<320x64xf32, #tpu.memory_space<vmem>>, vector<16xf32>,
        %add3A_1629 = arith.addf %add3A_1605, %get3A_1628 : vector<16xf32>
        %add3A_1630 = arith.constant 264 : i32
        %add3A_1631 = arith.addi %add3A_1630, %scan3A_941 : i32
        %get3A_1632 = arith.index_cast %add3A_1631 : i32 to index
        %get3A_1633 = arith.constant 32 : index
        %get3A_1634 = tpu.vector_load %arg15[%get3A_1632, %get3A_1633] {strides = array<i32>} : memref<320x64xf32, #tpu.memory_space<vmem>>, vector<16xf32>,
        %add3A_1635 = arith.addf %add3A_1611, %get3A_1634 : vector<16xf32>
        %add3A_1636 = arith.constant 272 : i32
        %add3A_1637 = arith.addi %add3A_1636, %scan3A_941 : i32
        %get3A_1638 = arith.index_cast %add3A_1637 : i32 to index
        %get3A_1639 = arith.constant 32 : index
        %get3A_1640 = tpu.vector_load %arg15[%get3A_1638, %get3A_1639] {strides = array<i32>} : memref<320x64xf32, #tpu.memory_space<vmem>>, vector<16xf32>,
        %add3A_1641 = arith.addf %add3A_1617, %get3A_1640 : vector<16xf32>
        %add3A_1642 = arith.constant 280 : i32
        %add3A_1643 = arith.addi %add3A_1642, %scan3A_941 : i32
        %get3A_1644 = arith.index_cast %add3A_1643 : i32 to index
        %get3A_1645 = arith.constant 32 : index
        %get3A_1646 = tpu.vector_load %arg15[%get3A_1644, %get3A_1645] {strides = array<i32>} : memref<320x64xf32, #tpu.memory_space<vmem>>, vector<16xf32>,
        %add3A_1647 = arith.addf %add3A_1623, %get3A_1646 : vector<16xf32>
        %add3A_1648 = arith.constant 288 : i32
        %add3A_1649 = arith.addi %add3A_1648, %scan3A_941 : i32
        %get3A_1650 = arith.index_cast %add3A_1649 : i32 to index
        %get3A_1651 = arith.constant 32 : index
        %get3A_1652 = tpu.vector_load %arg15[%get3A_1650, %get3A_1651] {strides = array<i32>} : memref<320x64xf32, #tpu.memory_space<vmem>>, vector<16xf32>,
        %add3A_1653 = arith.addf %add3A_1629, %get3A_1652 : vector<16xf32>
        %add3A_1654 = arith.constant 296 : i32
        %add3A_1655 = arith.addi %add3A_1654, %scan3A_941 : i32
        %get3A_1656 = arith.index_cast %add3A_1655 : i32 to index
        %get3A_1657 = arith.constant 32 : index
        %get3A_1658 = tpu.vector_load %arg15[%get3A_1656, %get3A_1657] {strides = array<i32>} : memref<320x64xf32, #tpu.memory_space<vmem>>, vector<16xf32>,
        %add3A_1659 = arith.addf %add3A_1635, %get3A_1658 : vector<16xf32>
        %add3A_1660 = arith.constant 304 : i32
        %add3A_1661 = arith.addi %add3A_1660, %scan3A_941 : i32
        %get3A_1662 = arith.index_cast %add3A_1661 : i32 to index
        %get3A_1663 = arith.constant 32 : index
        %get3A_1664 = tpu.vector_load %arg15[%get3A_1662, %get3A_1663] {strides = array<i32>} : memref<320x64xf32, #tpu.memory_space<vmem>>, vector<16xf32>,
        %add3A_1665 = arith.addf %add3A_1641, %get3A_1664 : vector<16xf32>
        %add3A_1666 = arith.constant 312 : i32
        %add3A_1667 = arith.addi %add3A_1666, %scan3A_941 : i32
        %get3A_1668 = arith.index_cast %add3A_1667 : i32 to index
        %get3A_1669 = arith.constant 32 : index
        %get3A_1670 = tpu.vector_load %arg15[%get3A_1668, %get3A_1669] {strides = array<i32>} : memref<320x64xf32, #tpu.memory_space<vmem>>, vector<16xf32>,
        %add3A_1671 = arith.addf %add3A_1647, %get3A_1670 : vector<16xf32>
        %add3A_1672 = arith.addf %add3A_1653, %add3A_1659 : vector<16xf32>
        %add3A_1673 = arith.addf %add3A_1665, %add3A_1671 : vector<16xf32>
        %add3A_1674 = arith.addf %add3A_1672, %add3A_1673 : vector<16xf32>
        %mul3A_1675 = vector.broadcast %sub3A_947 : f32 to vector<16xf32>
        %mul3A_1676 = arith.mulf %mul3A_1675, %get3A_1440 : vector<16xf32>
        %sub3A_1677 = arith.subf %add3A_1674, %mul3A_1676 : vector<16xf32>
        %div3A_1678 = vector.broadcast %squeeze3A : f32 to vector<16xf32>
        %div3A_1679 = arith.divf %sub3A_1677, %div3A_1678 : vector<16xf32>
        %swap3A_1680 = arith.index_cast %add3A_942 : i32 to index
        %swap3A_1681 = arith.constant 32 : index
        %swap3A_1682 = tpu.vector_load %arg16[%swap3A_1680, %swap3A_1681] {strides = array<i32>} : memref<256x64xf32, #tpu.memory_space<vmem>>, vector<16xf32>,
        tpu.vector_store %arg16[%swap3A_1680, %swap3A_1681], %div3A_1679 {strides = array<i32>} : memref<256x64xf32, #tpu.memory_space<vmem>>, vector<16xf32>,
        %get3A_1683 = arith.index_cast %scan3A_941 : i32 to index
        %get3A_1684 = arith.constant 48 : index
        %get3A_1685 = tpu.vector_load %arg15[%get3A_1683, %get3A_1684] {strides = array<i32>} : memref<320x64xf32, #tpu.memory_space<vmem>>, vector<16xf32>,
        %add3A_1686 = arith.constant 8 : i32
        %add3A_1687 = arith.addi %add3A_1686, %scan3A_941 : i32
        %get3A_1688 = arith.index_cast %add3A_1687 : i32 to index
        %get3A_1689 = arith.constant 48 : index
        %get3A_1690 = tpu.vector_load %arg15[%get3A_1688, %get3A_1689] {strides = array<i32>} : memref<320x64xf32, #tpu.memory_space<vmem>>, vector<16xf32>,
        %add3A_1691 = arith.constant 16 : i32
        %add3A_1692 = arith.addi %add3A_1691, %scan3A_941 : i32
        %get3A_1693 = arith.index_cast %add3A_1692 : i32 to index
        %get3A_1694 = arith.constant 48 : index
        %get3A_1695 = tpu.vector_load %arg15[%get3A_1693, %get3A_1694] {strides = array<i32>} : memref<320x64xf32, #tpu.memory_space<vmem>>, vector<16xf32>,
        %add3A_1696 = arith.constant 24 : i32
        %add3A_1697 = arith.addi %add3A_1696, %scan3A_941 : i32
        %get3A_1698 = arith.index_cast %add3A_1697 : i32 to index
        %get3A_1699 = arith.constant 48 : index
        %get3A_1700 = tpu.vector_load %arg15[%get3A_1698, %get3A_1699] {strides = array<i32>} : memref<320x64xf32, #tpu.memory_space<vmem>>, vector<16xf32>,
        %add3A_1701 = arith.constant 32 : i32
        %add3A_1702 = arith.addi %add3A_1701, %scan3A_941 : i32
        %get3A_1703 = arith.index_cast %add3A_1702 : i32 to index
        %get3A_1704 = arith.constant 48 : index
        %get3A_1705 = tpu.vector_load %arg15[%get3A_1703, %get3A_1704] {strides = array<i32>} : memref<320x64xf32, #tpu.memory_space<vmem>>, vector<16xf32>,
        %add3A_1706 = arith.addf %get3A_1685, %get3A_1705 : vector<16xf32>
        %add3A_1707 = arith.constant 40 : i32
        %add3A_1708 = arith.addi %add3A_1707, %scan3A_941 : i32
        %get3A_1709 = arith.index_cast %add3A_1708 : i32 to index
        %get3A_1710 = arith.constant 48 : index
        %get3A_1711 = tpu.vector_load %arg15[%get3A_1709, %get3A_1710] {strides = array<i32>} : memref<320x64xf32, #tpu.memory_space<vmem>>, vector<16xf32>,
        %add3A_1712 = arith.addf %get3A_1690, %get3A_1711 : vector<16xf32>
        %add3A_1713 = arith.constant 48 : i32
        %add3A_1714 = arith.addi %add3A_1713, %scan3A_941 : i32
        %get3A_1715 = arith.index_cast %add3A_1714 : i32 to index
        %get3A_1716 = arith.constant 48 : index
        %get3A_1717 = tpu.vector_load %arg15[%get3A_1715, %get3A_1716] {strides = array<i32>} : memref<320x64xf32, #tpu.memory_space<vmem>>, vector<16xf32>,
        %add3A_1718 = arith.addf %get3A_1695, %get3A_1717 : vector<16xf32>
        %add3A_1719 = arith.constant 56 : i32
        %add3A_1720 = arith.addi %add3A_1719, %scan3A_941 : i32
        %get3A_1721 = arith.index_cast %add3A_1720 : i32 to index
        %get3A_1722 = arith.constant 48 : index
        %get3A_1723 = tpu.vector_load %arg15[%get3A_1721, %get3A_1722] {strides = array<i32>} : memref<320x64xf32, #tpu.memory_space<vmem>>, vector<16xf32>,
        %add3A_1724 = arith.addf %get3A_1700, %get3A_1723 : vector<16xf32>
        %add3A_1725 = arith.constant 64 : i32
        %add3A_1726 = arith.addi %add3A_1725, %scan3A_941 : i32
        %get3A_1727 = arith.index_cast %add3A_1726 : i32 to index
        %get3A_1728 = arith.constant 48 : index
        %get3A_1729 = tpu.vector_load %arg15[%get3A_1727, %get3A_1728] {strides = array<i32>} : memref<320x64xf32, #tpu.memory_space<vmem>>, vector<16xf32>,
        %add3A_1730 = arith.addf %add3A_1706, %get3A_1729 : vector<16xf32>
        %add3A_1731 = arith.constant 72 : i32
        %add3A_1732 = arith.addi %add3A_1731, %scan3A_941 : i32
        %get3A_1733 = arith.index_cast %add3A_1732 : i32 to index
        %get3A_1734 = arith.constant 48 : index
        %get3A_1735 = tpu.vector_load %arg15[%get3A_1733, %get3A_1734] {strides = array<i32>} : memref<320x64xf32, #tpu.memory_space<vmem>>, vector<16xf32>,
        %add3A_1736 = arith.addf %add3A_1712, %get3A_1735 : vector<16xf32>
        %add3A_1737 = arith.constant 80 : i32
        %add3A_1738 = arith.addi %add3A_1737, %scan3A_941 : i32
        %get3A_1739 = arith.index_cast %add3A_1738 : i32 to index
        %get3A_1740 = arith.constant 48 : index
        %get3A_1741 = tpu.vector_load %arg15[%get3A_1739, %get3A_1740] {strides = array<i32>} : memref<320x64xf32, #tpu.memory_space<vmem>>, vector<16xf32>,
        %add3A_1742 = arith.addf %add3A_1718, %get3A_1741 : vector<16xf32>
        %add3A_1743 = arith.constant 88 : i32
        %add3A_1744 = arith.addi %add3A_1743, %scan3A_941 : i32
        %get3A_1745 = arith.index_cast %add3A_1744 : i32 to index
        %get3A_1746 = arith.constant 48 : index
        %get3A_1747 = tpu.vector_load %arg15[%get3A_1745, %get3A_1746] {strides = array<i32>} : memref<320x64xf32, #tpu.memory_space<vmem>>, vector<16xf32>,
        %add3A_1748 = arith.addf %add3A_1724, %get3A_1747 : vector<16xf32>
        %add3A_1749 = arith.constant 96 : i32
        %add3A_1750 = arith.addi %add3A_1749, %scan3A_941 : i32
        %get3A_1751 = arith.index_cast %add3A_1750 : i32 to index
        %get3A_1752 = arith.constant 48 : index
        %get3A_1753 = tpu.vector_load %arg15[%get3A_1751, %get3A_1752] {strides = array<i32>} : memref<320x64xf32, #tpu.memory_space<vmem>>, vector<16xf32>,
        %add3A_1754 = arith.addf %add3A_1730, %get3A_1753 : vector<16xf32>
        %add3A_1755 = arith.constant 104 : i32
        %add3A_1756 = arith.addi %add3A_1755, %scan3A_941 : i32
        %get3A_1757 = arith.index_cast %add3A_1756 : i32 to index
        %get3A_1758 = arith.constant 48 : index
        %get3A_1759 = tpu.vector_load %arg15[%get3A_1757, %get3A_1758] {strides = array<i32>} : memref<320x64xf32, #tpu.memory_space<vmem>>, vector<16xf32>,
        %add3A_1760 = arith.addf %add3A_1736, %get3A_1759 : vector<16xf32>
        %add3A_1761 = arith.constant 112 : i32
        %add3A_1762 = arith.addi %add3A_1761, %scan3A_941 : i32
        %get3A_1763 = arith.index_cast %add3A_1762 : i32 to index
        %get3A_1764 = arith.constant 48 : index
        %get3A_1765 = tpu.vector_load %arg15[%get3A_1763, %get3A_1764] {strides = array<i32>} : memref<320x64xf32, #tpu.memory_space<vmem>>, vector<16xf32>,
        %add3A_1766 = arith.addf %add3A_1742, %get3A_1765 : vector<16xf32>
        %add3A_1767 = arith.constant 120 : i32
        %add3A_1768 = arith.addi %add3A_1767, %scan3A_941 : i32
        %get3A_1769 = arith.index_cast %add3A_1768 : i32 to index
        %get3A_1770 = arith.constant 48 : index
        %get3A_1771 = tpu.vector_load %arg15[%get3A_1769, %get3A_1770] {strides = array<i32>} : memref<320x64xf32, #tpu.memory_space<vmem>>, vector<16xf32>,
        %add3A_1772 = arith.addf %add3A_1748, %get3A_1771 : vector<16xf32>
        %add3A_1773 = arith.constant 128 : i32
        %add3A_1774 = arith.addi %add3A_1773, %scan3A_941 : i32
        %get3A_1775 = arith.index_cast %add3A_1774 : i32 to index
        %get3A_1776 = arith.constant 48 : index
        %get3A_1777 = tpu.vector_load %arg15[%get3A_1775, %get3A_1776] {strides = array<i32>} : memref<320x64xf32, #tpu.memory_space<vmem>>, vector<16xf32>,
        %add3A_1778 = arith.addf %add3A_1754, %get3A_1777 : vector<16xf32>
        %add3A_1779 = arith.constant 136 : i32
        %add3A_1780 = arith.addi %add3A_1779, %scan3A_941 : i32
        %get3A_1781 = arith.index_cast %add3A_1780 : i32 to index
        %get3A_1782 = arith.constant 48 : index
        %get3A_1783 = tpu.vector_load %arg15[%get3A_1781, %get3A_1782] {strides = array<i32>} : memref<320x64xf32, #tpu.memory_space<vmem>>, vector<16xf32>,
        %add3A_1784 = arith.addf %add3A_1760, %get3A_1783 : vector<16xf32>
        %add3A_1785 = arith.constant 144 : i32
        %add3A_1786 = arith.addi %add3A_1785, %scan3A_941 : i32
        %get3A_1787 = arith.index_cast %add3A_1786 : i32 to index
        %get3A_1788 = arith.constant 48 : index
        %get3A_1789 = tpu.vector_load %arg15[%get3A_1787, %get3A_1788] {strides = array<i32>} : memref<320x64xf32, #tpu.memory_space<vmem>>, vector<16xf32>,
        %add3A_1790 = arith.addf %add3A_1766, %get3A_1789 : vector<16xf32>
        %add3A_1791 = arith.constant 152 : i32
        %add3A_1792 = arith.addi %add3A_1791, %scan3A_941 : i32
        %get3A_1793 = arith.index_cast %add3A_1792 : i32 to index
        %get3A_1794 = arith.constant 48 : index
        %get3A_1795 = tpu.vector_load %arg15[%get3A_1793, %get3A_1794] {strides = array<i32>} : memref<320x64xf32, #tpu.memory_space<vmem>>, vector<16xf32>,
        %add3A_1796 = arith.addf %add3A_1772, %get3A_1795 : vector<16xf32>
        %add3A_1797 = arith.constant 160 : i32
        %add3A_1798 = arith.addi %add3A_1797, %scan3A_941 : i32
        %get3A_1799 = arith.index_cast %add3A_1798 : i32 to index
        %get3A_1800 = arith.constant 48 : index
        %get3A_1801 = tpu.vector_load %arg15[%get3A_1799, %get3A_1800] {strides = array<i32>} : memref<320x64xf32, #tpu.memory_space<vmem>>, vector<16xf32>,
        %add3A_1802 = arith.addf %add3A_1778, %get3A_1801 : vector<16xf32>
        %add3A_1803 = arith.constant 168 : i32
        %add3A_1804 = arith.addi %add3A_1803, %scan3A_941 : i32
        %get3A_1805 = arith.index_cast %add3A_1804 : i32 to index
        %get3A_1806 = arith.constant 48 : index
        %get3A_1807 = tpu.vector_load %arg15[%get3A_1805, %get3A_1806] {strides = array<i32>} : memref<320x64xf32, #tpu.memory_space<vmem>>, vector<16xf32>,
        %add3A_1808 = arith.addf %add3A_1784, %get3A_1807 : vector<16xf32>
        %add3A_1809 = arith.constant 176 : i32
        %add3A_1810 = arith.addi %add3A_1809, %scan3A_941 : i32
        %get3A_1811 = arith.index_cast %add3A_1810 : i32 to index
        %get3A_1812 = arith.constant 48 : index
        %get3A_1813 = tpu.vector_load %arg15[%get3A_1811, %get3A_1812] {strides = array<i32>} : memref<320x64xf32, #tpu.memory_space<vmem>>, vector<16xf32>,
        %add3A_1814 = arith.addf %add3A_1790, %get3A_1813 : vector<16xf32>
        %add3A_1815 = arith.constant 184 : i32
        %add3A_1816 = arith.addi %add3A_1815, %scan3A_941 : i32
        %get3A_1817 = arith.index_cast %add3A_1816 : i32 to index
        %get3A_1818 = arith.constant 48 : index
        %get3A_1819 = tpu.vector_load %arg15[%get3A_1817, %get3A_1818] {strides = array<i32>} : memref<320x64xf32, #tpu.memory_space<vmem>>, vector<16xf32>,
        %add3A_1820 = arith.addf %add3A_1796, %get3A_1819 : vector<16xf32>
        %add3A_1821 = arith.constant 192 : i32
        %add3A_1822 = arith.addi %add3A_1821, %scan3A_941 : i32
        %get3A_1823 = arith.index_cast %add3A_1822 : i32 to index
        %get3A_1824 = arith.constant 48 : index
        %get3A_1825 = tpu.vector_load %arg15[%get3A_1823, %get3A_1824] {strides = array<i32>} : memref<320x64xf32, #tpu.memory_space<vmem>>, vector<16xf32>,
        %add3A_1826 = arith.addf %add3A_1802, %get3A_1825 : vector<16xf32>
        %add3A_1827 = arith.constant 200 : i32
        %add3A_1828 = arith.addi %add3A_1827, %scan3A_941 : i32
        %get3A_1829 = arith.index_cast %add3A_1828 : i32 to index
        %get3A_1830 = arith.constant 48 : index
        %get3A_1831 = tpu.vector_load %arg15[%get3A_1829, %get3A_1830] {strides = array<i32>} : memref<320x64xf32, #tpu.memory_space<vmem>>, vector<16xf32>,
        %add3A_1832 = arith.addf %add3A_1808, %get3A_1831 : vector<16xf32>
        %add3A_1833 = arith.constant 208 : i32
        %add3A_1834 = arith.addi %add3A_1833, %scan3A_941 : i32
        %get3A_1835 = arith.index_cast %add3A_1834 : i32 to index
        %get3A_1836 = arith.constant 48 : index
        %get3A_1837 = tpu.vector_load %arg15[%get3A_1835, %get3A_1836] {strides = array<i32>} : memref<320x64xf32, #tpu.memory_space<vmem>>, vector<16xf32>,
        %add3A_1838 = arith.addf %add3A_1814, %get3A_1837 : vector<16xf32>
        %add3A_1839 = arith.constant 216 : i32
        %add3A_1840 = arith.addi %add3A_1839, %scan3A_941 : i32
        %get3A_1841 = arith.index_cast %add3A_1840 : i32 to index
        %get3A_1842 = arith.constant 48 : index
        %get3A_1843 = tpu.vector_load %arg15[%get3A_1841, %get3A_1842] {strides = array<i32>} : memref<320x64xf32, #tpu.memory_space<vmem>>, vector<16xf32>,
        %add3A_1844 = arith.addf %add3A_1820, %get3A_1843 : vector<16xf32>
        %add3A_1845 = arith.constant 224 : i32
        %add3A_1846 = arith.addi %add3A_1845, %scan3A_941 : i32
        %get3A_1847 = arith.index_cast %add3A_1846 : i32 to index
        %get3A_1848 = arith.constant 48 : index
        %get3A_1849 = tpu.vector_load %arg15[%get3A_1847, %get3A_1848] {strides = array<i32>} : memref<320x64xf32, #tpu.memory_space<vmem>>, vector<16xf32>,
        %add3A_1850 = arith.addf %add3A_1826, %get3A_1849 : vector<16xf32>
        %add3A_1851 = arith.constant 232 : i32
        %add3A_1852 = arith.addi %add3A_1851, %scan3A_941 : i32
        %get3A_1853 = arith.index_cast %add3A_1852 : i32 to index
        %get3A_1854 = arith.constant 48 : index
        %get3A_1855 = tpu.vector_load %arg15[%get3A_1853, %get3A_1854] {strides = array<i32>} : memref<320x64xf32, #tpu.memory_space<vmem>>, vector<16xf32>,
        %add3A_1856 = arith.addf %add3A_1832, %get3A_1855 : vector<16xf32>
        %add3A_1857 = arith.constant 240 : i32
        %add3A_1858 = arith.addi %add3A_1857, %scan3A_941 : i32
        %get3A_1859 = arith.index_cast %add3A_1858 : i32 to index
        %get3A_1860 = arith.constant 48 : index
        %get3A_1861 = tpu.vector_load %arg15[%get3A_1859, %get3A_1860] {strides = array<i32>} : memref<320x64xf32, #tpu.memory_space<vmem>>, vector<16xf32>,
        %add3A_1862 = arith.addf %add3A_1838, %get3A_1861 : vector<16xf32>
        %add3A_1863 = arith.constant 248 : i32
        %add3A_1864 = arith.addi %add3A_1863, %scan3A_941 : i32
        %get3A_1865 = arith.index_cast %add3A_1864 : i32 to index
        %get3A_1866 = arith.constant 48 : index
        %get3A_1867 = tpu.vector_load %arg15[%get3A_1865, %get3A_1866] {strides = array<i32>} : memref<320x64xf32, #tpu.memory_space<vmem>>, vector<16xf32>,
        %add3A_1868 = arith.addf %add3A_1844, %get3A_1867 : vector<16xf32>
        %add3A_1869 = arith.constant 256 : i32
        %add3A_1870 = arith.addi %add3A_1869, %scan3A_941 : i32
        %get3A_1871 = arith.index_cast %add3A_1870 : i32 to index
        %get3A_1872 = arith.constant 48 : index
        %get3A_1873 = tpu.vector_load %arg15[%get3A_1871, %get3A_1872] {strides = array<i32>} : memref<320x64xf32, #tpu.memory_space<vmem>>, vector<16xf32>,
        %add3A_1874 = arith.addf %add3A_1850, %get3A_1873 : vector<16xf32>
        %add3A_1875 = arith.constant 264 : i32
        %add3A_1876 = arith.addi %add3A_1875, %scan3A_941 : i32
        %get3A_1877 = arith.index_cast %add3A_1876 : i32 to index
        %get3A_1878 = arith.constant 48 : index
        %get3A_1879 = tpu.vector_load %arg15[%get3A_1877, %get3A_1878] {strides = array<i32>} : memref<320x64xf32, #tpu.memory_space<vmem>>, vector<16xf32>,
        %add3A_1880 = arith.addf %add3A_1856, %get3A_1879 : vector<16xf32>
        %add3A_1881 = arith.constant 272 : i32
        %add3A_1882 = arith.addi %add3A_1881, %scan3A_941 : i32
        %get3A_1883 = arith.index_cast %add3A_1882 : i32 to index
        %get3A_1884 = arith.constant 48 : index
        %get3A_1885 = tpu.vector_load %arg15[%get3A_1883, %get3A_1884] {strides = array<i32>} : memref<320x64xf32, #tpu.memory_space<vmem>>, vector<16xf32>,
        %add3A_1886 = arith.addf %add3A_1862, %get3A_1885 : vector<16xf32>
        %add3A_1887 = arith.constant 280 : i32
        %add3A_1888 = arith.addi %add3A_1887, %scan3A_941 : i32
        %get3A_1889 = arith.index_cast %add3A_1888 : i32 to index
        %get3A_1890 = arith.constant 48 : index
        %get3A_1891 = tpu.vector_load %arg15[%get3A_1889, %get3A_1890] {strides = array<i32>} : memref<320x64xf32, #tpu.memory_space<vmem>>, vector<16xf32>,
        %add3A_1892 = arith.addf %add3A_1868, %get3A_1891 : vector<16xf32>
        %add3A_1893 = arith.constant 288 : i32
        %add3A_1894 = arith.addi %add3A_1893, %scan3A_941 : i32
        %get3A_1895 = arith.index_cast %add3A_1894 : i32 to index
        %get3A_1896 = arith.constant 48 : index
        %get3A_1897 = tpu.vector_load %arg15[%get3A_1895, %get3A_1896] {strides = array<i32>} : memref<320x64xf32, #tpu.memory_space<vmem>>, vector<16xf32>,
        %add3A_1898 = arith.addf %add3A_1874, %get3A_1897 : vector<16xf32>
        %add3A_1899 = arith.constant 296 : i32
        %add3A_1900 = arith.addi %add3A_1899, %scan3A_941 : i32
        %get3A_1901 = arith.index_cast %add3A_1900 : i32 to index
        %get3A_1902 = arith.constant 48 : index
        %get3A_1903 = tpu.vector_load %arg15[%get3A_1901, %get3A_1902] {strides = array<i32>} : memref<320x64xf32, #tpu.memory_space<vmem>>, vector<16xf32>,
        %add3A_1904 = arith.addf %add3A_1880, %get3A_1903 : vector<16xf32>
        %add3A_1905 = arith.constant 304 : i32
        %add3A_1906 = arith.addi %add3A_1905, %scan3A_941 : i32
        %get3A_1907 = arith.index_cast %add3A_1906 : i32 to index
        %get3A_1908 = arith.constant 48 : index
        %get3A_1909 = tpu.vector_load %arg15[%get3A_1907, %get3A_1908] {strides = array<i32>} : memref<320x64xf32, #tpu.memory_space<vmem>>, vector<16xf32>,
        %add3A_1910 = arith.addf %add3A_1886, %get3A_1909 : vector<16xf32>
        %add3A_1911 = arith.constant 312 : i32
        %add3A_1912 = arith.addi %add3A_1911, %scan3A_941 : i32
        %get3A_1913 = arith.index_cast %add3A_1912 : i32 to index
        %get3A_1914 = arith.constant 48 : index
        %get3A_1915 = tpu.vector_load %arg15[%get3A_1913, %get3A_1914] {strides = array<i32>} : memref<320x64xf32, #tpu.memory_space<vmem>>, vector<16xf32>,
        %add3A_1916 = arith.addf %add3A_1892, %get3A_1915 : vector<16xf32>
        %add3A_1917 = arith.addf %add3A_1898, %add3A_1904 : vector<16xf32>
        %add3A_1918 = arith.addf %add3A_1910, %add3A_1916 : vector<16xf32>
        %add3A_1919 = arith.addf %add3A_1917, %add3A_1918 : vector<16xf32>
        %mul3A_1920 = vector.broadcast %sub3A_947 : f32 to vector<16xf32>
        %mul3A_1921 = arith.mulf %mul3A_1920, %get3A_1685 : vector<16xf32>
        %sub3A_1922 = arith.subf %add3A_1919, %mul3A_1921 : vector<16xf32>
        %div3A_1923 = vector.broadcast %squeeze3A : f32 to vector<16xf32>
        %div3A_1924 = arith.divf %sub3A_1922, %div3A_1923 : vector<16xf32>
        %swap3A_1925 = arith.index_cast %add3A_942 : i32 to index
        %swap3A_1926 = arith.constant 48 : index
        %swap3A_1927 = tpu.vector_load %arg16[%swap3A_1925, %swap3A_1926] {strides = array<i32>} : memref<256x64xf32, #tpu.memory_space<vmem>>, vector<16xf32>,
        tpu.vector_store %arg16[%swap3A_1925, %swap3A_1926], %div3A_1924 {strides = array<i32>} : memref<256x64xf32, #tpu.memory_space<vmem>>, vector<16xf32>,
      }
      %scan3A_940 = arith.constant 8 : i32
    }
    %scan3A_654 = arith.constant 16 : i32
    "tpu.region"() ({
      %run_scoped3A = tpu.sem_alloc : memref<!tpu.dma_semaphore, #tpu.memory_space<semaphore_mem>>
      %dma_start3A_655 = arith.constant 0 : i32
      %dma_start3A_656 = tpu.memref_slice %arg6[%mul3A_2, %dma_start3A_655] : memref<8192x64xf32, #tpu.memory_space<hbm>> -> memref<256x64xf32, #tpu.memory_space<hbm>>
      %dma_start3A_657 = arith.constant 0 : i32
      %dma_start3A_658 = tpu.memref_slice %arg6[%mul3A_2, %dma_start3A_657] : memref<8192x64xf32, #tpu.memory_space<hbm>> -> memref<256x64xf32, #tpu.memory_space<hbm>>
      tpu.enqueue_dma source(%arg16 : memref<256x64xf32, #tpu.memory_space<vmem>>) target(%dma_start3A_658 : memref<256x64xf32, #tpu.memory_space<hbm>>) target_semaphore(%run_scoped3A : memref<!tpu.dma_semaphore, #tpu.memory_space<semaphore_mem>>)
      %dma_wait3A = arith.constant 0 : i32
      %dma_wait3A_659 = tpu.memref_slice %arg6[%mul3A_2, %dma_wait3A] : memref<8192x64xf32, #tpu.memory_space<hbm>> -> memref<256x64xf32, #tpu.memory_space<hbm>>
      %dma_wait3A_660 = arith.constant 0 : i32
      %dma_wait3A_661 = tpu.memref_slice %arg6[%mul3A_2, %dma_wait3A_660] : memref<8192x64xf32, #tpu.memory_space<hbm>> -> memref<256x64xf32, #tpu.memory_space<hbm>>
      tpu.wait_dma2 semaphore(%run_scoped3A : memref<!tpu.dma_semaphore, #tpu.memory_space<semaphore_mem>>) src(%arg16 : memref<256x64xf32, #tpu.memory_space<vmem>>) dst(%dma_wait3A_661 : memref<256x64xf32, #tpu.memory_space<hbm>>)
      tpu.yield
    }) : () -> ()
    return
  }
}

module attributes {stable_mosaic.version = 14 : i64} {
  func.func @_sim_body(%arg0: i32, %arg1: i32, %arg2: memref<8192x64xf32, #tpu.memory_space<vmem>>, %arg3: memref<512x4096xf32, #tpu.memory_space<vmem>>) attributes {dimension_semantics = [#tpu.dimension_semantics<arbitrary>, #tpu.dimension_semantics<arbitrary>], iteration_bounds = array<i64: 16, 2>, scalar_prefetch = 0 : i64, scratch_operands = 0 : i64, tpu.core_type = #tpu.core_type<tc>, window_params = [{pipeline_mode = #tpu.pipeline_mode<synchronous>, transform_indices = @transform_0, window_bounds = array<i64: 8192, 64>}, {transform_indices = @transform_1, window_bounds = array<i64: 512, 4096>}]} {
    %mul3A = arith.constant 512 : i32
    %mul3A_0 = arith.muli %arg0, %mul3A : i32
    %get3A = arith.index_cast %mul3A_0 : i32 to index
    %get3A_1 = arith.constant 0 : index
    %get3A_2 = vector.load %arg2[%get3A, %get3A_1] : memref<8192x64xf32, #tpu.memory_space<vmem>>, vector<512x64xf32>
    %mul3A_3 = arith.constant 4096 : i32
    %mul3A_4 = arith.muli %arg1, %mul3A_3 : i32
    %get3A_5 = arith.index_cast %mul3A_4 : i32 to index
    %get3A_6 = arith.constant 0 : index
    %get3A_7 = vector.load %arg2[%get3A_5, %get3A_6] : memref<8192x64xf32, #tpu.memory_space<vmem>>, vector<4096x64xf32>
    %dot_general3A = arith.constant dense<0.000000e+00> : vector<512x4096xf32>
    %dot_general3A_8 = tpu.matmul %get3A_2, %get3A_7, %dot_general3A {dimension_numbers = #tpu.dot_dimension_numbers<[1], [1], [0], [0], [0, 0, 1, 0], [], []>, transpose_lhs_hint = false} : vector<512x64xf32>, vector<4096x64xf32>, vector<512x4096xf32> -> vector<512x4096xf32>
    %iota3A = tpu.iota {dimensions = array<i32: 0>} : vector<512x4096xi32>
    %mul3A_9 = arith.constant 512 : i32
    %mul3A_10 = arith.muli %arg0, %mul3A_9 : i32
    %add3A = vector.broadcast %mul3A_10 : i32 to vector<512x4096xi32>
    %add3A_11 = arith.addi %iota3A, %add3A : vector<512x4096xi32>
    %iota3A_12 = tpu.iota {dimensions = array<i32: 1>} : vector<512x4096xi32>
    %mul3A_13 = arith.constant 4096 : i32
    %mul3A_14 = arith.muli %arg1, %mul3A_13 : i32
    %add3A_15 = vector.broadcast %mul3A_14 : i32 to vector<512x4096xi32>
    %add3A_16 = arith.addi %iota3A_12, %add3A_15 : vector<512x4096xi32>
    %eq3A = arith.cmpi eq, %add3A_11, %add3A_16 : vector<512x4096xi32>
    %mul3A_17 = arith.constant 2.000000e+00 : f32
    %mul3A_18 = vector.broadcast %mul3A_17 : f32 to vector<512x4096xf32>
    %mul3A_19 = arith.mulf %dot_general3A_8, %mul3A_18 : vector<512x4096xf32>
    %jit3A = arith.constant -1.000000e+09 : f32
    %broadcast_in_dim3A = vector.broadcast %jit3A : f32 to vector<512x4096xf32>
    %select_n3A = arith.select %eq3A, %broadcast_in_dim3A, %mul3A_19 : vector<512x4096xi1>, vector<512x4096xf32>
    %swap3A = arith.constant 0 : index
    %swap3A_20 = arith.constant 0 : index
    %swap3A_21 = vector.load %arg3[%swap3A, %swap3A_20] : memref<512x4096xf32, #tpu.memory_space<vmem>>, vector<512x4096xf32>
    tpu.vector_store %arg3[%swap3A, %swap3A_20], %select_n3A {strides = array<i32>} : memref<512x4096xf32, #tpu.memory_space<vmem>>, vector<512x4096xf32>,
    return
  }
  func.func @transform_0(%arg0: i32, %arg1: i32) -> (i32, i32) {
    %c0_i32 = arith.constant 0 : i32
    %c0_i32_0 = arith.constant 0 : i32
    %c0_i32_1 = arith.constant 0 : i32
    return %c0_i32, %c0_i32_0 : i32, i32
  }
  func.func @transform_1(%arg0: i32, %arg1: i32) -> (i32, i32) {
    %c0_i32 = arith.constant 0 : i32
    return %arg0, %arg1 : i32, i32
  }
}

</mosaic_0001>

<sc_bundles>
// kernel: kernel.4.cloned.1.call-start
scs
__scs_entry_jumppad:
0x0: {  	(pc) =	sbr.rel $0x88, $3  }
0x1: {  	(tag) =	ssettag $0x0;
	lr =	simm.s32 $0x1  }
0x2: {  	[smem:$0x3F9E] =	sst lr;
	_ =	strace $0xD0000000  }
0x3: {  	_ = 	snop  }
0x4: {  	_ = 	snop  }
0x5: {  	_ = 	snop  }
0x6: {  	_ = 	snop  }
0x7: {  	_ = 	snop  }
__scs_overlays_trampoline_lowered:
0x8: {  	[smem:$0x3FAD] =	sst s0  }
0x9: {  	[smem:$0x3FAE] =	sst s1  }
0xa: {  	[smem:$0x3FAF] =	sst s2  }
0xb: {  	[smem:$0x3FB0] =	sst s3  }
0xc: {  	[smem:$0x3FB1] =	sst s4  }
0xd: {  	[smem:$0x3FB2] =	sst s5  }
0xe: {  	[smem:$0x3FB3] =	sst s6  }
0xf: {  	[smem:$0x3FB4] =	sst s7  }
0x10: {  	[smem:$0x3FB5] =	sst s8  }
0x11: {  	[smem:$0x3FB6] =	sst s9;
	s0 =	simm.s32 @!p0 $0x0  }
0x12: {  	s1 =	sld [smem:$0x3F9C];
	s0 =	simm.s32 @p0 $0x1  }
0x13: {  	[smem:$0x3FB7] =	sst s0;
	s0 =	simm.s32 @!p1 $0x0  }
0x14: {  	s2 =	sld [smem:$0x3F9B];
	s0 =	simm.s32 @p1 $0x1  }
0x15: {  	[smem:$0x3FB8] =	sst s0;
	s0 =	simm.s32 @!p2 $0x0  }
0x16: {  	s3 =	sld [smem:$0x3FDB];
	s0 =	simm.s32 @p2 $0x1  }
0x17: {  	s4 =	simm.s32 $0x1BF5;
	[smem:$0x3FBA] =	sst s0  }
0x18: {  	s0 =	sld [smem:$0x3F9D];
	_ =	swait.ge [sflag:s4], $0x0  }
0x19: {  	s7 =	sld [smem:$0x3F9E]  }
0x1a: {  	s8 =	sadd.s32 $0xFFFFE003, lr  }
0x1b: {  	s9 =	sadd.s32 $0xFFFFFEF7, lr;
	s5 =	simm.s32 $0xFFFFFFFF;
	p2 =	slt.u32 s8, $0xFFFFF086  }
0x1c: {  	p1 =	slt.u32 s9, $0xF7A;
	s5 =	simm.s32 @!p2 $0x0  }
0x1d: {  	s5 =	simm.s32 @p1 $0x1;
	p0 =	seq.s32 s7, s2  }
0x1e: {  	s7 =	smul.u32 @!p0 $0xF7A, s2;
	p2 =	seq.s32 @!p0 s5, $0x0  }
0x1f: {  	s9 =	smul.u32 $0xF7A, s1;
	s8 =	simm.s32 @!p0 $0x1BF5;
	p2 =	por !p2, p0  }
0x20: {  	[sflag:s8] =	ssyncset.s32 @!p0 $0xFFFFF086;
	s6 =	sadd.s32 @!p0 s3, s7;
	s7 =	simm.s32 @!p0 $0x108  }
0x21: {  	s3 =	sadd.s32 s3, s9;
	s6 =	sadd.s32 @!p0 $0x88, s6;
	s7 =	simm.s32 @p2 $0x1082  }
0x22: {  	[simem:s7], [sflag:s8] =	dma.local @!p0 [hbm:s6], $0xF7A  }
0x23: {  	s9 =	sor.u32 $0xD0000000, s2;
	s6 =	simm.s32 $0x108;
	_ =	swait.ge @!p0 [sflag:s8], $0x0  }
0x24: {  	s3 =	sadd.s32 $0x88, s3;
	s6 =	simm.s32 @!p1 $0x1082;
	[sflag:s4] =	ssyncset.s32 $0xFFFFF086  }
0x25: {  	[simem:s6], [sflag:s4] =	dma.local [hbm:s3], $0xF7A  }
0x26: {  	[smem:$0x3F9E] =	sst s1;
	(tag) =	ssettag s2;
	_ =	strace s9  }
0x27: {  	s1 =	sld [smem:$0x3FAE]  }
0x28: {  	s2 =	sld [smem:$0x3FAF]  }
0x29: {  	s4 =	sld [smem:$0x3FB1]  }
0x2a: {  	p0 =	seq.s32 s5, $0x0;
	s5 =	sld [smem:$0x3FB2]  }
0x2b: {  	s6 =	sld [smem:$0x3FB3]  }
0x2c: {  	s7 =	sld [smem:$0x3FB4]  }
0x2d: {  	s3 =	simm.s32 $0x108;
	s8 =	sld [smem:$0x3FB5]  }
0x2e: {  	s3 =	simm.s32 @!p0 $0x1082;
	s9 =	sld [smem:$0x3FB6]  }
0x2f: {  	lr =	sadd.s32 s0, s3;
	s0 =	sld [smem:$0x3FAD]  }
0x30: {  	s3 =	sld [smem:$0x3FB0]  }
0x31: {  	[smem:$0x3FB9] =	sst s10  }
0x32: {  	s10 =	sld [smem:$0x3FB7];
	_ =	sdelay $0x3  }
0x33: {  	p0 =	seq.s32 s10, $0x1;
	s10 =	sld [smem:$0x3FB9];
	_ =	sdelay $0x3  }
0x34: {  	[smem:$0x3FB9] =	sst s10  }
0x35: {  	s10 =	sld [smem:$0x3FB8];
	_ =	sdelay $0x3  }
0x36: {  	p1 =	seq.s32 s10, $0x1;
	s10 =	sld [smem:$0x3FB9];
	_ =	sdelay $0x3  }
0x37: {  	[smem:$0x3FB9] =	sst s10  }
0x38: {  	s10 =	sld [smem:$0x3FBA]  }
0x39: {  	_ = 	snop;
	(pc) =	sbr.ind lr, $3  }
0x3a: {  	_ = 	snop  }
0x3b: {  	_ = 	snop  }
0x3c: {  	p2 =	seq.s32 s10, $0x1;
	s10 =	sld [smem:$0x3FB9]  }
0x3d: {  	_ =	shalt  }
0x3e: {  	_ =	shalt  }
0x3f: {  	_ =	shalt  }
0x40: {  	_ =	shalt  }
0x41: {  	_ =	shalt  }
0x42: {  	_ =	shalt  }
0x43: {  	_ =	shalt  }
0x44: {  	_ =	shalt  }
0x45: {  	_ =	shalt  }
0x46: {  	_ =	shalt  }
0x47: {  	_ =	shalt  }
0x48: {  	_ =	shalt  }
0x49: {  	_ =	shalt  }
0x4a: {  	_ =	shalt  }
0x4b: {  	_ =	shalt  }
0x4c: {  	_ =	shalt  }
0x4d: {  	_ =	shalt  }
0x4e: {  	_ =	shalt  }
0x4f: {  	_ =	shalt  }
0x50: {  	_ =	shalt  }
0x51: {  	_ =	shalt  }
0x52: {  	_ =	shalt  }
0x53: {  	_ =	shalt  }
0x54: {  	_ =	shalt  }
0x55: {  	_ =	shalt  }
0x56: {  	_ =	shalt  }
0x57: {  	_ =	shalt  }
0x58: {  	_ =	shalt  }
0x59: {  	_ =	shalt  }
0x5a: {  	_ =	shalt  }
0x5b: {  	_ =	shalt  }
0x5c: {  	_ =	shalt  }
0x5d: {  	_ =	shalt  }
0x5e: {  	_ =	shalt  }
0x5f: {  	_ =	shalt  }
0x60: {  	_ =	shalt  }
0x61: {  	_ =	shalt  }
0x62: {  	_ =	shalt  }
0x63: {  	_ =	shalt  }
0x64: {  	_ =	shalt  }
0x65: {  	_ =	shalt  }
0x66: {  	_ =	shalt  }
0x67: {  	_ =	shalt  }
0x68: {  	_ =	shalt  }
0x69: {  	_ =	shalt  }
0x6a: {  	_ =	shalt  }
0x6b: {  	_ =	shalt  }
0x6c: {  	_ =	shalt  }
0x6d: {  	_ =	shalt  }
0x6e: {  	_ =	shalt  }
0x6f: {  	_ =	shalt  }
0x70: {  	_ =	shalt  }
0x71: {  	_ =	shalt  }
0x72: {  	_ =	shalt  }
0x73: {  	_ =	shalt  }
0x74: {  	_ =	shalt  }
0x75: {  	_ =	shalt  }
0x76: {  	_ =	shalt  }
0x77: {  	_ =	shalt  }
0x78: {  	_ =	shalt  }
0x79: {  	_ =	shalt  }
0x7a: {  	_ =	shalt  }
0x7b: {  	_ =	shalt  }
0x7c: {  	_ =	shalt  }
0x7d: {  	_ =	shalt  }
0x7e: {  	_ =	shalt  }
0x7f: {  	_ =	shalt  }
0x80: {  	_ =	shalt  }
0x81: {  	_ =	shalt  }
0x82: {  	_ =	shalt  }
0x83: {  	_ =	shalt  }
0x84: {  	_ =	shalt  }
0x85: {  	_ =	shalt  }
0x86: {  	_ =	shalt  }
0x87: {  	_ =	shalt  }
.Lfunc_end0:
.L_simem_size_0:
called_computation_lowered:
.L_overlay_start_0:
0x88: {  	s2 =	sld [smem:$0x3FD9]  }
0x89: {  	s3 =	sld [smem:$0x3FFE];
	_ =	sdelay $0x1  }
0x8a: {  	s1 =	srdreg.scid  }
0x8b: {  	s0 =	sand.u32 $0x1, s1  }
0x8c: {  	s14 =	sshll.u32 s0, $0xA;
	s2 =	sadd.s32 s3, s2  }
0x8d: {  	s2 =	sadd.s32 s2, s14  }
0x8e: {  	[smem:$0x3FC5] =	sst s2  }
0x8f: {  	_ = 	snop  }
0x90: {  	s2 =	sld [smem:$0x3FD0];
	_ =	sdelay $0x2  }
0x91: {  	s4 =	simm.s32 $0xA;
	s5 =	simm.s32 $0x10;
	s15 =	sld [smem:$0x3FC8]  }
0x92: {  	[smem:s5], [sflag:s4] =	dma.local [hbm:s2], $0x1  }
0x93: {  	_ =	swait.eq [sflag:s4], $0x1  }
0x94: {  	[sflag:s4] =	ssyncset.done $0x0  }
0x95: {  	[sflag:s4] =	ssyncadd.s32 $0xFFFFFFFF  }
0x96: {  	s16 =	sld [smem:$0x10];
	(tm) =	ssettm $0x1  }
0x97: {  	s17 =	sld [smem:$0x3FFB];
	_ =	sdelay $0x3  }
0x98: {  	_ =	strace s17  }
0x99: {  	s4 =	sld [smem:$0x3FFC];
	_ =	sdelay $0x3  }
0x9a: {  	_ =	strace s4  }
0x9b: {  	s4 =	sld [smem:$0x3FFD];
	_ =	sdelay $0x3  }
0x9c: {  	_ =	strace s4  }
0x9d: {  	_ =	strace $0x8FFFFFFF  }
0x9e: {  	s18 =	sld [smem:$0x3FDB];
	_ =	sdelay $0x1  }
0x9f: {  	s19 =	simm.s32 $_scs_section_size  }
0xa0: {  	s6 =	simm.s32 $_size__tile_overlayer_lowered;
	s7 =	simm.s32 $_tile_overlayer_lowered  }
0xa1: {  	s22 =	simm.s32 $0x1BFF;
	s21 =	sshll.u32 s7, $0x1;
	s4 =	sadd.s32 s19, s18  }
0xa2: {  	s8 =	simm.s32 $0x0;
	s20 =	sshll.u32 s6, $0x1;
	s6 =	sadd.s32 s21, s4  }
0xa3: {  	[timem:s8], [sflag:s22] =	dma.local [hbm:s6], s20  }
0xa4: {  	_ =	swait.ge [sflag:s22], s20  }
0xa5: {  	s5 =	ssub.s32 $0x0, s20;
	[sflag:s22] =	ssyncset.done $0x0  }
0xa6: {  	[sflag:s22] =	ssyncadd.s32 s5;
	_ =	sdelay $0x1  }
0xa7: {  	s23 =	simm.s32 $0x1B8B  }
0xa8: {  	_ =	swait.ge [sflag:s23], $0x1  }
0xa9: {  	[sflag:s23] =	ssyncset.done $0x0  }
0xaa: {  	s25 =	simm.s32 $0x1B8E;
	s24 =	sld [smem:$0x3FFE];
	[sflag:s23] =	ssyncadd.s32 $0xFFFFFFFF  }
0xab: {  	s26 =	simm.s32 $execute0_lowered;
	[smem:$0x3FD2] =	sst s25  }
0xac: {  	s6 =	sshll.u32 s26, $0x1;
	_ =	strace $0x80000046;
	[dreg:$0x1] =	wrdreg $0xFFFFFFFF  }
0xad: {  	s28 =	simm.s32 $_size_execute0_lowered;
	s4 =	sadd.s32 s4, s6;
	[dreg:$0x0] =	wrdreg $0x0  }
0xae: {  	s6 =	sshll.u32 s28, $0x1;
	[dreg:$0x2] =	wrdreg s4  }
0xaf: {  	[dreg:$0x3] =	wrdreg s6  }
0xb0: {  	[dreg:$0x4] =	wrdreg $0xC0  }
0xb1: {  	_ =	task [dreg:s8], $0x5FFFF  }
0xb2: {  	[dreg:$0x1] =	wrdreg $0xFFFFFFFF  }
0xb3: {  	[dreg:$0x0] =	wrdreg $0x60  }
0xb4: {  	[dreg:$0x2] =	wrdreg s16  }
0xb5: {  	[dreg:$0x3] =	wrdreg s15  }
0xb6: {  	[dreg:$0x4] =	wrdreg s24  }
0xb7: {  	[dreg:$0x5] =	wrdreg $0x9  }
0xb8: {  	_ =	task.clear_ibuf [dreg:s8], $0x6FFFF;
	_ =	strace $0x90000046  }
0xb9: {  	s29 =	simm.s32 $0x9;
	_ =	strace $0x80000048  }
0xba: {  	_ =	swait.ge [sflag:s29], $0x1  }
0xbb: {  	[sflag:s29] =	ssyncadd.s32 $0xFFFFFFFF  }
0xbc: {  	_ =	strace $0x90000048  }
0xbd: {  	_ =	sfence  }
0xbe: {  	s30 =	sld [smem:$0x0];
	_ =	sdelay $0x2  }
0xbf: {  	s31 =	sshll.u32 s1, $0xD;
	s1 =	sshrl.u32 s1, $0x2  }
0xc0: {  	s3 =	sand.u32 $0x4000, s31;
	s1 =	sadd.s32 s1, s30  }
0xc1: {  	s0 =	sor.u32 s3, s0;
	s1 =	sshll.u32 s1, $0x11  }
0xc2: {  	s0 =	sor.u32 s1, s0  }
0xc3: {  	s0 =	sadd.s32 $0x8F2B, s0  }
0xc4: {  	[sflag:s0] =	ssyncadd.remote.s32 $0x1  }
0xc5: {  	_ =	sfence.sel $0xFFFF  }
0xc6: {  	[dreg:$0x0] =	wrdreg $0xFFFFFFFF;
	(pc) =	sbr.abs _section_cstart, $3  }
0xc7: {  	[dreg:$0x1] =	wrdreg $0xFFFFFFFF  }
0xc8: {  	_ =	task.clear_ibuf [dreg:s8], $0x2FFFF;
	_ =	strace $0x9FFFFFFF  }
0xc9: {  	(tm) =	ssettm $0x7FFFFFFF  }
tec
execute0_lowered:
.L_overlay_start_1:
0x0: {  	(tag) =	ssettag $0x1  }
0x1: {  	s0 =	rddreg [dreg:$0x0]  }
0x2: {  	s1 =	srdreg.scid;
	s4 =	rddreg [dreg:$0x1]  }
0x3: {  	s2 =	stileid.u32;
	s5 =	rddreg [dreg:$0x2]  }
0x4: {  	s12 =	simm.s32 $0xCA00;
	s13 =	simm.s32 $0x80;
	s14 =	simm.s32 $0xCC20  }
0x5: {  	s15 =	simm.s32 $0xCEA0;
	s16 =	simm.s32 $0xCCA0;
	s17 =	simm.s32 $0xEEA0  }
0x6: {  	s18 =	simm.s32 $0x40;
	s19 =	simm.s32 $0xCD20;
	s20 =	simm.s32 $0x10EA0  }
0x7: {  	s21 =	simm.s32 $0xCB10;
	s22 =	simm.s32 $0xCD60;
	s28 =	simm.s32 $0x15EA0  }
0x8: {  	s29 =	simm.s32 $0x1;
	s30 =	simm.s32 $0x2;
	s1 =	sand.u32 $0x1, s1  }
0x9: {  	s3 =	sshll.u32 s2, $0x9;
	s2 =	simm.s32 $0x0;
	s6 =	sshll.u32 s1, $0x8  }
0xa: {  	[smem:$0x7FF] =	sst s2;
	s1 =	ssub.s32 $0x2, s1;
	s3 =	sor.u32 s6, s3  }
0xb: {  	v1 =	vlaneseq.u32;
	_ =	strace $0x80000047;
	s23 =	sshrl.u32 s1, $0x1;
	s6 =	sshrl.u32 s3, $0x3  }
0xc: {  	v0 =	vand.u32 $0x7, v1;
	v1 =	vshrl.u32 v1, $0x3;
	s7 =	sand.u32 $0xF00, s3;
	s8 =	sshll.u32 s3, $0x3;
	s3 =	sadd.s32 $0x1200, s5  }
0xd: {  	v2 =	vmul.u32 $0xC8, v0;
	v3 =	vor.u32 $0x2, v1;
	s1 =	ssub.s32 s1, s23;
	s23 =	simm.s32 $0x11EA0;
	s6 =	sadd.s32 s6, s5  }
0xe: {  	v4 =	vor.u32 $0x4, v1;
	v5 =	vor.u32 $0x6, v1;
	v6 =	vor.u32 $0x8, v1;
	s9 =	smul.u32 $0x19, s7;
	s5 =	sadd.s32 s8, s5;
	s31 =	smax.u32 s1, $0x1  }
0xf: {  	v7 =	vor.u32 $0xA, v1;
	v8 =	vor.u32 $0xC, v1;
	v9 =	vor.u32 $0xE, v1;
	s24 =	sshrl.u32 s7, $0x3;
	s25 =	sadd.s32 $0xC00, s6;
	[dreg:$0x8] =	wrdreg s31  }
0x10: {  	v10 =	vor.u32 $0x10, v1;
	v11 =	vor.u32 $0x12, v1;
	v12 =	vor.u32 $0x14, v1;
	s1 =	simm.s32 $0x0;
	s26 =	sadd.s32 $0xC4800, s5;
	[dreg:$0x6] =	wrdreg s25  }
0x11: {  	v13 =	vor.u32 $0x16, v1;
	v14 =	vor.u32 $0x18, v1;
	v15 =	vor.u32 $0x1A, v1;
	s0 =	sadd.s32 s0, s9;
	[dreg:$0x7] =	wrdreg s26;
	s25 =	simm.s32 $0x13EA0  }
0x12: {  	v16 =	vor.u32 $0x1C, v1;
	v17 =	vor.u32 $0x1E, v1;
	v18 =	vor.u32 $0x20, v1;
	s26 =	simm.s32 $0xCE60;
	[dreg:$0x4] =	wrdreg s0;
	s0 =	sadd.s32 s4, s24  }
0x13: {  	v19 =	vor.u32 $0x22, v1;
	v20 =	vor.u32 $0x24, v1;
	v21 =	vor.u32 $0x26, v1;
	s4 =	simm.s32 $0x3;
	s24 =	simm.s32 $0xCDE0;
	[dreg:$0x5] =	wrdreg s0  }
.LBB2_1:
0x14: {  	s0 =	rddreg [dreg:$0x4]  }
0x15: {  	[tilespmem:s2], [sflag:$0x3] =	stream.linear.gather [hbm4b:s0+s2], $0xC800, $0x38;
	[tilespmem:$0x1AEA0] =	vst v63  }
0x16: {  	_ =	swait.ge [sflag:s4], $0xC800  }
0x17: {  	[sflag:s4] =	ssyncset.done $0x0  }
0x18: {  	s5 =	simm.s32 $0xC800;
	s10 =	rddreg [dreg:$0x5];
	[sflag:s4] =	ssyncadd.s32 $0xFFFF3800  }
0x19: {  	[tilespmem:s5], [sflag:$0x3] =	stream.linear.gather [hbm4b:s10+s2], $0x100, $0x38;
	[tilespmem:$0x1AEA0] =	vst v63  }
0x1a: {  	_ =	swait.ge [sflag:s4], $0x100  }
0x1b: {  	[sflag:s4] =	ssyncset.done $0x0  }
0x1c: {  	s31 =	simm.s32 $0xC900;
	s11 =	rddreg [dreg:$0x6];
	[sflag:s4] =	ssyncadd.s32 $0xFFFFFF00  }
0x1d: {  	[tilespmem:s31], [sflag:$0x3] =	stream.linear.gather [hbm4b:s11+s2], $0x100, $0x38;
	[tilespmem:$0x1AEA0] =	vst v63  }
0x1e: {  	_ =	swait.ge [sflag:s4], $0x100  }
0x1f: {  	[sflag:s4] =	ssyncset.done $0x0  }
0x20: {  	[sflag:s4] =	ssyncadd.s32 $0xFFFFFF00  }
0x21: {  	v23 =	vld [tilespmem:$0xC800];
	_ =	sdelay $0x4  }
0x22: {  	v24 =	vld [tilespmem:$0xC810];
	v22 =	vcvt.s32.f32 v23;
	_ =	sdelay $0x1  }
0x23: {  	v27 =	vld [tilespmem:$0xC820];
	v22 =	vmul.f32 $2.000000030e-01, v22  }
0x24: {  	v29 =	vld [tilespmem:$0xC830]  }
0x25: {  	v31 =	vld [tilespmem:$0xC840];
	v22 =	vtrunc.f32 v22  }
0x26: {  	v34 =	vld [tilespmem:$0xC850];
	v25 =	vcvt.s32.f32 v24;
	v22 =	vcvt.f32.s32 v22;
	_ =	sdelay $0x1  }
0x27: {  	v40 =	vld [tilespmem:$0xC860];
	v25 =	vmul.f32 $2.000000030e-01, v25;
	vm0 =	vgt.s32 v22, $0x1  }
0x28: {  	v26 =	vld [tilespmem:$0xC900];
	v30 =	vcvt.s32.f32 v27;
	v33 =	vcvt.s32.f32 v29;
	v22 =	vnsel vm0, $0x1, v22  }
0x29: {  	v55 =	vcvt.s32.f32 v31;
	v25 =	vtrunc.f32 v25;
	v28 =	vsub.s32 v23, v22  }
0x2a: {  	v58 =	vcvt.s32.f32 v34;
	v25 =	vcvt.f32.s32 v25;
	v23 =	vadd.s32 $0x1, v28  }
0x2b: {  	v33 =	vmul.f32 $2.000000030e-01, v33;
	v23 =	vcvt.s32.f32 v23  }
0x2c: {  	v42 =	vcvt.s32.f32 v40;
	v53 =	vmul.f32 $2.000000030e-01, v30;
	vm14 =	vgt.s32 v25, $0x1  }
0x2d: {  	v52 =	vld [tilespmem:$0xC910];
	v33 =	vtrunc.f32 v33;
	v26 =	vmul.f32 v23, v26;
	v23 =	vnsel vm14, $0x1, v25  }
0x2e: {  	v41 =	vld [tilespmem:$0xC870];
	v48 =	vmul.f32 $2.000000030e-01, v42;
	v56 =	vcvt.f32.s32 v33;
	v32 =	vsub.s32 v24, v23  }
0x2f: {  	v51 =	vtrunc.f32 v26;
	v54 =	vadd.s32 $0x1, v32;
	v26 =	vtrunc.f32 v53  }
0x30: {  	v25 =	vcvt.f32.s32 v51;
	v30 =	vcvt.s32.f32 v54  }
0x31: {  	vm5 =	vgt.s32 v56, $0x1;
	v26 =	vcvt.f32.s32 v26;
	v51 =	vtrunc.f32 v48  }
0x32: {  	v54 =	vcvt.f32.s32 v51;
	vm15 =	vlt.s32 v25, v28;
	v30 =	vmul.f32 v30, v52  }
0x33: {  	vm4 =	vgt.s32 v26, $0x1;
	v52 =	vcvt.s32.f32 v41;
	v28 =	vsel vm15, v25, v28  }
0x34: {  	v36 =	vld [tilespmem:$0xC920];
	v24 =	vnsel vm4, $0x1, v26;
	v25 =	vmul.f32 $2.000000030e-01, v55;
	vm11 =	vgt.s32 v54, $0x1  }
0x35: {  	v55 =	vld [tilespmem:$0xC890];
	v30 =	vtrunc.f32 v30;
	v57 =	vsub.s32 v27, v24;
	v27 =	vmul.f32 $2.000000030e-01, v58  }
0x36: {  	v43 =	vld [tilespmem:$0xC8A0];
	v35 =	vadd.s32 $0x1, v57;
	v37 =	vtrunc.f32 v25;
	v25 =	vnsel vm5, $0x1, v56  }
0x37: {  	v38 =	vld [tilespmem:$0xC930];
	v30 =	vcvt.f32.s32 v30;
	v59 =	vcvt.f32.s32 v37;
	v29 =	vsub.s32 v29, v25  }
0x38: {  	v35 =	vcvt.s32.f32 v35;
	v27 =	vtrunc.f32 v27;
	v60 =	vadd.s32 $0x1, v29  }
0x39: {  	v27 =	vcvt.f32.s32 v27;
	vm7 =	vlt.s32 v30, v32;
	v37 =	vcvt.s32.f32 v60  }
0x3a: {  	vm6 =	vgt.s32 v59, $0x1;
	v35 =	vmul.f32 v35, v36;
	v44 =	vcvt.s32.f32 v55  }
0x3b: {  	v26 =	vnsel vm6, $0x1, v59;
	vm1 =	vgt.s32 v27, $0x1;
	v59 =	vcvt.s32.f32 v43  }
0x3c: {  	v39 =	vld [tilespmem:$0xC940];
	v31 =	vsub.s32 v31, v26;
	v61 =	vmul.f32 v37, v38;
	v35 =	vtrunc.f32 v35  }
0x3d: {  	v63 =	vld [tilespmem:$0xC950];
	v38 =	vmul.f32 $2.000000030e-01, v52;
	v44 =	vmul.f32 $2.000000030e-01, v44;
	v62 =	vadd.s32 $0x1, v31  }
0x3e: {  	v49 =	vld [tilespmem:$0xC880];
	v27 =	vnsel vm1, $0x1, v27;
	v35 =	vcvt.f32.s32 v35;
	v37 =	vcvt.s32.f32 v62  }
0x3f: {  	v34 =	vsub.s32 v34, v27;
	v36 =	vtrunc.f32 v61;
	v38 =	vtrunc.f32 v38  }
0x40: {  	v45 =	vadd.s32 $0x1, v34;
	v44 =	vtrunc.f32 v44;
	v46 =	vcvt.f32.s32 v36  }
0x41: {  	v30 =	vsel vm7, v30, v32;
	v47 =	vcvt.s32.f32 v45;
	v38 =	vcvt.f32.s32 v38  }
0x42: {  	vm8 =	vlt.s32 v35, v57;
	v44 =	vcvt.f32.s32 v44;
	v37 =	vmul.f32 v37, v39  }
0x43: {  	v33 =	vsel vm8, v35, v57;
	v57 =	vcvt.s32.f32 v49;
	v36 =	vmul.f32 v47, v63  }
0x44: {  	vm9 =	vlt.s32 v46, v29;
	vm13 =	vgt.s32 v38, $0x1;
	vm15 =	vgt.s32 v44, $0x1  }
0x45: {  	v37 =	vtrunc.f32 v37;
	v29 =	vsel vm9, v46, v29;
	v39 =	vmul.f32 $2.000000030e-01, v57  }
0x46: {  	v38 =	vnsel vm13, $0x1, v38;
	v44 =	vnsel vm15, $0x1, v44;
	v50 =	vcvt.f32.s32 v37  }
0x47: {  	v53 =	vtrunc.f32 v36;
	v36 =	vnsel vm11, $0x1, v54;
	v35 =	vsub.s32 v41, v38  }
0x48: {  	v46 =	vld [tilespmem:$0xC970];
	v41 =	vmul.f32 $2.000000030e-01, v59;
	v37 =	vsub.s32 v55, v44;
	v32 =	vcvt.f32.s32 v53  }
0x49: {  	v51 =	vld [tilespmem:$0xC8C0];
	v40 =	vsub.s32 v40, v36;
	v39 =	vtrunc.f32 v39;
	v45 =	vadd.s32 $0x1, v35  }
0x4a: {  	v56 =	vld [tilespmem:$0xC960];
	vm10 =	vlt.s32 v50, v31;
	v58 =	vadd.s32 $0x1, v40;
	v39 =	vcvt.f32.s32 v39  }
0x4b: {  	v45 =	vcvt.s32.f32 v45;
	v41 =	vtrunc.f32 v41;
	vm12 =	vlt.s32 v32, v34  }
0x4c: {  	v31 =	vsel vm10, v50, v31;
	v50 =	vld [tilespmem:$0xC8B0];
	v32 =	vsel vm12, v32, v34;
	vm14 =	vgt.s32 v39, $0x1  }
0x4d: {  	v47 =	vld [tilespmem:$0xC980];
	v34 =	vcvt.s32.f32 v58;
	v45 =	vmul.f32 v45, v46;
	v39 =	vnsel vm14, $0x1, v39  }
0x4e: {  	v41 =	vcvt.f32.s32 v41;
	v58 =	vcvt.s32.f32 v51;
	v42 =	vsub.s32 v49, v39  }
0x4f: {  	v34 =	vmul.f32 v34, v56;
	v49 =	vld [tilespmem:$0xC990];
	v45 =	vtrunc.f32 v45;
	v48 =	vadd.s32 $0x1, v42  }
0x50: {  	v61 =	vadd.s32 $0x1, v37;
	v59 =	vmul.f32 $2.000000030e-01, v58;
	v48 =	vcvt.s32.f32 v48  }
0x51: {  	vm4 =	vgt.s32 v41, $0x1;
	v34 =	vtrunc.f32 v34;
	v52 =	vcvt.s32.f32 v50  }
0x52: {  	v41 =	vnsel vm4, $0x1, v41;
	v60 =	vmul.f32 v48, v47;
	v47 =	vcvt.s32.f32 v61  }
0x53: {  	v45 =	vcvt.f32.s32 v45;
	v43 =	vsub.s32 v43, v41;
	v34 =	vcvt.f32.s32 v34  }
0x54: {  	[tilespmem:$0xCB10] =	vst v22;
	v62 =	vld [tilespmem:$0xC9A0];
	v63 =	vadd.s32 $0x1, v43;
	v55 =	vmul.f32 $2.000000030e-01, v52;
	v47 =	vmul.f32 v47, v49  }
0x55: {  	[tilespmem:$0xCA10] =	vst v30;
	v30 =	vld [tilespmem:$0xC8E0];
	vm6 =	vlt.s32 v45, v35;
	v46 =	vtrunc.f32 v60;
	v49 =	vcvt.s32.f32 v63  }
0x56: {  	[tilespmem:$0xCB20] =	vst v23;
	v48 =	vld [tilespmem:$0xC8D0];
	v35 =	vsel vm6, v45, v35;
	v22 =	vtrunc.f32 v55;
	v54 =	vtrunc.f32 v47  }
0x57: {  	[tilespmem:$0xCA00] =	vst v28;
	vm5 =	vlt.s32 v34, v40;
	v60 =	vtrunc.f32 v59;
	v56 =	vcvt.f32.s32 v54  }
0x58: {  	[tilespmem:$0xCB30] =	vst v24;
	v34 =	vsel vm5, v34, v40;
	v46 =	vcvt.f32.s32 v46;
	v22 =	vcvt.f32.s32 v22  }
0x59: {  	[tilespmem:$0xCB40] =	vst v25;
	v24 =	vcvt.f32.s32 v60;
	v57 =	vmul.f32 v49, v62;
	vm8 =	vlt.s32 v56, v37  }
0x5a: {  	[tilespmem:$0xCB50] =	vst v26;
	v49 =	vcvt.s32.f32 v30;
	vm7 =	vlt.s32 v46, v42;
	v28 =	vsel vm8, v56, v37;
	v37 =	vld [tilespmem:$0xC8F0]  }
0x5b: {  	[tilespmem:$0xCB60] =	vst v27;
	vm9 =	vgt.s32 v22, $0x1;
	v61 =	vcvt.s32.f32 v48;
	vm11 =	vgt.s32 v24, $0x1  }
0x5c: {  	[tilespmem:$0xCA20] =	vst v33;
	v42 =	vsel vm7, v46, v42;
	v23 =	vtrunc.f32 v57;
	v22 =	vnsel vm9, $0x1, v22  }
0x5d: {  	[tilespmem:$0xCA30] =	vst v29;
	v24 =	vnsel vm11, $0x1, v24;
	v52 =	vmul.f32 $2.000000030e-01, v49;
	v23 =	vcvt.f32.s32 v23  }
0x5e: {  	[tilespmem:$0xCB80] =	vst v38;
	v62 =	vld [tilespmem:$0xC9B0];
	v29 =	vsub.s32 v50, v22;
	v33 =	vmul.f32 $2.000000030e-01, v61;
	v53 =	vsub.s32 v51, v24  }
0x5f: {  	[tilespmem:$0xCA40] =	vst v31;
	v63 =	vadd.s32 $0x1, v29;
	v31 =	vtrunc.f32 v52;
	v54 =	vcvt.s32.f32 v37  }
0x60: {  	[tilespmem:$0xCBA0] =	vst v44;
	v55 =	vadd.s32 $0x1, v53;
	v25 =	vcvt.s32.f32 v63;
	v50 =	vtrunc.f32 v33  }
0x61: {  	[tilespmem:$0xCB70] =	vst v36;
	v56 =	vld [tilespmem:$0xC9C0];
	vm10 =	vlt.s32 v23, v43;
	v31 =	vcvt.f32.s32 v31;
	v33 =	vmul.f32 $2.000000030e-01, v54  }
0x62: {  	[tilespmem:$0xCA50] =	vst v32;
	v27 =	vcvt.s32.f32 v55;
	v23 =	vsel vm10, v23, v43;
	v26 =	vcvt.f32.s32 v50  }
0x63: {  	[tilespmem:$0xCB90] =	vst v39;
	v25 =	vmul.f32 v25, v62;
	vm13 =	vgt.s32 v31, $0x1;
	v33 =	vtrunc.f32 v33  }
0x64: {  	[tilespmem:$0xCBB0] =	vst v41;
	vm12 =	vgt.s32 v26, $0x1;
	v31 =	vnsel vm13, $0x1, v31;
	v33 =	vcvt.f32.s32 v33  }
0x65: {  	[tilespmem:$0xCA70] =	vst v35;
	v60 =	vld [tilespmem:$0xC9E0];
	v25 =	vtrunc.f32 v25;
	v26 =	vnsel vm12, $0x1, v26;
	v30 =	vsub.s32 v30, v31  }
0x66: {  	[tilespmem:$0xCA60] =	vst v34;
	v57 =	vld [tilespmem:$0xC9D0];
	v27 =	vmul.f32 v27, v56;
	v58 =	vsub.s32 v48, v26;
	vm14 =	vgt.s32 v33, $0x1  }
0x67: {  	[tilespmem:$0xCA80] =	vst v42;
	v63 =	vld [tilespmem:$0xC9F0];
	v61 =	vadd.s32 $0x1, v30;
	v59 =	vadd.s32 $0x1, v58;
	v33 =	vnsel vm14, $0x1, v33  }
0x68: {  	[tilespmem:$0xCBC0] =	vst v22;
	v34 =	vcvt.s32.f32 v61;
	v27 =	vtrunc.f32 v27;
	v37 =	vsub.s32 v37, v33  }
0x69: {  	[tilespmem:$0xCAA0] =	vst v23;
	v38 =	vcvt.s32.f32 v59;
	v23 =	vcvt.f32.s32 v27;
	v40 =	vadd.s32 $0x1, v37  }
0x6a: {  	[tilespmem:$0xCBD0] =	vst v24;
	v39 =	vmul.f32 v34, v60;
	v42 =	vcvt.s32.f32 v40  }
0x6b: {  	[tilespmem:$0xCA90] =	vst v28;
	v25 =	vcvt.f32.s32 v25;
	v62 =	vmul.f32 v38, v57;
	vm4 =	vlt.s32 v23, v53  }
0x6c: {  	[tilespmem:$0xCBF0] =	vst v31;
	v22 =	vsel vm4, v23, v53;
	v27 =	vtrunc.f32 v39;
	v23 =	vmul.f32 v42, v63  }
0x6d: {  	vm15 =	vlt.s32 v25, v29;
	v28 =	vtrunc.f32 v62;
	[tilespmem:$0xCAC0] =	vst v22;
	v22 =	vcvt.f32.s32 v27  }
0x6e: {  	[tilespmem:$0xCBE0] =	vst v26;
	v25 =	vsel vm15, v25, v29;
	v43 =	vcvt.f32.s32 v28;
	v23 =	vtrunc.f32 v23  }
0x6f: {  	[tilespmem:$0xCAB0] =	vst v25;
	vm6 =	vlt.s32 v22, v30;
	v23 =	vcvt.f32.s32 v23  }
0x70: {  	[tilespmem:$0xCC00] =	vst v33;
	vm5 =	vlt.s32 v43, v58;
	v22 =	vsel vm6, v22, v30  }
0x71: {  	v44 =	vsel vm5, v43, v58;
	[tilespmem:$0xCAE0] =	vst v22;
	vm7 =	vlt.s32 v23, v37  }
0x72: {  	[tilespmem:$0xCAD0] =	vst v44;
	v22 =	vsel vm7, v23, v37  }
0x73: {  	[tilespmem:$0xCAF0] =	vst v22  }
0x74: {  	v22 =	vld.idx.msk [tilespmem:v0+s12+$0x0], $0xffff  }
0x75: {  	v23 =	vld.idx.msk [tilespmem:v0+s21+$0x0], $0xffff;
	_ =	sdelay $0x4  }
0x76: {  	vm8 =	vgt.s32 v23, v1;
	v45 =	vadd.s32 v1, v22  }
0x77: {  	v24 =	vsel vm8, v45, v22  }
0x78: {  	v24 =	vadd.s32 v2, v24;
	_ =	sdelay $0x3  }
0x79: {  	vm9 =	vgt.s32 v23, v3;
	v46 =	vadd.s32 v3, v22  }
0x7a: {  	v25 =	vsel vm9, v46, v22;
	v24 =	vld.idx.msk [tilespmem:v24+s2+$0x0], $0xffff  }
0x7b: {  	v25 =	vadd.s32 v2, v25;
	_ =	sdelay $0x3  }
0x7c: {  	vm10 =	vgt.s32 v23, v4;
	v47 =	vadd.s32 v4, v22;
	[tilespmem:$0xCC20] =	vst v24  }
0x7d: {  	v24 =	vsel vm10, v47, v22;
	v25 =	vld.idx.msk [tilespmem:v25+s2+$0x0], $0xffff  }
0x7e: {  	v24 =	vadd.s32 v2, v24;
	_ =	sdelay $0x3  }
0x7f: {  	vm11 =	vgt.s32 v23, v5;
	v48 =	vadd.s32 v5, v22;
	[tilespmem:$0xCC30] =	vst v25  }
0x80: {  	v25 =	vsel vm11, v48, v22;
	v24 =	vld.idx.msk [tilespmem:v24+s2+$0x0], $0xffff  }
0x81: {  	v25 =	vadd.s32 v2, v25;
	_ =	sdelay $0x3  }
0x82: {  	vm12 =	vgt.s32 v23, v6;
	v49 =	vadd.s32 v6, v22;
	[tilespmem:$0xCC40] =	vst v24  }
0x83: {  	v24 =	vsel vm12, v49, v22;
	v25 =	vld.idx.msk [tilespmem:v25+s2+$0x0], $0xffff  }
0x84: {  	v24 =	vadd.s32 v2, v24;
	_ =	sdelay $0x3  }
0x85: {  	vm13 =	vgt.s32 v23, v7;
	v50 =	vadd.s32 v7, v22;
	[tilespmem:$0xCC50] =	vst v25  }
0x86: {  	v25 =	vsel vm13, v50, v22;
	v24 =	vld.idx.msk [tilespmem:v24+s2+$0x0], $0xffff  }
0x87: {  	v25 =	vadd.s32 v2, v25;
	_ =	sdelay $0x3  }
0x88: {  	vm14 =	vgt.s32 v23, v8;
	v51 =	vadd.s32 v8, v22;
	[tilespmem:$0xCC60] =	vst v24  }
0x89: {  	v24 =	vsel vm14, v51, v22;
	v25 =	vld.idx.msk [tilespmem:v25+s2+$0x0], $0xffff  }
0x8a: {  	v24 =	vadd.s32 v2, v24;
	_ =	sdelay $0x3  }
0x8b: {  	vm15 =	vgt.s32 v23, v9;
	v52 =	vadd.s32 v9, v22;
	[tilespmem:$0xCC70] =	vst v25  }
0x8c: {  	v25 =	vsel vm15, v52, v22;
	v24 =	vld.idx.msk [tilespmem:v24+s2+$0x0], $0xffff  }
0x8d: {  	v25 =	vadd.s32 v2, v25;
	_ =	sdelay $0x3  }
0x8e: {  	vm4 =	vgt.s32 v23, v10;
	v53 =	vadd.s32 v10, v22;
	[tilespmem:$0xCC80] =	vst v24  }
0x8f: {  	v24 =	vsel vm4, v53, v22;
	v25 =	vld.idx.msk [tilespmem:v25+s2+$0x0], $0xffff  }
0x90: {  	v24 =	vadd.s32 v2, v24;
	_ =	sdelay $0x3  }
0x91: {  	vm5 =	vgt.s32 v23, v11;
	v54 =	vadd.s32 v11, v22;
	[tilespmem:$0xCC90] =	vst v25  }
0x92: {  	v25 =	vsel vm5, v54, v22;
	v24 =	vld.idx.msk [tilespmem:v24+s2+$0x0], $0xffff  }
0x93: {  	v25 =	vadd.s32 v2, v25;
	_ =	sdelay $0x3  }
0x94: {  	vm6 =	vgt.s32 v23, v12;
	v55 =	vadd.s32 v12, v22;
	[tilespmem:$0xCCA0] =	vst v24  }
0x95: {  	v24 =	vsel vm6, v55, v22;
	v25 =	vld.idx.msk [tilespmem:v25+s2+$0x0], $0xffff  }
0x96: {  	v24 =	vadd.s32 v2, v24;
	_ =	sdelay $0x3  }
0x97: {  	vm7 =	vgt.s32 v23, v13;
	v56 =	vadd.s32 v13, v22;
	[tilespmem:$0xCCB0] =	vst v25  }
0x98: {  	v25 =	vsel vm7, v56, v22;
	v24 =	vld.idx.msk [tilespmem:v24+s2+$0x0], $0xffff  }
0x99: {  	v25 =	vadd.s32 v2, v25;
	_ =	sdelay $0x3  }
0x9a: {  	v57 =	vadd.s32 v14, v22;
	vm8 =	vgt.s32 v23, v14;
	[tilespmem:$0xCCC0] =	vst v24  }
0x9b: {  	v24 =	vsel vm8, v57, v22;
	v25 =	vld.idx.msk [tilespmem:v25+s2+$0x0], $0xffff  }
0x9c: {  	v24 =	vadd.s32 v2, v24;
	_ =	sdelay $0x3  }
0x9d: {  	v58 =	vadd.s32 v15, v22;
	vm9 =	vgt.s32 v23, v15;
	[tilespmem:$0xCCD0] =	vst v25  }
0x9e: {  	v25 =	vsel vm9, v58, v22;
	v24 =	vld.idx.msk [tilespmem:v24+s2+$0x0], $0xffff  }
0x9f: {  	v25 =	vadd.s32 v2, v25;
	_ =	sdelay $0x3  }
0xa0: {  	v59 =	vadd.s32 v16, v22;
	vm10 =	vgt.s32 v23, v16;
	[tilespmem:$0xCCE0] =	vst v24  }
0xa1: {  	v24 =	vsel vm10, v59, v22;
	v25 =	vld.idx.msk [tilespmem:v25+s2+$0x0], $0xffff  }
0xa2: {  	v24 =	vadd.s32 v2, v24;
	_ =	sdelay $0x3  }
0xa3: {  	v60 =	vadd.s32 v17, v22;
	vm11 =	vgt.s32 v23, v17;
	[tilespmem:$0xCCF0] =	vst v25  }
0xa4: {  	v25 =	vsel vm11, v60, v22;
	v24 =	vld.idx.msk [tilespmem:v24+s2+$0x0], $0xffff  }
0xa5: {  	v25 =	vadd.s32 v2, v25;
	_ =	sdelay $0x3  }
0xa6: {  	v61 =	vadd.s32 v18, v22;
	vm12 =	vgt.s32 v23, v18;
	[tilespmem:$0xCD00] =	vst v24  }
0xa7: {  	v24 =	vsel vm12, v61, v22;
	v25 =	vld.idx.msk [tilespmem:v25+s2+$0x0], $0xffff  }
0xa8: {  	v24 =	vadd.s32 v2, v24;
	_ =	sdelay $0x3  }
0xa9: {  	v62 =	vadd.s32 v19, v22;
	vm13 =	vgt.s32 v23, v19;
	[tilespmem:$0xCD10] =	vst v25  }
0xaa: {  	v25 =	vsel vm13, v62, v22;
	v24 =	vld.idx.msk [tilespmem:v24+s2+$0x0], $0xffff  }
0xab: {  	v25 =	vadd.s32 v2, v25;
	_ =	sdelay $0x3  }
0xac: {  	v63 =	vadd.s32 v20, v22;
	vm14 =	vgt.s32 v23, v20;
	[tilespmem:$0xCD20] =	vst v24  }
0xad: {  	v24 =	vsel vm14, v63, v22;
	v25 =	vld.idx.msk [tilespmem:v25+s2+$0x0], $0xffff  }
0xae: {  	v24 =	vadd.s32 v2, v24;
	_ =	sdelay $0x3  }
0xaf: {  	vm15 =	vgt.s32 v23, v21;
	v23 =	vadd.s32 v21, v22;
	[tilespmem:$0xCD30] =	vst v25  }
0xb0: {  	v22 =	vsel vm15, v23, v22;
	v24 =	vld.idx.msk [tilespmem:v24+s2+$0x0], $0xffff  }
0xb1: {  	v22 =	vadd.s32 v2, v22;
	_ =	sdelay $0x3  }
0xb2: {  	[tilespmem:$0xCD40] =	vst v24  }
0xb3: {  	v22 =	vld.idx.msk [tilespmem:v22+s2+$0x0], $0xffff;
	_ =	sdelay $0x4  }
0xb4: {  	[tilespmem:$0xCD50] =	vst v22  }
0xb5: {  	[tilespmem:s15], [sflag:$0x1] =	stream.indirect.gather [hbm4b:s3+s13], $0x40, s14, s13, $0xb8;
	[tilespmem:$0x1AEA0] =	vst v63  }
0xb6: {  	s7 =	simm.s32 $0xCB10;
	s0 =	simm.s32 $0x16ED0  }
0xb7: {  	[tilespmem:s17], [sflag:$0x1] =	stream.indirect.gather [hbm4b:s3+s13], $0x40, s16, s13, $0xb8;
	[tilespmem:$0x1AEA0] =	vst v63  }
0xb8: {  	s10 =	simm.s32 $0x170D0;
	s11 =	simm.s32 $0xCB18;
	s4 =	simm.s32 $0x0  }
0xb9: {  	[tilespmem:s20], [sflag:$0x1] =	stream.indirect.gather [hbm4b:s3+s18], $0x40, s19, s18, $0xb8;
	[tilespmem:$0x1AEA0] =	vst v63  }
.LBB2_2:
0xba: {  	s5 =	sshll.u32 s4, $0x4  }
0xbb: {  	s6 =	sor.u32 $0x8, s5  }
0xbc: {  	v23 =	vor.u32 s6, v0;
	_ =	sdelay $0x4  }
0xbd: {  	v22 =	vld.idx.msk [tilespmem:v23+s12+$0x0], $0xffff  }
0xbe: {  	v23 =	vld.idx.msk [tilespmem:v23+s21+$0x0], $0xffff;
	_ =	sdelay $0x3  }
0xbf: {  	v24 =	vmov s6  }
0xc0: {  	v24 =	vmul.u32 $0xC8, v24;
	vm0 =	vgt.s32 v23, v1;
	v25 =	vadd.s32 v1, v22  }
0xc1: {  	v25 =	vsel vm0, v25, v22  }
0xc2: {  	v24 =	vadd.s32 v2, v24;
	v26 =	vand.u32 $0xFFFFFFF8, v25  }
0xc3: {  	v25 =	vand.u32 $0x7, v25;
	v26 =	vadd.s32 v24, v26  }
0xc4: {  	v25 =	vor.u32 v25, v26;
	_ =	sdelay $0x1  }
0xc5: {  	vm9 =	vgt.s32 v23, v3;
	v29 =	vadd.s32 v3, v22  }
0xc6: {  	v26 =	vsel vm9, v29, v22  }
0xc7: {  	s6 =	simm.s32 $0x0;
	v27 =	vand.u32 $0xFFFFFFF8, v26  }
0xc8: {  	v26 =	vand.u32 $0x7, v26;
	v27 =	vadd.s32 v24, v27;
	v25 =	vld.idx.msk [tilespmem:v25+s6+$0x0], $0xffff  }
0xc9: {  	v26 =	vor.u32 v26, v27;
	_ =	sdelay $0x1  }
0xca: {  	vm10 =	vgt.s32 v23, v4;
	v30 =	vadd.s32 v4, v22  }
0xcb: {  	v27 =	vsel vm10, v30, v22  }
0xcc: {  	v31 =	vand.u32 $0xFFFFFFF8, v27;
	[tilespmem:$0xCD60] =	vst v25  }
0xcd: {  	v27 =	vand.u32 $0x7, v27;
	v25 =	vadd.s32 v24, v31;
	v26 =	vld.idx.msk [tilespmem:v26+s6+$0x0], $0xffff  }
0xce: {  	v25 =	vor.u32 v27, v25;
	_ =	sdelay $0x1  }
0xcf: {  	vm11 =	vgt.s32 v23, v5;
	v32 =	vadd.s32 v5, v22  }
0xd0: {  	v27 =	vsel vm11, v32, v22  }
0xd1: {  	v33 =	vand.u32 $0xFFFFFFF8, v27;
	[tilespmem:$0xCD70] =	vst v26  }
0xd2: {  	v27 =	vand.u32 $0x7, v27;
	v26 =	vadd.s32 v24, v33;
	v25 =	vld.idx.msk [tilespmem:v25+s6+$0x0], $0xffff  }
0xd3: {  	v26 =	vor.u32 v27, v26;
	_ =	sdelay $0x1  }
0xd4: {  	vm12 =	vgt.s32 v23, v6;
	v34 =	vadd.s32 v6, v22  }
0xd5: {  	v27 =	vsel vm12, v34, v22  }
0xd6: {  	v35 =	vand.u32 $0xFFFFFFF8, v27;
	[tilespmem:$0xCD80] =	vst v25  }
0xd7: {  	v27 =	vand.u32 $0x7, v27;
	v25 =	vadd.s32 v24, v35;
	v26 =	vld.idx.msk [tilespmem:v26+s6+$0x0], $0xffff  }
0xd8: {  	v25 =	vor.u32 v27, v25;
	_ =	sdelay $0x1  }
0xd9: {  	vm13 =	vgt.s32 v23, v7;
	v36 =	vadd.s32 v7, v22  }
0xda: {  	v27 =	vsel vm13, v36, v22  }
0xdb: {  	v37 =	vand.u32 $0xFFFFFFF8, v27;
	[tilespmem:$0xCD90] =	vst v26  }
0xdc: {  	v27 =	vand.u32 $0x7, v27;
	v26 =	vadd.s32 v24, v37;
	v25 =	vld.idx.msk [tilespmem:v25+s6+$0x0], $0xffff  }
0xdd: {  	v26 =	vor.u32 v27, v26;
	_ =	sdelay $0x1  }
0xde: {  	vm14 =	vgt.s32 v23, v8;
	v38 =	vadd.s32 v8, v22  }
0xdf: {  	v27 =	vsel vm14, v38, v22  }
0xe0: {  	v39 =	vand.u32 $0xFFFFFFF8, v27;
	[tilespmem:$0xCDA0] =	vst v25  }
0xe1: {  	v27 =	vand.u32 $0x7, v27;
	v25 =	vadd.s32 v24, v39;
	v26 =	vld.idx.msk [tilespmem:v26+s6+$0x0], $0xffff  }
0xe2: {  	v25 =	vor.u32 v27, v25;
	_ =	sdelay $0x1  }
0xe3: {  	vm15 =	vgt.s32 v23, v9;
	v40 =	vadd.s32 v9, v22  }
0xe4: {  	v27 =	vsel vm15, v40, v22  }
0xe5: {  	v41 =	vand.u32 $0xFFFFFFF8, v27;
	[tilespmem:$0xCDB0] =	vst v26  }
0xe6: {  	v27 =	vand.u32 $0x7, v27;
	v26 =	vadd.s32 v24, v41;
	v25 =	vld.idx.msk [tilespmem:v25+s6+$0x0], $0xffff  }
0xe7: {  	v26 =	vor.u32 v27, v26;
	_ =	sdelay $0x1  }
0xe8: {  	vm4 =	vgt.s32 v23, v10;
	v42 =	vadd.s32 v10, v22  }
0xe9: {  	v27 =	vsel vm4, v42, v22  }
0xea: {  	v43 =	vand.u32 $0xFFFFFFF8, v27;
	[tilespmem:$0xCDC0] =	vst v25  }
0xeb: {  	v27 =	vand.u32 $0x7, v27;
	v25 =	vadd.s32 v24, v43;
	v26 =	vld.idx.msk [tilespmem:v26+s6+$0x0], $0xffff  }
0xec: {  	v25 =	vor.u32 v27, v25;
	_ =	sdelay $0x1  }
0xed: {  	vm5 =	vgt.s32 v23, v11;
	v44 =	vadd.s32 v11, v22  }
0xee: {  	v27 =	vsel vm5, v44, v22  }
0xef: {  	v45 =	vand.u32 $0xFFFFFFF8, v27;
	[tilespmem:$0xCDD0] =	vst v26  }
0xf0: {  	v27 =	vand.u32 $0x7, v27;
	v26 =	vadd.s32 v24, v45;
	v25 =	vld.idx.msk [tilespmem:v25+s6+$0x0], $0xffff  }
0xf1: {  	v26 =	vor.u32 v27, v26;
	_ =	sdelay $0x1  }
0xf2: {  	vm6 =	vgt.s32 v23, v12;
	v46 =	vadd.s32 v12, v22  }
0xf3: {  	v27 =	vsel vm6, v46, v22  }
0xf4: {  	v47 =	vand.u32 $0xFFFFFFF8, v27;
	[tilespmem:$0xCDE0] =	vst v25  }
0xf5: {  	v27 =	vand.u32 $0x7, v27;
	v25 =	vadd.s32 v24, v47;
	v26 =	vld.idx.msk [tilespmem:v26+s6+$0x0], $0xffff  }
0xf6: {  	v25 =	vor.u32 v27, v25;
	_ =	sdelay $0x1  }
0xf7: {  	vm7 =	vgt.s32 v23, v13;
	v48 =	vadd.s32 v13, v22  }
0xf8: {  	v27 =	vsel vm7, v48, v22  }
0xf9: {  	v49 =	vand.u32 $0xFFFFFFF8, v27;
	[tilespmem:$0xCDF0] =	vst v26  }
0xfa: {  	v27 =	vand.u32 $0x7, v27;
	v26 =	vadd.s32 v24, v49;
	v25 =	vld.idx.msk [tilespmem:v25+s6+$0x0], $0xffff  }
0xfb: {  	v26 =	vor.u32 v27, v26;
	_ =	sdelay $0x1  }
0xfc: {  	vm8 =	vgt.s32 v23, v14;
	v50 =	vadd.s32 v14, v22  }
0xfd: {  	v27 =	vsel vm8, v50, v22  }
0xfe: {  	v51 =	vand.u32 $0xFFFFFFF8, v27;
	[tilespmem:$0xCE00] =	vst v25  }
0xff: {  	v27 =	vand.u32 $0x7, v27;
	v25 =	vadd.s32 v24, v51;
	v26 =	vld.idx.msk [tilespmem:v26+s6+$0x0], $0xffff  }
0x100: {  	v25 =	vor.u32 v27, v25;
	_ =	sdelay $0x1  }
0x101: {  	v52 =	vadd.s32 v15, v22;
	vm9 =	vgt.s32 v23, v15  }
0x102: {  	v27 =	vsel vm9, v52, v22  }
0x103: {  	v53 =	vand.u32 $0xFFFFFFF8, v27;
	[tilespmem:$0xCE10] =	vst v26  }
0x104: {  	v27 =	vand.u32 $0x7, v27;
	v26 =	vadd.s32 v24, v53;
	v25 =	vld.idx.msk [tilespmem:v25+s6+$0x0], $0xffff  }
0x105: {  	v26 =	vor.u32 v27, v26;
	_ =	sdelay $0x1  }
0x106: {  	v54 =	vadd.s32 v16, v22;
	vm10 =	vgt.s32 v23, v16  }
0x107: {  	v27 =	vsel vm10, v54, v22  }
0x108: {  	v55 =	vand.u32 $0xFFFFFFF8, v27;
	[tilespmem:$0xCE20] =	vst v25  }
0x109: {  	v27 =	vand.u32 $0x7, v27;
	v25 =	vadd.s32 v24, v55;
	v26 =	vld.idx.msk [tilespmem:v26+s6+$0x0], $0xffff  }
0x10a: {  	v25 =	vor.u32 v27, v25;
	_ =	sdelay $0x1  }
0x10b: {  	v56 =	vadd.s32 v17, v22;
	vm11 =	vgt.s32 v23, v17  }
0x10c: {  	v27 =	vsel vm11, v56, v22  }
0x10d: {  	v57 =	vand.u32 $0xFFFFFFF8, v27;
	[tilespmem:$0xCE30] =	vst v26  }
0x10e: {  	v27 =	vand.u32 $0x7, v27;
	v26 =	vadd.s32 v24, v57;
	v25 =	vld.idx.msk [tilespmem:v25+s6+$0x0], $0xffff  }
0x10f: {  	v26 =	vor.u32 v27, v26;
	_ =	sdelay $0x1  }
0x110: {  	v58 =	vadd.s32 v18, v22;
	vm12 =	vgt.s32 v23, v18  }
0x111: {  	v27 =	vsel vm12, v58, v22  }
0x112: {  	v59 =	vand.u32 $0xFFFFFFF8, v27;
	[tilespmem:$0xCE40] =	vst v25  }
0x113: {  	v27 =	vand.u32 $0x7, v27;
	v25 =	vadd.s32 v24, v59;
	v26 =	vld.idx.msk [tilespmem:v26+s6+$0x0], $0xffff  }
0x114: {  	v25 =	vor.u32 v27, v25;
	_ =	sdelay $0x1  }
0x115: {  	v60 =	vadd.s32 v19, v22;
	vm13 =	vgt.s32 v23, v19  }
0x116: {  	v27 =	vsel vm13, v60, v22  }
0x117: {  	v61 =	vand.u32 $0xFFFFFFF8, v27;
	[tilespmem:$0xCE50] =	vst v26  }
0x118: {  	v27 =	vand.u32 $0x7, v27;
	v26 =	vadd.s32 v24, v61;
	v25 =	vld.idx.msk [tilespmem:v25+s6+$0x0], $0xffff  }
0x119: {  	v26 =	vor.u32 v27, v26;
	_ =	sdelay $0x1  }
0x11a: {  	v62 =	vadd.s32 v20, v22;
	vm14 =	vgt.s32 v23, v20  }
0x11b: {  	v27 =	vsel vm14, v62, v22  }
0x11c: {  	v63 =	vand.u32 $0xFFFFFFF8, v27;
	[tilespmem:$0xCE60] =	vst v25  }
0x11d: {  	v27 =	vand.u32 $0x7, v27;
	v25 =	vadd.s32 v24, v63;
	v26 =	vld.idx.msk [tilespmem:v26+s6+$0x0], $0xffff  }
0x11e: {  	v25 =	vor.u32 v27, v25;
	_ =	sdelay $0x1  }
0x11f: {  	vm15 =	vgt.s32 v23, v21;
	v23 =	vadd.s32 v21, v22  }
0x120: {  	v22 =	vsel vm15, v23, v22  }
0x121: {  	v23 =	vand.u32 $0xFFFFFFF8, v22;
	[tilespmem:$0xCE70] =	vst v26  }
0x122: {  	v22 =	vand.u32 $0x7, v22;
	v23 =	vadd.s32 v24, v23;
	v25 =	vld.idx.msk [tilespmem:v25+s6+$0x0], $0xffff  }
0x123: {  	v22 =	vor.u32 v22, v23;
	_ =	sdelay $0x3  }
0x124: {  	[tilespmem:$0xCE80] =	vst v25  }
0x125: {  	v22 =	vld.idx.msk [tilespmem:v22+s6+$0x0], $0xffff;
	_ =	sdelay $0x4  }
0x126: {  	[tilespmem:$0xCE90] =	vst v22  }
0x127: {  	[tilespmem:s23], [sflag:$0x2] =	stream.indirect.gather [hbm4b:s3+s13], $0x40, s22, s13, $0xb8;
	[tilespmem:$0x1AEA0] =	vst v63  }
0x128: {  	_ = 	snop  }
0x129: {  	[tilespmem:s25], [sflag:$0x2] =	stream.indirect.gather [hbm4b:s3+s13], $0x40, s24, s13, $0xb8;
	[tilespmem:$0x1AEA0] =	vst v63  }
0x12a: {  	_ = 	snop  }
0x12b: {  	[tilespmem:s28], [sflag:$0x2] =	stream.indirect.gather [hbm4b:s3+s18], $0x40, s26, s18, $0xb8;
	[tilespmem:$0x1AEA0] =	vst v63  }
0x12c: {  	_ =	swait.ge [sflag:s29], $0x2000  }
0x12d: {  	[sflag:s29] =	ssyncset.done $0x0  }
0x12e: {  	[sflag:s29] =	ssyncadd.s32 $0xFFFFE000  }
0x12f: {  	_ =	swait.ge [sflag:s29], $0x2000  }
0x130: {  	[sflag:s29] =	ssyncset.done $0x0  }
0x131: {  	[sflag:s29] =	ssyncadd.s32 $0xFFFFE000  }
0x132: {  	_ =	swait.ge [sflag:s29], $0x1000  }
0x133: {  	[sflag:s29] =	ssyncset.done $0x0  }
0x134: {  	s31 =	smov.u32 s7;
	v22 =	vmov s0;
	[sflag:s29] =	ssyncadd.s32 $0xFFFFF000  }
.LBB2_3:
0x135: {  	v23 =	vld [tilespmem:s31+$0x0];
	s8 =	sshra.s32 s6, $0x2  }
0x136: {  	v24 =	vld [tilespmem:s8+$0xCEA0]  }
0x137: {  	v25 =	vld [tilespmem:s8+$0xD0A0]  }
0x138: {  	v26 =	vld [tilespmem:s8+$0xD2A0]  }
0x139: {  	v27 =	vld [tilespmem:s8+$0xD4A0]  }
0x13a: {  	v28 =	vld [tilespmem:s8+$0xD6A0]  }
0x13b: {  	v29 =	vld [tilespmem:s8+$0xD8A0]  }
0x13c: {  	v30 =	vld [tilespmem:s8+$0xDAA0]  }
0x13d: {  	v31 =	vld [tilespmem:s8+$0xDCA0]  }
0x13e: {  	v32 =	vld [tilespmem:s8+$0xDEA0]  }
0x13f: {  	v33 =	vld [tilespmem:s8+$0xE0A0]  }
0x140: {  	v34 =	vld [tilespmem:s8+$0xE2A0]  }
0x141: {  	v35 =	vld [tilespmem:s8+$0xE4A0]  }
0x142: {  	v36 =	vld [tilespmem:s8+$0xE6A0]  }
0x143: {  	v37 =	vld [tilespmem:s8+$0xE8A0]  }
0x144: {  	v38 =	vld [tilespmem:s8+$0xEAA0]  }
0x145: {  	v39 =	vld [tilespmem:s8+$0xECA0]  }
0x146: {  	v40 =	vld [tilespmem:s8+$0xEEA0]  }
0x147: {  	v41 =	vld [tilespmem:s8+$0xF0A0]  }
0x148: {  	v42 =	vld [tilespmem:s8+$0xF2A0]  }
0x149: {  	v43 =	vld [tilespmem:s8+$0xF4A0]  }
0x14a: {  	v44 =	vld [tilespmem:s8+$0xF6A0]  }
0x14b: {  	v45 =	vld [tilespmem:s8+$0xF8A0]  }
0x14c: {  	v46 =	vld [tilespmem:s8+$0xFAA0]  }
0x14d: {  	v47 =	vld [tilespmem:s8+$0xFEA0]  }
0x14e: {  	v48 =	vld [tilespmem:s8+$0x100A0];
	(v2sf) =	vpush v23, $0x0  }
0x14f: {  	v49 =	vld [tilespmem:s8+$0x102A0]  }
0x150: {  	v58 =	vld [tilespmem:s8+$0x104A0]  }
0x151: {  	v59 =	vld [tilespmem:s8+$0x106A0];
	v28 =	vadd.f32 v28, v24;
	v25 =	vadd.f32 v29, v25  }
0x152: {  	v60 =	vld [tilespmem:s8+$0x108A0];
	v26 =	vadd.f32 v30, v26;
	v27 =	vadd.f32 v31, v27  }
0x153: {  	v61 =	vld [tilespmem:s8+$0x10AA0];
	v28 =	vadd.f32 v32, v28;
	v25 =	vadd.f32 v33, v25  }
0x154: {  	v62 =	vld [tilespmem:s8+$0x10CA0];
	v26 =	vadd.f32 v34, v26;
	v27 =	vadd.f32 v35, v27  }
0x155: {  	v23 =	vld [tilespmem:s8+$0xFCA0];
	v28 =	vadd.f32 v36, v28;
	v25 =	vadd.f32 v37, v25  }
0x156: {  	v63 =	vld [tilespmem:s8+$0x10EA0];
	v26 =	vadd.f32 v38, v26;
	v27 =	vadd.f32 v39, v27  }
0x157: {  	v50 =	vld [tilespmem:s8+$0x112A0];
	v28 =	vadd.f32 v40, v28;
	v25 =	vadd.f32 v41, v25  }
0x158: {  	v51 =	vld [tilespmem:s8+$0x114A0];
	v26 =	vadd.f32 v42, v26;
	v27 =	vadd.f32 v43, v27  }
0x159: {  	v52 =	vld [tilespmem:s8+$0x116A0];
	v28 =	vadd.f32 v44, v28;
	v25 =	vadd.f32 v45, v25  }
0x15a: {  	v41 =	vld [tilespmem:s8+$0x110A0];
	v26 =	vadd.f32 v46, v26;
	v23 =	vadd.f32 v23, v27  }
0x15b: {  	v53 =	vld [tilespmem:s8+$0x118A0];
	v28 =	vadd.f32 v47, v28;
	v25 =	vadd.f32 v48, v25  }
0x15c: {  	v54 =	vld [tilespmem:s8+$0x11AA0];
	v26 =	vadd.f32 v49, v26;
	v23 =	vadd.f32 v58, v23  }
0x15d: {  	v55 =	vld [tilespmem:s8+$0x11CA0];
	v28 =	vadd.f32 v59, v28;
	v25 =	vadd.f32 v60, v25;
	s9 =	spop (v2sf)  }
0x15e: {  	v26 =	vadd.f32 v61, v26;
	v23 =	vadd.f32 v62, v23;
	s9 =	scvt.s32.f32 s9  }
0x15f: {  	v28 =	vadd.f32 v63, v28;
	v25 =	vadd.f32 v41, v25  }
0x160: {  	v26 =	vadd.f32 v50, v26;
	v23 =	vadd.f32 v51, v23;
	v56 =	vmov s9  }
0x161: {  	v27 =	vadd.f32 v52, v28;
	v25 =	vadd.f32 v53, v25;
	(erf) = vrcp.f32 v56  }
0x162: {  	v26 =	vadd.f32 v54, v26;
	v23 =	vadd.f32 v55, v23;
	_ =	sdelay $0x1  }
0x163: {  	v25 =	vadd.f32 v25, v27;
	v23 =	vadd.f32 v23, v26  }
0x164: {  	s9 =	ssub.f32 $4.000000000e+01, s9  }
0x165: {  	v23 =	vadd.f32 v23, v25  }
0x166: {  	v24 =	vmul.f32 s9, v24;
	_ =	sdelay $0x1  }
0x167: {  	v24 =	vsub.f32 v23, v24  }
0x168: {  	v23 =	vpop (erf)  }
0x169: {  	v24 =	vmul.f32 v24, v23;
	_ =	sdelay $0x1  }
0x16a: {  	[tilespmem:v22+s8+$0xFFFFFFD0 ss:$0x1] =	vst.idx.msk $0xffff, v24  }
0x16b: {  	v24 =	vld [tilespmem:s8+$0xCEB0]  }
0x16c: {  	v25 =	vld [tilespmem:s8+$0xD0B0]  }
0x16d: {  	v26 =	vld [tilespmem:s8+$0xD2B0]  }
0x16e: {  	v27 =	vld [tilespmem:s8+$0xD4B0]  }
0x16f: {  	v28 =	vld [tilespmem:s8+$0xD6B0]  }
0x170: {  	v57 =	vld [tilespmem:s8+$0xD8B0]  }
0x171: {  	v30 =	vld [tilespmem:s8+$0xDAB0]  }
0x172: {  	v58 =	vld [tilespmem:s8+$0xDCB0]  }
0x173: {  	v32 =	vld [tilespmem:s8+$0xDEB0]  }
0x174: {  	v59 =	vld [tilespmem:s8+$0xE0B0]  }
0x175: {  	v34 =	vld [tilespmem:s8+$0xE2B0]  }
0x176: {  	v60 =	vld [tilespmem:s8+$0xE4B0]  }
0x177: {  	v36 =	vld [tilespmem:s8+$0xE6B0]  }
0x178: {  	v61 =	vld [tilespmem:s8+$0xE8B0]  }
0x179: {  	v38 =	vld [tilespmem:s8+$0xEAB0]  }
0x17a: {  	v62 =	vld [tilespmem:s8+$0xECB0]  }
0x17b: {  	v40 =	vld [tilespmem:s8+$0xEEB0]  }
0x17c: {  	v63 =	vld [tilespmem:s8+$0xF0B0]  }
0x17d: {  	v42 =	vld [tilespmem:s8+$0xF2B0]  }
0x17e: {  	v43 =	vld [tilespmem:s8+$0xF4B0]  }
0x17f: {  	v44 =	vld [tilespmem:s8+$0xF6B0]  }
0x180: {  	v52 =	vld [tilespmem:s8+$0xF8B0]  }
0x181: {  	v53 =	vld [tilespmem:s8+$0xFAB0]  }
0x182: {  	v54 =	vld [tilespmem:s8+$0xFCB0]  }
0x183: {  	v55 =	vld [tilespmem:s8+$0xFEB0]  }
0x184: {  	v56 =	vld [tilespmem:s8+$0x100B0]  }
0x185: {  	v50 =	vld [tilespmem:s8+$0x102B0]  }
0x186: {  	v51 =	vld [tilespmem:s8+$0x112B0];
	v28 =	vadd.f32 v28, v24;
	v25 =	vadd.f32 v57, v25  }
0x187: {  	v57 =	vld [tilespmem:s8+$0x104B0];
	v26 =	vadd.f32 v30, v26;
	v27 =	vadd.f32 v58, v27  }
0x188: {  	v58 =	vld [tilespmem:s8+$0x106B0];
	v28 =	vadd.f32 v32, v28;
	v25 =	vadd.f32 v59, v25  }
0x189: {  	v59 =	vld [tilespmem:s8+$0x108B0];
	v26 =	vadd.f32 v34, v26;
	v27 =	vadd.f32 v60, v27  }
0x18a: {  	v60 =	vld [tilespmem:s8+$0x10AB0];
	v28 =	vadd.f32 v36, v28;
	v25 =	vadd.f32 v61, v25  }
0x18b: {  	v61 =	vld [tilespmem:s8+$0x10CB0];
	v26 =	vadd.f32 v38, v26;
	v27 =	vadd.f32 v62, v27  }
0x18c: {  	v62 =	vld [tilespmem:s8+$0x10EB0];
	v28 =	vadd.f32 v40, v28;
	v25 =	vadd.f32 v63, v25  }
0x18d: {  	v63 =	vld [tilespmem:s8+$0x110B0];
	v26 =	vadd.f32 v42, v26;
	v27 =	vadd.f32 v43, v27  }
0x18e: {  	v28 =	vadd.f32 v44, v28;
	v25 =	vadd.f32 v52, v25;
	v52 =	vld [tilespmem:s8+$0x114B0]  }
0x18f: {  	v26 =	vadd.f32 v53, v26;
	v27 =	vadd.f32 v54, v27;
	v53 =	vld [tilespmem:s8+$0x116B0]  }
0x190: {  	v54 =	vld [tilespmem:s8+$0x118B0];
	v28 =	vadd.f32 v55, v28;
	v25 =	vadd.f32 v56, v25  }
0x191: {  	v26 =	vadd.f32 v50, v26;
	v27 =	vadd.f32 v57, v27;
	v55 =	vld [tilespmem:s8+$0x11AB0]  }
0x192: {  	v56 =	vld [tilespmem:s8+$0x11CB0];
	v28 =	vadd.f32 v58, v28;
	v25 =	vadd.f32 v59, v25  }
0x193: {  	v26 =	vadd.f32 v60, v26;
	v27 =	vadd.f32 v61, v27  }
0x194: {  	v28 =	vadd.f32 v62, v28;
	v25 =	vadd.f32 v63, v25  }
0x195: {  	v26 =	vadd.f32 v51, v26;
	v27 =	vadd.f32 v52, v27  }
0x196: {  	v28 =	vadd.f32 v53, v28;
	v25 =	vadd.f32 v54, v25  }
0x197: {  	v26 =	vadd.f32 v55, v26;
	v27 =	vadd.f32 v56, v27;
	_ =	sdelay $0x1  }
0x198: {  	v25 =	vadd.f32 v25, v28;
	v26 =	vadd.f32 v27, v26;
	_ =	sdelay $0x1  }
0x199: {  	v24 =	vmul.f32 s9, v24;
	v25 =	vadd.f32 v26, v25;
	_ =	sdelay $0x1  }
0x19a: {  	v24 =	vsub.f32 v25, v24;
	_ =	sdelay $0x1  }
0x19b: {  	v24 =	vmul.f32 v24, v23;
	_ =	sdelay $0x1  }
0x19c: {  	[tilespmem:v22+s8+$0xFFFFFFE0 ss:$0x1] =	vst.idx.msk $0xffff, v24  }
0x19d: {  	v24 =	vld [tilespmem:s8+$0xCEC0]  }
0x19e: {  	v25 =	vld [tilespmem:s8+$0xD0C0]  }
0x19f: {  	v26 =	vld [tilespmem:s8+$0xD2C0]  }
0x1a0: {  	v27 =	vld [tilespmem:s8+$0xD4C0]  }
0x1a1: {  	v28 =	vld [tilespmem:s8+$0xD6C0]  }
0x1a2: {  	v57 =	vld [tilespmem:s8+$0xD8C0]  }
0x1a3: {  	v30 =	vld [tilespmem:s8+$0xDAC0]  }
0x1a4: {  	v58 =	vld [tilespmem:s8+$0xDCC0]  }
0x1a5: {  	v32 =	vld [tilespmem:s8+$0xDEC0]  }
0x1a6: {  	v59 =	vld [tilespmem:s8+$0xE0C0]  }
0x1a7: {  	v34 =	vld [tilespmem:s8+$0xE2C0]  }
0x1a8: {  	v60 =	vld [tilespmem:s8+$0xE4C0]  }
0x1a9: {  	v36 =	vld [tilespmem:s8+$0xE6C0]  }
0x1aa: {  	v61 =	vld [tilespmem:s8+$0xE8C0]  }
0x1ab: {  	v38 =	vld [tilespmem:s8+$0xEAC0]  }
0x1ac: {  	v62 =	vld [tilespmem:s8+$0xECC0]  }
0x1ad: {  	v40 =	vld [tilespmem:s8+$0xEEC0]  }
0x1ae: {  	v63 =	vld [tilespmem:s8+$0xF0C0]  }
0x1af: {  	v42 =	vld [tilespmem:s8+$0xF2C0]  }
0x1b0: {  	v43 =	vld [tilespmem:s8+$0xF4C0]  }
0x1b1: {  	v44 =	vld [tilespmem:s8+$0xF6C0]  }
0x1b2: {  	v45 =	vld [tilespmem:s8+$0xF8C0]  }
0x1b3: {  	v52 =	vld [tilespmem:s8+$0xFAC0]  }
0x1b4: {  	v53 =	vld [tilespmem:s8+$0xFCC0]  }
0x1b5: {  	v54 =	vld [tilespmem:s8+$0xFEC0]  }
0x1b6: {  	v55 =	vld [tilespmem:s8+$0x100C0]  }
0x1b7: {  	v56 =	vld [tilespmem:s8+$0x102C0]  }
0x1b8: {  	v47 =	vld [tilespmem:s8+$0x116C0];
	v28 =	vadd.f32 v28, v24;
	v25 =	vadd.f32 v57, v25  }
0x1b9: {  	v49 =	vld [tilespmem:s8+$0x118C0];
	v26 =	vadd.f32 v30, v26;
	v27 =	vadd.f32 v58, v27  }
0x1ba: {  	v57 =	vld [tilespmem:s8+$0x104C0];
	v28 =	vadd.f32 v32, v28;
	v25 =	vadd.f32 v59, v25  }
0x1bb: {  	v58 =	vld [tilespmem:s8+$0x106C0];
	v26 =	vadd.f32 v34, v26;
	v27 =	vadd.f32 v60, v27  }
0x1bc: {  	v59 =	vld [tilespmem:s8+$0x108C0];
	v28 =	vadd.f32 v36, v28;
	v25 =	vadd.f32 v61, v25  }
0x1bd: {  	v60 =	vld [tilespmem:s8+$0x10AC0];
	v26 =	vadd.f32 v38, v26;
	v27 =	vadd.f32 v62, v27  }
0x1be: {  	v61 =	vld [tilespmem:s8+$0x10CC0];
	v28 =	vadd.f32 v40, v28;
	v25 =	vadd.f32 v63, v25  }
0x1bf: {  	v62 =	vld [tilespmem:s8+$0x10EC0];
	v26 =	vadd.f32 v42, v26;
	v27 =	vadd.f32 v43, v27  }
0x1c0: {  	v63 =	vld [tilespmem:s8+$0x110C0];
	v28 =	vadd.f32 v44, v28;
	v25 =	vadd.f32 v45, v25  }
0x1c1: {  	v43 =	vld [tilespmem:s8+$0x112C0];
	v26 =	vadd.f32 v52, v26;
	v27 =	vadd.f32 v53, v27  }
0x1c2: {  	v45 =	vld [tilespmem:s8+$0x114C0];
	v28 =	vadd.f32 v54, v28;
	v25 =	vadd.f32 v55, v25  }
0x1c3: {  	v50 =	vld [tilespmem:s8+$0x11AC0];
	v26 =	vadd.f32 v56, v26;
	v27 =	vadd.f32 v57, v27  }
0x1c4: {  	v51 =	vld [tilespmem:s8+$0x11CC0];
	v28 =	vadd.f32 v58, v28;
	v25 =	vadd.f32 v59, v25  }
0x1c5: {  	v26 =	vadd.f32 v60, v26;
	v27 =	vadd.f32 v61, v27  }
0x1c6: {  	v28 =	vadd.f32 v62, v28;
	v25 =	vadd.f32 v63, v25  }
0x1c7: {  	v26 =	vadd.f32 v43, v26;
	v27 =	vadd.f32 v45, v27  }
0x1c8: {  	v28 =	vadd.f32 v47, v28;
	v25 =	vadd.f32 v49, v25  }
0x1c9: {  	v26 =	vadd.f32 v50, v26;
	v27 =	vadd.f32 v51, v27;
	_ =	sdelay $0x1  }
0x1ca: {  	v25 =	vadd.f32 v25, v28;
	v26 =	vadd.f32 v27, v26;
	_ =	sdelay $0x1  }
0x1cb: {  	v24 =	vmul.f32 s9, v24;
	v25 =	vadd.f32 v26, v25;
	_ =	sdelay $0x1  }
0x1cc: {  	v24 =	vsub.f32 v25, v24;
	_ =	sdelay $0x1  }
0x1cd: {  	v24 =	vmul.f32 v24, v23;
	_ =	sdelay $0x1  }
0x1ce: {  	[tilespmem:v22+s8+$0xFFFFFFF0 ss:$0x1] =	vst.idx.msk $0xffff, v24  }
0x1cf: {  	v24 =	vld [tilespmem:s8+$0xCED0]  }
0x1d0: {  	v25 =	vld [tilespmem:s8+$0xD0D0]  }
0x1d1: {  	v26 =	vld [tilespmem:s8+$0xD2D0]  }
0x1d2: {  	v27 =	vld [tilespmem:s8+$0xD4D0]  }
0x1d3: {  	v28 =	vld [tilespmem:s8+$0xD6D0]  }
0x1d4: {  	v29 =	vld [tilespmem:s8+$0xD8D0]  }
0x1d5: {  	v30 =	vld [tilespmem:s8+$0xDAD0]  }
0x1d6: {  	v52 =	vld [tilespmem:s8+$0xDCD0]  }
0x1d7: {  	v32 =	vld [tilespmem:s8+$0xDED0]  }
0x1d8: {  	v53 =	vld [tilespmem:s8+$0xE0D0]  }
0x1d9: {  	v34 =	vld [tilespmem:s8+$0xE2D0]  }
0x1da: {  	v54 =	vld [tilespmem:s8+$0xE4D0]  }
0x1db: {  	v36 =	vld [tilespmem:s8+$0xE6D0]  }
0x1dc: {  	v55 =	vld [tilespmem:s8+$0xE8D0]  }
0x1dd: {  	v38 =	vld [tilespmem:s8+$0xEAD0]  }
0x1de: {  	v56 =	vld [tilespmem:s8+$0xECD0]  }
0x1df: {  	v40 =	vld [tilespmem:s8+$0xEED0]  }
0x1e0: {  	v57 =	vld [tilespmem:s8+$0xF0D0]  }
0x1e1: {  	v42 =	vld [tilespmem:s8+$0xF2D0]  }
0x1e2: {  	v58 =	vld [tilespmem:s8+$0xF4D0]  }
0x1e3: {  	v44 =	vld [tilespmem:s8+$0xF6D0]  }
0x1e4: {  	v59 =	vld [tilespmem:s8+$0xF8D0]  }
0x1e5: {  	v46 =	vld [tilespmem:s8+$0xFAD0]  }
0x1e6: {  	v60 =	vld [tilespmem:s8+$0xFCD0]  }
0x1e7: {  	v61 =	vld [tilespmem:s8+$0xFED0]  }
0x1e8: {  	v62 =	vld [tilespmem:s8+$0x100D0]  }
0x1e9: {  	v63 =	vld [tilespmem:s8+$0x102D0]  }
0x1ea: {  	v51 =	vld [tilespmem:s8+$0x104D0];
	v28 =	vadd.f32 v28, v24;
	v25 =	vadd.f32 v29, v25  }
0x1eb: {  	v26 =	vadd.f32 v30, v26;
	v27 =	vadd.f32 v52, v27;
	v52 =	vld [tilespmem:s8+$0x106D0]  }
0x1ec: {  	v28 =	vadd.f32 v32, v28;
	v25 =	vadd.f32 v53, v25;
	v53 =	vld [tilespmem:s8+$0x108D0]  }
0x1ed: {  	v26 =	vadd.f32 v34, v26;
	v27 =	vadd.f32 v54, v27;
	v54 =	vld [tilespmem:s8+$0x10AD0]  }
0x1ee: {  	v28 =	vadd.f32 v36, v28;
	v25 =	vadd.f32 v55, v25;
	v55 =	vld [tilespmem:s8+$0x10CD0]  }
0x1ef: {  	v26 =	vadd.f32 v38, v26;
	v27 =	vadd.f32 v56, v27;
	v56 =	vld [tilespmem:s8+$0x10ED0]  }
0x1f0: {  	v28 =	vadd.f32 v40, v28;
	v25 =	vadd.f32 v57, v25;
	v57 =	vld [tilespmem:s8+$0x110D0]  }
0x1f1: {  	v26 =	vadd.f32 v42, v26;
	v27 =	vadd.f32 v58, v27;
	v58 =	vld [tilespmem:s8+$0x112D0]  }
0x1f2: {  	v28 =	vadd.f32 v44, v28;
	v25 =	vadd.f32 v59, v25;
	v59 =	vld [tilespmem:s8+$0x114D0]  }
0x1f3: {  	v26 =	vadd.f32 v46, v26;
	v27 =	vadd.f32 v60, v27;
	v60 =	vld [tilespmem:s8+$0x116D0]  }
0x1f4: {  	v28 =	vadd.f32 v61, v28;
	v25 =	vadd.f32 v62, v25;
	v61 =	vld [tilespmem:s8+$0x118D0]  }
0x1f5: {  	v26 =	vadd.f32 v63, v26;
	v27 =	vadd.f32 v51, v27;
	v62 =	vld [tilespmem:s8+$0x11AD0]  }
0x1f6: {  	v63 =	vld [tilespmem:s8+$0x11CD0];
	v28 =	vadd.f32 v52, v28;
	v25 =	vadd.f32 v53, v25  }
0x1f7: {  	v26 =	vadd.f32 v54, v26;
	v27 =	vadd.f32 v55, v27  }
0x1f8: {  	v28 =	vadd.f32 v56, v28;
	v25 =	vadd.f32 v57, v25  }
0x1f9: {  	v26 =	vadd.f32 v58, v26;
	v27 =	vadd.f32 v59, v27  }
0x1fa: {  	v28 =	vadd.f32 v60, v28;
	v25 =	vadd.f32 v61, v25  }
0x1fb: {  	v26 =	vadd.f32 v62, v26;
	v27 =	vadd.f32 v63, v27;
	_ =	sdelay $0x1  }
0x1fc: {  	v25 =	vadd.f32 v25, v28;
	v26 =	vadd.f32 v27, v26;
	_ =	sdelay $0x1  }
0x1fd: {  	v24 =	vmul.f32 s9, v24;
	v25 =	vadd.f32 v26, v25  }
0x1fe: {  	p0 =	sne.s32 s6, $0x700  }
.Ltmp0:
0x1ff: {  	v24 =	vsub.f32 v25, v24;
	(pc) =	sbr.rel @p0 .LBB2_3-.Ltmp0, $3  }
0x200: {  	_ = 	snop  }
0x201: {  	v23 =	vmul.f32 v24, v23;
	_ =	sdelay $0x1  }
0x202: {  	s31 =	sadd.s32 $0x1, s31;
	s6 =	sadd.s32 $0x100, s6;
	[tilespmem:v22+s8+$0x0 ss:$0x1] =	vst.idx.msk $0xffff, v23  }
0x203: {  	p0 =	seq.s32 s4, $0xF  }
.Ltmp1:
0x204: {  	_ = 	snop;
	(pc) =	sbr.rel @p0 .LBB2_6-.Ltmp1, $1  }
0x205: {  	_ =	sdelay $0x3  }
0x206: {  	s5 =	sadd.s32 $0x10, s5  }
0x207: {  	v23 =	vor.u32 s5, v0;
	_ =	sdelay $0x4  }
0x208: {  	v22 =	vld.idx.msk [tilespmem:v23+s12+$0x0], $0xffff  }
0x209: {  	v23 =	vld.idx.msk [tilespmem:v23+s21+$0x0], $0xffff;
	_ =	sdelay $0x3  }
0x20a: {  	v24 =	vmov s5  }
0x20b: {  	v24 =	vmul.u32 $0xC8, v24;
	vm0 =	vgt.s32 v23, v1;
	v25 =	vadd.s32 v1, v22  }
0x20c: {  	v25 =	vsel vm0, v25, v22  }
0x20d: {  	v24 =	vadd.s32 v2, v24;
	v26 =	vand.u32 $0xFFFFFFF8, v25  }
0x20e: {  	v25 =	vand.u32 $0x7, v25;
	v26 =	vadd.s32 v24, v26  }
0x20f: {  	v25 =	vor.u32 v25, v26;
	_ =	sdelay $0x1  }
0x210: {  	vm9 =	vgt.s32 v23, v3;
	v29 =	vadd.s32 v3, v22  }
0x211: {  	v26 =	vsel vm9, v29, v22  }
0x212: {  	v27 =	vand.u32 $0xFFFFFFF8, v26  }
0x213: {  	v26 =	vand.u32 $0x7, v26;
	v27 =	vadd.s32 v24, v27;
	v25 =	vld.idx.msk [tilespmem:v25+s2+$0x0], $0xffff  }
0x214: {  	v26 =	vor.u32 v26, v27;
	_ =	sdelay $0x1  }
0x215: {  	vm10 =	vgt.s32 v23, v4;
	v30 =	vadd.s32 v4, v22  }
0x216: {  	v27 =	vsel vm10, v30, v22  }
0x217: {  	v31 =	vand.u32 $0xFFFFFFF8, v27;
	[tilespmem:$0xCC20] =	vst v25  }
0x218: {  	v27 =	vand.u32 $0x7, v27;
	v25 =	vadd.s32 v24, v31;
	v26 =	vld.idx.msk [tilespmem:v26+s2+$0x0], $0xffff  }
0x219: {  	v25 =	vor.u32 v27, v25;
	_ =	sdelay $0x1  }
0x21a: {  	vm11 =	vgt.s32 v23, v5;
	v32 =	vadd.s32 v5, v22  }
0x21b: {  	v27 =	vsel vm11, v32, v22  }
0x21c: {  	v33 =	vand.u32 $0xFFFFFFF8, v27;
	[tilespmem:$0xCC30] =	vst v26  }
0x21d: {  	v27 =	vand.u32 $0x7, v27;
	v26 =	vadd.s32 v24, v33;
	v25 =	vld.idx.msk [tilespmem:v25+s2+$0x0], $0xffff  }
0x21e: {  	v26 =	vor.u32 v27, v26;
	_ =	sdelay $0x1  }
0x21f: {  	vm12 =	vgt.s32 v23, v6;
	v34 =	vadd.s32 v6, v22  }
0x220: {  	v27 =	vsel vm12, v34, v22  }
0x221: {  	v35 =	vand.u32 $0xFFFFFFF8, v27;
	[tilespmem:$0xCC40] =	vst v25  }
0x222: {  	v27 =	vand.u32 $0x7, v27;
	v25 =	vadd.s32 v24, v35;
	v26 =	vld.idx.msk [tilespmem:v26+s2+$0x0], $0xffff  }
0x223: {  	v25 =	vor.u32 v27, v25;
	_ =	sdelay $0x1  }
0x224: {  	vm13 =	vgt.s32 v23, v7;
	v36 =	vadd.s32 v7, v22  }
0x225: {  	v27 =	vsel vm13, v36, v22  }
0x226: {  	v37 =	vand.u32 $0xFFFFFFF8, v27;
	[tilespmem:$0xCC50] =	vst v26  }
0x227: {  	v27 =	vand.u32 $0x7, v27;
	v26 =	vadd.s32 v24, v37;
	v25 =	vld.idx.msk [tilespmem:v25+s2+$0x0], $0xffff  }
0x228: {  	v26 =	vor.u32 v27, v26;
	_ =	sdelay $0x1  }
0x229: {  	vm14 =	vgt.s32 v23, v8;
	v38 =	vadd.s32 v8, v22  }
0x22a: {  	v27 =	vsel vm14, v38, v22  }
0x22b: {  	v39 =	vand.u32 $0xFFFFFFF8, v27;
	[tilespmem:$0xCC60] =	vst v25  }
0x22c: {  	v27 =	vand.u32 $0x7, v27;
	v25 =	vadd.s32 v24, v39;
	v26 =	vld.idx.msk [tilespmem:v26+s2+$0x0], $0xffff  }
0x22d: {  	v25 =	vor.u32 v27, v25;
	_ =	sdelay $0x1  }
0x22e: {  	vm15 =	vgt.s32 v23, v9;
	v40 =	vadd.s32 v9, v22  }
0x22f: {  	v27 =	vsel vm15, v40, v22  }
0x230: {  	v41 =	vand.u32 $0xFFFFFFF8, v27;
	[tilespmem:$0xCC70] =	vst v26  }
0x231: {  	v27 =	vand.u32 $0x7, v27;
	v26 =	vadd.s32 v24, v41;
	v25 =	vld.idx.msk [tilespmem:v25+s2+$0x0], $0xffff  }
0x232: {  	v26 =	vor.u32 v27, v26;
	_ =	sdelay $0x1  }
0x233: {  	vm4 =	vgt.s32 v23, v10;
	v42 =	vadd.s32 v10, v22  }
0x234: {  	v27 =	vsel vm4, v42, v22  }
0x235: {  	v43 =	vand.u32 $0xFFFFFFF8, v27;
	[tilespmem:$0xCC80] =	vst v25  }
0x236: {  	v27 =	vand.u32 $0x7, v27;
	v25 =	vadd.s32 v24, v43;
	v26 =	vld.idx.msk [tilespmem:v26+s2+$0x0], $0xffff  }
0x237: {  	v25 =	vor.u32 v27, v25;
	_ =	sdelay $0x1  }
0x238: {  	vm5 =	vgt.s32 v23, v11;
	v44 =	vadd.s32 v11, v22  }
0x239: {  	v27 =	vsel vm5, v44, v22  }
0x23a: {  	v45 =	vand.u32 $0xFFFFFFF8, v27;
	[tilespmem:$0xCC90] =	vst v26  }
0x23b: {  	v27 =	vand.u32 $0x7, v27;
	v26 =	vadd.s32 v24, v45;
	v25 =	vld.idx.msk [tilespmem:v25+s2+$0x0], $0xffff  }
0x23c: {  	v26 =	vor.u32 v27, v26;
	_ =	sdelay $0x1  }
0x23d: {  	vm6 =	vgt.s32 v23, v12;
	v46 =	vadd.s32 v12, v22  }
0x23e: {  	v27 =	vsel vm6, v46, v22  }
0x23f: {  	v47 =	vand.u32 $0xFFFFFFF8, v27;
	[tilespmem:$0xCCA0] =	vst v25  }
0x240: {  	v27 =	vand.u32 $0x7, v27;
	v25 =	vadd.s32 v24, v47;
	v26 =	vld.idx.msk [tilespmem:v26+s2+$0x0], $0xffff  }
0x241: {  	v25 =	vor.u32 v27, v25;
	_ =	sdelay $0x1  }
0x242: {  	vm7 =	vgt.s32 v23, v13;
	v48 =	vadd.s32 v13, v22  }
0x243: {  	v27 =	vsel vm7, v48, v22  }
0x244: {  	v49 =	vand.u32 $0xFFFFFFF8, v27;
	[tilespmem:$0xCCB0] =	vst v26  }
0x245: {  	v27 =	vand.u32 $0x7, v27;
	v26 =	vadd.s32 v24, v49;
	v25 =	vld.idx.msk [tilespmem:v25+s2+$0x0], $0xffff  }
0x246: {  	v26 =	vor.u32 v27, v26;
	_ =	sdelay $0x1  }
0x247: {  	vm8 =	vgt.s32 v23, v14;
	v50 =	vadd.s32 v14, v22  }
0x248: {  	v27 =	vsel vm8, v50, v22  }
0x249: {  	v51 =	vand.u32 $0xFFFFFFF8, v27;
	[tilespmem:$0xCCC0] =	vst v25  }
0x24a: {  	v27 =	vand.u32 $0x7, v27;
	v25 =	vadd.s32 v24, v51;
	v26 =	vld.idx.msk [tilespmem:v26+s2+$0x0], $0xffff  }
0x24b: {  	v25 =	vor.u32 v27, v25;
	_ =	sdelay $0x1  }
0x24c: {  	v52 =	vadd.s32 v15, v22;
	vm9 =	vgt.s32 v23, v15  }
0x24d: {  	v27 =	vsel vm9, v52, v22  }
0x24e: {  	v53 =	vand.u32 $0xFFFFFFF8, v27;
	[tilespmem:$0xCCD0] =	vst v26  }
0x24f: {  	v27 =	vand.u32 $0x7, v27;
	v26 =	vadd.s32 v24, v53;
	v25 =	vld.idx.msk [tilespmem:v25+s2+$0x0], $0xffff  }
0x250: {  	v26 =	vor.u32 v27, v26;
	_ =	sdelay $0x1  }
0x251: {  	v54 =	vadd.s32 v16, v22;
	vm10 =	vgt.s32 v23, v16  }
0x252: {  	v27 =	vsel vm10, v54, v22  }
0x253: {  	v55 =	vand.u32 $0xFFFFFFF8, v27;
	[tilespmem:$0xCCE0] =	vst v25  }
0x254: {  	v27 =	vand.u32 $0x7, v27;
	v25 =	vadd.s32 v24, v55;
	v26 =	vld.idx.msk [tilespmem:v26+s2+$0x0], $0xffff  }
0x255: {  	v25 =	vor.u32 v27, v25;
	_ =	sdelay $0x1  }
0x256: {  	v56 =	vadd.s32 v17, v22;
	vm11 =	vgt.s32 v23, v17  }
0x257: {  	v27 =	vsel vm11, v56, v22  }
0x258: {  	v57 =	vand.u32 $0xFFFFFFF8, v27;
	[tilespmem:$0xCCF0] =	vst v26  }
0x259: {  	v27 =	vand.u32 $0x7, v27;
	v26 =	vadd.s32 v24, v57;
	v25 =	vld.idx.msk [tilespmem:v25+s2+$0x0], $0xffff  }
0x25a: {  	v26 =	vor.u32 v27, v26;
	_ =	sdelay $0x1  }
0x25b: {  	v58 =	vadd.s32 v18, v22;
	vm12 =	vgt.s32 v23, v18  }
0x25c: {  	v27 =	vsel vm12, v58, v22  }
0x25d: {  	v59 =	vand.u32 $0xFFFFFFF8, v27;
	[tilespmem:$0xCD00] =	vst v25  }
0x25e: {  	v27 =	vand.u32 $0x7, v27;
	v25 =	vadd.s32 v24, v59;
	v26 =	vld.idx.msk [tilespmem:v26+s2+$0x0], $0xffff  }
0x25f: {  	v25 =	vor.u32 v27, v25;
	_ =	sdelay $0x1  }
0x260: {  	v60 =	vadd.s32 v19, v22;
	vm13 =	vgt.s32 v23, v19  }
0x261: {  	v27 =	vsel vm13, v60, v22  }
0x262: {  	v61 =	vand.u32 $0xFFFFFFF8, v27;
	[tilespmem:$0xCD10] =	vst v26  }
0x263: {  	v27 =	vand.u32 $0x7, v27;
	v26 =	vadd.s32 v24, v61;
	v25 =	vld.idx.msk [tilespmem:v25+s2+$0x0], $0xffff  }
0x264: {  	v26 =	vor.u32 v27, v26;
	_ =	sdelay $0x1  }
0x265: {  	v62 =	vadd.s32 v20, v22;
	vm14 =	vgt.s32 v23, v20  }
0x266: {  	v27 =	vsel vm14, v62, v22  }
0x267: {  	v63 =	vand.u32 $0xFFFFFFF8, v27;
	[tilespmem:$0xCD20] =	vst v25  }
0x268: {  	v27 =	vand.u32 $0x7, v27;
	v25 =	vadd.s32 v24, v63;
	v26 =	vld.idx.msk [tilespmem:v26+s2+$0x0], $0xffff  }
0x269: {  	v25 =	vor.u32 v27, v25;
	_ =	sdelay $0x1  }
0x26a: {  	vm15 =	vgt.s32 v23, v21;
	v23 =	vadd.s32 v21, v22  }
0x26b: {  	v22 =	vsel vm15, v23, v22  }
0x26c: {  	v23 =	vand.u32 $0xFFFFFFF8, v22;
	[tilespmem:$0xCD30] =	vst v26  }
0x26d: {  	v22 =	vand.u32 $0x7, v22;
	v23 =	vadd.s32 v24, v23;
	v25 =	vld.idx.msk [tilespmem:v25+s2+$0x0], $0xffff  }
0x26e: {  	v22 =	vor.u32 v22, v23;
	_ =	sdelay $0x3  }
0x26f: {  	[tilespmem:$0xCD40] =	vst v25  }
0x270: {  	v22 =	vld.idx.msk [tilespmem:v22+s2+$0x0], $0xffff;
	_ =	sdelay $0x4  }
0x271: {  	[tilespmem:$0xCD50] =	vst v22  }
0x272: {  	[tilespmem:s15], [sflag:$0x1] =	stream.indirect.gather [hbm4b:s3+s13], $0x40, s14, s13, $0xb8;
	[tilespmem:$0x1AEA0] =	vst v63  }
0x273: {  	_ = 	snop  }
0x274: {  	[tilespmem:s17], [sflag:$0x1] =	stream.indirect.gather [hbm4b:s3+s13], $0x40, s16, s13, $0xb8;
	[tilespmem:$0x1AEA0] =	vst v63  }
0x275: {  	_ = 	snop  }
0x276: {  	[tilespmem:s20], [sflag:$0x1] =	stream.indirect.gather [hbm4b:s3+s18], $0x40, s19, s18, $0xb8;
	[tilespmem:$0x1AEA0] =	vst v63  }
.LBB2_6:
0x277: {  	_ =	swait.ge [sflag:s30], $0x2000  }
0x278: {  	[sflag:s30] =	ssyncset.done $0x0  }
0x279: {  	[sflag:s30] =	ssyncadd.s32 $0xFFFFE000  }
0x27a: {  	_ =	swait.ge [sflag:s30], $0x2000  }
0x27b: {  	[sflag:s30] =	ssyncset.done $0x0  }
0x27c: {  	[sflag:s30] =	ssyncadd.s32 $0xFFFFE000  }
0x27d: {  	_ =	swait.ge [sflag:s30], $0x1000  }
0x27e: {  	[sflag:s30] =	ssyncset.done $0x0  }
0x27f: {  	s5 =	simm.s32 $0x0;
	v22 =	vmov s10;
	s6 =	smov.u32 s11;
	[sflag:s30] =	ssyncadd.s32 $0xFFFFF000  }
.LBB2_7:
0x280: {  	v23 =	vld [tilespmem:s6+$0x0];
	s8 =	sshra.s32 s5, $0x2  }
0x281: {  	v24 =	vld [tilespmem:s8+$0x11EA0]  }
0x282: {  	v25 =	vld [tilespmem:s8+$0x120A0]  }
0x283: {  	v26 =	vld [tilespmem:s8+$0x122A0]  }
0x284: {  	v27 =	vld [tilespmem:s8+$0x124A0]  }
0x285: {  	v28 =	vld [tilespmem:s8+$0x126A0]  }
0x286: {  	v29 =	vld [tilespmem:s8+$0x128A0]  }
0x287: {  	v30 =	vld [tilespmem:s8+$0x12AA0]  }
0x288: {  	v31 =	vld [tilespmem:s8+$0x12CA0]  }
0x289: {  	v32 =	vld [tilespmem:s8+$0x12EA0]  }
0x28a: {  	v33 =	vld [tilespmem:s8+$0x130A0]  }
0x28b: {  	v34 =	vld [tilespmem:s8+$0x132A0]  }
0x28c: {  	v35 =	vld [tilespmem:s8+$0x134A0]  }
0x28d: {  	v36 =	vld [tilespmem:s8+$0x136A0]  }
0x28e: {  	v37 =	vld [tilespmem:s8+$0x138A0]  }
0x28f: {  	v38 =	vld [tilespmem:s8+$0x13AA0]  }
0x290: {  	v39 =	vld [tilespmem:s8+$0x13CA0]  }
0x291: {  	v40 =	vld [tilespmem:s8+$0x13EA0]  }
0x292: {  	v41 =	vld [tilespmem:s8+$0x140A0]  }
0x293: {  	v42 =	vld [tilespmem:s8+$0x142A0]  }
0x294: {  	v43 =	vld [tilespmem:s8+$0x144A0]  }
0x295: {  	v44 =	vld [tilespmem:s8+$0x146A0]  }
0x296: {  	v45 =	vld [tilespmem:s8+$0x148A0]  }
0x297: {  	v46 =	vld [tilespmem:s8+$0x14AA0]  }
0x298: {  	v47 =	vld [tilespmem:s8+$0x14EA0]  }
0x299: {  	v48 =	vld [tilespmem:s8+$0x150A0];
	(v2sf) =	vpush v23, $0x0  }
0x29a: {  	v49 =	vld [tilespmem:s8+$0x152A0]  }
0x29b: {  	v58 =	vld [tilespmem:s8+$0x154A0]  }
0x29c: {  	v59 =	vld [tilespmem:s8+$0x156A0];
	v28 =	vadd.f32 v28, v24;
	v25 =	vadd.f32 v29, v25  }
0x29d: {  	v60 =	vld [tilespmem:s8+$0x158A0];
	v26 =	vadd.f32 v30, v26;
	v27 =	vadd.f32 v31, v27  }
0x29e: {  	v61 =	vld [tilespmem:s8+$0x15AA0];
	v28 =	vadd.f32 v32, v28;
	v25 =	vadd.f32 v33, v25  }
0x29f: {  	v62 =	vld [tilespmem:s8+$0x15CA0];
	v26 =	vadd.f32 v34, v26;
	v27 =	vadd.f32 v35, v27  }
0x2a0: {  	v23 =	vld [tilespmem:s8+$0x14CA0];
	v28 =	vadd.f32 v36, v28;
	v25 =	vadd.f32 v37, v25  }
0x2a1: {  	v63 =	vld [tilespmem:s8+$0x15EA0];
	v26 =	vadd.f32 v38, v26;
	v27 =	vadd.f32 v39, v27  }
0x2a2: {  	v50 =	vld [tilespmem:s8+$0x162A0];
	v28 =	vadd.f32 v40, v28;
	v25 =	vadd.f32 v41, v25  }
0x2a3: {  	v51 =	vld [tilespmem:s8+$0x164A0];
	v26 =	vadd.f32 v42, v26;
	v27 =	vadd.f32 v43, v27  }
0x2a4: {  	v52 =	vld [tilespmem:s8+$0x166A0];
	v28 =	vadd.f32 v44, v28;
	v25 =	vadd.f32 v45, v25  }
0x2a5: {  	v41 =	vld [tilespmem:s8+$0x160A0];
	v26 =	vadd.f32 v46, v26;
	v23 =	vadd.f32 v23, v27  }
0x2a6: {  	v53 =	vld [tilespmem:s8+$0x168A0];
	v28 =	vadd.f32 v47, v28;
	v25 =	vadd.f32 v48, v25  }
0x2a7: {  	v54 =	vld [tilespmem:s8+$0x16AA0];
	v26 =	vadd.f32 v49, v26;
	v23 =	vadd.f32 v58, v23  }
0x2a8: {  	v55 =	vld [tilespmem:s8+$0x16CA0];
	v28 =	vadd.f32 v59, v28;
	v25 =	vadd.f32 v60, v25;
	s9 =	spop (v2sf)  }
0x2a9: {  	v26 =	vadd.f32 v61, v26;
	v23 =	vadd.f32 v62, v23;
	s9 =	scvt.s32.f32 s9  }
0x2aa: {  	v28 =	vadd.f32 v63, v28;
	v25 =	vadd.f32 v41, v25  }
0x2ab: {  	v26 =	vadd.f32 v50, v26;
	v23 =	vadd.f32 v51, v23;
	v56 =	vmov s9  }
0x2ac: {  	v27 =	vadd.f32 v52, v28;
	v25 =	vadd.f32 v53, v25;
	(erf) = vrcp.f32 v56  }
0x2ad: {  	v26 =	vadd.f32 v54, v26;
	v23 =	vadd.f32 v55, v23;
	_ =	sdelay $0x1  }
0x2ae: {  	v25 =	vadd.f32 v25, v27;
	v23 =	vadd.f32 v23, v26  }
0x2af: {  	s9 =	ssub.f32 $4.000000000e+01, s9  }
0x2b0: {  	v23 =	vadd.f32 v23, v25  }
0x2b1: {  	v24 =	vmul.f32 s9, v24;
	_ =	sdelay $0x1  }
0x2b2: {  	v24 =	vsub.f32 v23, v24  }
0x2b3: {  	v23 =	vpop (erf)  }
0x2b4: {  	v24 =	vmul.f32 v24, v23;
	_ =	sdelay $0x1  }
0x2b5: {  	[tilespmem:v22+s8+$0xFFFFFFD0 ss:$0x1] =	vst.idx.msk $0xffff, v24  }
0x2b6: {  	v24 =	vld [tilespmem:s8+$0x11EB0]  }
0x2b7: {  	v25 =	vld [tilespmem:s8+$0x120B0]  }
0x2b8: {  	v26 =	vld [tilespmem:s8+$0x122B0]  }
0x2b9: {  	v27 =	vld [tilespmem:s8+$0x124B0]  }
0x2ba: {  	v28 =	vld [tilespmem:s8+$0x126B0]  }
0x2bb: {  	v57 =	vld [tilespmem:s8+$0x128B0]  }
0x2bc: {  	v30 =	vld [tilespmem:s8+$0x12AB0]  }
0x2bd: {  	v58 =	vld [tilespmem:s8+$0x12CB0]  }
0x2be: {  	v32 =	vld [tilespmem:s8+$0x12EB0]  }
0x2bf: {  	v59 =	vld [tilespmem:s8+$0x130B0]  }
0x2c0: {  	v34 =	vld [tilespmem:s8+$0x132B0]  }
0x2c1: {  	v60 =	vld [tilespmem:s8+$0x134B0]  }
0x2c2: {  	v36 =	vld [tilespmem:s8+$0x136B0]  }
0x2c3: {  	v61 =	vld [tilespmem:s8+$0x138B0]  }
0x2c4: {  	v38 =	vld [tilespmem:s8+$0x13AB0]  }
0x2c5: {  	v62 =	vld [tilespmem:s8+$0x13CB0]  }
0x2c6: {  	v40 =	vld [tilespmem:s8+$0x13EB0]  }
0x2c7: {  	v63 =	vld [tilespmem:s8+$0x140B0]  }
0x2c8: {  	v42 =	vld [tilespmem:s8+$0x142B0]  }
0x2c9: {  	v43 =	vld [tilespmem:s8+$0x144B0]  }
0x2ca: {  	v44 =	vld [tilespmem:s8+$0x146B0]  }
0x2cb: {  	v52 =	vld [tilespmem:s8+$0x148B0]  }
0x2cc: {  	v53 =	vld [tilespmem:s8+$0x14AB0]  }
0x2cd: {  	v54 =	vld [tilespmem:s8+$0x14CB0]  }
0x2ce: {  	v55 =	vld [tilespmem:s8+$0x14EB0]  }
0x2cf: {  	v56 =	vld [tilespmem:s8+$0x150B0]  }
0x2d0: {  	v50 =	vld [tilespmem:s8+$0x152B0]  }
0x2d1: {  	v51 =	vld [tilespmem:s8+$0x162B0];
	v28 =	vadd.f32 v28, v24;
	v25 =	vadd.f32 v57, v25  }
0x2d2: {  	v57 =	vld [tilespmem:s8+$0x154B0];
	v26 =	vadd.f32 v30, v26;
	v27 =	vadd.f32 v58, v27  }
0x2d3: {  	v58 =	vld [tilespmem:s8+$0x156B0];
	v28 =	vadd.f32 v32, v28;
	v25 =	vadd.f32 v59, v25  }
0x2d4: {  	v59 =	vld [tilespmem:s8+$0x158B0];
	v26 =	vadd.f32 v34, v26;
	v27 =	vadd.f32 v60, v27  }
0x2d5: {  	v60 =	vld [tilespmem:s8+$0x15AB0];
	v28 =	vadd.f32 v36, v28;
	v25 =	vadd.f32 v61, v25  }
0x2d6: {  	v61 =	vld [tilespmem:s8+$0x15CB0];
	v26 =	vadd.f32 v38, v26;
	v27 =	vadd.f32 v62, v27  }
0x2d7: {  	v62 =	vld [tilespmem:s8+$0x15EB0];
	v28 =	vadd.f32 v40, v28;
	v25 =	vadd.f32 v63, v25  }
0x2d8: {  	v63 =	vld [tilespmem:s8+$0x160B0];
	v26 =	vadd.f32 v42, v26;
	v27 =	vadd.f32 v43, v27  }
0x2d9: {  	v28 =	vadd.f32 v44, v28;
	v25 =	vadd.f32 v52, v25;
	v52 =	vld [tilespmem:s8+$0x164B0]  }
0x2da: {  	v26 =	vadd.f32 v53, v26;
	v27 =	vadd.f32 v54, v27;
	v53 =	vld [tilespmem:s8+$0x166B0]  }
0x2db: {  	v54 =	vld [tilespmem:s8+$0x168B0];
	v28 =	vadd.f32 v55, v28;
	v25 =	vadd.f32 v56, v25  }
0x2dc: {  	v26 =	vadd.f32 v50, v26;
	v27 =	vadd.f32 v57, v27;
	v55 =	vld [tilespmem:s8+$0x16AB0]  }
0x2dd: {  	v56 =	vld [tilespmem:s8+$0x16CB0];
	v28 =	vadd.f32 v58, v28;
	v25 =	vadd.f32 v59, v25  }
0x2de: {  	v26 =	vadd.f32 v60, v26;
	v27 =	vadd.f32 v61, v27  }
0x2df: {  	v28 =	vadd.f32 v62, v28;
	v25 =	vadd.f32 v63, v25  }
0x2e0: {  	v26 =	vadd.f32 v51, v26;
	v27 =	vadd.f32 v52, v27  }
0x2e1: {  	v28 =	vadd.f32 v53, v28;
	v25 =	vadd.f32 v54, v25  }
0x2e2: {  	v26 =	vadd.f32 v55, v26;
	v27 =	vadd.f32 v56, v27;
	_ =	sdelay $0x1  }
0x2e3: {  	v25 =	vadd.f32 v25, v28;
	v26 =	vadd.f32 v27, v26;
	_ =	sdelay $0x1  }
0x2e4: {  	v24 =	vmul.f32 s9, v24;
	v25 =	vadd.f32 v26, v25;
	_ =	sdelay $0x1  }
0x2e5: {  	v24 =	vsub.f32 v25, v24;
	_ =	sdelay $0x1  }
0x2e6: {  	v24 =	vmul.f32 v24, v23;
	_ =	sdelay $0x1  }
0x2e7: {  	[tilespmem:v22+s8+$0xFFFFFFE0 ss:$0x1] =	vst.idx.msk $0xffff, v24  }
0x2e8: {  	v24 =	vld [tilespmem:s8+$0x11EC0]  }
0x2e9: {  	v25 =	vld [tilespmem:s8+$0x120C0]  }
0x2ea: {  	v26 =	vld [tilespmem:s8+$0x122C0]  }
0x2eb: {  	v27 =	vld [tilespmem:s8+$0x124C0]  }
0x2ec: {  	v28 =	vld [tilespmem:s8+$0x126C0]  }
0x2ed: {  	v57 =	vld [tilespmem:s8+$0x128C0]  }
0x2ee: {  	v30 =	vld [tilespmem:s8+$0x12AC0]  }
0x2ef: {  	v58 =	vld [tilespmem:s8+$0x12CC0]  }
0x2f0: {  	v32 =	vld [tilespmem:s8+$0x12EC0]  }
0x2f1: {  	v59 =	vld [tilespmem:s8+$0x130C0]  }
0x2f2: {  	v34 =	vld [tilespmem:s8+$0x132C0]  }
0x2f3: {  	v60 =	vld [tilespmem:s8+$0x134C0]  }
0x2f4: {  	v36 =	vld [tilespmem:s8+$0x136C0]  }
0x2f5: {  	v61 =	vld [tilespmem:s8+$0x138C0]  }
0x2f6: {  	v38 =	vld [tilespmem:s8+$0x13AC0]  }
0x2f7: {  	v62 =	vld [tilespmem:s8+$0x13CC0]  }
0x2f8: {  	v40 =	vld [tilespmem:s8+$0x13EC0]  }
0x2f9: {  	v63 =	vld [tilespmem:s8+$0x140C0]  }
0x2fa: {  	v42 =	vld [tilespmem:s8+$0x142C0]  }
0x2fb: {  	v43 =	vld [tilespmem:s8+$0x144C0]  }
0x2fc: {  	v44 =	vld [tilespmem:s8+$0x146C0]  }
0x2fd: {  	v45 =	vld [tilespmem:s8+$0x148C0]  }
0x2fe: {  	v52 =	vld [tilespmem:s8+$0x14AC0]  }
0x2ff: {  	v53 =	vld [tilespmem:s8+$0x14CC0]  }
0x300: {  	v54 =	vld [tilespmem:s8+$0x14EC0]  }
0x301: {  	v55 =	vld [tilespmem:s8+$0x150C0]  }
0x302: {  	v56 =	vld [tilespmem:s8+$0x152C0]  }
0x303: {  	v47 =	vld [tilespmem:s8+$0x166C0];
	v28 =	vadd.f32 v28, v24;
	v25 =	vadd.f32 v57, v25  }
0x304: {  	v49 =	vld [tilespmem:s8+$0x168C0];
	v26 =	vadd.f32 v30, v26;
	v27 =	vadd.f32 v58, v27  }
0x305: {  	v57 =	vld [tilespmem:s8+$0x154C0];
	v28 =	vadd.f32 v32, v28;
	v25 =	vadd.f32 v59, v25  }
0x306: {  	v58 =	vld [tilespmem:s8+$0x156C0];
	v26 =	vadd.f32 v34, v26;
	v27 =	vadd.f32 v60, v27  }
0x307: {  	v59 =	vld [tilespmem:s8+$0x158C0];
	v28 =	vadd.f32 v36, v28;
	v25 =	vadd.f32 v61, v25  }
0x308: {  	v60 =	vld [tilespmem:s8+$0x15AC0];
	v26 =	vadd.f32 v38, v26;
	v27 =	vadd.f32 v62, v27  }
0x309: {  	v61 =	vld [tilespmem:s8+$0x15CC0];
	v28 =	vadd.f32 v40, v28;
	v25 =	vadd.f32 v63, v25  }
0x30a: {  	v62 =	vld [tilespmem:s8+$0x15EC0];
	v26 =	vadd.f32 v42, v26;
	v27 =	vadd.f32 v43, v27  }
0x30b: {  	v63 =	vld [tilespmem:s8+$0x160C0];
	v28 =	vadd.f32 v44, v28;
	v25 =	vadd.f32 v45, v25  }
0x30c: {  	v43 =	vld [tilespmem:s8+$0x162C0];
	v26 =	vadd.f32 v52, v26;
	v27 =	vadd.f32 v53, v27  }
0x30d: {  	v45 =	vld [tilespmem:s8+$0x164C0];
	v28 =	vadd.f32 v54, v28;
	v25 =	vadd.f32 v55, v25  }
0x30e: {  	v50 =	vld [tilespmem:s8+$0x16AC0];
	v26 =	vadd.f32 v56, v26;
	v27 =	vadd.f32 v57, v27  }
0x30f: {  	v51 =	vld [tilespmem:s8+$0x16CC0];
	v28 =	vadd.f32 v58, v28;
	v25 =	vadd.f32 v59, v25  }
0x310: {  	v26 =	vadd.f32 v60, v26;
	v27 =	vadd.f32 v61, v27  }
0x311: {  	v28 =	vadd.f32 v62, v28;
	v25 =	vadd.f32 v63, v25  }
0x312: {  	v26 =	vadd.f32 v43, v26;
	v27 =	vadd.f32 v45, v27  }
0x313: {  	v28 =	vadd.f32 v47, v28;
	v25 =	vadd.f32 v49, v25  }
0x314: {  	v26 =	vadd.f32 v50, v26;
	v27 =	vadd.f32 v51, v27;
	_ =	sdelay $0x1  }
0x315: {  	v25 =	vadd.f32 v25, v28;
	v26 =	vadd.f32 v27, v26;
	_ =	sdelay $0x1  }
0x316: {  	v24 =	vmul.f32 s9, v24;
	v25 =	vadd.f32 v26, v25;
	_ =	sdelay $0x1  }
0x317: {  	v24 =	vsub.f32 v25, v24;
	_ =	sdelay $0x1  }
0x318: {  	v24 =	vmul.f32 v24, v23;
	_ =	sdelay $0x1  }
0x319: {  	[tilespmem:v22+s8+$0xFFFFFFF0 ss:$0x1] =	vst.idx.msk $0xffff, v24  }
0x31a: {  	v24 =	vld [tilespmem:s8+$0x11ED0]  }
0x31b: {  	v25 =	vld [tilespmem:s8+$0x120D0]  }
0x31c: {  	v26 =	vld [tilespmem:s8+$0x122D0]  }
0x31d: {  	v27 =	vld [tilespmem:s8+$0x124D0]  }
0x31e: {  	v28 =	vld [tilespmem:s8+$0x126D0]  }
0x31f: {  	v29 =	vld [tilespmem:s8+$0x128D0]  }
0x320: {  	v30 =	vld [tilespmem:s8+$0x12AD0]  }
0x321: {  	v52 =	vld [tilespmem:s8+$0x12CD0]  }
0x322: {  	v32 =	vld [tilespmem:s8+$0x12ED0]  }
0x323: {  	v53 =	vld [tilespmem:s8+$0x130D0]  }
0x324: {  	v34 =	vld [tilespmem:s8+$0x132D0]  }
0x325: {  	v54 =	vld [tilespmem:s8+$0x134D0]  }
0x326: {  	v36 =	vld [tilespmem:s8+$0x136D0]  }
0x327: {  	v55 =	vld [tilespmem:s8+$0x138D0]  }
0x328: {  	v38 =	vld [tilespmem:s8+$0x13AD0]  }
0x329: {  	v56 =	vld [tilespmem:s8+$0x13CD0]  }
0x32a: {  	v40 =	vld [tilespmem:s8+$0x13ED0]  }
0x32b: {  	v57 =	vld [tilespmem:s8+$0x140D0]  }
0x32c: {  	v42 =	vld [tilespmem:s8+$0x142D0]  }
0x32d: {  	v58 =	vld [tilespmem:s8+$0x144D0]  }
0x32e: {  	v44 =	vld [tilespmem:s8+$0x146D0]  }
0x32f: {  	v59 =	vld [tilespmem:s8+$0x148D0]  }
0x330: {  	v46 =	vld [tilespmem:s8+$0x14AD0]  }
0x331: {  	v60 =	vld [tilespmem:s8+$0x14CD0]  }
0x332: {  	v61 =	vld [tilespmem:s8+$0x14ED0]  }
0x333: {  	v62 =	vld [tilespmem:s8+$0x150D0]  }
0x334: {  	v63 =	vld [tilespmem:s8+$0x152D0]  }
0x335: {  	v51 =	vld [tilespmem:s8+$0x154D0];
	v28 =	vadd.f32 v28, v24;
	v25 =	vadd.f32 v29, v25  }
0x336: {  	v26 =	vadd.f32 v30, v26;
	v27 =	vadd.f32 v52, v27;
	v52 =	vld [tilespmem:s8+$0x156D0]  }
0x337: {  	v28 =	vadd.f32 v32, v28;
	v25 =	vadd.f32 v53, v25;
	v53 =	vld [tilespmem:s8+$0x158D0]  }
0x338: {  	v26 =	vadd.f32 v34, v26;
	v27 =	vadd.f32 v54, v27;
	v54 =	vld [tilespmem:s8+$0x15AD0]  }
0x339: {  	v28 =	vadd.f32 v36, v28;
	v25 =	vadd.f32 v55, v25;
	v55 =	vld [tilespmem:s8+$0x15CD0]  }
0x33a: {  	v26 =	vadd.f32 v38, v26;
	v27 =	vadd.f32 v56, v27;
	v56 =	vld [tilespmem:s8+$0x15ED0]  }
0x33b: {  	v28 =	vadd.f32 v40, v28;
	v25 =	vadd.f32 v57, v25;
	v57 =	vld [tilespmem:s8+$0x160D0]  }
0x33c: {  	v26 =	vadd.f32 v42, v26;
	v27 =	vadd.f32 v58, v27;
	v58 =	vld [tilespmem:s8+$0x162D0]  }
0x33d: {  	v28 =	vadd.f32 v44, v28;
	v25 =	vadd.f32 v59, v25;
	v59 =	vld [tilespmem:s8+$0x164D0]  }
0x33e: {  	v26 =	vadd.f32 v46, v26;
	v27 =	vadd.f32 v60, v27;
	v60 =	vld [tilespmem:s8+$0x166D0]  }
0x33f: {  	v28 =	vadd.f32 v61, v28;
	v25 =	vadd.f32 v62, v25;
	v61 =	vld [tilespmem:s8+$0x168D0]  }
0x340: {  	v26 =	vadd.f32 v63, v26;
	v27 =	vadd.f32 v51, v27;
	v62 =	vld [tilespmem:s8+$0x16AD0]  }
0x341: {  	v63 =	vld [tilespmem:s8+$0x16CD0];
	v28 =	vadd.f32 v52, v28;
	v25 =	vadd.f32 v53, v25  }
0x342: {  	v26 =	vadd.f32 v54, v26;
	v27 =	vadd.f32 v55, v27  }
0x343: {  	v28 =	vadd.f32 v56, v28;
	v25 =	vadd.f32 v57, v25  }
0x344: {  	v26 =	vadd.f32 v58, v26;
	v27 =	vadd.f32 v59, v27  }
0x345: {  	v28 =	vadd.f32 v60, v28;
	v25 =	vadd.f32 v61, v25  }
0x346: {  	v26 =	vadd.f32 v62, v26;
	v27 =	vadd.f32 v63, v27;
	_ =	sdelay $0x1  }
0x347: {  	v25 =	vadd.f32 v25, v28;
	v26 =	vadd.f32 v27, v26;
	_ =	sdelay $0x1  }
0x348: {  	v24 =	vmul.f32 s9, v24;
	v25 =	vadd.f32 v26, v25  }
0x349: {  	p0 =	sne.s32 s5, $0x700  }
.Ltmp2:
0x34a: {  	v24 =	vsub.f32 v25, v24;
	(pc) =	sbr.rel @p0 .LBB2_7-.Ltmp2, $3  }
0x34b: {  	_ = 	snop  }
0x34c: {  	v23 =	vmul.f32 v24, v23;
	_ =	sdelay $0x1  }
0x34d: {  	s6 =	sadd.s32 $0x1, s6;
	s5 =	sadd.s32 $0x100, s5;
	[tilespmem:v22+s8+$0x0 ss:$0x1] =	vst.idx.msk $0xffff, v23  }
0x34e: {  	s4 =	sadd.s32 $0x1, s4  }
0x34f: {  	p0 =	sne.s32 s4, $0x10  }
.Ltmp3:
0x350: {  	_ = 	snop;
	(pc) =	sbr.rel @p0 .LBB2_2-.Ltmp3, $3  }
0x351: {  	_ =	sdelay $0x1  }
0x352: {  	s0 =	sadd.s32 $0x400, s0  }
0x353: {  	s7 =	sadd.s32 $0x10, s7;
	s10 =	sadd.s32 $0x400, s10;
	s11 =	sadd.s32 $0x10, s11  }
0x354: {  	s0 =	rddreg [dreg:$0x7];
	s4 =	simm.s32 $0x16EA0  }
0x355: {  	[hbm4b:s0+s2] =	stream.linear.scatter [tilespmem:s4], [sflag:$0x3], $0x4000, $0x38;
	[tilespmem:$0x1AEA0] =	vst v63  }
0x356: {  	s4 =	simm.s32 $0x3  }
0x357: {  	_ =	swait.ge [sflag:s4], $0x4000  }
0x358: {  	s1 =	sadd.s32 $0x1, s1;
	s31 =	rddreg [dreg:$0x8]  }
0x359: {  	p0 =	sne.s32 s1, s31  }
.Ltmp4:
0x35a: {  	_ = 	snop;
	(pc) =	sbr.rel @p0 .LBB2_1-.Ltmp4, $3  }
0x35b: {  	_ =	sdelay $0x1  }
0x35c: {  	[sflag:s4] =	ssyncset.done $0x0  }
0x35d: {  	[sflag:s4] =	ssyncadd.s32 $0xFFFFC000  }
0x35e: {  	_ =	sfence.sel $0x180000  }
0x35f: {  	[bflag:$0x0] =	sbarrier.arrive $0xFFFF  }
0x360: {  	_ =	strace $0x90000047  }
0x361: {  	s0 =	stileid.u32;
	[bflag:$0x2] =	sbarrier.arrive $0xFFFF  }
0x362: {  	p0 =	sne.s32 s0, $0x0;
	s0 =	rddreg [dreg:$0x3]  }
0x363: {  	s0 =	sadd.s32 @!p0 $0x100000, s0  }
0x364: {  	[sflag:s0] =	ssyncadd.tile.s32 @!p0 $0x1;
	_ =	shalt  }
.Lfunc_end2:
_tile_overlayer_lowered:
.L_overlay_start_2:
0x365: {  	(tag) =	ssettag $0x2  }
0x366: {  	s0 =	rddreg [dreg:$0x0];
	s2 =	stileid.u32  }
0x367: {  	s1 =	rddreg [dreg:$0x1];
	p0 =	sne.s32 s2, $0x0  }
0x368: {  	s3 =	rddreg [dreg:$0x2];
	[bflag:$0x3] =	sbarrier.arrive $0xFFFF;
	s2 =	simm.s32 @!p0 $0x1C03  }
0x369: {  	[timem:s3], [sflag:s2] =	dma.local @!p0 [hbm:s0], s1  }
0x36a: {  	s0 =	simm.s32 @!p0 $0x3  }
0x36b: {  	_ =	swait.ge @!p0 [sflag:s0], s1  }
0x36c: {  	s1 =	ssub.s32 @!p0 $0x0, s1;
	[sflag:s0] =	ssyncset.done @!p0 $0x0  }
0x36d: {  	[sflag:s0] =	ssyncadd.s32 @!p0 s1  }
0x36e: {  	[bflag:$0x3] =	sbarrier.arrive $0xFFFF  }
0x36f: {  	_ =	shalt  }

</sc_bundles>
